<compile_context>
chip_gen: v7x
topology: tpu7x:2x2x1
jax: 0.10.2.dev20260603
libtpu: 0.0.44.dev20260713+nightly
codegen_flags: <defaults>
</compile_context>

<pallas_src>
import functools
import math

import jax
import jax.numpy as jnp
from jax import lax
from jax.experimental import pallas as pl
from jax.experimental.pallas import tpu as pltpu
from jax.experimental.pallas import tpu_sc as plsc

_N = 2048
_EMBED = 768
_HEADS = 12
_HEAD_DIM = _EMBED // _HEADS
_NUM_SAMPLES = 256
_SCALE = 1.0 / math.sqrt(float(_N))
_NEG = -1e30

_NW = 32
_ROWS_PER_W = _N // _NW
_CHUNK = 16
_G = _NUM_SAMPLES // 16
_NCHUNK = 8
_CW = _N // _NCHUNK
_CHUNK_SHIFT = _CW.bit_length() - 1
_WIN = 4 * _CW


def _mask_body(samples_ref, mask_ref, cnt_ref, idx_v, buf_v, cnt_v, dma_sems):
    wid = lax.axis_index("s") * 2 + lax.axis_index("c")
    base = wid * _ROWS_PER_W
    pltpu.sync_copy(samples_ref.at[pl.ds(base, _ROWS_PER_W)], idx_v)
    neg = jnp.full((16,), _NEG, jnp.float32)
    zero = jnp.zeros((16,), jnp.float32)

    def count(g, accs):
        col = lax.shift_right_logical(
            idx_v[g // _G, pl.ds((g % _G) * 16, 16)], _CHUNK_SHIFT
        )
        return tuple(
            acc + plsc.all_reduce_population_count(col == cc)
            for cc, acc in enumerate(accs)
        )

    accs = lax.fori_loop(
        0,
        _ROWS_PER_W * _NUM_SAMPLES // 16,
        count,
        tuple(jnp.zeros((16,), jnp.int32) for _ in range(_NCHUNK)),
    )
    for cc in range(_NCHUNK):
        cnt_v[pl.ds(cc * 16, 16)] = accs[cc]
    pltpu.sync_copy(cnt_v, cnt_ref.at[wid])

    def fill(i, carry):
        for g in range(_N // 16):
            buf_v[0, i, pl.ds(g * 16, 16)] = neg
            buf_v[1, i, pl.ds(g * 16, 16)] = neg
        return carry

    lax.fori_loop(0, _CHUNK, fill, 0)

    def scatter_chunk(c, b, val):
        def scatter_row(r, carry):
            row = jnp.full((16,), 0, jnp.int32) + r
            for g in range(_G):
                idx = idx_v[c * _CHUNK + r, pl.ds(g * 16, 16)]
                plsc.store_scatter(buf_v.at[b], [row, idx], val)
            return carry

        lax.fori_loop(0, _CHUNK, scatter_row, 0)

    n_chunks = _ROWS_PER_W // _CHUNK
    handles = [None, None]
    for c in range(n_chunks):
        b = c % 2
        if handles[b] is not None:
            handles[b].wait()
            scatter_chunk(c - 2, b, neg)
        scatter_chunk(c, b, zero)
        handles[b] = pltpu.make_async_copy(
            buf_v.at[b],
            mask_ref.at[pl.ds(base + c * _CHUNK, _CHUNK)],
            dma_sems.at[b],
        )
        handles[b].start()
    handles[0].wait()
    handles[1].wait()


@functools.cache
def _get_mask_builder():
    return pl.kernel(
        _mask_body,
        out_type=[
            jax.ShapeDtypeStruct((_N, _N), jnp.float32),
            jax.ShapeDtypeStruct((_NW, _NCHUNK * 16), jnp.int32),
        ],
        mesh=plsc.VectorSubcoreMesh(core_axis_name="c", subcore_axis_name="s"),
        scratch_types=[
            pltpu.VMEM((_ROWS_PER_W, _NUM_SAMPLES), jnp.int32),
            pltpu.VMEM((2, _CHUNK, _N), jnp.float32),
            pltpu.VMEM((_NCHUNK * 16,), jnp.int32),
            pltpu.SemaphoreType.DMA((2,)),
        ],
        compiler_params=pltpu.CompilerParams(
            needs_layout_passes=False, use_tc_tiling_on_sc=False
        ),
    )


def _build_mask(samples):
    return _get_mask_builder()(samples)


_BR = 512
_DN_T = (((1,), (1,)), ((), ()))
_DN_N = (((1,), (0,)), ((), ()))


def _attn_body(q_in_ref, wq_ref, bq_ref, key_ref, wk_ref, bk_ref,
               value_ref, wv_ref, bv_ref, mask_ref, fast_ref, start_ref,
               wo_ref, bo_ref, out_ref, k_s, v_s, kn_s, q_s, attn_s, av_s):
    r = pl.program_id(0)
    h = pl.program_id(1)

    @pl.when(jnp.logical_and(r == 0, h == 0))
    def _project_kv():
        k_all = lax.dot_general(
            key_ref[...], wk_ref[...], _DN_T,
            preferred_element_type=jnp.float32,
        ) + bk_ref[...]
        v_all = lax.dot_general(
            value_ref[...], wv_ref[...], _DN_T,
            preferred_element_type=jnp.float32,
        ) + bv_ref[...]
        col = lax.broadcasted_iota(jnp.int32, (_N, _HEAD_DIM), 1)
        pad = jnp.where(col == 0, 1.0, 0.0).astype(jnp.bfloat16)
        for h2 in range(_HEADS):
            k = k_all[:, h2 * _HEAD_DIM:(h2 + 1) * _HEAD_DIM]
            kn_s[h2, 0] = jnp.sqrt(jnp.max(jnp.sum(k * k, axis=1)))
            k_s[h2] = k.astype(jnp.bfloat16)
            v = v_all[:, h2 * _HEAD_DIM:(h2 + 1) * _HEAD_DIM].astype(
                jnp.bfloat16
            )
            v_s[h2] = jnp.concatenate([v, pad], axis=1)

    @pl.when(h == 0)
    def _project_q():
        q_all = lax.dot_general(
            q_in_ref[...], wq_ref[...], _DN_T,
            preferred_element_type=jnp.float32,
        ) + bq_ref[...]
        for h2 in range(_HEADS):
            q_s[h2] = q_all[:, h2 * _HEAD_DIM:(h2 + 1) * _HEAD_DIM].astype(
                jnp.bfloat16
            )

    qb = q_s[h]
    qf = qb.astype(jnp.float32)
    qn = jnp.sqrt(jnp.sum(qf * qf, axis=1, keepdims=True))
    m = qn * kn_s[h, 0]

    @pl.when(fast_ref[r] == 1)
    def _windowed():
        st = pl.multiple_of(start_ref[r], _CW)
        logits = lax.dot_general(
            qb, k_s[h, pl.ds(st, _WIN)], _DN_T,
            preferred_element_type=jnp.float32,
        )
        e = jnp.exp(
            logits - m + mask_ref[:, pl.ds(st, _WIN)].astype(jnp.float32)
        ).astype(jnp.bfloat16)
        av_s[...] = lax.dot_general(
            e, v_s[h, pl.ds(st, _WIN)], _DN_N,
            preferred_element_type=jnp.float32,
        )

    @pl.when(fast_ref[r] == 0)
    def _full():
        logits = lax.dot_general(
            qb, k_s[h], _DN_T, preferred_element_type=jnp.float32
        )
        e = jnp.exp(
            logits - m + mask_ref[...].astype(jnp.float32)
        ).astype(jnp.bfloat16)
        av_s[...] = lax.dot_general(
            e, v_s[h], _DN_N, preferred_element_type=jnp.float32
        )

    av = av_s[...]
    attn_s[h] = (
        av[:, :_HEAD_DIM] / av[:, _HEAD_DIM:_HEAD_DIM + 1]
    ).astype(jnp.bfloat16)

    @pl.when(h == _HEADS - 1)
    def _project_out():
        attn_all = jnp.concatenate(
            [attn_s[h2] for h2 in range(_HEADS)], axis=1
        )
        out_ref[...] = lax.dot_general(
            attn_all, wo_ref[...], _DN_T, preferred_element_type=jnp.float32
        ) + bo_ref[...]


_attn = pl.pallas_call(
    _attn_body,
    grid=(_N // _BR, _HEADS),
    in_specs=[
        pl.BlockSpec((_BR, _EMBED), lambda r, h: (r, 0)),
        pl.BlockSpec((_EMBED, _EMBED), lambda r, h: (0, 0)),
        pl.BlockSpec((1, _EMBED), lambda r, h: (0, 0)),
        pl.BlockSpec((_N, _EMBED), lambda r, h: (0, 0)),
        pl.BlockSpec((_EMBED, _EMBED), lambda r, h: (0, 0)),
        pl.BlockSpec((1, _EMBED), lambda r, h: (0, 0)),
        pl.BlockSpec((_N, _EMBED), lambda r, h: (0, 0)),
        pl.BlockSpec((_EMBED, _EMBED), lambda r, h: (0, 0)),
        pl.BlockSpec((1, _EMBED), lambda r, h: (0, 0)),
        pl.BlockSpec((_BR, _N), lambda r, h: (r, 0)),
        pl.BlockSpec(memory_space=pltpu.SMEM),
        pl.BlockSpec(memory_space=pltpu.SMEM),
        pl.BlockSpec((_EMBED, _EMBED), lambda r, h: (0, 0)),
        pl.BlockSpec((1, _EMBED), lambda r, h: (0, 0)),
    ],
    out_specs=pl.BlockSpec((_BR, _EMBED), lambda r, h: (r, 0)),
    out_shape=jax.ShapeDtypeStruct((_N, _EMBED), jnp.float32),
    scratch_shapes=[
        pltpu.VMEM((_HEADS, _N, _HEAD_DIM), jnp.bfloat16),
        pltpu.VMEM((_HEADS, _N, 2 * _HEAD_DIM), jnp.bfloat16),
        pltpu.SMEM((_HEADS, 1), jnp.float32),
        pltpu.VMEM((_HEADS, _BR, _HEAD_DIM), jnp.bfloat16),
        pltpu.VMEM((_HEADS, _BR, _HEAD_DIM), jnp.bfloat16),
        pltpu.VMEM((_BR, 2 * _HEAD_DIM), jnp.float32),
    ],
    compiler_params=pltpu.CompilerParams(
        vmem_limit_bytes=100 * 1024 * 1024,
    ),
)


def kernel(query, key, value, Wq, bq, Wk, bk, Wv, bv, Wo, bo, samples):
    bf = jnp.bfloat16
    mask, cnt = _build_mask(samples)
    nz = cnt.reshape(_N // _BR, _BR // _ROWS_PER_W, _NCHUNK, 16)[..., 0].sum(1)
    total = nz.sum(1, keepdims=True)
    npos = _NCHUNK - _WIN // _CW + 1
    covered = jnp.stack(
        [nz[:, p:p + _WIN // _CW].sum(1) for p in range(npos)], axis=1
    )
    fits = covered == total
    fast = fits.any(1).astype(jnp.int32)
    start = (jnp.argmax(fits, axis=1) * _CW).astype(jnp.int32)
    out = _attn(
        query.astype(bf), (Wq * _SCALE).astype(bf),
        (bq * _SCALE).reshape(1, _EMBED),
        key.astype(bf), Wk.astype(bf), bk.reshape(1, _EMBED),
        value.astype(bf), Wv.astype(bf), bv.reshape(1, _EMBED),
        mask.astype(bf), fast, start, Wo.astype(bf), bo.reshape(1, _EMBED),
    )
    return out.reshape(_N, 1, _EMBED)

# --- scband reference (transcript-rebuilt; emitter-appended) ---
"""Pipeline reference for scband-sparse-kernel-multihead-attention-12747462935035 (READ-ONLY COPY).

The authoritative reference and input builder live on the scoring server;
editing this copy changes nothing except your own understanding.
"""

import jax, jax.numpy as jnp
import numpy as np

N = 2048
EMBED = 768
HEADS = 12
HEAD_DIM = EMBED // HEADS
NUM_SAMPLES = 256
SIGMA = 32.0


def _unique_pad(samples, n):
    # emulate per-row torch.unique: sorted unique values, padded at the end with n
    s = jnp.sort(samples, axis=1)
    is_new = jnp.concatenate([jnp.ones((s.shape[0], 1), dtype=bool), s[:, 1:] != s[:, :-1]], axis=1)
    return jnp.sort(jnp.where(is_new, s, n), axis=1)


def _forward(samples, query, key, value, Wq, bq, Wk, bk, Wv, bv, Wo, bo):
    n = query.shape[0]
    q = (query @ Wq.T + bq).reshape(n, HEADS, HEAD_DIM).transpose(1, 0, 2)
    k = (key @ Wk.T + bk).reshape(n, HEADS, HEAD_DIM).transpose(1, 0, 2)
    v = (value @ Wv.T + bv).reshape(n, HEADS, HEAD_DIM).transpose(1, 0, 2)
    uniq = _unique_pad(samples, n)          # [n, U] sorted unique cols, pad = n
    valid = uniq < n                         # [n, U]
    cols = jnp.minimum(uniq, n - 1)          # safe gather index
    scale = 1.0 / jnp.sqrt(jnp.float32(n))   # original code scales by sqrt(n), keep faithful

    def per_head(qkv):
        qh, kh, vh = qkv                     # [n, d]
        kg = jnp.take(kh, cols, axis=0)      # [n, U, d] gather
        logits = jnp.einsum('id,iud->iu', qh, kg) * scale
        logits = jnp.where(valid, logits, -1e30)
        w = jax.nn.softmax(logits, axis=-1)  # softmax over each row's unique cols
        w = jnp.where(valid, w, 0.0)
        vg = jnp.take(vh, cols, axis=0)      # [n, U, d] gather
        return jnp.einsum('iu,iud->id', w, vg)

    heads_out = jax.lax.map(jax.checkpoint(per_head), (q, k, v))  # [H, n, d]
    out = heads_out.transpose(1, 0, 2).reshape(n, 1, EMBED)
    return out @ Wo.T + bo


def setup_inputs(seed: int = 0):
    key = jax.random.key(seed)
    ks = jax.random.split(key, 16)
    q = jax.random.normal(ks[0], (N, EMBED), dtype=jnp.float32)
    k = jax.random.normal(ks[1], (N, EMBED), dtype=jnp.float32)
    v = jax.random.normal(ks[2], (N, EMBED), dtype=jnp.float32)
    bound = float(np.sqrt(6.0 / (EMBED + EMBED)))  # xavier_uniform
    Wq = jax.random.uniform(ks[3], (EMBED, EMBED), jnp.float32, -bound, bound)
    Wk = jax.random.uniform(ks[4], (EMBED, EMBED), jnp.float32, -bound, bound)
    Wv = jax.random.uniform(ks[5], (EMBED, EMBED), jnp.float32, -bound, bound)
    Wo = jax.random.uniform(ks[6], (EMBED, EMBED), jnp.float32, -bound, bound)
    bb = float(1.0 / np.sqrt(EMBED))
    bq = jax.random.uniform(ks[7], (EMBED,), jnp.float32, -bb, bb)
    bk = jax.random.uniform(ks[8], (EMBED,), jnp.float32, -bb, bb)
    bv = jax.random.uniform(ks[9], (EMBED,), jnp.float32, -bb, bb)
    bo = jax.random.uniform(ks[10], (EMBED,), jnp.float32, -bb, bb)
    # emulate distribution.sample((n, num_samples)) with Normal(0, SIGMA), round, add row index, clamp
    offs = jnp.round(jax.random.normal(ks[11], (N, NUM_SAMPLES)) * SIGMA).astype(jnp.int32)
    samples = jnp.clip(offs + jnp.arange(N, dtype=jnp.int32)[:, None], 0, N - 1)
    return {"query": q, "key": k, "value": v, "Wq": Wq, "bq": bq, "Wk": Wk, "bk": bk, "Wv": Wv, "bv": bv, "Wo": Wo, "bo": bo, "samples": samples}


def reference(query, key, value, Wq, bq, Wk, bk, Wv, bv, Wo, bo, samples):
    return _forward(samples, query, key, value, Wq, bq, Wk, bk, Wv, bv, Wo, bo)

if __name__ == "__main__":
    import jax
    _d = setup_inputs()
    print(jax.jit(kernel)(*tuple(_d.values())))

</pallas_src>

<mosaic_0001>
#map = affine_map<(d0, d1) -> (0, 0)>
module attributes {stable_mosaic.version = 14 : i64} {
  func.func @_mask_body(%arg0: i32, %arg1: i32, %arg2: memref<2048x256xi32, #tpu.memory_space<hbm>>, %arg3: memref<2048x2048xf32, #tpu.memory_space<hbm>>, %arg4: memref<32x128xi32, #tpu.memory_space<hbm>>, %arg5: memref<64x256xi32, #tpu.memory_space<vmem>>, %arg6: memref<2x16x2048xf32, #tpu.memory_space<vmem>>, %arg7: memref<128xi32, #tpu.memory_space<vmem>>, %arg8: memref<2x!tpu.dma_semaphore, #tpu.memory_space<semaphore_mem>>) attributes {dimension_semantics = [#tpu.dimension_semantics<core_parallel>, #tpu.dimension_semantics<subcore_parallel>], iteration_bounds = array<i64: 2, 16>, scalar_prefetch = 0 : i64, scratch_operands = 4 : i64, tpu.core_type = #tpu.core_type<sc_vector_subcore>, window_params = [{transform_indices = #map}, {transform_indices = #map}, {transform_indices = #map}]} {
    %mul3A = arith.constant 2 : i32
    %mul3A_0 = arith.muli %arg1, %mul3A : i32
    %add3A = arith.addi %mul3A_0, %arg0 : i32
    %mul3A_1 = arith.constant 64 : i32
    %mul3A_2 = arith.muli %add3A, %mul3A_1 : i32
    "tpu.region"() ({
      %run_scoped3A = tpu.sem_alloc : memref<!tpu.dma_semaphore, #tpu.memory_space<semaphore_mem>>
      %dma_start3A_218 = arith.constant 0 : i32
      %dma_start3A_219 = tpu.memref_slice %arg2[%mul3A_2, %dma_start3A_218] : memref<2048x256xi32, #tpu.memory_space<hbm>> -> memref<64x256xi32, #tpu.memory_space<hbm>>
      %dma_start3A_220 = arith.constant 0 : i32
      %dma_start3A_221 = tpu.memref_slice %arg2[%mul3A_2, %dma_start3A_220] : memref<2048x256xi32, #tpu.memory_space<hbm>> -> memref<64x256xi32, #tpu.memory_space<hbm>>
      tpu.enqueue_dma source(%dma_start3A_221 : memref<64x256xi32, #tpu.memory_space<hbm>>) target(%arg5 : memref<64x256xi32, #tpu.memory_space<vmem>>) target_semaphore(%run_scoped3A : memref<!tpu.dma_semaphore, #tpu.memory_space<semaphore_mem>>)
      %dma_wait3A_222 = arith.constant 0 : i32
      %dma_wait3A_223 = tpu.memref_slice %arg2[%mul3A_2, %dma_wait3A_222] : memref<2048x256xi32, #tpu.memory_space<hbm>> -> memref<64x256xi32, #tpu.memory_space<hbm>>
      %dma_wait3A_224 = arith.constant 0 : i32
      %dma_wait3A_225 = tpu.memref_slice %arg2[%mul3A_2, %dma_wait3A_224] : memref<2048x256xi32, #tpu.memory_space<hbm>> -> memref<64x256xi32, #tpu.memory_space<hbm>>
      tpu.wait_dma2 semaphore(%run_scoped3A : memref<!tpu.dma_semaphore, #tpu.memory_space<semaphore_mem>>) src(%dma_wait3A_225 : memref<64x256xi32, #tpu.memory_space<hbm>>) dst(%arg5 : memref<64x256xi32, #tpu.memory_space<vmem>>)
      tpu.yield
    }) : () -> ()
    %broadcast_in_dim3A = arith.constant -1.000000e+30 : f32
    %broadcast_in_dim3A_3 = vector.broadcast %broadcast_in_dim3A : f32 to vector<16xf32>
    %broadcast_in_dim3A_4 = arith.constant 0.000000e+00 : f32
    %broadcast_in_dim3A_5 = vector.broadcast %broadcast_in_dim3A_4 : f32 to vector<16xf32>
    %broadcast_in_dim3A_6 = arith.constant 0 : i32
    %broadcast_in_dim3A_7 = vector.broadcast %broadcast_in_dim3A_6 : i32 to vector<16xi32>
    %broadcast_in_dim3A_8 = arith.constant 0 : i32
    %broadcast_in_dim3A_9 = vector.broadcast %broadcast_in_dim3A_8 : i32 to vector<16xi32>
    %broadcast_in_dim3A_10 = arith.constant 0 : i32
    %broadcast_in_dim3A_11 = vector.broadcast %broadcast_in_dim3A_10 : i32 to vector<16xi32>
    %broadcast_in_dim3A_12 = arith.constant 0 : i32
    %broadcast_in_dim3A_13 = vector.broadcast %broadcast_in_dim3A_12 : i32 to vector<16xi32>
    %broadcast_in_dim3A_14 = arith.constant 0 : i32
    %broadcast_in_dim3A_15 = vector.broadcast %broadcast_in_dim3A_14 : i32 to vector<16xi32>
    %broadcast_in_dim3A_16 = arith.constant 0 : i32
    %broadcast_in_dim3A_17 = vector.broadcast %broadcast_in_dim3A_16 : i32 to vector<16xi32>
    %broadcast_in_dim3A_18 = arith.constant 0 : i32
    %broadcast_in_dim3A_19 = vector.broadcast %broadcast_in_dim3A_18 : i32 to vector<16xi32>
    %broadcast_in_dim3A_20 = arith.constant 0 : i32
    %broadcast_in_dim3A_21 = vector.broadcast %broadcast_in_dim3A_20 : i32 to vector<16xi32>
    %scan3A = arith.constant 0 : i32
    %scan3A_22 = arith.constant 1024 : i32
    %scan3A_23 = arith.addi %scan3A, %scan3A_22 : i32
    %scan3A_24 = arith.constant 1 : i32
    %scan3A_25:8 = scf.for %scan3A_218 = %scan3A to %scan3A_23 step %scan3A_24 iter_args(%scan3A_219 = %broadcast_in_dim3A_7, %scan3A_220 = %broadcast_in_dim3A_9, %scan3A_221 = %broadcast_in_dim3A_11, %scan3A_222 = %broadcast_in_dim3A_13, %scan3A_223 = %broadcast_in_dim3A_15, %scan3A_224 = %broadcast_in_dim3A_17, %scan3A_225 = %broadcast_in_dim3A_19, %scan3A_226 = %broadcast_in_dim3A_21) -> (vector<16xi32>, vector<16xi32>, vector<16xi32>, vector<16xi32>, vector<16xi32>, vector<16xi32>, vector<16xi32>, vector<16xi32>)  : i32 {
      %jit3A = arith.constant 16 : i32
      %div3A = arith.divsi %scan3A_218, %jit3A : i32
      %sign3A = arith.constant 0 : i32
      %sign3A_227 = arith.cmpi sgt, %scan3A_218, %sign3A : i32
      %sign3A_228 = arith.extui %sign3A_227 : i1 to i32
      %sign3A_229 = arith.constant 0 : i32
      %sign3A_230 = arith.cmpi slt, %scan3A_218, %sign3A_229 : i32
      %sign3A_231 = arith.extui %sign3A_230 : i1 to i32
      %sign3A_232 = arith.subi %sign3A_228, %sign3A_231 : i32
      %sign3A_233 = arith.constant 0 : i32
      %sign3A_234 = arith.cmpi sgt, %jit3A, %sign3A_233 : i32
      %sign3A_235 = arith.extui %sign3A_234 : i1 to i32
      %sign3A_236 = arith.constant 0 : i32
      %sign3A_237 = arith.cmpi slt, %jit3A, %sign3A_236 : i32
      %sign3A_238 = arith.extui %sign3A_237 : i1 to i32
      %sign3A_239 = arith.subi %sign3A_235, %sign3A_238 : i32
      %ne3A = arith.cmpi ne, %sign3A_232, %sign3A_239 : i32
      %rem3A = arith.remsi %scan3A_218, %jit3A : i32
      %ne3A_240 = arith.constant 0 : i32
      %ne3A_241 = arith.cmpi ne, %rem3A, %ne3A_240 : i32
      %and3A = arith.andi %ne3A, %ne3A_241 : i1
      %sub3A = arith.constant 1 : i32
      %sub3A_242 = arith.subi %div3A, %sub3A : i32
      %select_n3A = arith.select %and3A, %sub3A_242, %div3A : i32
      %jit3A_243 = arith.constant 16 : i32
      %eq3A = arith.constant 0 : i32
      %eq3A_244 = arith.cmpi eq, %jit3A_243, %eq3A : i32
      %jit3A_245 = arith.constant 1 : i32
      %select_n3A_246 = arith.select %eq3A_244, %jit3A_245, %jit3A_243 : i32
      %rem3A_247 = arith.remsi %scan3A_218, %select_n3A_246 : i32
      %ne3A_248 = arith.constant 0 : i32
      %ne3A_249 = arith.cmpi ne, %rem3A_247, %ne3A_248 : i32
      %lt3A = arith.constant 0 : i32
      %lt3A_250 = arith.cmpi slt, %rem3A_247, %lt3A : i32
      %lt3A_251 = arith.constant 0 : i32
      %lt3A_252 = arith.cmpi slt, %select_n3A_246, %lt3A_251 : i32
      %ne3A_253 = arith.xori %lt3A_250, %lt3A_252 : i1
      %and3A_254 = arith.andi %ne3A_253, %ne3A_249 : i1
      %add3A_255 = arith.addi %rem3A_247, %select_n3A_246 : i32
      %select_n3A_256 = arith.select %and3A_254, %add3A_255, %rem3A_247 : i32
      %mul3A_257 = arith.constant 16 : i32
      %mul3A_258 = arith.muli %select_n3A_256, %mul3A_257 : i32
      %get3A = arith.index_cast %select_n3A : i32 to index
      %get3A_259 = arith.index_cast %mul3A_258 : i32 to index
      %get3A_260 = tpu.vector_load %arg5[%get3A, %get3A_259] {strides = array<i32>} : memref<64x256xi32, #tpu.memory_space<vmem>>, vector<16xi32>,
      %shift_right_logical3A = arith.constant 8 : i32
      %shift_right_logical3A_261 = vector.broadcast %shift_right_logical3A : i32 to vector<16xi32>
      %shift_right_logical3A_262 = arith.shrui %get3A_260, %shift_right_logical3A_261 : vector<16xi32>
      %eq3A_263 = arith.constant 0 : i32
      %eq3A_264 = vector.broadcast %eq3A_263 : i32 to vector<16xi32>
      %eq3A_265 = arith.cmpi eq, %shift_right_logical3A_262, %eq3A_264 : vector<16xi32>
      %all_reduce_population_count3A = tpu.all_reduce %eq3A_265 {dim = 0 : i64, kind = #tpu.reduction_kind<sum>} : vector<16xi1> -> vector<16xi32>
      %add3A_266 = arith.addi %scan3A_219, %all_reduce_population_count3A : vector<16xi32>
      %eq3A_267 = arith.constant 1 : i32
      %eq3A_268 = vector.broadcast %eq3A_267 : i32 to vector<16xi32>
      %eq3A_269 = arith.cmpi eq, %shift_right_logical3A_262, %eq3A_268 : vector<16xi32>
      %all_reduce_population_count3A_270 = tpu.all_reduce %eq3A_269 {dim = 0 : i64, kind = #tpu.reduction_kind<sum>} : vector<16xi1> -> vector<16xi32>
      %add3A_271 = arith.addi %scan3A_220, %all_reduce_population_count3A_270 : vector<16xi32>
      %eq3A_272 = arith.constant 2 : i32
      %eq3A_273 = vector.broadcast %eq3A_272 : i32 to vector<16xi32>
      %eq3A_274 = arith.cmpi eq, %shift_right_logical3A_262, %eq3A_273 : vector<16xi32>
      %all_reduce_population_count3A_275 = tpu.all_reduce %eq3A_274 {dim = 0 : i64, kind = #tpu.reduction_kind<sum>} : vector<16xi1> -> vector<16xi32>
      %add3A_276 = arith.addi %scan3A_221, %all_reduce_population_count3A_275 : vector<16xi32>
      %eq3A_277 = arith.constant 3 : i32
      %eq3A_278 = vector.broadcast %eq3A_277 : i32 to vector<16xi32>
      %eq3A_279 = arith.cmpi eq, %shift_right_logical3A_262, %eq3A_278 : vector<16xi32>
      %all_reduce_population_count3A_280 = tpu.all_reduce %eq3A_279 {dim = 0 : i64, kind = #tpu.reduction_kind<sum>} : vector<16xi1> -> vector<16xi32>
      %add3A_281 = arith.addi %scan3A_222, %all_reduce_population_count3A_280 : vector<16xi32>
      %eq3A_282 = arith.constant 4 : i32
      %eq3A_283 = vector.broadcast %eq3A_282 : i32 to vector<16xi32>
      %eq3A_284 = arith.cmpi eq, %shift_right_logical3A_262, %eq3A_283 : vector<16xi32>
      %all_reduce_population_count3A_285 = tpu.all_reduce %eq3A_284 {dim = 0 : i64, kind = #tpu.reduction_kind<sum>} : vector<16xi1> -> vector<16xi32>
      %add3A_286 = arith.addi %scan3A_223, %all_reduce_population_count3A_285 : vector<16xi32>
      %eq3A_287 = arith.constant 5 : i32
      %eq3A_288 = vector.broadcast %eq3A_287 : i32 to vector<16xi32>
      %eq3A_289 = arith.cmpi eq, %shift_right_logical3A_262, %eq3A_288 : vector<16xi32>
      %all_reduce_population_count3A_290 = tpu.all_reduce %eq3A_289 {dim = 0 : i64, kind = #tpu.reduction_kind<sum>} : vector<16xi1> -> vector<16xi32>
      %add3A_291 = arith.addi %scan3A_224, %all_reduce_population_count3A_290 : vector<16xi32>
      %eq3A_292 = arith.constant 6 : i32
      %eq3A_293 = vector.broadcast %eq3A_292 : i32 to vector<16xi32>
      %eq3A_294 = arith.cmpi eq, %shift_right_logical3A_262, %eq3A_293 : vector<16xi32>
      %all_reduce_population_count3A_295 = tpu.all_reduce %eq3A_294 {dim = 0 : i64, kind = #tpu.reduction_kind<sum>} : vector<16xi1> -> vector<16xi32>
      %add3A_296 = arith.addi %scan3A_225, %all_reduce_population_count3A_295 : vector<16xi32>
      %eq3A_297 = arith.constant 7 : i32
      %eq3A_298 = vector.broadcast %eq3A_297 : i32 to vector<16xi32>
      %eq3A_299 = arith.cmpi eq, %shift_right_logical3A_262, %eq3A_298 : vector<16xi32>
      %all_reduce_population_count3A_300 = tpu.all_reduce %eq3A_299 {dim = 0 : i64, kind = #tpu.reduction_kind<sum>} : vector<16xi1> -> vector<16xi32>
      %add3A_301 = arith.addi %scan3A_226, %all_reduce_population_count3A_300 : vector<16xi32>
      scf.yield %add3A_266, %add3A_271, %add3A_276, %add3A_281, %add3A_286, %add3A_291, %add3A_296, %add3A_301 : vector<16xi32>, vector<16xi32>, vector<16xi32>, vector<16xi32>, vector<16xi32>, vector<16xi32>, vector<16xi32>, vector<16xi32>
    }
    %scan3A_26 = arith.constant 1024 : i32
    %swap3A = arith.constant 0 : index
    %swap3A_27 = tpu.vector_load %arg7[%swap3A] {strides = array<i32>} : memref<128xi32, #tpu.memory_space<vmem>>, vector<16xi32>,
    tpu.vector_store %arg7[%swap3A], %scan3A_25#0 {strides = array<i32>} : memref<128xi32, #tpu.memory_space<vmem>>, vector<16xi32>,
    %swap3A_28 = arith.constant 16 : index
    %swap3A_29 = tpu.vector_load %arg7[%swap3A_28] {strides = array<i32>} : memref<128xi32, #tpu.memory_space<vmem>>, vector<16xi32>,
    tpu.vector_store %arg7[%swap3A_28], %scan3A_25#1 {strides = array<i32>} : memref<128xi32, #tpu.memory_space<vmem>>, vector<16xi32>,
    %swap3A_30 = arith.constant 32 : index
    %swap3A_31 = tpu.vector_load %arg7[%swap3A_30] {strides = array<i32>} : memref<128xi32, #tpu.memory_space<vmem>>, vector<16xi32>,
    tpu.vector_store %arg7[%swap3A_30], %scan3A_25#2 {strides = array<i32>} : memref<128xi32, #tpu.memory_space<vmem>>, vector<16xi32>,
    %swap3A_32 = arith.constant 48 : index
    %swap3A_33 = tpu.vector_load %arg7[%swap3A_32] {strides = array<i32>} : memref<128xi32, #tpu.memory_space<vmem>>, vector<16xi32>,
    tpu.vector_store %arg7[%swap3A_32], %scan3A_25#3 {strides = array<i32>} : memref<128xi32, #tpu.memory_space<vmem>>, vector<16xi32>,
    %swap3A_34 = arith.constant 64 : index
    %swap3A_35 = tpu.vector_load %arg7[%swap3A_34] {strides = array<i32>} : memref<128xi32, #tpu.memory_space<vmem>>, vector<16xi32>,
    tpu.vector_store %arg7[%swap3A_34], %scan3A_25#4 {strides = array<i32>} : memref<128xi32, #tpu.memory_space<vmem>>, vector<16xi32>,
    %swap3A_36 = arith.constant 80 : index
    %swap3A_37 = tpu.vector_load %arg7[%swap3A_36] {strides = array<i32>} : memref<128xi32, #tpu.memory_space<vmem>>, vector<16xi32>,
    tpu.vector_store %arg7[%swap3A_36], %scan3A_25#5 {strides = array<i32>} : memref<128xi32, #tpu.memory_space<vmem>>, vector<16xi32>,
    %swap3A_38 = arith.constant 96 : index
    %swap3A_39 = tpu.vector_load %arg7[%swap3A_38] {strides = array<i32>} : memref<128xi32, #tpu.memory_space<vmem>>, vector<16xi32>,
    tpu.vector_store %arg7[%swap3A_38], %scan3A_25#6 {strides = array<i32>} : memref<128xi32, #tpu.memory_space<vmem>>, vector<16xi32>,
    %swap3A_40 = arith.constant 112 : index
    %swap3A_41 = tpu.vector_load %arg7[%swap3A_40] {strides = array<i32>} : memref<128xi32, #tpu.memory_space<vmem>>, vector<16xi32>,
    tpu.vector_store %arg7[%swap3A_40], %scan3A_25#7 {strides = array<i32>} : memref<128xi32, #tpu.memory_space<vmem>>, vector<16xi32>,
    "tpu.region"() ({
      %run_scoped3A = tpu.sem_alloc : memref<!tpu.dma_semaphore, #tpu.memory_space<semaphore_mem>>
      %dma_start3A_218 = arith.constant 0 : i32
      %dma_start3A_219 = tpu.memref_slice %arg4[%add3A, %dma_start3A_218] : memref<32x128xi32, #tpu.memory_space<hbm>> -> memref<1x128xi32, #tpu.memory_space<hbm>>
      %dma_start3A_220 = tpu.memref_squeeze %dma_start3A_219 : memref<1x128xi32, #tpu.memory_space<hbm>> -> memref<128xi32, #tpu.memory_space<hbm>>
      %dma_start3A_221 = arith.constant 0 : i32
      %dma_start3A_222 = tpu.memref_slice %arg4[%add3A, %dma_start3A_221] : memref<32x128xi32, #tpu.memory_space<hbm>> -> memref<1x128xi32, #tpu.memory_space<hbm>>
      %dma_start3A_223 = tpu.memref_squeeze %dma_start3A_222 : memref<1x128xi32, #tpu.memory_space<hbm>> -> memref<128xi32, #tpu.memory_space<hbm>>
      tpu.enqueue_dma source(%arg7 : memref<128xi32, #tpu.memory_space<vmem>>) target(%dma_start3A_223 : memref<128xi32, #tpu.memory_space<hbm>>) target_semaphore(%run_scoped3A : memref<!tpu.dma_semaphore, #tpu.memory_space<semaphore_mem>>)
      %dma_wait3A_224 = arith.constant 0 : i32
      %dma_wait3A_225 = tpu.memref_slice %arg4[%add3A, %dma_wait3A_224] : memref<32x128xi32, #tpu.memory_space<hbm>> -> memref<1x128xi32, #tpu.memory_space<hbm>>
      %dma_wait3A_226 = tpu.memref_squeeze %dma_wait3A_225 : memref<1x128xi32, #tpu.memory_space<hbm>> -> memref<128xi32, #tpu.memory_space<hbm>>
      %dma_wait3A_227 = arith.constant 0 : i32
      %dma_wait3A_228 = tpu.memref_slice %arg4[%add3A, %dma_wait3A_227] : memref<32x128xi32, #tpu.memory_space<hbm>> -> memref<1x128xi32, #tpu.memory_space<hbm>>
      %dma_wait3A_229 = tpu.memref_squeeze %dma_wait3A_228 : memref<1x128xi32, #tpu.memory_space<hbm>> -> memref<128xi32, #tpu.memory_space<hbm>>
      tpu.wait_dma2 semaphore(%run_scoped3A : memref<!tpu.dma_semaphore, #tpu.memory_space<semaphore_mem>>) src(%arg7 : memref<128xi32, #tpu.memory_space<vmem>>) dst(%dma_wait3A_229 : memref<128xi32, #tpu.memory_space<hbm>>)
      tpu.yield
    }) : () -> ()
    %scan3A_42 = arith.constant 0 : i32
    %scan3A_43 = arith.constant 0 : i32
    %scan3A_44 = arith.constant 16 : i32
    %scan3A_45 = arith.addi %scan3A_43, %scan3A_44 : i32
    %scan3A_46 = arith.constant 1 : i32
    scf.for %scan3A_218 = %scan3A_43 to %scan3A_45 step %scan3A_46  : i32 {
      %swap3A_219 = arith.constant 0 : i32
      %swap3A_220 = arith.index_cast %swap3A_219 : i32 to index
      %swap3A_221 = arith.index_cast %scan3A_218 : i32 to index
      %swap3A_222 = arith.constant 0 : index
      %swap3A_223 = tpu.vector_load %arg6[%swap3A_220, %swap3A_221, %swap3A_222] {strides = array<i32>} : memref<2x16x2048xf32, #tpu.memory_space<vmem>>, vector<16xf32>,
      tpu.vector_store %arg6[%swap3A_220, %swap3A_221, %swap3A_222], %broadcast_in_dim3A_3 {strides = array<i32>} : memref<2x16x2048xf32, #tpu.memory_space<vmem>>, vector<16xf32>,
      %swap3A_224 = arith.constant 1 : i32
      %swap3A_225 = arith.index_cast %swap3A_224 : i32 to index
      %swap3A_226 = arith.index_cast %scan3A_218 : i32 to index
      %swap3A_227 = arith.constant 0 : index
      %swap3A_228 = tpu.vector_load %arg6[%swap3A_225, %swap3A_226, %swap3A_227] {strides = array<i32>} : memref<2x16x2048xf32, #tpu.memory_space<vmem>>, vector<16xf32>,
      tpu.vector_store %arg6[%swap3A_225, %swap3A_226, %swap3A_227], %broadcast_in_dim3A_3 {strides = array<i32>} : memref<2x16x2048xf32, #tpu.memory_space<vmem>>, vector<16xf32>,
      %swap3A_229 = arith.constant 0 : i32
      %swap3A_230 = arith.index_cast %swap3A_229 : i32 to index
      %swap3A_231 = arith.index_cast %scan3A_218 : i32 to index
      %swap3A_232 = arith.constant 16 : index
      %swap3A_233 = tpu.vector_load %arg6[%swap3A_230, %swap3A_231, %swap3A_232] {strides = array<i32>} : memref<2x16x2048xf32, #tpu.memory_space<vmem>>, vector<16xf32>,
      tpu.vector_store %arg6[%swap3A_230, %swap3A_231, %swap3A_232], %broadcast_in_dim3A_3 {strides = array<i32>} : memref<2x16x2048xf32, #tpu.memory_space<vmem>>, vector<16xf32>,
      %swap3A_234 = arith.constant 1 : i32
      %swap3A_235 = arith.index_cast %swap3A_234 : i32 to index
      %swap3A_236 = arith.index_cast %scan3A_218 : i32 to index
      %swap3A_237 = arith.constant 16 : index
      %swap3A_238 = tpu.vector_load %arg6[%swap3A_235, %swap3A_236, %swap3A_237] {strides = array<i32>} : memref<2x16x2048xf32, #tpu.memory_space<vmem>>, vector<16xf32>,
      tpu.vector_store %arg6[%swap3A_235, %swap3A_236, %swap3A_237], %broadcast_in_dim3A_3 {strides = array<i32>} : memref<2x16x2048xf32, #tpu.memory_space<vmem>>, vector<16xf32>,
      %swap3A_239 = arith.constant 0 : i32
      %swap3A_240 = arith.index_cast %swap3A_239 : i32 to index
      %swap3A_241 = arith.index_cast %scan3A_218 : i32 to index
      %swap3A_242 = arith.constant 32 : index
      %swap3A_243 = tpu.vector_load %arg6[%swap3A_240, %swap3A_241, %swap3A_242] {strides = array<i32>} : memref<2x16x2048xf32, #tpu.memory_space<vmem>>, vector<16xf32>,
      tpu.vector_store %arg6[%swap3A_240, %swap3A_241, %swap3A_242], %broadcast_in_dim3A_3 {strides = array<i32>} : memref<2x16x2048xf32, #tpu.memory_space<vmem>>, vector<16xf32>,
      %swap3A_244 = arith.constant 1 : i32
      %swap3A_245 = arith.index_cast %swap3A_244 : i32 to index
      %swap3A_246 = arith.index_cast %scan3A_218 : i32 to index
      %swap3A_247 = arith.constant 32 : index
      %swap3A_248 = tpu.vector_load %arg6[%swap3A_245, %swap3A_246, %swap3A_247] {strides = array<i32>} : memref<2x16x2048xf32, #tpu.memory_space<vmem>>, vector<16xf32>,
      tpu.vector_store %arg6[%swap3A_245, %swap3A_246, %swap3A_247], %broadcast_in_dim3A_3 {strides = array<i32>} : memref<2x16x2048xf32, #tpu.memory_space<vmem>>, vector<16xf32>,
      %swap3A_249 = arith.constant 0 : i32
      %swap3A_250 = arith.index_cast %swap3A_249 : i32 to index
      %swap3A_251 = arith.index_cast %scan3A_218 : i32 to index
      %swap3A_252 = arith.constant 48 : index
      %swap3A_253 = tpu.vector_load %arg6[%swap3A_250, %swap3A_251, %swap3A_252] {strides = array<i32>} : memref<2x16x2048xf32, #tpu.memory_space<vmem>>, vector<16xf32>,
      tpu.vector_store %arg6[%swap3A_250, %swap3A_251, %swap3A_252], %broadcast_in_dim3A_3 {strides = array<i32>} : memref<2x16x2048xf32, #tpu.memory_space<vmem>>, vector<16xf32>,
      %swap3A_254 = arith.constant 1 : i32
      %swap3A_255 = arith.index_cast %swap3A_254 : i32 to index
      %swap3A_256 = arith.index_cast %scan3A_218 : i32 to index
      %swap3A_257 = arith.constant 48 : index
      %swap3A_258 = tpu.vector_load %arg6[%swap3A_255, %swap3A_256, %swap3A_257] {strides = array<i32>} : memref<2x16x2048xf32, #tpu.memory_space<vmem>>, vector<16xf32>,
      tpu.vector_store %arg6[%swap3A_255, %swap3A_256, %swap3A_257], %broadcast_in_dim3A_3 {strides = array<i32>} : memref<2x16x2048xf32, #tpu.memory_space<vmem>>, vector<16xf32>,
      %swap3A_259 = arith.constant 0 : i32
      %swap3A_260 = arith.index_cast %swap3A_259 : i32 to index
      %swap3A_261 = arith.index_cast %scan3A_218 : i32 to index
      %swap3A_262 = arith.constant 64 : index
      %swap3A_263 = tpu.vector_load %arg6[%swap3A_260, %swap3A_261, %swap3A_262] {strides = array<i32>} : memref<2x16x2048xf32, #tpu.memory_space<vmem>>, vector<16xf32>,
      tpu.vector_store %arg6[%swap3A_260, %swap3A_261, %swap3A_262], %broadcast_in_dim3A_3 {strides = array<i32>} : memref<2x16x2048xf32, #tpu.memory_space<vmem>>, vector<16xf32>,
      %swap3A_264 = arith.constant 1 : i32
      %swap3A_265 = arith.index_cast %swap3A_264 : i32 to index
      %swap3A_266 = arith.index_cast %scan3A_218 : i32 to index
      %swap3A_267 = arith.constant 64 : index
      %swap3A_268 = tpu.vector_load %arg6[%swap3A_265, %swap3A_266, %swap3A_267] {strides = array<i32>} : memref<2x16x2048xf32, #tpu.memory_space<vmem>>, vector<16xf32>,
      tpu.vector_store %arg6[%swap3A_265, %swap3A_266, %swap3A_267], %broadcast_in_dim3A_3 {strides = array<i32>} : memref<2x16x2048xf32, #tpu.memory_space<vmem>>, vector<16xf32>,
      %swap3A_269 = arith.constant 0 : i32
      %swap3A_270 = arith.index_cast %swap3A_269 : i32 to index
      %swap3A_271 = arith.index_cast %scan3A_218 : i32 to index
      %swap3A_272 = arith.constant 80 : index
      %swap3A_273 = tpu.vector_load %arg6[%swap3A_270, %swap3A_271, %swap3A_272] {strides = array<i32>} : memref<2x16x2048xf32, #tpu.memory_space<vmem>>, vector<16xf32>,
      tpu.vector_store %arg6[%swap3A_270, %swap3A_271, %swap3A_272], %broadcast_in_dim3A_3 {strides = array<i32>} : memref<2x16x2048xf32, #tpu.memory_space<vmem>>, vector<16xf32>,
      %swap3A_274 = arith.constant 1 : i32
      %swap3A_275 = arith.index_cast %swap3A_274 : i32 to index
      %swap3A_276 = arith.index_cast %scan3A_218 : i32 to index
      %swap3A_277 = arith.constant 80 : index
      %swap3A_278 = tpu.vector_load %arg6[%swap3A_275, %swap3A_276, %swap3A_277] {strides = array<i32>} : memref<2x16x2048xf32, #tpu.memory_space<vmem>>, vector<16xf32>,
      tpu.vector_store %arg6[%swap3A_275, %swap3A_276, %swap3A_277], %broadcast_in_dim3A_3 {strides = array<i32>} : memref<2x16x2048xf32, #tpu.memory_space<vmem>>, vector<16xf32>,
      %swap3A_279 = arith.constant 0 : i32
      %swap3A_280 = arith.index_cast %swap3A_279 : i32 to index
      %swap3A_281 = arith.index_cast %scan3A_218 : i32 to index
      %swap3A_282 = arith.constant 96 : index
      %swap3A_283 = tpu.vector_load %arg6[%swap3A_280, %swap3A_281, %swap3A_282] {strides = array<i32>} : memref<2x16x2048xf32, #tpu.memory_space<vmem>>, vector<16xf32>,
      tpu.vector_store %arg6[%swap3A_280, %swap3A_281, %swap3A_282], %broadcast_in_dim3A_3 {strides = array<i32>} : memref<2x16x2048xf32, #tpu.memory_space<vmem>>, vector<16xf32>,
      %swap3A_284 = arith.constant 1 : i32
      %swap3A_285 = arith.index_cast %swap3A_284 : i32 to index
      %swap3A_286 = arith.index_cast %scan3A_218 : i32 to index
      %swap3A_287 = arith.constant 96 : index
      %swap3A_288 = tpu.vector_load %arg6[%swap3A_285, %swap3A_286, %swap3A_287] {strides = array<i32>} : memref<2x16x2048xf32, #tpu.memory_space<vmem>>, vector<16xf32>,
      tpu.vector_store %arg6[%swap3A_285, %swap3A_286, %swap3A_287], %broadcast_in_dim3A_3 {strides = array<i32>} : memref<2x16x2048xf32, #tpu.memory_space<vmem>>, vector<16xf32>,
      %swap3A_289 = arith.constant 0 : i32
      %swap3A_290 = arith.index_cast %swap3A_289 : i32 to index
      %swap3A_291 = arith.index_cast %scan3A_218 : i32 to index
      %swap3A_292 = arith.constant 112 : index
      %swap3A_293 = tpu.vector_load %arg6[%swap3A_290, %swap3A_291, %swap3A_292] {strides = array<i32>} : memref<2x16x2048xf32, #tpu.memory_space<vmem>>, vector<16xf32>,
      tpu.vector_store %arg6[%swap3A_290, %swap3A_291, %swap3A_292], %broadcast_in_dim3A_3 {strides = array<i32>} : memref<2x16x2048xf32, #tpu.memory_space<vmem>>, vector<16xf32>,
      %swap3A_294 = arith.constant 1 : i32
      %swap3A_295 = arith.index_cast %swap3A_294 : i32 to index
      %swap3A_296 = arith.index_cast %scan3A_218 : i32 to index
      %swap3A_297 = arith.constant 112 : index
      %swap3A_298 = tpu.vector_load %arg6[%swap3A_295, %swap3A_296, %swap3A_297] {strides = array<i32>} : memref<2x16x2048xf32, #tpu.memory_space<vmem>>, vector<16xf32>,
      tpu.vector_store %arg6[%swap3A_295, %swap3A_296, %swap3A_297], %broadcast_in_dim3A_3 {strides = array<i32>} : memref<2x16x2048xf32, #tpu.memory_space<vmem>>, vector<16xf32>,
      %swap3A_299 = arith.constant 0 : i32
      %swap3A_300 = arith.index_cast %swap3A_299 : i32 to index
      %swap3A_301 = arith.index_cast %scan3A_218 : i32 to index
      %swap3A_302 = arith.constant 128 : index
      %swap3A_303 = tpu.vector_load %arg6[%swap3A_300, %swap3A_301, %swap3A_302] {strides = array<i32>} : memref<2x16x2048xf32, #tpu.memory_space<vmem>>, vector<16xf32>,
      tpu.vector_store %arg6[%swap3A_300, %swap3A_301, %swap3A_302], %broadcast_in_dim3A_3 {strides = array<i32>} : memref<2x16x2048xf32, #tpu.memory_space<vmem>>, vector<16xf32>,
      %swap3A_304 = arith.constant 1 : i32
      %swap3A_305 = arith.index_cast %swap3A_304 : i32 to index
      %swap3A_306 = arith.index_cast %scan3A_218 : i32 to index
      %swap3A_307 = arith.constant 128 : index
      %swap3A_308 = tpu.vector_load %arg6[%swap3A_305, %swap3A_306, %swap3A_307] {strides = array<i32>} : memref<2x16x2048xf32, #tpu.memory_space<vmem>>, vector<16xf32>,
      tpu.vector_store %arg6[%swap3A_305, %swap3A_306, %swap3A_307], %broadcast_in_dim3A_3 {strides = array<i32>} : memref<2x16x2048xf32, #tpu.memory_space<vmem>>, vector<16xf32>,
      %swap3A_309 = arith.constant 0 : i32
      %swap3A_310 = arith.index_cast %swap3A_309 : i32 to index
      %swap3A_311 = arith.index_cast %scan3A_218 : i32 to index
      %swap3A_312 = arith.constant 144 : index
      %swap3A_313 = tpu.vector_load %arg6[%swap3A_310, %swap3A_311, %swap3A_312] {strides = array<i32>} : memref<2x16x2048xf32, #tpu.memory_space<vmem>>, vector<16xf32>,
      tpu.vector_store %arg6[%swap3A_310, %swap3A_311, %swap3A_312], %broadcast_in_dim3A_3 {strides = array<i32>} : memref<2x16x2048xf32, #tpu.memory_space<vmem>>, vector<16xf32>,
      %swap3A_314 = arith.constant 1 : i32
      %swap3A_315 = arith.index_cast %swap3A_314 : i32 to index
      %swap3A_316 = arith.index_cast %scan3A_218 : i32 to index
      %swap3A_317 = arith.constant 144 : index
      %swap3A_318 = tpu.vector_load %arg6[%swap3A_315, %swap3A_316, %swap3A_317] {strides = array<i32>} : memref<2x16x2048xf32, #tpu.memory_space<vmem>>, vector<16xf32>,
      tpu.vector_store %arg6[%swap3A_315, %swap3A_316, %swap3A_317], %broadcast_in_dim3A_3 {strides = array<i32>} : memref<2x16x2048xf32, #tpu.memory_space<vmem>>, vector<16xf32>,
      %swap3A_319 = arith.constant 0 : i32
      %swap3A_320 = arith.index_cast %swap3A_319 : i32 to index
      %swap3A_321 = arith.index_cast %scan3A_218 : i32 to index
      %swap3A_322 = arith.constant 160 : index
      %swap3A_323 = tpu.vector_load %arg6[%swap3A_320, %swap3A_321, %swap3A_322] {strides = array<i32>} : memref<2x16x2048xf32, #tpu.memory_space<vmem>>, vector<16xf32>,
      tpu.vector_store %arg6[%swap3A_320, %swap3A_321, %swap3A_322], %broadcast_in_dim3A_3 {strides = array<i32>} : memref<2x16x2048xf32, #tpu.memory_space<vmem>>, vector<16xf32>,
      %swap3A_324 = arith.constant 1 : i32
      %swap3A_325 = arith.index_cast %swap3A_324 : i32 to index
      %swap3A_326 = arith.index_cast %scan3A_218 : i32 to index
      %swap3A_327 = arith.constant 160 : index
      %swap3A_328 = tpu.vector_load %arg6[%swap3A_325, %swap3A_326, %swap3A_327] {strides = array<i32>} : memref<2x16x2048xf32, #tpu.memory_space<vmem>>, vector<16xf32>,
      tpu.vector_store %arg6[%swap3A_325, %swap3A_326, %swap3A_327], %broadcast_in_dim3A_3 {strides = array<i32>} : memref<2x16x2048xf32, #tpu.memory_space<vmem>>, vector<16xf32>,
      %swap3A_329 = arith.constant 0 : i32
      %swap3A_330 = arith.index_cast %swap3A_329 : i32 to index
      %swap3A_331 = arith.index_cast %scan3A_218 : i32 to index
      %swap3A_332 = arith.constant 176 : index
      %swap3A_333 = tpu.vector_load %arg6[%swap3A_330, %swap3A_331, %swap3A_332] {strides = array<i32>} : memref<2x16x2048xf32, #tpu.memory_space<vmem>>, vector<16xf32>,
      tpu.vector_store %arg6[%swap3A_330, %swap3A_331, %swap3A_332], %broadcast_in_dim3A_3 {strides = array<i32>} : memref<2x16x2048xf32, #tpu.memory_space<vmem>>, vector<16xf32>,
      %swap3A_334 = arith.constant 1 : i32
      %swap3A_335 = arith.index_cast %swap3A_334 : i32 to index
      %swap3A_336 = arith.index_cast %scan3A_218 : i32 to index
      %swap3A_337 = arith.constant 176 : index
      %swap3A_338 = tpu.vector_load %arg6[%swap3A_335, %swap3A_336, %swap3A_337] {strides = array<i32>} : memref<2x16x2048xf32, #tpu.memory_space<vmem>>, vector<16xf32>,
      tpu.vector_store %arg6[%swap3A_335, %swap3A_336, %swap3A_337], %broadcast_in_dim3A_3 {strides = array<i32>} : memref<2x16x2048xf32, #tpu.memory_space<vmem>>, vector<16xf32>,
      %swap3A_339 = arith.constant 0 : i32
      %swap3A_340 = arith.index_cast %swap3A_339 : i32 to index
      %swap3A_341 = arith.index_cast %scan3A_218 : i32 to index
      %swap3A_342 = arith.constant 192 : index
      %swap3A_343 = tpu.vector_load %arg6[%swap3A_340, %swap3A_341, %swap3A_342] {strides = array<i32>} : memref<2x16x2048xf32, #tpu.memory_space<vmem>>, vector<16xf32>,
      tpu.vector_store %arg6[%swap3A_340, %swap3A_341, %swap3A_342], %broadcast_in_dim3A_3 {strides = array<i32>} : memref<2x16x2048xf32, #tpu.memory_space<vmem>>, vector<16xf32>,
      %swap3A_344 = arith.constant 1 : i32
      %swap3A_345 = arith.index_cast %swap3A_344 : i32 to index
      %swap3A_346 = arith.index_cast %scan3A_218 : i32 to index
      %swap3A_347 = arith.constant 192 : index
      %swap3A_348 = tpu.vector_load %arg6[%swap3A_345, %swap3A_346, %swap3A_347] {strides = array<i32>} : memref<2x16x2048xf32, #tpu.memory_space<vmem>>, vector<16xf32>,
      tpu.vector_store %arg6[%swap3A_345, %swap3A_346, %swap3A_347], %broadcast_in_dim3A_3 {strides = array<i32>} : memref<2x16x2048xf32, #tpu.memory_space<vmem>>, vector<16xf32>,
      %swap3A_349 = arith.constant 0 : i32
      %swap3A_350 = arith.index_cast %swap3A_349 : i32 to index
      %swap3A_351 = arith.index_cast %scan3A_218 : i32 to index
      %swap3A_352 = arith.constant 208 : index
      %swap3A_353 = tpu.vector_load %arg6[%swap3A_350, %swap3A_351, %swap3A_352] {strides = array<i32>} : memref<2x16x2048xf32, #tpu.memory_space<vmem>>, vector<16xf32>,
      tpu.vector_store %arg6[%swap3A_350, %swap3A_351, %swap3A_352], %broadcast_in_dim3A_3 {strides = array<i32>} : memref<2x16x2048xf32, #tpu.memory_space<vmem>>, vector<16xf32>,
      %swap3A_354 = arith.constant 1 : i32
      %swap3A_355 = arith.index_cast %swap3A_354 : i32 to index
      %swap3A_356 = arith.index_cast %scan3A_218 : i32 to index
      %swap3A_357 = arith.constant 208 : index
      %swap3A_358 = tpu.vector_load %arg6[%swap3A_355, %swap3A_356, %swap3A_357] {strides = array<i32>} : memref<2x16x2048xf32, #tpu.memory_space<vmem>>, vector<16xf32>,
      tpu.vector_store %arg6[%swap3A_355, %swap3A_356, %swap3A_357], %broadcast_in_dim3A_3 {strides = array<i32>} : memref<2x16x2048xf32, #tpu.memory_space<vmem>>, vector<16xf32>,
      %swap3A_359 = arith.constant 0 : i32
      %swap3A_360 = arith.index_cast %swap3A_359 : i32 to index
      %swap3A_361 = arith.index_cast %scan3A_218 : i32 to index
      %swap3A_362 = arith.constant 224 : index
      %swap3A_363 = tpu.vector_load %arg6[%swap3A_360, %swap3A_361, %swap3A_362] {strides = array<i32>} : memref<2x16x2048xf32, #tpu.memory_space<vmem>>, vector<16xf32>,
      tpu.vector_store %arg6[%swap3A_360, %swap3A_361, %swap3A_362], %broadcast_in_dim3A_3 {strides = array<i32>} : memref<2x16x2048xf32, #tpu.memory_space<vmem>>, vector<16xf32>,
      %swap3A_364 = arith.constant 1 : i32
      %swap3A_365 = arith.index_cast %swap3A_364 : i32 to index
      %swap3A_366 = arith.index_cast %scan3A_218 : i32 to index
      %swap3A_367 = arith.constant 224 : index
      %swap3A_368 = tpu.vector_load %arg6[%swap3A_365, %swap3A_366, %swap3A_367] {strides = array<i32>} : memref<2x16x2048xf32, #tpu.memory_space<vmem>>, vector<16xf32>,
      tpu.vector_store %arg6[%swap3A_365, %swap3A_366, %swap3A_367], %broadcast_in_dim3A_3 {strides = array<i32>} : memref<2x16x2048xf32, #tpu.memory_space<vmem>>, vector<16xf32>,
      %swap3A_369 = arith.constant 0 : i32
      %swap3A_370 = arith.index_cast %swap3A_369 : i32 to index
      %swap3A_371 = arith.index_cast %scan3A_218 : i32 to index
      %swap3A_372 = arith.constant 240 : index
      %swap3A_373 = tpu.vector_load %arg6[%swap3A_370, %swap3A_371, %swap3A_372] {strides = array<i32>} : memref<2x16x2048xf32, #tpu.memory_space<vmem>>, vector<16xf32>,
      tpu.vector_store %arg6[%swap3A_370, %swap3A_371, %swap3A_372], %broadcast_in_dim3A_3 {strides = array<i32>} : memref<2x16x2048xf32, #tpu.memory_space<vmem>>, vector<16xf32>,
      %swap3A_374 = arith.constant 1 : i32
      %swap3A_375 = arith.index_cast %swap3A_374 : i32 to index
      %swap3A_376 = arith.index_cast %scan3A_218 : i32 to index
      %swap3A_377 = arith.constant 240 : index
      %swap3A_378 = tpu.vector_load %arg6[%swap3A_375, %swap3A_376, %swap3A_377] {strides = array<i32>} : memref<2x16x2048xf32, #tpu.memory_space<vmem>>, vector<16xf32>,
      tpu.vector_store %arg6[%swap3A_375, %swap3A_376, %swap3A_377], %broadcast_in_dim3A_3 {strides = array<i32>} : memref<2x16x2048xf32, #tpu.memory_space<vmem>>, vector<16xf32>,
      %swap3A_379 = arith.constant 0 : i32
      %swap3A_380 = arith.index_cast %swap3A_379 : i32 to index
      %swap3A_381 = arith.index_cast %scan3A_218 : i32 to index
      %swap3A_382 = arith.constant 256 : index
      %swap3A_383 = tpu.vector_load %arg6[%swap3A_380, %swap3A_381, %swap3A_382] {strides = array<i32>} : memref<2x16x2048xf32, #tpu.memory_space<vmem>>, vector<16xf32>,
      tpu.vector_store %arg6[%swap3A_380, %swap3A_381, %swap3A_382], %broadcast_in_dim3A_3 {strides = array<i32>} : memref<2x16x2048xf32, #tpu.memory_space<vmem>>, vector<16xf32>,
      %swap3A_384 = arith.constant 1 : i32
      %swap3A_385 = arith.index_cast %swap3A_384 : i32 to index
      %swap3A_386 = arith.index_cast %scan3A_218 : i32 to index
      %swap3A_387 = arith.constant 256 : index
      %swap3A_388 = tpu.vector_load %arg6[%swap3A_385, %swap3A_386, %swap3A_387] {strides = array<i32>} : memref<2x16x2048xf32, #tpu.memory_space<vmem>>, vector<16xf32>,
      tpu.vector_store %arg6[%swap3A_385, %swap3A_386, %swap3A_387], %broadcast_in_dim3A_3 {strides = array<i32>} : memref<2x16x2048xf32, #tpu.memory_space<vmem>>, vector<16xf32>,
      %swap3A_389 = arith.constant 0 : i32
      %swap3A_390 = arith.index_cast %swap3A_389 : i32 to index
      %swap3A_391 = arith.index_cast %scan3A_218 : i32 to index
      %swap3A_392 = arith.constant 272 : index
      %swap3A_393 = tpu.vector_load %arg6[%swap3A_390, %swap3A_391, %swap3A_392] {strides = array<i32>} : memref<2x16x2048xf32, #tpu.memory_space<vmem>>, vector<16xf32>,
      tpu.vector_store %arg6[%swap3A_390, %swap3A_391, %swap3A_392], %broadcast_in_dim3A_3 {strides = array<i32>} : memref<2x16x2048xf32, #tpu.memory_space<vmem>>, vector<16xf32>,
      %swap3A_394 = arith.constant 1 : i32
      %swap3A_395 = arith.index_cast %swap3A_394 : i32 to index
      %swap3A_396 = arith.index_cast %scan3A_218 : i32 to index
      %swap3A_397 = arith.constant 272 : index
      %swap3A_398 = tpu.vector_load %arg6[%swap3A_395, %swap3A_396, %swap3A_397] {strides = array<i32>} : memref<2x16x2048xf32, #tpu.memory_space<vmem>>, vector<16xf32>,
      tpu.vector_store %arg6[%swap3A_395, %swap3A_396, %swap3A_397], %broadcast_in_dim3A_3 {strides = array<i32>} : memref<2x16x2048xf32, #tpu.memory_space<vmem>>, vector<16xf32>,
      %swap3A_399 = arith.constant 0 : i32
      %swap3A_400 = arith.index_cast %swap3A_399 : i32 to index
      %swap3A_401 = arith.index_cast %scan3A_218 : i32 to index
      %swap3A_402 = arith.constant 288 : index
      %swap3A_403 = tpu.vector_load %arg6[%swap3A_400, %swap3A_401, %swap3A_402] {strides = array<i32>} : memref<2x16x2048xf32, #tpu.memory_space<vmem>>, vector<16xf32>,
      tpu.vector_store %arg6[%swap3A_400, %swap3A_401, %swap3A_402], %broadcast_in_dim3A_3 {strides = array<i32>} : memref<2x16x2048xf32, #tpu.memory_space<vmem>>, vector<16xf32>,
      %swap3A_404 = arith.constant 1 : i32
      %swap3A_405 = arith.index_cast %swap3A_404 : i32 to index
      %swap3A_406 = arith.index_cast %scan3A_218 : i32 to index
      %swap3A_407 = arith.constant 288 : index
      %swap3A_408 = tpu.vector_load %arg6[%swap3A_405, %swap3A_406, %swap3A_407] {strides = array<i32>} : memref<2x16x2048xf32, #tpu.memory_space<vmem>>, vector<16xf32>,
      tpu.vector_store %arg6[%swap3A_405, %swap3A_406, %swap3A_407], %broadcast_in_dim3A_3 {strides = array<i32>} : memref<2x16x2048xf32, #tpu.memory_space<vmem>>, vector<16xf32>,
      %swap3A_409 = arith.constant 0 : i32
      %swap3A_410 = arith.index_cast %swap3A_409 : i32 to index
      %swap3A_411 = arith.index_cast %scan3A_218 : i32 to index
      %swap3A_412 = arith.constant 304 : index
      %swap3A_413 = tpu.vector_load %arg6[%swap3A_410, %swap3A_411, %swap3A_412] {strides = array<i32>} : memref<2x16x2048xf32, #tpu.memory_space<vmem>>, vector<16xf32>,
      tpu.vector_store %arg6[%swap3A_410, %swap3A_411, %swap3A_412], %broadcast_in_dim3A_3 {strides = array<i32>} : memref<2x16x2048xf32, #tpu.memory_space<vmem>>, vector<16xf32>,
      %swap3A_414 = arith.constant 1 : i32
      %swap3A_415 = arith.index_cast %swap3A_414 : i32 to index
      %swap3A_416 = arith.index_cast %scan3A_218 : i32 to index
      %swap3A_417 = arith.constant 304 : index
      %swap3A_418 = tpu.vector_load %arg6[%swap3A_415, %swap3A_416, %swap3A_417] {strides = array<i32>} : memref<2x16x2048xf32, #tpu.memory_space<vmem>>, vector<16xf32>,
      tpu.vector_store %arg6[%swap3A_415, %swap3A_416, %swap3A_417], %broadcast_in_dim3A_3 {strides = array<i32>} : memref<2x16x2048xf32, #tpu.memory_space<vmem>>, vector<16xf32>,
      %swap3A_419 = arith.constant 0 : i32
      %swap3A_420 = arith.index_cast %swap3A_419 : i32 to index
      %swap3A_421 = arith.index_cast %scan3A_218 : i32 to index
      %swap3A_422 = arith.constant 320 : index
      %swap3A_423 = tpu.vector_load %arg6[%swap3A_420, %swap3A_421, %swap3A_422] {strides = array<i32>} : memref<2x16x2048xf32, #tpu.memory_space<vmem>>, vector<16xf32>,
      tpu.vector_store %arg6[%swap3A_420, %swap3A_421, %swap3A_422], %broadcast_in_dim3A_3 {strides = array<i32>} : memref<2x16x2048xf32, #tpu.memory_space<vmem>>, vector<16xf32>,
      %swap3A_424 = arith.constant 1 : i32
      %swap3A_425 = arith.index_cast %swap3A_424 : i32 to index
      %swap3A_426 = arith.index_cast %scan3A_218 : i32 to index
      %swap3A_427 = arith.constant 320 : index
      %swap3A_428 = tpu.vector_load %arg6[%swap3A_425, %swap3A_426, %swap3A_427] {strides = array<i32>} : memref<2x16x2048xf32, #tpu.memory_space<vmem>>, vector<16xf32>,
      tpu.vector_store %arg6[%swap3A_425, %swap3A_426, %swap3A_427], %broadcast_in_dim3A_3 {strides = array<i32>} : memref<2x16x2048xf32, #tpu.memory_space<vmem>>, vector<16xf32>,
      %swap3A_429 = arith.constant 0 : i32
      %swap3A_430 = arith.index_cast %swap3A_429 : i32 to index
      %swap3A_431 = arith.index_cast %scan3A_218 : i32 to index
      %swap3A_432 = arith.constant 336 : index
      %swap3A_433 = tpu.vector_load %arg6[%swap3A_430, %swap3A_431, %swap3A_432] {strides = array<i32>} : memref<2x16x2048xf32, #tpu.memory_space<vmem>>, vector<16xf32>,
      tpu.vector_store %arg6[%swap3A_430, %swap3A_431, %swap3A_432], %broadcast_in_dim3A_3 {strides = array<i32>} : memref<2x16x2048xf32, #tpu.memory_space<vmem>>, vector<16xf32>,
      %swap3A_434 = arith.constant 1 : i32
      %swap3A_435 = arith.index_cast %swap3A_434 : i32 to index
      %swap3A_436 = arith.index_cast %scan3A_218 : i32 to index
      %swap3A_437 = arith.constant 336 : index
      %swap3A_438 = tpu.vector_load %arg6[%swap3A_435, %swap3A_436, %swap3A_437] {strides = array<i32>} : memref<2x16x2048xf32, #tpu.memory_space<vmem>>, vector<16xf32>,
      tpu.vector_store %arg6[%swap3A_435, %swap3A_436, %swap3A_437], %broadcast_in_dim3A_3 {strides = array<i32>} : memref<2x16x2048xf32, #tpu.memory_space<vmem>>, vector<16xf32>,
      %swap3A_439 = arith.constant 0 : i32
      %swap3A_440 = arith.index_cast %swap3A_439 : i32 to index
      %swap3A_441 = arith.index_cast %scan3A_218 : i32 to index
      %swap3A_442 = arith.constant 352 : index
      %swap3A_443 = tpu.vector_load %arg6[%swap3A_440, %swap3A_441, %swap3A_442] {strides = array<i32>} : memref<2x16x2048xf32, #tpu.memory_space<vmem>>, vector<16xf32>,
      tpu.vector_store %arg6[%swap3A_440, %swap3A_441, %swap3A_442], %broadcast_in_dim3A_3 {strides = array<i32>} : memref<2x16x2048xf32, #tpu.memory_space<vmem>>, vector<16xf32>,
      %swap3A_444 = arith.constant 1 : i32
      %swap3A_445 = arith.index_cast %swap3A_444 : i32 to index
      %swap3A_446 = arith.index_cast %scan3A_218 : i32 to index
      %swap3A_447 = arith.constant 352 : index
      %swap3A_448 = tpu.vector_load %arg6[%swap3A_445, %swap3A_446, %swap3A_447] {strides = array<i32>} : memref<2x16x2048xf32, #tpu.memory_space<vmem>>, vector<16xf32>,
      tpu.vector_store %arg6[%swap3A_445, %swap3A_446, %swap3A_447], %broadcast_in_dim3A_3 {strides = array<i32>} : memref<2x16x2048xf32, #tpu.memory_space<vmem>>, vector<16xf32>,
      %swap3A_449 = arith.constant 0 : i32
      %swap3A_450 = arith.index_cast %swap3A_449 : i32 to index
      %swap3A_451 = arith.index_cast %scan3A_218 : i32 to index
      %swap3A_452 = arith.constant 368 : index
      %swap3A_453 = tpu.vector_load %arg6[%swap3A_450, %swap3A_451, %swap3A_452] {strides = array<i32>} : memref<2x16x2048xf32, #tpu.memory_space<vmem>>, vector<16xf32>,
      tpu.vector_store %arg6[%swap3A_450, %swap3A_451, %swap3A_452], %broadcast_in_dim3A_3 {strides = array<i32>} : memref<2x16x2048xf32, #tpu.memory_space<vmem>>, vector<16xf32>,
      %swap3A_454 = arith.constant 1 : i32
      %swap3A_455 = arith.index_cast %swap3A_454 : i32 to index
      %swap3A_456 = arith.index_cast %scan3A_218 : i32 to index
      %swap3A_457 = arith.constant 368 : index
      %swap3A_458 = tpu.vector_load %arg6[%swap3A_455, %swap3A_456, %swap3A_457] {strides = array<i32>} : memref<2x16x2048xf32, #tpu.memory_space<vmem>>, vector<16xf32>,
      tpu.vector_store %arg6[%swap3A_455, %swap3A_456, %swap3A_457], %broadcast_in_dim3A_3 {strides = array<i32>} : memref<2x16x2048xf32, #tpu.memory_space<vmem>>, vector<16xf32>,
      %swap3A_459 = arith.constant 0 : i32
      %swap3A_460 = arith.index_cast %swap3A_459 : i32 to index
      %swap3A_461 = arith.index_cast %scan3A_218 : i32 to index
      %swap3A_462 = arith.constant 384 : index
      %swap3A_463 = tpu.vector_load %arg6[%swap3A_460, %swap3A_461, %swap3A_462] {strides = array<i32>} : memref<2x16x2048xf32, #tpu.memory_space<vmem>>, vector<16xf32>,
      tpu.vector_store %arg6[%swap3A_460, %swap3A_461, %swap3A_462], %broadcast_in_dim3A_3 {strides = array<i32>} : memref<2x16x2048xf32, #tpu.memory_space<vmem>>, vector<16xf32>,
      %swap3A_464 = arith.constant 1 : i32
      %swap3A_465 = arith.index_cast %swap3A_464 : i32 to index
      %swap3A_466 = arith.index_cast %scan3A_218 : i32 to index
      %swap3A_467 = arith.constant 384 : index
      %swap3A_468 = tpu.vector_load %arg6[%swap3A_465, %swap3A_466, %swap3A_467] {strides = array<i32>} : memref<2x16x2048xf32, #tpu.memory_space<vmem>>, vector<16xf32>,
      tpu.vector_store %arg6[%swap3A_465, %swap3A_466, %swap3A_467], %broadcast_in_dim3A_3 {strides = array<i32>} : memref<2x16x2048xf32, #tpu.memory_space<vmem>>, vector<16xf32>,
      %swap3A_469 = arith.constant 0 : i32
      %swap3A_470 = arith.index_cast %swap3A_469 : i32 to index
      %swap3A_471 = arith.index_cast %scan3A_218 : i32 to index
      %swap3A_472 = arith.constant 400 : index
      %swap3A_473 = tpu.vector_load %arg6[%swap3A_470, %swap3A_471, %swap3A_472] {strides = array<i32>} : memref<2x16x2048xf32, #tpu.memory_space<vmem>>, vector<16xf32>,
      tpu.vector_store %arg6[%swap3A_470, %swap3A_471, %swap3A_472], %broadcast_in_dim3A_3 {strides = array<i32>} : memref<2x16x2048xf32, #tpu.memory_space<vmem>>, vector<16xf32>,
      %swap3A_474 = arith.constant 1 : i32
      %swap3A_475 = arith.index_cast %swap3A_474 : i32 to index
      %swap3A_476 = arith.index_cast %scan3A_218 : i32 to index
      %swap3A_477 = arith.constant 400 : index
      %swap3A_478 = tpu.vector_load %arg6[%swap3A_475, %swap3A_476, %swap3A_477] {strides = array<i32>} : memref<2x16x2048xf32, #tpu.memory_space<vmem>>, vector<16xf32>,
      tpu.vector_store %arg6[%swap3A_475, %swap3A_476, %swap3A_477], %broadcast_in_dim3A_3 {strides = array<i32>} : memref<2x16x2048xf32, #tpu.memory_space<vmem>>, vector<16xf32>,
      %swap3A_479 = arith.constant 0 : i32
      %swap3A_480 = arith.index_cast %swap3A_479 : i32 to index
      %swap3A_481 = arith.index_cast %scan3A_218 : i32 to index
      %swap3A_482 = arith.constant 416 : index
      %swap3A_483 = tpu.vector_load %arg6[%swap3A_480, %swap3A_481, %swap3A_482] {strides = array<i32>} : memref<2x16x2048xf32, #tpu.memory_space<vmem>>, vector<16xf32>,
      tpu.vector_store %arg6[%swap3A_480, %swap3A_481, %swap3A_482], %broadcast_in_dim3A_3 {strides = array<i32>} : memref<2x16x2048xf32, #tpu.memory_space<vmem>>, vector<16xf32>,
      %swap3A_484 = arith.constant 1 : i32
      %swap3A_485 = arith.index_cast %swap3A_484 : i32 to index
      %swap3A_486 = arith.index_cast %scan3A_218 : i32 to index
      %swap3A_487 = arith.constant 416 : index
      %swap3A_488 = tpu.vector_load %arg6[%swap3A_485, %swap3A_486, %swap3A_487] {strides = array<i32>} : memref<2x16x2048xf32, #tpu.memory_space<vmem>>, vector<16xf32>,
      tpu.vector_store %arg6[%swap3A_485, %swap3A_486, %swap3A_487], %broadcast_in_dim3A_3 {strides = array<i32>} : memref<2x16x2048xf32, #tpu.memory_space<vmem>>, vector<16xf32>,
      %swap3A_489 = arith.constant 0 : i32
      %swap3A_490 = arith.index_cast %swap3A_489 : i32 to index
      %swap3A_491 = arith.index_cast %scan3A_218 : i32 to index
      %swap3A_492 = arith.constant 432 : index
      %swap3A_493 = tpu.vector_load %arg6[%swap3A_490, %swap3A_491, %swap3A_492] {strides = array<i32>} : memref<2x16x2048xf32, #tpu.memory_space<vmem>>, vector<16xf32>,
      tpu.vector_store %arg6[%swap3A_490, %swap3A_491, %swap3A_492], %broadcast_in_dim3A_3 {strides = array<i32>} : memref<2x16x2048xf32, #tpu.memory_space<vmem>>, vector<16xf32>,
      %swap3A_494 = arith.constant 1 : i32
      %swap3A_495 = arith.index_cast %swap3A_494 : i32 to index
      %swap3A_496 = arith.index_cast %scan3A_218 : i32 to index
      %swap3A_497 = arith.constant 432 : index
      %swap3A_498 = tpu.vector_load %arg6[%swap3A_495, %swap3A_496, %swap3A_497] {strides = array<i32>} : memref<2x16x2048xf32, #tpu.memory_space<vmem>>, vector<16xf32>,
      tpu.vector_store %arg6[%swap3A_495, %swap3A_496, %swap3A_497], %broadcast_in_dim3A_3 {strides = array<i32>} : memref<2x16x2048xf32, #tpu.memory_space<vmem>>, vector<16xf32>,
      %swap3A_499 = arith.constant 0 : i32
      %swap3A_500 = arith.index_cast %swap3A_499 : i32 to index
      %swap3A_501 = arith.index_cast %scan3A_218 : i32 to index
      %swap3A_502 = arith.constant 448 : index
      %swap3A_503 = tpu.vector_load %arg6[%swap3A_500, %swap3A_501, %swap3A_502] {strides = array<i32>} : memref<2x16x2048xf32, #tpu.memory_space<vmem>>, vector<16xf32>,
      tpu.vector_store %arg6[%swap3A_500, %swap3A_501, %swap3A_502], %broadcast_in_dim3A_3 {strides = array<i32>} : memref<2x16x2048xf32, #tpu.memory_space<vmem>>, vector<16xf32>,
      %swap3A_504 = arith.constant 1 : i32
      %swap3A_505 = arith.index_cast %swap3A_504 : i32 to index
      %swap3A_506 = arith.index_cast %scan3A_218 : i32 to index
      %swap3A_507 = arith.constant 448 : index
      %swap3A_508 = tpu.vector_load %arg6[%swap3A_505, %swap3A_506, %swap3A_507] {strides = array<i32>} : memref<2x16x2048xf32, #tpu.memory_space<vmem>>, vector<16xf32>,
      tpu.vector_store %arg6[%swap3A_505, %swap3A_506, %swap3A_507], %broadcast_in_dim3A_3 {strides = array<i32>} : memref<2x16x2048xf32, #tpu.memory_space<vmem>>, vector<16xf32>,
      %swap3A_509 = arith.constant 0 : i32
      %swap3A_510 = arith.index_cast %swap3A_509 : i32 to index
      %swap3A_511 = arith.index_cast %scan3A_218 : i32 to index
      %swap3A_512 = arith.constant 464 : index
      %swap3A_513 = tpu.vector_load %arg6[%swap3A_510, %swap3A_511, %swap3A_512] {strides = array<i32>} : memref<2x16x2048xf32, #tpu.memory_space<vmem>>, vector<16xf32>,
      tpu.vector_store %arg6[%swap3A_510, %swap3A_511, %swap3A_512], %broadcast_in_dim3A_3 {strides = array<i32>} : memref<2x16x2048xf32, #tpu.memory_space<vmem>>, vector<16xf32>,
      %swap3A_514 = arith.constant 1 : i32
      %swap3A_515 = arith.index_cast %swap3A_514 : i32 to index
      %swap3A_516 = arith.index_cast %scan3A_218 : i32 to index
      %swap3A_517 = arith.constant 464 : index
      %swap3A_518 = tpu.vector_load %arg6[%swap3A_515, %swap3A_516, %swap3A_517] {strides = array<i32>} : memref<2x16x2048xf32, #tpu.memory_space<vmem>>, vector<16xf32>,
      tpu.vector_store %arg6[%swap3A_515, %swap3A_516, %swap3A_517], %broadcast_in_dim3A_3 {strides = array<i32>} : memref<2x16x2048xf32, #tpu.memory_space<vmem>>, vector<16xf32>,
      %swap3A_519 = arith.constant 0 : i32
      %swap3A_520 = arith.index_cast %swap3A_519 : i32 to index
      %swap3A_521 = arith.index_cast %scan3A_218 : i32 to index
      %swap3A_522 = arith.constant 480 : index
      %swap3A_523 = tpu.vector_load %arg6[%swap3A_520, %swap3A_521, %swap3A_522] {strides = array<i32>} : memref<2x16x2048xf32, #tpu.memory_space<vmem>>, vector<16xf32>,
      tpu.vector_store %arg6[%swap3A_520, %swap3A_521, %swap3A_522], %broadcast_in_dim3A_3 {strides = array<i32>} : memref<2x16x2048xf32, #tpu.memory_space<vmem>>, vector<16xf32>,
      %swap3A_524 = arith.constant 1 : i32
      %swap3A_525 = arith.index_cast %swap3A_524 : i32 to index
      %swap3A_526 = arith.index_cast %scan3A_218 : i32 to index
      %swap3A_527 = arith.constant 480 : index
      %swap3A_528 = tpu.vector_load %arg6[%swap3A_525, %swap3A_526, %swap3A_527] {strides = array<i32>} : memref<2x16x2048xf32, #tpu.memory_space<vmem>>, vector<16xf32>,
      tpu.vector_store %arg6[%swap3A_525, %swap3A_526, %swap3A_527], %broadcast_in_dim3A_3 {strides = array<i32>} : memref<2x16x2048xf32, #tpu.memory_space<vmem>>, vector<16xf32>,
      %swap3A_529 = arith.constant 0 : i32
      %swap3A_530 = arith.index_cast %swap3A_529 : i32 to index
      %swap3A_531 = arith.index_cast %scan3A_218 : i32 to index
      %swap3A_532 = arith.constant 496 : index
      %swap3A_533 = tpu.vector_load %arg6[%swap3A_530, %swap3A_531, %swap3A_532] {strides = array<i32>} : memref<2x16x2048xf32, #tpu.memory_space<vmem>>, vector<16xf32>,
      tpu.vector_store %arg6[%swap3A_530, %swap3A_531, %swap3A_532], %broadcast_in_dim3A_3 {strides = array<i32>} : memref<2x16x2048xf32, #tpu.memory_space<vmem>>, vector<16xf32>,
      %swap3A_534 = arith.constant 1 : i32
      %swap3A_535 = arith.index_cast %swap3A_534 : i32 to index
      %swap3A_536 = arith.index_cast %scan3A_218 : i32 to index
      %swap3A_537 = arith.constant 496 : index
      %swap3A_538 = tpu.vector_load %arg6[%swap3A_535, %swap3A_536, %swap3A_537] {strides = array<i32>} : memref<2x16x2048xf32, #tpu.memory_space<vmem>>, vector<16xf32>,
      tpu.vector_store %arg6[%swap3A_535, %swap3A_536, %swap3A_537], %broadcast_in_dim3A_3 {strides = array<i32>} : memref<2x16x2048xf32, #tpu.memory_space<vmem>>, vector<16xf32>,
      %swap3A_539 = arith.constant 0 : i32
      %swap3A_540 = arith.index_cast %swap3A_539 : i32 to index
      %swap3A_541 = arith.index_cast %scan3A_218 : i32 to index
      %swap3A_542 = arith.constant 512 : index
      %swap3A_543 = tpu.vector_load %arg6[%swap3A_540, %swap3A_541, %swap3A_542] {strides = array<i32>} : memref<2x16x2048xf32, #tpu.memory_space<vmem>>, vector<16xf32>,
      tpu.vector_store %arg6[%swap3A_540, %swap3A_541, %swap3A_542], %broadcast_in_dim3A_3 {strides = array<i32>} : memref<2x16x2048xf32, #tpu.memory_space<vmem>>, vector<16xf32>,
      %swap3A_544 = arith.constant 1 : i32
      %swap3A_545 = arith.index_cast %swap3A_544 : i32 to index
      %swap3A_546 = arith.index_cast %scan3A_218 : i32 to index
      %swap3A_547 = arith.constant 512 : index
      %swap3A_548 = tpu.vector_load %arg6[%swap3A_545, %swap3A_546, %swap3A_547] {strides = array<i32>} : memref<2x16x2048xf32, #tpu.memory_space<vmem>>, vector<16xf32>,
      tpu.vector_store %arg6[%swap3A_545, %swap3A_546, %swap3A_547], %broadcast_in_dim3A_3 {strides = array<i32>} : memref<2x16x2048xf32, #tpu.memory_space<vmem>>, vector<16xf32>,
      %swap3A_549 = arith.constant 0 : i32
      %swap3A_550 = arith.index_cast %swap3A_549 : i32 to index
      %swap3A_551 = arith.index_cast %scan3A_218 : i32 to index
      %swap3A_552 = arith.constant 528 : index
      %swap3A_553 = tpu.vector_load %arg6[%swap3A_550, %swap3A_551, %swap3A_552] {strides = array<i32>} : memref<2x16x2048xf32, #tpu.memory_space<vmem>>, vector<16xf32>,
      tpu.vector_store %arg6[%swap3A_550, %swap3A_551, %swap3A_552], %broadcast_in_dim3A_3 {strides = array<i32>} : memref<2x16x2048xf32, #tpu.memory_space<vmem>>, vector<16xf32>,
      %swap3A_554 = arith.constant 1 : i32
      %swap3A_555 = arith.index_cast %swap3A_554 : i32 to index
      %swap3A_556 = arith.index_cast %scan3A_218 : i32 to index
      %swap3A_557 = arith.constant 528 : index
      %swap3A_558 = tpu.vector_load %arg6[%swap3A_555, %swap3A_556, %swap3A_557] {strides = array<i32>} : memref<2x16x2048xf32, #tpu.memory_space<vmem>>, vector<16xf32>,
      tpu.vector_store %arg6[%swap3A_555, %swap3A_556, %swap3A_557], %broadcast_in_dim3A_3 {strides = array<i32>} : memref<2x16x2048xf32, #tpu.memory_space<vmem>>, vector<16xf32>,
      %swap3A_559 = arith.constant 0 : i32
      %swap3A_560 = arith.index_cast %swap3A_559 : i32 to index
      %swap3A_561 = arith.index_cast %scan3A_218 : i32 to index
      %swap3A_562 = arith.constant 544 : index
      %swap3A_563 = tpu.vector_load %arg6[%swap3A_560, %swap3A_561, %swap3A_562] {strides = array<i32>} : memref<2x16x2048xf32, #tpu.memory_space<vmem>>, vector<16xf32>,
      tpu.vector_store %arg6[%swap3A_560, %swap3A_561, %swap3A_562], %broadcast_in_dim3A_3 {strides = array<i32>} : memref<2x16x2048xf32, #tpu.memory_space<vmem>>, vector<16xf32>,
      %swap3A_564 = arith.constant 1 : i32
      %swap3A_565 = arith.index_cast %swap3A_564 : i32 to index
      %swap3A_566 = arith.index_cast %scan3A_218 : i32 to index
      %swap3A_567 = arith.constant 544 : index
      %swap3A_568 = tpu.vector_load %arg6[%swap3A_565, %swap3A_566, %swap3A_567] {strides = array<i32>} : memref<2x16x2048xf32, #tpu.memory_space<vmem>>, vector<16xf32>,
      tpu.vector_store %arg6[%swap3A_565, %swap3A_566, %swap3A_567], %broadcast_in_dim3A_3 {strides = array<i32>} : memref<2x16x2048xf32, #tpu.memory_space<vmem>>, vector<16xf32>,
      %swap3A_569 = arith.constant 0 : i32
      %swap3A_570 = arith.index_cast %swap3A_569 : i32 to index
      %swap3A_571 = arith.index_cast %scan3A_218 : i32 to index
      %swap3A_572 = arith.constant 560 : index
      %swap3A_573 = tpu.vector_load %arg6[%swap3A_570, %swap3A_571, %swap3A_572] {strides = array<i32>} : memref<2x16x2048xf32, #tpu.memory_space<vmem>>, vector<16xf32>,
      tpu.vector_store %arg6[%swap3A_570, %swap3A_571, %swap3A_572], %broadcast_in_dim3A_3 {strides = array<i32>} : memref<2x16x2048xf32, #tpu.memory_space<vmem>>, vector<16xf32>,
      %swap3A_574 = arith.constant 1 : i32
      %swap3A_575 = arith.index_cast %swap3A_574 : i32 to index
      %swap3A_576 = arith.index_cast %scan3A_218 : i32 to index
      %swap3A_577 = arith.constant 560 : index
      %swap3A_578 = tpu.vector_load %arg6[%swap3A_575, %swap3A_576, %swap3A_577] {strides = array<i32>} : memref<2x16x2048xf32, #tpu.memory_space<vmem>>, vector<16xf32>,
      tpu.vector_store %arg6[%swap3A_575, %swap3A_576, %swap3A_577], %broadcast_in_dim3A_3 {strides = array<i32>} : memref<2x16x2048xf32, #tpu.memory_space<vmem>>, vector<16xf32>,
      %swap3A_579 = arith.constant 0 : i32
      %swap3A_580 = arith.index_cast %swap3A_579 : i32 to index
      %swap3A_581 = arith.index_cast %scan3A_218 : i32 to index
      %swap3A_582 = arith.constant 576 : index
      %swap3A_583 = tpu.vector_load %arg6[%swap3A_580, %swap3A_581, %swap3A_582] {strides = array<i32>} : memref<2x16x2048xf32, #tpu.memory_space<vmem>>, vector<16xf32>,
      tpu.vector_store %arg6[%swap3A_580, %swap3A_581, %swap3A_582], %broadcast_in_dim3A_3 {strides = array<i32>} : memref<2x16x2048xf32, #tpu.memory_space<vmem>>, vector<16xf32>,
      %swap3A_584 = arith.constant 1 : i32
      %swap3A_585 = arith.index_cast %swap3A_584 : i32 to index
      %swap3A_586 = arith.index_cast %scan3A_218 : i32 to index
      %swap3A_587 = arith.constant 576 : index
      %swap3A_588 = tpu.vector_load %arg6[%swap3A_585, %swap3A_586, %swap3A_587] {strides = array<i32>} : memref<2x16x2048xf32, #tpu.memory_space<vmem>>, vector<16xf32>,
      tpu.vector_store %arg6[%swap3A_585, %swap3A_586, %swap3A_587], %broadcast_in_dim3A_3 {strides = array<i32>} : memref<2x16x2048xf32, #tpu.memory_space<vmem>>, vector<16xf32>,
      %swap3A_589 = arith.constant 0 : i32
      %swap3A_590 = arith.index_cast %swap3A_589 : i32 to index
      %swap3A_591 = arith.index_cast %scan3A_218 : i32 to index
      %swap3A_592 = arith.constant 592 : index
      %swap3A_593 = tpu.vector_load %arg6[%swap3A_590, %swap3A_591, %swap3A_592] {strides = array<i32>} : memref<2x16x2048xf32, #tpu.memory_space<vmem>>, vector<16xf32>,
      tpu.vector_store %arg6[%swap3A_590, %swap3A_591, %swap3A_592], %broadcast_in_dim3A_3 {strides = array<i32>} : memref<2x16x2048xf32, #tpu.memory_space<vmem>>, vector<16xf32>,
      %swap3A_594 = arith.constant 1 : i32
      %swap3A_595 = arith.index_cast %swap3A_594 : i32 to index
      %swap3A_596 = arith.index_cast %scan3A_218 : i32 to index
      %swap3A_597 = arith.constant 592 : index
      %swap3A_598 = tpu.vector_load %arg6[%swap3A_595, %swap3A_596, %swap3A_597] {strides = array<i32>} : memref<2x16x2048xf32, #tpu.memory_space<vmem>>, vector<16xf32>,
      tpu.vector_store %arg6[%swap3A_595, %swap3A_596, %swap3A_597], %broadcast_in_dim3A_3 {strides = array<i32>} : memref<2x16x2048xf32, #tpu.memory_space<vmem>>, vector<16xf32>,
      %swap3A_599 = arith.constant 0 : i32
      %swap3A_600 = arith.index_cast %swap3A_599 : i32 to index
      %swap3A_601 = arith.index_cast %scan3A_218 : i32 to index
      %swap3A_602 = arith.constant 608 : index
      %swap3A_603 = tpu.vector_load %arg6[%swap3A_600, %swap3A_601, %swap3A_602] {strides = array<i32>} : memref<2x16x2048xf32, #tpu.memory_space<vmem>>, vector<16xf32>,
      tpu.vector_store %arg6[%swap3A_600, %swap3A_601, %swap3A_602], %broadcast_in_dim3A_3 {strides = array<i32>} : memref<2x16x2048xf32, #tpu.memory_space<vmem>>, vector<16xf32>,
      %swap3A_604 = arith.constant 1 : i32
      %swap3A_605 = arith.index_cast %swap3A_604 : i32 to index
      %swap3A_606 = arith.index_cast %scan3A_218 : i32 to index
      %swap3A_607 = arith.constant 608 : index
      %swap3A_608 = tpu.vector_load %arg6[%swap3A_605, %swap3A_606, %swap3A_607] {strides = array<i32>} : memref<2x16x2048xf32, #tpu.memory_space<vmem>>, vector<16xf32>,
      tpu.vector_store %arg6[%swap3A_605, %swap3A_606, %swap3A_607], %broadcast_in_dim3A_3 {strides = array<i32>} : memref<2x16x2048xf32, #tpu.memory_space<vmem>>, vector<16xf32>,
      %swap3A_609 = arith.constant 0 : i32
      %swap3A_610 = arith.index_cast %swap3A_609 : i32 to index
      %swap3A_611 = arith.index_cast %scan3A_218 : i32 to index
      %swap3A_612 = arith.constant 624 : index
      %swap3A_613 = tpu.vector_load %arg6[%swap3A_610, %swap3A_611, %swap3A_612] {strides = array<i32>} : memref<2x16x2048xf32, #tpu.memory_space<vmem>>, vector<16xf32>,
      tpu.vector_store %arg6[%swap3A_610, %swap3A_611, %swap3A_612], %broadcast_in_dim3A_3 {strides = array<i32>} : memref<2x16x2048xf32, #tpu.memory_space<vmem>>, vector<16xf32>,
      %swap3A_614 = arith.constant 1 : i32
      %swap3A_615 = arith.index_cast %swap3A_614 : i32 to index
      %swap3A_616 = arith.index_cast %scan3A_218 : i32 to index
      %swap3A_617 = arith.constant 624 : index
      %swap3A_618 = tpu.vector_load %arg6[%swap3A_615, %swap3A_616, %swap3A_617] {strides = array<i32>} : memref<2x16x2048xf32, #tpu.memory_space<vmem>>, vector<16xf32>,
      tpu.vector_store %arg6[%swap3A_615, %swap3A_616, %swap3A_617], %broadcast_in_dim3A_3 {strides = array<i32>} : memref<2x16x2048xf32, #tpu.memory_space<vmem>>, vector<16xf32>,
      %swap3A_619 = arith.constant 0 : i32
      %swap3A_620 = arith.index_cast %swap3A_619 : i32 to index
      %swap3A_621 = arith.index_cast %scan3A_218 : i32 to index
      %swap3A_622 = arith.constant 640 : index
      %swap3A_623 = tpu.vector_load %arg6[%swap3A_620, %swap3A_621, %swap3A_622] {strides = array<i32>} : memref<2x16x2048xf32, #tpu.memory_space<vmem>>, vector<16xf32>,
      tpu.vector_store %arg6[%swap3A_620, %swap3A_621, %swap3A_622], %broadcast_in_dim3A_3 {strides = array<i32>} : memref<2x16x2048xf32, #tpu.memory_space<vmem>>, vector<16xf32>,
      %swap3A_624 = arith.constant 1 : i32
      %swap3A_625 = arith.index_cast %swap3A_624 : i32 to index
      %swap3A_626 = arith.index_cast %scan3A_218 : i32 to index
      %swap3A_627 = arith.constant 640 : index
      %swap3A_628 = tpu.vector_load %arg6[%swap3A_625, %swap3A_626, %swap3A_627] {strides = array<i32>} : memref<2x16x2048xf32, #tpu.memory_space<vmem>>, vector<16xf32>,
      tpu.vector_store %arg6[%swap3A_625, %swap3A_626, %swap3A_627], %broadcast_in_dim3A_3 {strides = array<i32>} : memref<2x16x2048xf32, #tpu.memory_space<vmem>>, vector<16xf32>,
      %swap3A_629 = arith.constant 0 : i32
      %swap3A_630 = arith.index_cast %swap3A_629 : i32 to index
      %swap3A_631 = arith.index_cast %scan3A_218 : i32 to index
      %swap3A_632 = arith.constant 656 : index
      %swap3A_633 = tpu.vector_load %arg6[%swap3A_630, %swap3A_631, %swap3A_632] {strides = array<i32>} : memref<2x16x2048xf32, #tpu.memory_space<vmem>>, vector<16xf32>,
      tpu.vector_store %arg6[%swap3A_630, %swap3A_631, %swap3A_632], %broadcast_in_dim3A_3 {strides = array<i32>} : memref<2x16x2048xf32, #tpu.memory_space<vmem>>, vector<16xf32>,
      %swap3A_634 = arith.constant 1 : i32
      %swap3A_635 = arith.index_cast %swap3A_634 : i32 to index
      %swap3A_636 = arith.index_cast %scan3A_218 : i32 to index
      %swap3A_637 = arith.constant 656 : index
      %swap3A_638 = tpu.vector_load %arg6[%swap3A_635, %swap3A_636, %swap3A_637] {strides = array<i32>} : memref<2x16x2048xf32, #tpu.memory_space<vmem>>, vector<16xf32>,
      tpu.vector_store %arg6[%swap3A_635, %swap3A_636, %swap3A_637], %broadcast_in_dim3A_3 {strides = array<i32>} : memref<2x16x2048xf32, #tpu.memory_space<vmem>>, vector<16xf32>,
      %swap3A_639 = arith.constant 0 : i32
      %swap3A_640 = arith.index_cast %swap3A_639 : i32 to index
      %swap3A_641 = arith.index_cast %scan3A_218 : i32 to index
      %swap3A_642 = arith.constant 672 : index
      %swap3A_643 = tpu.vector_load %arg6[%swap3A_640, %swap3A_641, %swap3A_642] {strides = array<i32>} : memref<2x16x2048xf32, #tpu.memory_space<vmem>>, vector<16xf32>,
      tpu.vector_store %arg6[%swap3A_640, %swap3A_641, %swap3A_642], %broadcast_in_dim3A_3 {strides = array<i32>} : memref<2x16x2048xf32, #tpu.memory_space<vmem>>, vector<16xf32>,
      %swap3A_644 = arith.constant 1 : i32
      %swap3A_645 = arith.index_cast %swap3A_644 : i32 to index
      %swap3A_646 = arith.index_cast %scan3A_218 : i32 to index
      %swap3A_647 = arith.constant 672 : index
      %swap3A_648 = tpu.vector_load %arg6[%swap3A_645, %swap3A_646, %swap3A_647] {strides = array<i32>} : memref<2x16x2048xf32, #tpu.memory_space<vmem>>, vector<16xf32>,
      tpu.vector_store %arg6[%swap3A_645, %swap3A_646, %swap3A_647], %broadcast_in_dim3A_3 {strides = array<i32>} : memref<2x16x2048xf32, #tpu.memory_space<vmem>>, vector<16xf32>,
      %swap3A_649 = arith.constant 0 : i32
      %swap3A_650 = arith.index_cast %swap3A_649 : i32 to index
      %swap3A_651 = arith.index_cast %scan3A_218 : i32 to index
      %swap3A_652 = arith.constant 688 : index
      %swap3A_653 = tpu.vector_load %arg6[%swap3A_650, %swap3A_651, %swap3A_652] {strides = array<i32>} : memref<2x16x2048xf32, #tpu.memory_space<vmem>>, vector<16xf32>,
      tpu.vector_store %arg6[%swap3A_650, %swap3A_651, %swap3A_652], %broadcast_in_dim3A_3 {strides = array<i32>} : memref<2x16x2048xf32, #tpu.memory_space<vmem>>, vector<16xf32>,
      %swap3A_654 = arith.constant 1 : i32
      %swap3A_655 = arith.index_cast %swap3A_654 : i32 to index
      %swap3A_656 = arith.index_cast %scan3A_218 : i32 to index
      %swap3A_657 = arith.constant 688 : index
      %swap3A_658 = tpu.vector_load %arg6[%swap3A_655, %swap3A_656, %swap3A_657] {strides = array<i32>} : memref<2x16x2048xf32, #tpu.memory_space<vmem>>, vector<16xf32>,
      tpu.vector_store %arg6[%swap3A_655, %swap3A_656, %swap3A_657], %broadcast_in_dim3A_3 {strides = array<i32>} : memref<2x16x2048xf32, #tpu.memory_space<vmem>>, vector<16xf32>,
      %swap3A_659 = arith.constant 0 : i32
      %swap3A_660 = arith.index_cast %swap3A_659 : i32 to index
      %swap3A_661 = arith.index_cast %scan3A_218 : i32 to index
      %swap3A_662 = arith.constant 704 : index
      %swap3A_663 = tpu.vector_load %arg6[%swap3A_660, %swap3A_661, %swap3A_662] {strides = array<i32>} : memref<2x16x2048xf32, #tpu.memory_space<vmem>>, vector<16xf32>,
      tpu.vector_store %arg6[%swap3A_660, %swap3A_661, %swap3A_662], %broadcast_in_dim3A_3 {strides = array<i32>} : memref<2x16x2048xf32, #tpu.memory_space<vmem>>, vector<16xf32>,
      %swap3A_664 = arith.constant 1 : i32
      %swap3A_665 = arith.index_cast %swap3A_664 : i32 to index
      %swap3A_666 = arith.index_cast %scan3A_218 : i32 to index
      %swap3A_667 = arith.constant 704 : index
      %swap3A_668 = tpu.vector_load %arg6[%swap3A_665, %swap3A_666, %swap3A_667] {strides = array<i32>} : memref<2x16x2048xf32, #tpu.memory_space<vmem>>, vector<16xf32>,
      tpu.vector_store %arg6[%swap3A_665, %swap3A_666, %swap3A_667], %broadcast_in_dim3A_3 {strides = array<i32>} : memref<2x16x2048xf32, #tpu.memory_space<vmem>>, vector<16xf32>,
      %swap3A_669 = arith.constant 0 : i32
      %swap3A_670 = arith.index_cast %swap3A_669 : i32 to index
      %swap3A_671 = arith.index_cast %scan3A_218 : i32 to index
      %swap3A_672 = arith.constant 720 : index
      %swap3A_673 = tpu.vector_load %arg6[%swap3A_670, %swap3A_671, %swap3A_672] {strides = array<i32>} : memref<2x16x2048xf32, #tpu.memory_space<vmem>>, vector<16xf32>,
      tpu.vector_store %arg6[%swap3A_670, %swap3A_671, %swap3A_672], %broadcast_in_dim3A_3 {strides = array<i32>} : memref<2x16x2048xf32, #tpu.memory_space<vmem>>, vector<16xf32>,
      %swap3A_674 = arith.constant 1 : i32
      %swap3A_675 = arith.index_cast %swap3A_674 : i32 to index
      %swap3A_676 = arith.index_cast %scan3A_218 : i32 to index
      %swap3A_677 = arith.constant 720 : index
      %swap3A_678 = tpu.vector_load %arg6[%swap3A_675, %swap3A_676, %swap3A_677] {strides = array<i32>} : memref<2x16x2048xf32, #tpu.memory_space<vmem>>, vector<16xf32>,
      tpu.vector_store %arg6[%swap3A_675, %swap3A_676, %swap3A_677], %broadcast_in_dim3A_3 {strides = array<i32>} : memref<2x16x2048xf32, #tpu.memory_space<vmem>>, vector<16xf32>,
      %swap3A_679 = arith.constant 0 : i32
      %swap3A_680 = arith.index_cast %swap3A_679 : i32 to index
      %swap3A_681 = arith.index_cast %scan3A_218 : i32 to index
      %swap3A_682 = arith.constant 736 : index
      %swap3A_683 = tpu.vector_load %arg6[%swap3A_680, %swap3A_681, %swap3A_682] {strides = array<i32>} : memref<2x16x2048xf32, #tpu.memory_space<vmem>>, vector<16xf32>,
      tpu.vector_store %arg6[%swap3A_680, %swap3A_681, %swap3A_682], %broadcast_in_dim3A_3 {strides = array<i32>} : memref<2x16x2048xf32, #tpu.memory_space<vmem>>, vector<16xf32>,
      %swap3A_684 = arith.constant 1 : i32
      %swap3A_685 = arith.index_cast %swap3A_684 : i32 to index
      %swap3A_686 = arith.index_cast %scan3A_218 : i32 to index
      %swap3A_687 = arith.constant 736 : index
      %swap3A_688 = tpu.vector_load %arg6[%swap3A_685, %swap3A_686, %swap3A_687] {strides = array<i32>} : memref<2x16x2048xf32, #tpu.memory_space<vmem>>, vector<16xf32>,
      tpu.vector_store %arg6[%swap3A_685, %swap3A_686, %swap3A_687], %broadcast_in_dim3A_3 {strides = array<i32>} : memref<2x16x2048xf32, #tpu.memory_space<vmem>>, vector<16xf32>,
      %swap3A_689 = arith.constant 0 : i32
      %swap3A_690 = arith.index_cast %swap3A_689 : i32 to index
      %swap3A_691 = arith.index_cast %scan3A_218 : i32 to index
      %swap3A_692 = arith.constant 752 : index
      %swap3A_693 = tpu.vector_load %arg6[%swap3A_690, %swap3A_691, %swap3A_692] {strides = array<i32>} : memref<2x16x2048xf32, #tpu.memory_space<vmem>>, vector<16xf32>,
      tpu.vector_store %arg6[%swap3A_690, %swap3A_691, %swap3A_692], %broadcast_in_dim3A_3 {strides = array<i32>} : memref<2x16x2048xf32, #tpu.memory_space<vmem>>, vector<16xf32>,
      %swap3A_694 = arith.constant 1 : i32
      %swap3A_695 = arith.index_cast %swap3A_694 : i32 to index
      %swap3A_696 = arith.index_cast %scan3A_218 : i32 to index
      %swap3A_697 = arith.constant 752 : index
      %swap3A_698 = tpu.vector_load %arg6[%swap3A_695, %swap3A_696, %swap3A_697] {strides = array<i32>} : memref<2x16x2048xf32, #tpu.memory_space<vmem>>, vector<16xf32>,
      tpu.vector_store %arg6[%swap3A_695, %swap3A_696, %swap3A_697], %broadcast_in_dim3A_3 {strides = array<i32>} : memref<2x16x2048xf32, #tpu.memory_space<vmem>>, vector<16xf32>,
      %swap3A_699 = arith.constant 0 : i32
      %swap3A_700 = arith.index_cast %swap3A_699 : i32 to index
      %swap3A_701 = arith.index_cast %scan3A_218 : i32 to index
      %swap3A_702 = arith.constant 768 : index
      %swap3A_703 = tpu.vector_load %arg6[%swap3A_700, %swap3A_701, %swap3A_702] {strides = array<i32>} : memref<2x16x2048xf32, #tpu.memory_space<vmem>>, vector<16xf32>,
      tpu.vector_store %arg6[%swap3A_700, %swap3A_701, %swap3A_702], %broadcast_in_dim3A_3 {strides = array<i32>} : memref<2x16x2048xf32, #tpu.memory_space<vmem>>, vector<16xf32>,
      %swap3A_704 = arith.constant 1 : i32
      %swap3A_705 = arith.index_cast %swap3A_704 : i32 to index
      %swap3A_706 = arith.index_cast %scan3A_218 : i32 to index
      %swap3A_707 = arith.constant 768 : index
      %swap3A_708 = tpu.vector_load %arg6[%swap3A_705, %swap3A_706, %swap3A_707] {strides = array<i32>} : memref<2x16x2048xf32, #tpu.memory_space<vmem>>, vector<16xf32>,
      tpu.vector_store %arg6[%swap3A_705, %swap3A_706, %swap3A_707], %broadcast_in_dim3A_3 {strides = array<i32>} : memref<2x16x2048xf32, #tpu.memory_space<vmem>>, vector<16xf32>,
      %swap3A_709 = arith.constant 0 : i32
      %swap3A_710 = arith.index_cast %swap3A_709 : i32 to index
      %swap3A_711 = arith.index_cast %scan3A_218 : i32 to index
      %swap3A_712 = arith.constant 784 : index
      %swap3A_713 = tpu.vector_load %arg6[%swap3A_710, %swap3A_711, %swap3A_712] {strides = array<i32>} : memref<2x16x2048xf32, #tpu.memory_space<vmem>>, vector<16xf32>,
      tpu.vector_store %arg6[%swap3A_710, %swap3A_711, %swap3A_712], %broadcast_in_dim3A_3 {strides = array<i32>} : memref<2x16x2048xf32, #tpu.memory_space<vmem>>, vector<16xf32>,
      %swap3A_714 = arith.constant 1 : i32
      %swap3A_715 = arith.index_cast %swap3A_714 : i32 to index
      %swap3A_716 = arith.index_cast %scan3A_218 : i32 to index
      %swap3A_717 = arith.constant 784 : index
      %swap3A_718 = tpu.vector_load %arg6[%swap3A_715, %swap3A_716, %swap3A_717] {strides = array<i32>} : memref<2x16x2048xf32, #tpu.memory_space<vmem>>, vector<16xf32>,
      tpu.vector_store %arg6[%swap3A_715, %swap3A_716, %swap3A_717], %broadcast_in_dim3A_3 {strides = array<i32>} : memref<2x16x2048xf32, #tpu.memory_space<vmem>>, vector<16xf32>,
      %swap3A_719 = arith.constant 0 : i32
      %swap3A_720 = arith.index_cast %swap3A_719 : i32 to index
      %swap3A_721 = arith.index_cast %scan3A_218 : i32 to index
      %swap3A_722 = arith.constant 800 : index
      %swap3A_723 = tpu.vector_load %arg6[%swap3A_720, %swap3A_721, %swap3A_722] {strides = array<i32>} : memref<2x16x2048xf32, #tpu.memory_space<vmem>>, vector<16xf32>,
      tpu.vector_store %arg6[%swap3A_720, %swap3A_721, %swap3A_722], %broadcast_in_dim3A_3 {strides = array<i32>} : memref<2x16x2048xf32, #tpu.memory_space<vmem>>, vector<16xf32>,
      %swap3A_724 = arith.constant 1 : i32
      %swap3A_725 = arith.index_cast %swap3A_724 : i32 to index
      %swap3A_726 = arith.index_cast %scan3A_218 : i32 to index
      %swap3A_727 = arith.constant 800 : index
      %swap3A_728 = tpu.vector_load %arg6[%swap3A_725, %swap3A_726, %swap3A_727] {strides = array<i32>} : memref<2x16x2048xf32, #tpu.memory_space<vmem>>, vector<16xf32>,
      tpu.vector_store %arg6[%swap3A_725, %swap3A_726, %swap3A_727], %broadcast_in_dim3A_3 {strides = array<i32>} : memref<2x16x2048xf32, #tpu.memory_space<vmem>>, vector<16xf32>,
      %swap3A_729 = arith.constant 0 : i32
      %swap3A_730 = arith.index_cast %swap3A_729 : i32 to index
      %swap3A_731 = arith.index_cast %scan3A_218 : i32 to index
      %swap3A_732 = arith.constant 816 : index
      %swap3A_733 = tpu.vector_load %arg6[%swap3A_730, %swap3A_731, %swap3A_732] {strides = array<i32>} : memref<2x16x2048xf32, #tpu.memory_space<vmem>>, vector<16xf32>,
      tpu.vector_store %arg6[%swap3A_730, %swap3A_731, %swap3A_732], %broadcast_in_dim3A_3 {strides = array<i32>} : memref<2x16x2048xf32, #tpu.memory_space<vmem>>, vector<16xf32>,
      %swap3A_734 = arith.constant 1 : i32
      %swap3A_735 = arith.index_cast %swap3A_734 : i32 to index
      %swap3A_736 = arith.index_cast %scan3A_218 : i32 to index
      %swap3A_737 = arith.constant 816 : index
      %swap3A_738 = tpu.vector_load %arg6[%swap3A_735, %swap3A_736, %swap3A_737] {strides = array<i32>} : memref<2x16x2048xf32, #tpu.memory_space<vmem>>, vector<16xf32>,
      tpu.vector_store %arg6[%swap3A_735, %swap3A_736, %swap3A_737], %broadcast_in_dim3A_3 {strides = array<i32>} : memref<2x16x2048xf32, #tpu.memory_space<vmem>>, vector<16xf32>,
      %swap3A_739 = arith.constant 0 : i32
      %swap3A_740 = arith.index_cast %swap3A_739 : i32 to index
      %swap3A_741 = arith.index_cast %scan3A_218 : i32 to index
      %swap3A_742 = arith.constant 832 : index
      %swap3A_743 = tpu.vector_load %arg6[%swap3A_740, %swap3A_741, %swap3A_742] {strides = array<i32>} : memref<2x16x2048xf32, #tpu.memory_space<vmem>>, vector<16xf32>,
      tpu.vector_store %arg6[%swap3A_740, %swap3A_741, %swap3A_742], %broadcast_in_dim3A_3 {strides = array<i32>} : memref<2x16x2048xf32, #tpu.memory_space<vmem>>, vector<16xf32>,
      %swap3A_744 = arith.constant 1 : i32
      %swap3A_745 = arith.index_cast %swap3A_744 : i32 to index
      %swap3A_746 = arith.index_cast %scan3A_218 : i32 to index
      %swap3A_747 = arith.constant 832 : index
      %swap3A_748 = tpu.vector_load %arg6[%swap3A_745, %swap3A_746, %swap3A_747] {strides = array<i32>} : memref<2x16x2048xf32, #tpu.memory_space<vmem>>, vector<16xf32>,
      tpu.vector_store %arg6[%swap3A_745, %swap3A_746, %swap3A_747], %broadcast_in_dim3A_3 {strides = array<i32>} : memref<2x16x2048xf32, #tpu.memory_space<vmem>>, vector<16xf32>,
      %swap3A_749 = arith.constant 0 : i32
      %swap3A_750 = arith.index_cast %swap3A_749 : i32 to index
      %swap3A_751 = arith.index_cast %scan3A_218 : i32 to index
      %swap3A_752 = arith.constant 848 : index
      %swap3A_753 = tpu.vector_load %arg6[%swap3A_750, %swap3A_751, %swap3A_752] {strides = array<i32>} : memref<2x16x2048xf32, #tpu.memory_space<vmem>>, vector<16xf32>,
      tpu.vector_store %arg6[%swap3A_750, %swap3A_751, %swap3A_752], %broadcast_in_dim3A_3 {strides = array<i32>} : memref<2x16x2048xf32, #tpu.memory_space<vmem>>, vector<16xf32>,
      %swap3A_754 = arith.constant 1 : i32
      %swap3A_755 = arith.index_cast %swap3A_754 : i32 to index
      %swap3A_756 = arith.index_cast %scan3A_218 : i32 to index
      %swap3A_757 = arith.constant 848 : index
      %swap3A_758 = tpu.vector_load %arg6[%swap3A_755, %swap3A_756, %swap3A_757] {strides = array<i32>} : memref<2x16x2048xf32, #tpu.memory_space<vmem>>, vector<16xf32>,
      tpu.vector_store %arg6[%swap3A_755, %swap3A_756, %swap3A_757], %broadcast_in_dim3A_3 {strides = array<i32>} : memref<2x16x2048xf32, #tpu.memory_space<vmem>>, vector<16xf32>,
      %swap3A_759 = arith.constant 0 : i32
      %swap3A_760 = arith.index_cast %swap3A_759 : i32 to index
      %swap3A_761 = arith.index_cast %scan3A_218 : i32 to index
      %swap3A_762 = arith.constant 864 : index
      %swap3A_763 = tpu.vector_load %arg6[%swap3A_760, %swap3A_761, %swap3A_762] {strides = array<i32>} : memref<2x16x2048xf32, #tpu.memory_space<vmem>>, vector<16xf32>,
      tpu.vector_store %arg6[%swap3A_760, %swap3A_761, %swap3A_762], %broadcast_in_dim3A_3 {strides = array<i32>} : memref<2x16x2048xf32, #tpu.memory_space<vmem>>, vector<16xf32>,
      %swap3A_764 = arith.constant 1 : i32
      %swap3A_765 = arith.index_cast %swap3A_764 : i32 to index
      %swap3A_766 = arith.index_cast %scan3A_218 : i32 to index
      %swap3A_767 = arith.constant 864 : index
      %swap3A_768 = tpu.vector_load %arg6[%swap3A_765, %swap3A_766, %swap3A_767] {strides = array<i32>} : memref<2x16x2048xf32, #tpu.memory_space<vmem>>, vector<16xf32>,
      tpu.vector_store %arg6[%swap3A_765, %swap3A_766, %swap3A_767], %broadcast_in_dim3A_3 {strides = array<i32>} : memref<2x16x2048xf32, #tpu.memory_space<vmem>>, vector<16xf32>,
      %swap3A_769 = arith.constant 0 : i32
      %swap3A_770 = arith.index_cast %swap3A_769 : i32 to index
      %swap3A_771 = arith.index_cast %scan3A_218 : i32 to index
      %swap3A_772 = arith.constant 880 : index
      %swap3A_773 = tpu.vector_load %arg6[%swap3A_770, %swap3A_771, %swap3A_772] {strides = array<i32>} : memref<2x16x2048xf32, #tpu.memory_space<vmem>>, vector<16xf32>,
      tpu.vector_store %arg6[%swap3A_770, %swap3A_771, %swap3A_772], %broadcast_in_dim3A_3 {strides = array<i32>} : memref<2x16x2048xf32, #tpu.memory_space<vmem>>, vector<16xf32>,
      %swap3A_774 = arith.constant 1 : i32
      %swap3A_775 = arith.index_cast %swap3A_774 : i32 to index
      %swap3A_776 = arith.index_cast %scan3A_218 : i32 to index
      %swap3A_777 = arith.constant 880 : index
      %swap3A_778 = tpu.vector_load %arg6[%swap3A_775, %swap3A_776, %swap3A_777] {strides = array<i32>} : memref<2x16x2048xf32, #tpu.memory_space<vmem>>, vector<16xf32>,
      tpu.vector_store %arg6[%swap3A_775, %swap3A_776, %swap3A_777], %broadcast_in_dim3A_3 {strides = array<i32>} : memref<2x16x2048xf32, #tpu.memory_space<vmem>>, vector<16xf32>,
      %swap3A_779 = arith.constant 0 : i32
      %swap3A_780 = arith.index_cast %swap3A_779 : i32 to index
      %swap3A_781 = arith.index_cast %scan3A_218 : i32 to index
      %swap3A_782 = arith.constant 896 : index
      %swap3A_783 = tpu.vector_load %arg6[%swap3A_780, %swap3A_781, %swap3A_782] {strides = array<i32>} : memref<2x16x2048xf32, #tpu.memory_space<vmem>>, vector<16xf32>,
      tpu.vector_store %arg6[%swap3A_780, %swap3A_781, %swap3A_782], %broadcast_in_dim3A_3 {strides = array<i32>} : memref<2x16x2048xf32, #tpu.memory_space<vmem>>, vector<16xf32>,
      %swap3A_784 = arith.constant 1 : i32
      %swap3A_785 = arith.index_cast %swap3A_784 : i32 to index
      %swap3A_786 = arith.index_cast %scan3A_218 : i32 to index
      %swap3A_787 = arith.constant 896 : index
      %swap3A_788 = tpu.vector_load %arg6[%swap3A_785, %swap3A_786, %swap3A_787] {strides = array<i32>} : memref<2x16x2048xf32, #tpu.memory_space<vmem>>, vector<16xf32>,
      tpu.vector_store %arg6[%swap3A_785, %swap3A_786, %swap3A_787], %broadcast_in_dim3A_3 {strides = array<i32>} : memref<2x16x2048xf32, #tpu.memory_space<vmem>>, vector<16xf32>,
      %swap3A_789 = arith.constant 0 : i32
      %swap3A_790 = arith.index_cast %swap3A_789 : i32 to index
      %swap3A_791 = arith.index_cast %scan3A_218 : i32 to index
      %swap3A_792 = arith.constant 912 : index
      %swap3A_793 = tpu.vector_load %arg6[%swap3A_790, %swap3A_791, %swap3A_792] {strides = array<i32>} : memref<2x16x2048xf32, #tpu.memory_space<vmem>>, vector<16xf32>,
      tpu.vector_store %arg6[%swap3A_790, %swap3A_791, %swap3A_792], %broadcast_in_dim3A_3 {strides = array<i32>} : memref<2x16x2048xf32, #tpu.memory_space<vmem>>, vector<16xf32>,
      %swap3A_794 = arith.constant 1 : i32
      %swap3A_795 = arith.index_cast %swap3A_794 : i32 to index
      %swap3A_796 = arith.index_cast %scan3A_218 : i32 to index
      %swap3A_797 = arith.constant 912 : index
      %swap3A_798 = tpu.vector_load %arg6[%swap3A_795, %swap3A_796, %swap3A_797] {strides = array<i32>} : memref<2x16x2048xf32, #tpu.memory_space<vmem>>, vector<16xf32>,
      tpu.vector_store %arg6[%swap3A_795, %swap3A_796, %swap3A_797], %broadcast_in_dim3A_3 {strides = array<i32>} : memref<2x16x2048xf32, #tpu.memory_space<vmem>>, vector<16xf32>,
      %swap3A_799 = arith.constant 0 : i32
      %swap3A_800 = arith.index_cast %swap3A_799 : i32 to index
      %swap3A_801 = arith.index_cast %scan3A_218 : i32 to index
      %swap3A_802 = arith.constant 928 : index
      %swap3A_803 = tpu.vector_load %arg6[%swap3A_800, %swap3A_801, %swap3A_802] {strides = array<i32>} : memref<2x16x2048xf32, #tpu.memory_space<vmem>>, vector<16xf32>,
      tpu.vector_store %arg6[%swap3A_800, %swap3A_801, %swap3A_802], %broadcast_in_dim3A_3 {strides = array<i32>} : memref<2x16x2048xf32, #tpu.memory_space<vmem>>, vector<16xf32>,
      %swap3A_804 = arith.constant 1 : i32
      %swap3A_805 = arith.index_cast %swap3A_804 : i32 to index
      %swap3A_806 = arith.index_cast %scan3A_218 : i32 to index
      %swap3A_807 = arith.constant 928 : index
      %swap3A_808 = tpu.vector_load %arg6[%swap3A_805, %swap3A_806, %swap3A_807] {strides = array<i32>} : memref<2x16x2048xf32, #tpu.memory_space<vmem>>, vector<16xf32>,
      tpu.vector_store %arg6[%swap3A_805, %swap3A_806, %swap3A_807], %broadcast_in_dim3A_3 {strides = array<i32>} : memref<2x16x2048xf32, #tpu.memory_space<vmem>>, vector<16xf32>,
      %swap3A_809 = arith.constant 0 : i32
      %swap3A_810 = arith.index_cast %swap3A_809 : i32 to index
      %swap3A_811 = arith.index_cast %scan3A_218 : i32 to index
      %swap3A_812 = arith.constant 944 : index
      %swap3A_813 = tpu.vector_load %arg6[%swap3A_810, %swap3A_811, %swap3A_812] {strides = array<i32>} : memref<2x16x2048xf32, #tpu.memory_space<vmem>>, vector<16xf32>,
      tpu.vector_store %arg6[%swap3A_810, %swap3A_811, %swap3A_812], %broadcast_in_dim3A_3 {strides = array<i32>} : memref<2x16x2048xf32, #tpu.memory_space<vmem>>, vector<16xf32>,
      %swap3A_814 = arith.constant 1 : i32
      %swap3A_815 = arith.index_cast %swap3A_814 : i32 to index
      %swap3A_816 = arith.index_cast %scan3A_218 : i32 to index
      %swap3A_817 = arith.constant 944 : index
      %swap3A_818 = tpu.vector_load %arg6[%swap3A_815, %swap3A_816, %swap3A_817] {strides = array<i32>} : memref<2x16x2048xf32, #tpu.memory_space<vmem>>, vector<16xf32>,
      tpu.vector_store %arg6[%swap3A_815, %swap3A_816, %swap3A_817], %broadcast_in_dim3A_3 {strides = array<i32>} : memref<2x16x2048xf32, #tpu.memory_space<vmem>>, vector<16xf32>,
      %swap3A_819 = arith.constant 0 : i32
      %swap3A_820 = arith.index_cast %swap3A_819 : i32 to index
      %swap3A_821 = arith.index_cast %scan3A_218 : i32 to index
      %swap3A_822 = arith.constant 960 : index
      %swap3A_823 = tpu.vector_load %arg6[%swap3A_820, %swap3A_821, %swap3A_822] {strides = array<i32>} : memref<2x16x2048xf32, #tpu.memory_space<vmem>>, vector<16xf32>,
      tpu.vector_store %arg6[%swap3A_820, %swap3A_821, %swap3A_822], %broadcast_in_dim3A_3 {strides = array<i32>} : memref<2x16x2048xf32, #tpu.memory_space<vmem>>, vector<16xf32>,
      %swap3A_824 = arith.constant 1 : i32
      %swap3A_825 = arith.index_cast %swap3A_824 : i32 to index
      %swap3A_826 = arith.index_cast %scan3A_218 : i32 to index
      %swap3A_827 = arith.constant 960 : index
      %swap3A_828 = tpu.vector_load %arg6[%swap3A_825, %swap3A_826, %swap3A_827] {strides = array<i32>} : memref<2x16x2048xf32, #tpu.memory_space<vmem>>, vector<16xf32>,
      tpu.vector_store %arg6[%swap3A_825, %swap3A_826, %swap3A_827], %broadcast_in_dim3A_3 {strides = array<i32>} : memref<2x16x2048xf32, #tpu.memory_space<vmem>>, vector<16xf32>,
      %swap3A_829 = arith.constant 0 : i32
      %swap3A_830 = arith.index_cast %swap3A_829 : i32 to index
      %swap3A_831 = arith.index_cast %scan3A_218 : i32 to index
      %swap3A_832 = arith.constant 976 : index
      %swap3A_833 = tpu.vector_load %arg6[%swap3A_830, %swap3A_831, %swap3A_832] {strides = array<i32>} : memref<2x16x2048xf32, #tpu.memory_space<vmem>>, vector<16xf32>,
      tpu.vector_store %arg6[%swap3A_830, %swap3A_831, %swap3A_832], %broadcast_in_dim3A_3 {strides = array<i32>} : memref<2x16x2048xf32, #tpu.memory_space<vmem>>, vector<16xf32>,
      %swap3A_834 = arith.constant 1 : i32
      %swap3A_835 = arith.index_cast %swap3A_834 : i32 to index
      %swap3A_836 = arith.index_cast %scan3A_218 : i32 to index
      %swap3A_837 = arith.constant 976 : index
      %swap3A_838 = tpu.vector_load %arg6[%swap3A_835, %swap3A_836, %swap3A_837] {strides = array<i32>} : memref<2x16x2048xf32, #tpu.memory_space<vmem>>, vector<16xf32>,
      tpu.vector_store %arg6[%swap3A_835, %swap3A_836, %swap3A_837], %broadcast_in_dim3A_3 {strides = array<i32>} : memref<2x16x2048xf32, #tpu.memory_space<vmem>>, vector<16xf32>,
      %swap3A_839 = arith.constant 0 : i32
      %swap3A_840 = arith.index_cast %swap3A_839 : i32 to index
      %swap3A_841 = arith.index_cast %scan3A_218 : i32 to index
      %swap3A_842 = arith.constant 992 : index
      %swap3A_843 = tpu.vector_load %arg6[%swap3A_840, %swap3A_841, %swap3A_842] {strides = array<i32>} : memref<2x16x2048xf32, #tpu.memory_space<vmem>>, vector<16xf32>,
      tpu.vector_store %arg6[%swap3A_840, %swap3A_841, %swap3A_842], %broadcast_in_dim3A_3 {strides = array<i32>} : memref<2x16x2048xf32, #tpu.memory_space<vmem>>, vector<16xf32>,
      %swap3A_844 = arith.constant 1 : i32
      %swap3A_845 = arith.index_cast %swap3A_844 : i32 to index
      %swap3A_846 = arith.index_cast %scan3A_218 : i32 to index
      %swap3A_847 = arith.constant 992 : index
      %swap3A_848 = tpu.vector_load %arg6[%swap3A_845, %swap3A_846, %swap3A_847] {strides = array<i32>} : memref<2x16x2048xf32, #tpu.memory_space<vmem>>, vector<16xf32>,
      tpu.vector_store %arg6[%swap3A_845, %swap3A_846, %swap3A_847], %broadcast_in_dim3A_3 {strides = array<i32>} : memref<2x16x2048xf32, #tpu.memory_space<vmem>>, vector<16xf32>,
      %swap3A_849 = arith.constant 0 : i32
      %swap3A_850 = arith.index_cast %swap3A_849 : i32 to index
      %swap3A_851 = arith.index_cast %scan3A_218 : i32 to index
      %swap3A_852 = arith.constant 1008 : index
      %swap3A_853 = tpu.vector_load %arg6[%swap3A_850, %swap3A_851, %swap3A_852] {strides = array<i32>} : memref<2x16x2048xf32, #tpu.memory_space<vmem>>, vector<16xf32>,
      tpu.vector_store %arg6[%swap3A_850, %swap3A_851, %swap3A_852], %broadcast_in_dim3A_3 {strides = array<i32>} : memref<2x16x2048xf32, #tpu.memory_space<vmem>>, vector<16xf32>,
      %swap3A_854 = arith.constant 1 : i32
      %swap3A_855 = arith.index_cast %swap3A_854 : i32 to index
      %swap3A_856 = arith.index_cast %scan3A_218 : i32 to index
      %swap3A_857 = arith.constant 1008 : index
      %swap3A_858 = tpu.vector_load %arg6[%swap3A_855, %swap3A_856, %swap3A_857] {strides = array<i32>} : memref<2x16x2048xf32, #tpu.memory_space<vmem>>, vector<16xf32>,
      tpu.vector_store %arg6[%swap3A_855, %swap3A_856, %swap3A_857], %broadcast_in_dim3A_3 {strides = array<i32>} : memref<2x16x2048xf32, #tpu.memory_space<vmem>>, vector<16xf32>,
      %swap3A_859 = arith.constant 0 : i32
      %swap3A_860 = arith.index_cast %swap3A_859 : i32 to index
      %swap3A_861 = arith.index_cast %scan3A_218 : i32 to index
      %swap3A_862 = arith.constant 1024 : index
      %swap3A_863 = tpu.vector_load %arg6[%swap3A_860, %swap3A_861, %swap3A_862] {strides = array<i32>} : memref<2x16x2048xf32, #tpu.memory_space<vmem>>, vector<16xf32>,
      tpu.vector_store %arg6[%swap3A_860, %swap3A_861, %swap3A_862], %broadcast_in_dim3A_3 {strides = array<i32>} : memref<2x16x2048xf32, #tpu.memory_space<vmem>>, vector<16xf32>,
      %swap3A_864 = arith.constant 1 : i32
      %swap3A_865 = arith.index_cast %swap3A_864 : i32 to index
      %swap3A_866 = arith.index_cast %scan3A_218 : i32 to index
      %swap3A_867 = arith.constant 1024 : index
      %swap3A_868 = tpu.vector_load %arg6[%swap3A_865, %swap3A_866, %swap3A_867] {strides = array<i32>} : memref<2x16x2048xf32, #tpu.memory_space<vmem>>, vector<16xf32>,
      tpu.vector_store %arg6[%swap3A_865, %swap3A_866, %swap3A_867], %broadcast_in_dim3A_3 {strides = array<i32>} : memref<2x16x2048xf32, #tpu.memory_space<vmem>>, vector<16xf32>,
      %swap3A_869 = arith.constant 0 : i32
      %swap3A_870 = arith.index_cast %swap3A_869 : i32 to index
      %swap3A_871 = arith.index_cast %scan3A_218 : i32 to index
      %swap3A_872 = arith.constant 1040 : index
      %swap3A_873 = tpu.vector_load %arg6[%swap3A_870, %swap3A_871, %swap3A_872] {strides = array<i32>} : memref<2x16x2048xf32, #tpu.memory_space<vmem>>, vector<16xf32>,
      tpu.vector_store %arg6[%swap3A_870, %swap3A_871, %swap3A_872], %broadcast_in_dim3A_3 {strides = array<i32>} : memref<2x16x2048xf32, #tpu.memory_space<vmem>>, vector<16xf32>,
      %swap3A_874 = arith.constant 1 : i32
      %swap3A_875 = arith.index_cast %swap3A_874 : i32 to index
      %swap3A_876 = arith.index_cast %scan3A_218 : i32 to index
      %swap3A_877 = arith.constant 1040 : index
      %swap3A_878 = tpu.vector_load %arg6[%swap3A_875, %swap3A_876, %swap3A_877] {strides = array<i32>} : memref<2x16x2048xf32, #tpu.memory_space<vmem>>, vector<16xf32>,
      tpu.vector_store %arg6[%swap3A_875, %swap3A_876, %swap3A_877], %broadcast_in_dim3A_3 {strides = array<i32>} : memref<2x16x2048xf32, #tpu.memory_space<vmem>>, vector<16xf32>,
      %swap3A_879 = arith.constant 0 : i32
      %swap3A_880 = arith.index_cast %swap3A_879 : i32 to index
      %swap3A_881 = arith.index_cast %scan3A_218 : i32 to index
      %swap3A_882 = arith.constant 1056 : index
      %swap3A_883 = tpu.vector_load %arg6[%swap3A_880, %swap3A_881, %swap3A_882] {strides = array<i32>} : memref<2x16x2048xf32, #tpu.memory_space<vmem>>, vector<16xf32>,
      tpu.vector_store %arg6[%swap3A_880, %swap3A_881, %swap3A_882], %broadcast_in_dim3A_3 {strides = array<i32>} : memref<2x16x2048xf32, #tpu.memory_space<vmem>>, vector<16xf32>,
      %swap3A_884 = arith.constant 1 : i32
      %swap3A_885 = arith.index_cast %swap3A_884 : i32 to index
      %swap3A_886 = arith.index_cast %scan3A_218 : i32 to index
      %swap3A_887 = arith.constant 1056 : index
      %swap3A_888 = tpu.vector_load %arg6[%swap3A_885, %swap3A_886, %swap3A_887] {strides = array<i32>} : memref<2x16x2048xf32, #tpu.memory_space<vmem>>, vector<16xf32>,
      tpu.vector_store %arg6[%swap3A_885, %swap3A_886, %swap3A_887], %broadcast_in_dim3A_3 {strides = array<i32>} : memref<2x16x2048xf32, #tpu.memory_space<vmem>>, vector<16xf32>,
      %swap3A_889 = arith.constant 0 : i32
      %swap3A_890 = arith.index_cast %swap3A_889 : i32 to index
      %swap3A_891 = arith.index_cast %scan3A_218 : i32 to index
      %swap3A_892 = arith.constant 1072 : index
      %swap3A_893 = tpu.vector_load %arg6[%swap3A_890, %swap3A_891, %swap3A_892] {strides = array<i32>} : memref<2x16x2048xf32, #tpu.memory_space<vmem>>, vector<16xf32>,
      tpu.vector_store %arg6[%swap3A_890, %swap3A_891, %swap3A_892], %broadcast_in_dim3A_3 {strides = array<i32>} : memref<2x16x2048xf32, #tpu.memory_space<vmem>>, vector<16xf32>,
      %swap3A_894 = arith.constant 1 : i32
      %swap3A_895 = arith.index_cast %swap3A_894 : i32 to index
      %swap3A_896 = arith.index_cast %scan3A_218 : i32 to index
      %swap3A_897 = arith.constant 1072 : index
      %swap3A_898 = tpu.vector_load %arg6[%swap3A_895, %swap3A_896, %swap3A_897] {strides = array<i32>} : memref<2x16x2048xf32, #tpu.memory_space<vmem>>, vector<16xf32>,
      tpu.vector_store %arg6[%swap3A_895, %swap3A_896, %swap3A_897], %broadcast_in_dim3A_3 {strides = array<i32>} : memref<2x16x2048xf32, #tpu.memory_space<vmem>>, vector<16xf32>,
      %swap3A_899 = arith.constant 0 : i32
      %swap3A_900 = arith.index_cast %swap3A_899 : i32 to index
      %swap3A_901 = arith.index_cast %scan3A_218 : i32 to index
      %swap3A_902 = arith.constant 1088 : index
      %swap3A_903 = tpu.vector_load %arg6[%swap3A_900, %swap3A_901, %swap3A_902] {strides = array<i32>} : memref<2x16x2048xf32, #tpu.memory_space<vmem>>, vector<16xf32>,
      tpu.vector_store %arg6[%swap3A_900, %swap3A_901, %swap3A_902], %broadcast_in_dim3A_3 {strides = array<i32>} : memref<2x16x2048xf32, #tpu.memory_space<vmem>>, vector<16xf32>,
      %swap3A_904 = arith.constant 1 : i32
      %swap3A_905 = arith.index_cast %swap3A_904 : i32 to index
      %swap3A_906 = arith.index_cast %scan3A_218 : i32 to index
      %swap3A_907 = arith.constant 1088 : index
      %swap3A_908 = tpu.vector_load %arg6[%swap3A_905, %swap3A_906, %swap3A_907] {strides = array<i32>} : memref<2x16x2048xf32, #tpu.memory_space<vmem>>, vector<16xf32>,
      tpu.vector_store %arg6[%swap3A_905, %swap3A_906, %swap3A_907], %broadcast_in_dim3A_3 {strides = array<i32>} : memref<2x16x2048xf32, #tpu.memory_space<vmem>>, vector<16xf32>,
      %swap3A_909 = arith.constant 0 : i32
      %swap3A_910 = arith.index_cast %swap3A_909 : i32 to index
      %swap3A_911 = arith.index_cast %scan3A_218 : i32 to index
      %swap3A_912 = arith.constant 1104 : index
      %swap3A_913 = tpu.vector_load %arg6[%swap3A_910, %swap3A_911, %swap3A_912] {strides = array<i32>} : memref<2x16x2048xf32, #tpu.memory_space<vmem>>, vector<16xf32>,
      tpu.vector_store %arg6[%swap3A_910, %swap3A_911, %swap3A_912], %broadcast_in_dim3A_3 {strides = array<i32>} : memref<2x16x2048xf32, #tpu.memory_space<vmem>>, vector<16xf32>,
      %swap3A_914 = arith.constant 1 : i32
      %swap3A_915 = arith.index_cast %swap3A_914 : i32 to index
      %swap3A_916 = arith.index_cast %scan3A_218 : i32 to index
      %swap3A_917 = arith.constant 1104 : index
      %swap3A_918 = tpu.vector_load %arg6[%swap3A_915, %swap3A_916, %swap3A_917] {strides = array<i32>} : memref<2x16x2048xf32, #tpu.memory_space<vmem>>, vector<16xf32>,
      tpu.vector_store %arg6[%swap3A_915, %swap3A_916, %swap3A_917], %broadcast_in_dim3A_3 {strides = array<i32>} : memref<2x16x2048xf32, #tpu.memory_space<vmem>>, vector<16xf32>,
      %swap3A_919 = arith.constant 0 : i32
      %swap3A_920 = arith.index_cast %swap3A_919 : i32 to index
      %swap3A_921 = arith.index_cast %scan3A_218 : i32 to index
      %swap3A_922 = arith.constant 1120 : index
      %swap3A_923 = tpu.vector_load %arg6[%swap3A_920, %swap3A_921, %swap3A_922] {strides = array<i32>} : memref<2x16x2048xf32, #tpu.memory_space<vmem>>, vector<16xf32>,
      tpu.vector_store %arg6[%swap3A_920, %swap3A_921, %swap3A_922], %broadcast_in_dim3A_3 {strides = array<i32>} : memref<2x16x2048xf32, #tpu.memory_space<vmem>>, vector<16xf32>,
      %swap3A_924 = arith.constant 1 : i32
      %swap3A_925 = arith.index_cast %swap3A_924 : i32 to index
      %swap3A_926 = arith.index_cast %scan3A_218 : i32 to index
      %swap3A_927 = arith.constant 1120 : index
      %swap3A_928 = tpu.vector_load %arg6[%swap3A_925, %swap3A_926, %swap3A_927] {strides = array<i32>} : memref<2x16x2048xf32, #tpu.memory_space<vmem>>, vector<16xf32>,
      tpu.vector_store %arg6[%swap3A_925, %swap3A_926, %swap3A_927], %broadcast_in_dim3A_3 {strides = array<i32>} : memref<2x16x2048xf32, #tpu.memory_space<vmem>>, vector<16xf32>,
      %swap3A_929 = arith.constant 0 : i32
      %swap3A_930 = arith.index_cast %swap3A_929 : i32 to index
      %swap3A_931 = arith.index_cast %scan3A_218 : i32 to index
      %swap3A_932 = arith.constant 1136 : index
      %swap3A_933 = tpu.vector_load %arg6[%swap3A_930, %swap3A_931, %swap3A_932] {strides = array<i32>} : memref<2x16x2048xf32, #tpu.memory_space<vmem>>, vector<16xf32>,
      tpu.vector_store %arg6[%swap3A_930, %swap3A_931, %swap3A_932], %broadcast_in_dim3A_3 {strides = array<i32>} : memref<2x16x2048xf32, #tpu.memory_space<vmem>>, vector<16xf32>,
      %swap3A_934 = arith.constant 1 : i32
      %swap3A_935 = arith.index_cast %swap3A_934 : i32 to index
      %swap3A_936 = arith.index_cast %scan3A_218 : i32 to index
      %swap3A_937 = arith.constant 1136 : index
      %swap3A_938 = tpu.vector_load %arg6[%swap3A_935, %swap3A_936, %swap3A_937] {strides = array<i32>} : memref<2x16x2048xf32, #tpu.memory_space<vmem>>, vector<16xf32>,
      tpu.vector_store %arg6[%swap3A_935, %swap3A_936, %swap3A_937], %broadcast_in_dim3A_3 {strides = array<i32>} : memref<2x16x2048xf32, #tpu.memory_space<vmem>>, vector<16xf32>,
      %swap3A_939 = arith.constant 0 : i32
      %swap3A_940 = arith.index_cast %swap3A_939 : i32 to index
      %swap3A_941 = arith.index_cast %scan3A_218 : i32 to index
      %swap3A_942 = arith.constant 1152 : index
      %swap3A_943 = tpu.vector_load %arg6[%swap3A_940, %swap3A_941, %swap3A_942] {strides = array<i32>} : memref<2x16x2048xf32, #tpu.memory_space<vmem>>, vector<16xf32>,
      tpu.vector_store %arg6[%swap3A_940, %swap3A_941, %swap3A_942], %broadcast_in_dim3A_3 {strides = array<i32>} : memref<2x16x2048xf32, #tpu.memory_space<vmem>>, vector<16xf32>,
      %swap3A_944 = arith.constant 1 : i32
      %swap3A_945 = arith.index_cast %swap3A_944 : i32 to index
      %swap3A_946 = arith.index_cast %scan3A_218 : i32 to index
      %swap3A_947 = arith.constant 1152 : index
      %swap3A_948 = tpu.vector_load %arg6[%swap3A_945, %swap3A_946, %swap3A_947] {strides = array<i32>} : memref<2x16x2048xf32, #tpu.memory_space<vmem>>, vector<16xf32>,
      tpu.vector_store %arg6[%swap3A_945, %swap3A_946, %swap3A_947], %broadcast_in_dim3A_3 {strides = array<i32>} : memref<2x16x2048xf32, #tpu.memory_space<vmem>>, vector<16xf32>,
      %swap3A_949 = arith.constant 0 : i32
      %swap3A_950 = arith.index_cast %swap3A_949 : i32 to index
      %swap3A_951 = arith.index_cast %scan3A_218 : i32 to index
      %swap3A_952 = arith.constant 1168 : index
      %swap3A_953 = tpu.vector_load %arg6[%swap3A_950, %swap3A_951, %swap3A_952] {strides = array<i32>} : memref<2x16x2048xf32, #tpu.memory_space<vmem>>, vector<16xf32>,
      tpu.vector_store %arg6[%swap3A_950, %swap3A_951, %swap3A_952], %broadcast_in_dim3A_3 {strides = array<i32>} : memref<2x16x2048xf32, #tpu.memory_space<vmem>>, vector<16xf32>,
      %swap3A_954 = arith.constant 1 : i32
      %swap3A_955 = arith.index_cast %swap3A_954 : i32 to index
      %swap3A_956 = arith.index_cast %scan3A_218 : i32 to index
      %swap3A_957 = arith.constant 1168 : index
      %swap3A_958 = tpu.vector_load %arg6[%swap3A_955, %swap3A_956, %swap3A_957] {strides = array<i32>} : memref<2x16x2048xf32, #tpu.memory_space<vmem>>, vector<16xf32>,
      tpu.vector_store %arg6[%swap3A_955, %swap3A_956, %swap3A_957], %broadcast_in_dim3A_3 {strides = array<i32>} : memref<2x16x2048xf32, #tpu.memory_space<vmem>>, vector<16xf32>,
      %swap3A_959 = arith.constant 0 : i32
      %swap3A_960 = arith.index_cast %swap3A_959 : i32 to index
      %swap3A_961 = arith.index_cast %scan3A_218 : i32 to index
      %swap3A_962 = arith.constant 1184 : index
      %swap3A_963 = tpu.vector_load %arg6[%swap3A_960, %swap3A_961, %swap3A_962] {strides = array<i32>} : memref<2x16x2048xf32, #tpu.memory_space<vmem>>, vector<16xf32>,
      tpu.vector_store %arg6[%swap3A_960, %swap3A_961, %swap3A_962], %broadcast_in_dim3A_3 {strides = array<i32>} : memref<2x16x2048xf32, #tpu.memory_space<vmem>>, vector<16xf32>,
      %swap3A_964 = arith.constant 1 : i32
      %swap3A_965 = arith.index_cast %swap3A_964 : i32 to index
      %swap3A_966 = arith.index_cast %scan3A_218 : i32 to index
      %swap3A_967 = arith.constant 1184 : index
      %swap3A_968 = tpu.vector_load %arg6[%swap3A_965, %swap3A_966, %swap3A_967] {strides = array<i32>} : memref<2x16x2048xf32, #tpu.memory_space<vmem>>, vector<16xf32>,
      tpu.vector_store %arg6[%swap3A_965, %swap3A_966, %swap3A_967], %broadcast_in_dim3A_3 {strides = array<i32>} : memref<2x16x2048xf32, #tpu.memory_space<vmem>>, vector<16xf32>,
      %swap3A_969 = arith.constant 0 : i32
      %swap3A_970 = arith.index_cast %swap3A_969 : i32 to index
      %swap3A_971 = arith.index_cast %scan3A_218 : i32 to index
      %swap3A_972 = arith.constant 1200 : index
      %swap3A_973 = tpu.vector_load %arg6[%swap3A_970, %swap3A_971, %swap3A_972] {strides = array<i32>} : memref<2x16x2048xf32, #tpu.memory_space<vmem>>, vector<16xf32>,
      tpu.vector_store %arg6[%swap3A_970, %swap3A_971, %swap3A_972], %broadcast_in_dim3A_3 {strides = array<i32>} : memref<2x16x2048xf32, #tpu.memory_space<vmem>>, vector<16xf32>,
      %swap3A_974 = arith.constant 1 : i32
      %swap3A_975 = arith.index_cast %swap3A_974 : i32 to index
      %swap3A_976 = arith.index_cast %scan3A_218 : i32 to index
      %swap3A_977 = arith.constant 1200 : index
      %swap3A_978 = tpu.vector_load %arg6[%swap3A_975, %swap3A_976, %swap3A_977] {strides = array<i32>} : memref<2x16x2048xf32, #tpu.memory_space<vmem>>, vector<16xf32>,
      tpu.vector_store %arg6[%swap3A_975, %swap3A_976, %swap3A_977], %broadcast_in_dim3A_3 {strides = array<i32>} : memref<2x16x2048xf32, #tpu.memory_space<vmem>>, vector<16xf32>,
      %swap3A_979 = arith.constant 0 : i32
      %swap3A_980 = arith.index_cast %swap3A_979 : i32 to index
      %swap3A_981 = arith.index_cast %scan3A_218 : i32 to index
      %swap3A_982 = arith.constant 1216 : index
      %swap3A_983 = tpu.vector_load %arg6[%swap3A_980, %swap3A_981, %swap3A_982] {strides = array<i32>} : memref<2x16x2048xf32, #tpu.memory_space<vmem>>, vector<16xf32>,
      tpu.vector_store %arg6[%swap3A_980, %swap3A_981, %swap3A_982], %broadcast_in_dim3A_3 {strides = array<i32>} : memref<2x16x2048xf32, #tpu.memory_space<vmem>>, vector<16xf32>,
      %swap3A_984 = arith.constant 1 : i32
      %swap3A_985 = arith.index_cast %swap3A_984 : i32 to index
      %swap3A_986 = arith.index_cast %scan3A_218 : i32 to index
      %swap3A_987 = arith.constant 1216 : index
      %swap3A_988 = tpu.vector_load %arg6[%swap3A_985, %swap3A_986, %swap3A_987] {strides = array<i32>} : memref<2x16x2048xf32, #tpu.memory_space<vmem>>, vector<16xf32>,
      tpu.vector_store %arg6[%swap3A_985, %swap3A_986, %swap3A_987], %broadcast_in_dim3A_3 {strides = array<i32>} : memref<2x16x2048xf32, #tpu.memory_space<vmem>>, vector<16xf32>,
      %swap3A_989 = arith.constant 0 : i32
      %swap3A_990 = arith.index_cast %swap3A_989 : i32 to index
      %swap3A_991 = arith.index_cast %scan3A_218 : i32 to index
      %swap3A_992 = arith.constant 1232 : index
      %swap3A_993 = tpu.vector_load %arg6[%swap3A_990, %swap3A_991, %swap3A_992] {strides = array<i32>} : memref<2x16x2048xf32, #tpu.memory_space<vmem>>, vector<16xf32>,
      tpu.vector_store %arg6[%swap3A_990, %swap3A_991, %swap3A_992], %broadcast_in_dim3A_3 {strides = array<i32>} : memref<2x16x2048xf32, #tpu.memory_space<vmem>>, vector<16xf32>,
      %swap3A_994 = arith.constant 1 : i32
      %swap3A_995 = arith.index_cast %swap3A_994 : i32 to index
      %swap3A_996 = arith.index_cast %scan3A_218 : i32 to index
      %swap3A_997 = arith.constant 1232 : index
      %swap3A_998 = tpu.vector_load %arg6[%swap3A_995, %swap3A_996, %swap3A_997] {strides = array<i32>} : memref<2x16x2048xf32, #tpu.memory_space<vmem>>, vector<16xf32>,
      tpu.vector_store %arg6[%swap3A_995, %swap3A_996, %swap3A_997], %broadcast_in_dim3A_3 {strides = array<i32>} : memref<2x16x2048xf32, #tpu.memory_space<vmem>>, vector<16xf32>,
      %swap3A_999 = arith.constant 0 : i32
      %swap3A_1000 = arith.index_cast %swap3A_999 : i32 to index
      %swap3A_1001 = arith.index_cast %scan3A_218 : i32 to index
      %swap3A_1002 = arith.constant 1248 : index
      %swap3A_1003 = tpu.vector_load %arg6[%swap3A_1000, %swap3A_1001, %swap3A_1002] {strides = array<i32>} : memref<2x16x2048xf32, #tpu.memory_space<vmem>>, vector<16xf32>,
      tpu.vector_store %arg6[%swap3A_1000, %swap3A_1001, %swap3A_1002], %broadcast_in_dim3A_3 {strides = array<i32>} : memref<2x16x2048xf32, #tpu.memory_space<vmem>>, vector<16xf32>,
      %swap3A_1004 = arith.constant 1 : i32
      %swap3A_1005 = arith.index_cast %swap3A_1004 : i32 to index
      %swap3A_1006 = arith.index_cast %scan3A_218 : i32 to index
      %swap3A_1007 = arith.constant 1248 : index
      %swap3A_1008 = tpu.vector_load %arg6[%swap3A_1005, %swap3A_1006, %swap3A_1007] {strides = array<i32>} : memref<2x16x2048xf32, #tpu.memory_space<vmem>>, vector<16xf32>,
      tpu.vector_store %arg6[%swap3A_1005, %swap3A_1006, %swap3A_1007], %broadcast_in_dim3A_3 {strides = array<i32>} : memref<2x16x2048xf32, #tpu.memory_space<vmem>>, vector<16xf32>,
      %swap3A_1009 = arith.constant 0 : i32
      %swap3A_1010 = arith.index_cast %swap3A_1009 : i32 to index
      %swap3A_1011 = arith.index_cast %scan3A_218 : i32 to index
      %swap3A_1012 = arith.constant 1264 : index
      %swap3A_1013 = tpu.vector_load %arg6[%swap3A_1010, %swap3A_1011, %swap3A_1012] {strides = array<i32>} : memref<2x16x2048xf32, #tpu.memory_space<vmem>>, vector<16xf32>,
      tpu.vector_store %arg6[%swap3A_1010, %swap3A_1011, %swap3A_1012], %broadcast_in_dim3A_3 {strides = array<i32>} : memref<2x16x2048xf32, #tpu.memory_space<vmem>>, vector<16xf32>,
      %swap3A_1014 = arith.constant 1 : i32
      %swap3A_1015 = arith.index_cast %swap3A_1014 : i32 to index
      %swap3A_1016 = arith.index_cast %scan3A_218 : i32 to index
      %swap3A_1017 = arith.constant 1264 : index
      %swap3A_1018 = tpu.vector_load %arg6[%swap3A_1015, %swap3A_1016, %swap3A_1017] {strides = array<i32>} : memref<2x16x2048xf32, #tpu.memory_space<vmem>>, vector<16xf32>,
      tpu.vector_store %arg6[%swap3A_1015, %swap3A_1016, %swap3A_1017], %broadcast_in_dim3A_3 {strides = array<i32>} : memref<2x16x2048xf32, #tpu.memory_space<vmem>>, vector<16xf32>,
      %swap3A_1019 = arith.constant 0 : i32
      %swap3A_1020 = arith.index_cast %swap3A_1019 : i32 to index
      %swap3A_1021 = arith.index_cast %scan3A_218 : i32 to index
      %swap3A_1022 = arith.constant 1280 : index
      %swap3A_1023 = tpu.vector_load %arg6[%swap3A_1020, %swap3A_1021, %swap3A_1022] {strides = array<i32>} : memref<2x16x2048xf32, #tpu.memory_space<vmem>>, vector<16xf32>,
      tpu.vector_store %arg6[%swap3A_1020, %swap3A_1021, %swap3A_1022], %broadcast_in_dim3A_3 {strides = array<i32>} : memref<2x16x2048xf32, #tpu.memory_space<vmem>>, vector<16xf32>,
      %swap3A_1024 = arith.constant 1 : i32
      %swap3A_1025 = arith.index_cast %swap3A_1024 : i32 to index
      %swap3A_1026 = arith.index_cast %scan3A_218 : i32 to index
      %swap3A_1027 = arith.constant 1280 : index
      %swap3A_1028 = tpu.vector_load %arg6[%swap3A_1025, %swap3A_1026, %swap3A_1027] {strides = array<i32>} : memref<2x16x2048xf32, #tpu.memory_space<vmem>>, vector<16xf32>,
      tpu.vector_store %arg6[%swap3A_1025, %swap3A_1026, %swap3A_1027], %broadcast_in_dim3A_3 {strides = array<i32>} : memref<2x16x2048xf32, #tpu.memory_space<vmem>>, vector<16xf32>,
      %swap3A_1029 = arith.constant 0 : i32
      %swap3A_1030 = arith.index_cast %swap3A_1029 : i32 to index
      %swap3A_1031 = arith.index_cast %scan3A_218 : i32 to index
      %swap3A_1032 = arith.constant 1296 : index
      %swap3A_1033 = tpu.vector_load %arg6[%swap3A_1030, %swap3A_1031, %swap3A_1032] {strides = array<i32>} : memref<2x16x2048xf32, #tpu.memory_space<vmem>>, vector<16xf32>,
      tpu.vector_store %arg6[%swap3A_1030, %swap3A_1031, %swap3A_1032], %broadcast_in_dim3A_3 {strides = array<i32>} : memref<2x16x2048xf32, #tpu.memory_space<vmem>>, vector<16xf32>,
      %swap3A_1034 = arith.constant 1 : i32
      %swap3A_1035 = arith.index_cast %swap3A_1034 : i32 to index
      %swap3A_1036 = arith.index_cast %scan3A_218 : i32 to index
      %swap3A_1037 = arith.constant 1296 : index
      %swap3A_1038 = tpu.vector_load %arg6[%swap3A_1035, %swap3A_1036, %swap3A_1037] {strides = array<i32>} : memref<2x16x2048xf32, #tpu.memory_space<vmem>>, vector<16xf32>,
      tpu.vector_store %arg6[%swap3A_1035, %swap3A_1036, %swap3A_1037], %broadcast_in_dim3A_3 {strides = array<i32>} : memref<2x16x2048xf32, #tpu.memory_space<vmem>>, vector<16xf32>,
      %swap3A_1039 = arith.constant 0 : i32
      %swap3A_1040 = arith.index_cast %swap3A_1039 : i32 to index
      %swap3A_1041 = arith.index_cast %scan3A_218 : i32 to index
      %swap3A_1042 = arith.constant 1312 : index
      %swap3A_1043 = tpu.vector_load %arg6[%swap3A_1040, %swap3A_1041, %swap3A_1042] {strides = array<i32>} : memref<2x16x2048xf32, #tpu.memory_space<vmem>>, vector<16xf32>,
      tpu.vector_store %arg6[%swap3A_1040, %swap3A_1041, %swap3A_1042], %broadcast_in_dim3A_3 {strides = array<i32>} : memref<2x16x2048xf32, #tpu.memory_space<vmem>>, vector<16xf32>,
      %swap3A_1044 = arith.constant 1 : i32
      %swap3A_1045 = arith.index_cast %swap3A_1044 : i32 to index
      %swap3A_1046 = arith.index_cast %scan3A_218 : i32 to index
      %swap3A_1047 = arith.constant 1312 : index
      %swap3A_1048 = tpu.vector_load %arg6[%swap3A_1045, %swap3A_1046, %swap3A_1047] {strides = array<i32>} : memref<2x16x2048xf32, #tpu.memory_space<vmem>>, vector<16xf32>,
      tpu.vector_store %arg6[%swap3A_1045, %swap3A_1046, %swap3A_1047], %broadcast_in_dim3A_3 {strides = array<i32>} : memref<2x16x2048xf32, #tpu.memory_space<vmem>>, vector<16xf32>,
      %swap3A_1049 = arith.constant 0 : i32
      %swap3A_1050 = arith.index_cast %swap3A_1049 : i32 to index
      %swap3A_1051 = arith.index_cast %scan3A_218 : i32 to index
      %swap3A_1052 = arith.constant 1328 : index
      %swap3A_1053 = tpu.vector_load %arg6[%swap3A_1050, %swap3A_1051, %swap3A_1052] {strides = array<i32>} : memref<2x16x2048xf32, #tpu.memory_space<vmem>>, vector<16xf32>,
      tpu.vector_store %arg6[%swap3A_1050, %swap3A_1051, %swap3A_1052], %broadcast_in_dim3A_3 {strides = array<i32>} : memref<2x16x2048xf32, #tpu.memory_space<vmem>>, vector<16xf32>,
      %swap3A_1054 = arith.constant 1 : i32
      %swap3A_1055 = arith.index_cast %swap3A_1054 : i32 to index
      %swap3A_1056 = arith.index_cast %scan3A_218 : i32 to index
      %swap3A_1057 = arith.constant 1328 : index
      %swap3A_1058 = tpu.vector_load %arg6[%swap3A_1055, %swap3A_1056, %swap3A_1057] {strides = array<i32>} : memref<2x16x2048xf32, #tpu.memory_space<vmem>>, vector<16xf32>,
      tpu.vector_store %arg6[%swap3A_1055, %swap3A_1056, %swap3A_1057], %broadcast_in_dim3A_3 {strides = array<i32>} : memref<2x16x2048xf32, #tpu.memory_space<vmem>>, vector<16xf32>,
      %swap3A_1059 = arith.constant 0 : i32
      %swap3A_1060 = arith.index_cast %swap3A_1059 : i32 to index
      %swap3A_1061 = arith.index_cast %scan3A_218 : i32 to index
      %swap3A_1062 = arith.constant 1344 : index
      %swap3A_1063 = tpu.vector_load %arg6[%swap3A_1060, %swap3A_1061, %swap3A_1062] {strides = array<i32>} : memref<2x16x2048xf32, #tpu.memory_space<vmem>>, vector<16xf32>,
      tpu.vector_store %arg6[%swap3A_1060, %swap3A_1061, %swap3A_1062], %broadcast_in_dim3A_3 {strides = array<i32>} : memref<2x16x2048xf32, #tpu.memory_space<vmem>>, vector<16xf32>,
      %swap3A_1064 = arith.constant 1 : i32
      %swap3A_1065 = arith.index_cast %swap3A_1064 : i32 to index
      %swap3A_1066 = arith.index_cast %scan3A_218 : i32 to index
      %swap3A_1067 = arith.constant 1344 : index
      %swap3A_1068 = tpu.vector_load %arg6[%swap3A_1065, %swap3A_1066, %swap3A_1067] {strides = array<i32>} : memref<2x16x2048xf32, #tpu.memory_space<vmem>>, vector<16xf32>,
      tpu.vector_store %arg6[%swap3A_1065, %swap3A_1066, %swap3A_1067], %broadcast_in_dim3A_3 {strides = array<i32>} : memref<2x16x2048xf32, #tpu.memory_space<vmem>>, vector<16xf32>,
      %swap3A_1069 = arith.constant 0 : i32
      %swap3A_1070 = arith.index_cast %swap3A_1069 : i32 to index
      %swap3A_1071 = arith.index_cast %scan3A_218 : i32 to index
      %swap3A_1072 = arith.constant 1360 : index
      %swap3A_1073 = tpu.vector_load %arg6[%swap3A_1070, %swap3A_1071, %swap3A_1072] {strides = array<i32>} : memref<2x16x2048xf32, #tpu.memory_space<vmem>>, vector<16xf32>,
      tpu.vector_store %arg6[%swap3A_1070, %swap3A_1071, %swap3A_1072], %broadcast_in_dim3A_3 {strides = array<i32>} : memref<2x16x2048xf32, #tpu.memory_space<vmem>>, vector<16xf32>,
      %swap3A_1074 = arith.constant 1 : i32
      %swap3A_1075 = arith.index_cast %swap3A_1074 : i32 to index
      %swap3A_1076 = arith.index_cast %scan3A_218 : i32 to index
      %swap3A_1077 = arith.constant 1360 : index
      %swap3A_1078 = tpu.vector_load %arg6[%swap3A_1075, %swap3A_1076, %swap3A_1077] {strides = array<i32>} : memref<2x16x2048xf32, #tpu.memory_space<vmem>>, vector<16xf32>,
      tpu.vector_store %arg6[%swap3A_1075, %swap3A_1076, %swap3A_1077], %broadcast_in_dim3A_3 {strides = array<i32>} : memref<2x16x2048xf32, #tpu.memory_space<vmem>>, vector<16xf32>,
      %swap3A_1079 = arith.constant 0 : i32
      %swap3A_1080 = arith.index_cast %swap3A_1079 : i32 to index
      %swap3A_1081 = arith.index_cast %scan3A_218 : i32 to index
      %swap3A_1082 = arith.constant 1376 : index
      %swap3A_1083 = tpu.vector_load %arg6[%swap3A_1080, %swap3A_1081, %swap3A_1082] {strides = array<i32>} : memref<2x16x2048xf32, #tpu.memory_space<vmem>>, vector<16xf32>,
      tpu.vector_store %arg6[%swap3A_1080, %swap3A_1081, %swap3A_1082], %broadcast_in_dim3A_3 {strides = array<i32>} : memref<2x16x2048xf32, #tpu.memory_space<vmem>>, vector<16xf32>,
      %swap3A_1084 = arith.constant 1 : i32
      %swap3A_1085 = arith.index_cast %swap3A_1084 : i32 to index
      %swap3A_1086 = arith.index_cast %scan3A_218 : i32 to index
      %swap3A_1087 = arith.constant 1376 : index
      %swap3A_1088 = tpu.vector_load %arg6[%swap3A_1085, %swap3A_1086, %swap3A_1087] {strides = array<i32>} : memref<2x16x2048xf32, #tpu.memory_space<vmem>>, vector<16xf32>,
      tpu.vector_store %arg6[%swap3A_1085, %swap3A_1086, %swap3A_1087], %broadcast_in_dim3A_3 {strides = array<i32>} : memref<2x16x2048xf32, #tpu.memory_space<vmem>>, vector<16xf32>,
      %swap3A_1089 = arith.constant 0 : i32
      %swap3A_1090 = arith.index_cast %swap3A_1089 : i32 to index
      %swap3A_1091 = arith.index_cast %scan3A_218 : i32 to index
      %swap3A_1092 = arith.constant 1392 : index
      %swap3A_1093 = tpu.vector_load %arg6[%swap3A_1090, %swap3A_1091, %swap3A_1092] {strides = array<i32>} : memref<2x16x2048xf32, #tpu.memory_space<vmem>>, vector<16xf32>,
      tpu.vector_store %arg6[%swap3A_1090, %swap3A_1091, %swap3A_1092], %broadcast_in_dim3A_3 {strides = array<i32>} : memref<2x16x2048xf32, #tpu.memory_space<vmem>>, vector<16xf32>,
      %swap3A_1094 = arith.constant 1 : i32
      %swap3A_1095 = arith.index_cast %swap3A_1094 : i32 to index
      %swap3A_1096 = arith.index_cast %scan3A_218 : i32 to index
      %swap3A_1097 = arith.constant 1392 : index
      %swap3A_1098 = tpu.vector_load %arg6[%swap3A_1095, %swap3A_1096, %swap3A_1097] {strides = array<i32>} : memref<2x16x2048xf32, #tpu.memory_space<vmem>>, vector<16xf32>,
      tpu.vector_store %arg6[%swap3A_1095, %swap3A_1096, %swap3A_1097], %broadcast_in_dim3A_3 {strides = array<i32>} : memref<2x16x2048xf32, #tpu.memory_space<vmem>>, vector<16xf32>,
      %swap3A_1099 = arith.constant 0 : i32
      %swap3A_1100 = arith.index_cast %swap3A_1099 : i32 to index
      %swap3A_1101 = arith.index_cast %scan3A_218 : i32 to index
      %swap3A_1102 = arith.constant 1408 : index
      %swap3A_1103 = tpu.vector_load %arg6[%swap3A_1100, %swap3A_1101, %swap3A_1102] {strides = array<i32>} : memref<2x16x2048xf32, #tpu.memory_space<vmem>>, vector<16xf32>,
      tpu.vector_store %arg6[%swap3A_1100, %swap3A_1101, %swap3A_1102], %broadcast_in_dim3A_3 {strides = array<i32>} : memref<2x16x2048xf32, #tpu.memory_space<vmem>>, vector<16xf32>,
      %swap3A_1104 = arith.constant 1 : i32
      %swap3A_1105 = arith.index_cast %swap3A_1104 : i32 to index
      %swap3A_1106 = arith.index_cast %scan3A_218 : i32 to index
      %swap3A_1107 = arith.constant 1408 : index
      %swap3A_1108 = tpu.vector_load %arg6[%swap3A_1105, %swap3A_1106, %swap3A_1107] {strides = array<i32>} : memref<2x16x2048xf32, #tpu.memory_space<vmem>>, vector<16xf32>,
      tpu.vector_store %arg6[%swap3A_1105, %swap3A_1106, %swap3A_1107], %broadcast_in_dim3A_3 {strides = array<i32>} : memref<2x16x2048xf32, #tpu.memory_space<vmem>>, vector<16xf32>,
      %swap3A_1109 = arith.constant 0 : i32
      %swap3A_1110 = arith.index_cast %swap3A_1109 : i32 to index
      %swap3A_1111 = arith.index_cast %scan3A_218 : i32 to index
      %swap3A_1112 = arith.constant 1424 : index
      %swap3A_1113 = tpu.vector_load %arg6[%swap3A_1110, %swap3A_1111, %swap3A_1112] {strides = array<i32>} : memref<2x16x2048xf32, #tpu.memory_space<vmem>>, vector<16xf32>,
      tpu.vector_store %arg6[%swap3A_1110, %swap3A_1111, %swap3A_1112], %broadcast_in_dim3A_3 {strides = array<i32>} : memref<2x16x2048xf32, #tpu.memory_space<vmem>>, vector<16xf32>,
      %swap3A_1114 = arith.constant 1 : i32
      %swap3A_1115 = arith.index_cast %swap3A_1114 : i32 to index
      %swap3A_1116 = arith.index_cast %scan3A_218 : i32 to index
      %swap3A_1117 = arith.constant 1424 : index
      %swap3A_1118 = tpu.vector_load %arg6[%swap3A_1115, %swap3A_1116, %swap3A_1117] {strides = array<i32>} : memref<2x16x2048xf32, #tpu.memory_space<vmem>>, vector<16xf32>,
      tpu.vector_store %arg6[%swap3A_1115, %swap3A_1116, %swap3A_1117], %broadcast_in_dim3A_3 {strides = array<i32>} : memref<2x16x2048xf32, #tpu.memory_space<vmem>>, vector<16xf32>,
      %swap3A_1119 = arith.constant 0 : i32
      %swap3A_1120 = arith.index_cast %swap3A_1119 : i32 to index
      %swap3A_1121 = arith.index_cast %scan3A_218 : i32 to index
      %swap3A_1122 = arith.constant 1440 : index
      %swap3A_1123 = tpu.vector_load %arg6[%swap3A_1120, %swap3A_1121, %swap3A_1122] {strides = array<i32>} : memref<2x16x2048xf32, #tpu.memory_space<vmem>>, vector<16xf32>,
      tpu.vector_store %arg6[%swap3A_1120, %swap3A_1121, %swap3A_1122], %broadcast_in_dim3A_3 {strides = array<i32>} : memref<2x16x2048xf32, #tpu.memory_space<vmem>>, vector<16xf32>,
      %swap3A_1124 = arith.constant 1 : i32
      %swap3A_1125 = arith.index_cast %swap3A_1124 : i32 to index
      %swap3A_1126 = arith.index_cast %scan3A_218 : i32 to index
      %swap3A_1127 = arith.constant 1440 : index
      %swap3A_1128 = tpu.vector_load %arg6[%swap3A_1125, %swap3A_1126, %swap3A_1127] {strides = array<i32>} : memref<2x16x2048xf32, #tpu.memory_space<vmem>>, vector<16xf32>,
      tpu.vector_store %arg6[%swap3A_1125, %swap3A_1126, %swap3A_1127], %broadcast_in_dim3A_3 {strides = array<i32>} : memref<2x16x2048xf32, #tpu.memory_space<vmem>>, vector<16xf32>,
      %swap3A_1129 = arith.constant 0 : i32
      %swap3A_1130 = arith.index_cast %swap3A_1129 : i32 to index
      %swap3A_1131 = arith.index_cast %scan3A_218 : i32 to index
      %swap3A_1132 = arith.constant 1456 : index
      %swap3A_1133 = tpu.vector_load %arg6[%swap3A_1130, %swap3A_1131, %swap3A_1132] {strides = array<i32>} : memref<2x16x2048xf32, #tpu.memory_space<vmem>>, vector<16xf32>,
      tpu.vector_store %arg6[%swap3A_1130, %swap3A_1131, %swap3A_1132], %broadcast_in_dim3A_3 {strides = array<i32>} : memref<2x16x2048xf32, #tpu.memory_space<vmem>>, vector<16xf32>,
      %swap3A_1134 = arith.constant 1 : i32
      %swap3A_1135 = arith.index_cast %swap3A_1134 : i32 to index
      %swap3A_1136 = arith.index_cast %scan3A_218 : i32 to index
      %swap3A_1137 = arith.constant 1456 : index
      %swap3A_1138 = tpu.vector_load %arg6[%swap3A_1135, %swap3A_1136, %swap3A_1137] {strides = array<i32>} : memref<2x16x2048xf32, #tpu.memory_space<vmem>>, vector<16xf32>,
      tpu.vector_store %arg6[%swap3A_1135, %swap3A_1136, %swap3A_1137], %broadcast_in_dim3A_3 {strides = array<i32>} : memref<2x16x2048xf32, #tpu.memory_space<vmem>>, vector<16xf32>,
      %swap3A_1139 = arith.constant 0 : i32
      %swap3A_1140 = arith.index_cast %swap3A_1139 : i32 to index
      %swap3A_1141 = arith.index_cast %scan3A_218 : i32 to index
      %swap3A_1142 = arith.constant 1472 : index
      %swap3A_1143 = tpu.vector_load %arg6[%swap3A_1140, %swap3A_1141, %swap3A_1142] {strides = array<i32>} : memref<2x16x2048xf32, #tpu.memory_space<vmem>>, vector<16xf32>,
      tpu.vector_store %arg6[%swap3A_1140, %swap3A_1141, %swap3A_1142], %broadcast_in_dim3A_3 {strides = array<i32>} : memref<2x16x2048xf32, #tpu.memory_space<vmem>>, vector<16xf32>,
      %swap3A_1144 = arith.constant 1 : i32
      %swap3A_1145 = arith.index_cast %swap3A_1144 : i32 to index
      %swap3A_1146 = arith.index_cast %scan3A_218 : i32 to index
      %swap3A_1147 = arith.constant 1472 : index
      %swap3A_1148 = tpu.vector_load %arg6[%swap3A_1145, %swap3A_1146, %swap3A_1147] {strides = array<i32>} : memref<2x16x2048xf32, #tpu.memory_space<vmem>>, vector<16xf32>,
      tpu.vector_store %arg6[%swap3A_1145, %swap3A_1146, %swap3A_1147], %broadcast_in_dim3A_3 {strides = array<i32>} : memref<2x16x2048xf32, #tpu.memory_space<vmem>>, vector<16xf32>,
      %swap3A_1149 = arith.constant 0 : i32
      %swap3A_1150 = arith.index_cast %swap3A_1149 : i32 to index
      %swap3A_1151 = arith.index_cast %scan3A_218 : i32 to index
      %swap3A_1152 = arith.constant 1488 : index
      %swap3A_1153 = tpu.vector_load %arg6[%swap3A_1150, %swap3A_1151, %swap3A_1152] {strides = array<i32>} : memref<2x16x2048xf32, #tpu.memory_space<vmem>>, vector<16xf32>,
      tpu.vector_store %arg6[%swap3A_1150, %swap3A_1151, %swap3A_1152], %broadcast_in_dim3A_3 {strides = array<i32>} : memref<2x16x2048xf32, #tpu.memory_space<vmem>>, vector<16xf32>,
      %swap3A_1154 = arith.constant 1 : i32
      %swap3A_1155 = arith.index_cast %swap3A_1154 : i32 to index
      %swap3A_1156 = arith.index_cast %scan3A_218 : i32 to index
      %swap3A_1157 = arith.constant 1488 : index
      %swap3A_1158 = tpu.vector_load %arg6[%swap3A_1155, %swap3A_1156, %swap3A_1157] {strides = array<i32>} : memref<2x16x2048xf32, #tpu.memory_space<vmem>>, vector<16xf32>,
      tpu.vector_store %arg6[%swap3A_1155, %swap3A_1156, %swap3A_1157], %broadcast_in_dim3A_3 {strides = array<i32>} : memref<2x16x2048xf32, #tpu.memory_space<vmem>>, vector<16xf32>,
      %swap3A_1159 = arith.constant 0 : i32
      %swap3A_1160 = arith.index_cast %swap3A_1159 : i32 to index
      %swap3A_1161 = arith.index_cast %scan3A_218 : i32 to index
      %swap3A_1162 = arith.constant 1504 : index
      %swap3A_1163 = tpu.vector_load %arg6[%swap3A_1160, %swap3A_1161, %swap3A_1162] {strides = array<i32>} : memref<2x16x2048xf32, #tpu.memory_space<vmem>>, vector<16xf32>,
      tpu.vector_store %arg6[%swap3A_1160, %swap3A_1161, %swap3A_1162], %broadcast_in_dim3A_3 {strides = array<i32>} : memref<2x16x2048xf32, #tpu.memory_space<vmem>>, vector<16xf32>,
      %swap3A_1164 = arith.constant 1 : i32
      %swap3A_1165 = arith.index_cast %swap3A_1164 : i32 to index
      %swap3A_1166 = arith.index_cast %scan3A_218 : i32 to index
      %swap3A_1167 = arith.constant 1504 : index
      %swap3A_1168 = tpu.vector_load %arg6[%swap3A_1165, %swap3A_1166, %swap3A_1167] {strides = array<i32>} : memref<2x16x2048xf32, #tpu.memory_space<vmem>>, vector<16xf32>,
      tpu.vector_store %arg6[%swap3A_1165, %swap3A_1166, %swap3A_1167], %broadcast_in_dim3A_3 {strides = array<i32>} : memref<2x16x2048xf32, #tpu.memory_space<vmem>>, vector<16xf32>,
      %swap3A_1169 = arith.constant 0 : i32
      %swap3A_1170 = arith.index_cast %swap3A_1169 : i32 to index
      %swap3A_1171 = arith.index_cast %scan3A_218 : i32 to index
      %swap3A_1172 = arith.constant 1520 : index
      %swap3A_1173 = tpu.vector_load %arg6[%swap3A_1170, %swap3A_1171, %swap3A_1172] {strides = array<i32>} : memref<2x16x2048xf32, #tpu.memory_space<vmem>>, vector<16xf32>,
      tpu.vector_store %arg6[%swap3A_1170, %swap3A_1171, %swap3A_1172], %broadcast_in_dim3A_3 {strides = array<i32>} : memref<2x16x2048xf32, #tpu.memory_space<vmem>>, vector<16xf32>,
      %swap3A_1174 = arith.constant 1 : i32
      %swap3A_1175 = arith.index_cast %swap3A_1174 : i32 to index
      %swap3A_1176 = arith.index_cast %scan3A_218 : i32 to index
      %swap3A_1177 = arith.constant 1520 : index
      %swap3A_1178 = tpu.vector_load %arg6[%swap3A_1175, %swap3A_1176, %swap3A_1177] {strides = array<i32>} : memref<2x16x2048xf32, #tpu.memory_space<vmem>>, vector<16xf32>,
      tpu.vector_store %arg6[%swap3A_1175, %swap3A_1176, %swap3A_1177], %broadcast_in_dim3A_3 {strides = array<i32>} : memref<2x16x2048xf32, #tpu.memory_space<vmem>>, vector<16xf32>,
      %swap3A_1179 = arith.constant 0 : i32
      %swap3A_1180 = arith.index_cast %swap3A_1179 : i32 to index
      %swap3A_1181 = arith.index_cast %scan3A_218 : i32 to index
      %swap3A_1182 = arith.constant 1536 : index
      %swap3A_1183 = tpu.vector_load %arg6[%swap3A_1180, %swap3A_1181, %swap3A_1182] {strides = array<i32>} : memref<2x16x2048xf32, #tpu.memory_space<vmem>>, vector<16xf32>,
      tpu.vector_store %arg6[%swap3A_1180, %swap3A_1181, %swap3A_1182], %broadcast_in_dim3A_3 {strides = array<i32>} : memref<2x16x2048xf32, #tpu.memory_space<vmem>>, vector<16xf32>,
      %swap3A_1184 = arith.constant 1 : i32
      %swap3A_1185 = arith.index_cast %swap3A_1184 : i32 to index
      %swap3A_1186 = arith.index_cast %scan3A_218 : i32 to index
      %swap3A_1187 = arith.constant 1536 : index
      %swap3A_1188 = tpu.vector_load %arg6[%swap3A_1185, %swap3A_1186, %swap3A_1187] {strides = array<i32>} : memref<2x16x2048xf32, #tpu.memory_space<vmem>>, vector<16xf32>,
      tpu.vector_store %arg6[%swap3A_1185, %swap3A_1186, %swap3A_1187], %broadcast_in_dim3A_3 {strides = array<i32>} : memref<2x16x2048xf32, #tpu.memory_space<vmem>>, vector<16xf32>,
      %swap3A_1189 = arith.constant 0 : i32
      %swap3A_1190 = arith.index_cast %swap3A_1189 : i32 to index
      %swap3A_1191 = arith.index_cast %scan3A_218 : i32 to index
      %swap3A_1192 = arith.constant 1552 : index
      %swap3A_1193 = tpu.vector_load %arg6[%swap3A_1190, %swap3A_1191, %swap3A_1192] {strides = array<i32>} : memref<2x16x2048xf32, #tpu.memory_space<vmem>>, vector<16xf32>,
      tpu.vector_store %arg6[%swap3A_1190, %swap3A_1191, %swap3A_1192], %broadcast_in_dim3A_3 {strides = array<i32>} : memref<2x16x2048xf32, #tpu.memory_space<vmem>>, vector<16xf32>,
      %swap3A_1194 = arith.constant 1 : i32
      %swap3A_1195 = arith.index_cast %swap3A_1194 : i32 to index
      %swap3A_1196 = arith.index_cast %scan3A_218 : i32 to index
      %swap3A_1197 = arith.constant 1552 : index
      %swap3A_1198 = tpu.vector_load %arg6[%swap3A_1195, %swap3A_1196, %swap3A_1197] {strides = array<i32>} : memref<2x16x2048xf32, #tpu.memory_space<vmem>>, vector<16xf32>,
      tpu.vector_store %arg6[%swap3A_1195, %swap3A_1196, %swap3A_1197], %broadcast_in_dim3A_3 {strides = array<i32>} : memref<2x16x2048xf32, #tpu.memory_space<vmem>>, vector<16xf32>,
      %swap3A_1199 = arith.constant 0 : i32
      %swap3A_1200 = arith.index_cast %swap3A_1199 : i32 to index
      %swap3A_1201 = arith.index_cast %scan3A_218 : i32 to index
      %swap3A_1202 = arith.constant 1568 : index
      %swap3A_1203 = tpu.vector_load %arg6[%swap3A_1200, %swap3A_1201, %swap3A_1202] {strides = array<i32>} : memref<2x16x2048xf32, #tpu.memory_space<vmem>>, vector<16xf32>,
      tpu.vector_store %arg6[%swap3A_1200, %swap3A_1201, %swap3A_1202], %broadcast_in_dim3A_3 {strides = array<i32>} : memref<2x16x2048xf32, #tpu.memory_space<vmem>>, vector<16xf32>,
      %swap3A_1204 = arith.constant 1 : i32
      %swap3A_1205 = arith.index_cast %swap3A_1204 : i32 to index
      %swap3A_1206 = arith.index_cast %scan3A_218 : i32 to index
      %swap3A_1207 = arith.constant 1568 : index
      %swap3A_1208 = tpu.vector_load %arg6[%swap3A_1205, %swap3A_1206, %swap3A_1207] {strides = array<i32>} : memref<2x16x2048xf32, #tpu.memory_space<vmem>>, vector<16xf32>,
      tpu.vector_store %arg6[%swap3A_1205, %swap3A_1206, %swap3A_1207], %broadcast_in_dim3A_3 {strides = array<i32>} : memref<2x16x2048xf32, #tpu.memory_space<vmem>>, vector<16xf32>,
      %swap3A_1209 = arith.constant 0 : i32
      %swap3A_1210 = arith.index_cast %swap3A_1209 : i32 to index
      %swap3A_1211 = arith.index_cast %scan3A_218 : i32 to index
      %swap3A_1212 = arith.constant 1584 : index
      %swap3A_1213 = tpu.vector_load %arg6[%swap3A_1210, %swap3A_1211, %swap3A_1212] {strides = array<i32>} : memref<2x16x2048xf32, #tpu.memory_space<vmem>>, vector<16xf32>,
      tpu.vector_store %arg6[%swap3A_1210, %swap3A_1211, %swap3A_1212], %broadcast_in_dim3A_3 {strides = array<i32>} : memref<2x16x2048xf32, #tpu.memory_space<vmem>>, vector<16xf32>,
      %swap3A_1214 = arith.constant 1 : i32
      %swap3A_1215 = arith.index_cast %swap3A_1214 : i32 to index
      %swap3A_1216 = arith.index_cast %scan3A_218 : i32 to index
      %swap3A_1217 = arith.constant 1584 : index
      %swap3A_1218 = tpu.vector_load %arg6[%swap3A_1215, %swap3A_1216, %swap3A_1217] {strides = array<i32>} : memref<2x16x2048xf32, #tpu.memory_space<vmem>>, vector<16xf32>,
      tpu.vector_store %arg6[%swap3A_1215, %swap3A_1216, %swap3A_1217], %broadcast_in_dim3A_3 {strides = array<i32>} : memref<2x16x2048xf32, #tpu.memory_space<vmem>>, vector<16xf32>,
      %swap3A_1219 = arith.constant 0 : i32
      %swap3A_1220 = arith.index_cast %swap3A_1219 : i32 to index
      %swap3A_1221 = arith.index_cast %scan3A_218 : i32 to index
      %swap3A_1222 = arith.constant 1600 : index
      %swap3A_1223 = tpu.vector_load %arg6[%swap3A_1220, %swap3A_1221, %swap3A_1222] {strides = array<i32>} : memref<2x16x2048xf32, #tpu.memory_space<vmem>>, vector<16xf32>,
      tpu.vector_store %arg6[%swap3A_1220, %swap3A_1221, %swap3A_1222], %broadcast_in_dim3A_3 {strides = array<i32>} : memref<2x16x2048xf32, #tpu.memory_space<vmem>>, vector<16xf32>,
      %swap3A_1224 = arith.constant 1 : i32
      %swap3A_1225 = arith.index_cast %swap3A_1224 : i32 to index
      %swap3A_1226 = arith.index_cast %scan3A_218 : i32 to index
      %swap3A_1227 = arith.constant 1600 : index
      %swap3A_1228 = tpu.vector_load %arg6[%swap3A_1225, %swap3A_1226, %swap3A_1227] {strides = array<i32>} : memref<2x16x2048xf32, #tpu.memory_space<vmem>>, vector<16xf32>,
      tpu.vector_store %arg6[%swap3A_1225, %swap3A_1226, %swap3A_1227], %broadcast_in_dim3A_3 {strides = array<i32>} : memref<2x16x2048xf32, #tpu.memory_space<vmem>>, vector<16xf32>,
      %swap3A_1229 = arith.constant 0 : i32
      %swap3A_1230 = arith.index_cast %swap3A_1229 : i32 to index
      %swap3A_1231 = arith.index_cast %scan3A_218 : i32 to index
      %swap3A_1232 = arith.constant 1616 : index
      %swap3A_1233 = tpu.vector_load %arg6[%swap3A_1230, %swap3A_1231, %swap3A_1232] {strides = array<i32>} : memref<2x16x2048xf32, #tpu.memory_space<vmem>>, vector<16xf32>,
      tpu.vector_store %arg6[%swap3A_1230, %swap3A_1231, %swap3A_1232], %broadcast_in_dim3A_3 {strides = array<i32>} : memref<2x16x2048xf32, #tpu.memory_space<vmem>>, vector<16xf32>,
      %swap3A_1234 = arith.constant 1 : i32
      %swap3A_1235 = arith.index_cast %swap3A_1234 : i32 to index
      %swap3A_1236 = arith.index_cast %scan3A_218 : i32 to index
      %swap3A_1237 = arith.constant 1616 : index
      %swap3A_1238 = tpu.vector_load %arg6[%swap3A_1235, %swap3A_1236, %swap3A_1237] {strides = array<i32>} : memref<2x16x2048xf32, #tpu.memory_space<vmem>>, vector<16xf32>,
      tpu.vector_store %arg6[%swap3A_1235, %swap3A_1236, %swap3A_1237], %broadcast_in_dim3A_3 {strides = array<i32>} : memref<2x16x2048xf32, #tpu.memory_space<vmem>>, vector<16xf32>,
      %swap3A_1239 = arith.constant 0 : i32
      %swap3A_1240 = arith.index_cast %swap3A_1239 : i32 to index
      %swap3A_1241 = arith.index_cast %scan3A_218 : i32 to index
      %swap3A_1242 = arith.constant 1632 : index
      %swap3A_1243 = tpu.vector_load %arg6[%swap3A_1240, %swap3A_1241, %swap3A_1242] {strides = array<i32>} : memref<2x16x2048xf32, #tpu.memory_space<vmem>>, vector<16xf32>,
      tpu.vector_store %arg6[%swap3A_1240, %swap3A_1241, %swap3A_1242], %broadcast_in_dim3A_3 {strides = array<i32>} : memref<2x16x2048xf32, #tpu.memory_space<vmem>>, vector<16xf32>,
      %swap3A_1244 = arith.constant 1 : i32
      %swap3A_1245 = arith.index_cast %swap3A_1244 : i32 to index
      %swap3A_1246 = arith.index_cast %scan3A_218 : i32 to index
      %swap3A_1247 = arith.constant 1632 : index
      %swap3A_1248 = tpu.vector_load %arg6[%swap3A_1245, %swap3A_1246, %swap3A_1247] {strides = array<i32>} : memref<2x16x2048xf32, #tpu.memory_space<vmem>>, vector<16xf32>,
      tpu.vector_store %arg6[%swap3A_1245, %swap3A_1246, %swap3A_1247], %broadcast_in_dim3A_3 {strides = array<i32>} : memref<2x16x2048xf32, #tpu.memory_space<vmem>>, vector<16xf32>,
      %swap3A_1249 = arith.constant 0 : i32
      %swap3A_1250 = arith.index_cast %swap3A_1249 : i32 to index
      %swap3A_1251 = arith.index_cast %scan3A_218 : i32 to index
      %swap3A_1252 = arith.constant 1648 : index
      %swap3A_1253 = tpu.vector_load %arg6[%swap3A_1250, %swap3A_1251, %swap3A_1252] {strides = array<i32>} : memref<2x16x2048xf32, #tpu.memory_space<vmem>>, vector<16xf32>,
      tpu.vector_store %arg6[%swap3A_1250, %swap3A_1251, %swap3A_1252], %broadcast_in_dim3A_3 {strides = array<i32>} : memref<2x16x2048xf32, #tpu.memory_space<vmem>>, vector<16xf32>,
      %swap3A_1254 = arith.constant 1 : i32
      %swap3A_1255 = arith.index_cast %swap3A_1254 : i32 to index
      %swap3A_1256 = arith.index_cast %scan3A_218 : i32 to index
      %swap3A_1257 = arith.constant 1648 : index
      %swap3A_1258 = tpu.vector_load %arg6[%swap3A_1255, %swap3A_1256, %swap3A_1257] {strides = array<i32>} : memref<2x16x2048xf32, #tpu.memory_space<vmem>>, vector<16xf32>,
      tpu.vector_store %arg6[%swap3A_1255, %swap3A_1256, %swap3A_1257], %broadcast_in_dim3A_3 {strides = array<i32>} : memref<2x16x2048xf32, #tpu.memory_space<vmem>>, vector<16xf32>,
      %swap3A_1259 = arith.constant 0 : i32
      %swap3A_1260 = arith.index_cast %swap3A_1259 : i32 to index
      %swap3A_1261 = arith.index_cast %scan3A_218 : i32 to index
      %swap3A_1262 = arith.constant 1664 : index
      %swap3A_1263 = tpu.vector_load %arg6[%swap3A_1260, %swap3A_1261, %swap3A_1262] {strides = array<i32>} : memref<2x16x2048xf32, #tpu.memory_space<vmem>>, vector<16xf32>,
      tpu.vector_store %arg6[%swap3A_1260, %swap3A_1261, %swap3A_1262], %broadcast_in_dim3A_3 {strides = array<i32>} : memref<2x16x2048xf32, #tpu.memory_space<vmem>>, vector<16xf32>,
      %swap3A_1264 = arith.constant 1 : i32
      %swap3A_1265 = arith.index_cast %swap3A_1264 : i32 to index
      %swap3A_1266 = arith.index_cast %scan3A_218 : i32 to index
      %swap3A_1267 = arith.constant 1664 : index
      %swap3A_1268 = tpu.vector_load %arg6[%swap3A_1265, %swap3A_1266, %swap3A_1267] {strides = array<i32>} : memref<2x16x2048xf32, #tpu.memory_space<vmem>>, vector<16xf32>,
      tpu.vector_store %arg6[%swap3A_1265, %swap3A_1266, %swap3A_1267], %broadcast_in_dim3A_3 {strides = array<i32>} : memref<2x16x2048xf32, #tpu.memory_space<vmem>>, vector<16xf32>,
      %swap3A_1269 = arith.constant 0 : i32
      %swap3A_1270 = arith.index_cast %swap3A_1269 : i32 to index
      %swap3A_1271 = arith.index_cast %scan3A_218 : i32 to index
      %swap3A_1272 = arith.constant 1680 : index
      %swap3A_1273 = tpu.vector_load %arg6[%swap3A_1270, %swap3A_1271, %swap3A_1272] {strides = array<i32>} : memref<2x16x2048xf32, #tpu.memory_space<vmem>>, vector<16xf32>,
      tpu.vector_store %arg6[%swap3A_1270, %swap3A_1271, %swap3A_1272], %broadcast_in_dim3A_3 {strides = array<i32>} : memref<2x16x2048xf32, #tpu.memory_space<vmem>>, vector<16xf32>,
      %swap3A_1274 = arith.constant 1 : i32
      %swap3A_1275 = arith.index_cast %swap3A_1274 : i32 to index
      %swap3A_1276 = arith.index_cast %scan3A_218 : i32 to index
      %swap3A_1277 = arith.constant 1680 : index
      %swap3A_1278 = tpu.vector_load %arg6[%swap3A_1275, %swap3A_1276, %swap3A_1277] {strides = array<i32>} : memref<2x16x2048xf32, #tpu.memory_space<vmem>>, vector<16xf32>,
      tpu.vector_store %arg6[%swap3A_1275, %swap3A_1276, %swap3A_1277], %broadcast_in_dim3A_3 {strides = array<i32>} : memref<2x16x2048xf32, #tpu.memory_space<vmem>>, vector<16xf32>,
      %swap3A_1279 = arith.constant 0 : i32
      %swap3A_1280 = arith.index_cast %swap3A_1279 : i32 to index
      %swap3A_1281 = arith.index_cast %scan3A_218 : i32 to index
      %swap3A_1282 = arith.constant 1696 : index
      %swap3A_1283 = tpu.vector_load %arg6[%swap3A_1280, %swap3A_1281, %swap3A_1282] {strides = array<i32>} : memref<2x16x2048xf32, #tpu.memory_space<vmem>>, vector<16xf32>,
      tpu.vector_store %arg6[%swap3A_1280, %swap3A_1281, %swap3A_1282], %broadcast_in_dim3A_3 {strides = array<i32>} : memref<2x16x2048xf32, #tpu.memory_space<vmem>>, vector<16xf32>,
      %swap3A_1284 = arith.constant 1 : i32
      %swap3A_1285 = arith.index_cast %swap3A_1284 : i32 to index
      %swap3A_1286 = arith.index_cast %scan3A_218 : i32 to index
      %swap3A_1287 = arith.constant 1696 : index
      %swap3A_1288 = tpu.vector_load %arg6[%swap3A_1285, %swap3A_1286, %swap3A_1287] {strides = array<i32>} : memref<2x16x2048xf32, #tpu.memory_space<vmem>>, vector<16xf32>,
      tpu.vector_store %arg6[%swap3A_1285, %swap3A_1286, %swap3A_1287], %broadcast_in_dim3A_3 {strides = array<i32>} : memref<2x16x2048xf32, #tpu.memory_space<vmem>>, vector<16xf32>,
      %swap3A_1289 = arith.constant 0 : i32
      %swap3A_1290 = arith.index_cast %swap3A_1289 : i32 to index
      %swap3A_1291 = arith.index_cast %scan3A_218 : i32 to index
      %swap3A_1292 = arith.constant 1712 : index
      %swap3A_1293 = tpu.vector_load %arg6[%swap3A_1290, %swap3A_1291, %swap3A_1292] {strides = array<i32>} : memref<2x16x2048xf32, #tpu.memory_space<vmem>>, vector<16xf32>,
      tpu.vector_store %arg6[%swap3A_1290, %swap3A_1291, %swap3A_1292], %broadcast_in_dim3A_3 {strides = array<i32>} : memref<2x16x2048xf32, #tpu.memory_space<vmem>>, vector<16xf32>,
      %swap3A_1294 = arith.constant 1 : i32
      %swap3A_1295 = arith.index_cast %swap3A_1294 : i32 to index
      %swap3A_1296 = arith.index_cast %scan3A_218 : i32 to index
      %swap3A_1297 = arith.constant 1712 : index
      %swap3A_1298 = tpu.vector_load %arg6[%swap3A_1295, %swap3A_1296, %swap3A_1297] {strides = array<i32>} : memref<2x16x2048xf32, #tpu.memory_space<vmem>>, vector<16xf32>,
      tpu.vector_store %arg6[%swap3A_1295, %swap3A_1296, %swap3A_1297], %broadcast_in_dim3A_3 {strides = array<i32>} : memref<2x16x2048xf32, #tpu.memory_space<vmem>>, vector<16xf32>,
      %swap3A_1299 = arith.constant 0 : i32
      %swap3A_1300 = arith.index_cast %swap3A_1299 : i32 to index
      %swap3A_1301 = arith.index_cast %scan3A_218 : i32 to index
      %swap3A_1302 = arith.constant 1728 : index
      %swap3A_1303 = tpu.vector_load %arg6[%swap3A_1300, %swap3A_1301, %swap3A_1302] {strides = array<i32>} : memref<2x16x2048xf32, #tpu.memory_space<vmem>>, vector<16xf32>,
      tpu.vector_store %arg6[%swap3A_1300, %swap3A_1301, %swap3A_1302], %broadcast_in_dim3A_3 {strides = array<i32>} : memref<2x16x2048xf32, #tpu.memory_space<vmem>>, vector<16xf32>,
      %swap3A_1304 = arith.constant 1 : i32
      %swap3A_1305 = arith.index_cast %swap3A_1304 : i32 to index
      %swap3A_1306 = arith.index_cast %scan3A_218 : i32 to index
      %swap3A_1307 = arith.constant 1728 : index
      %swap3A_1308 = tpu.vector_load %arg6[%swap3A_1305, %swap3A_1306, %swap3A_1307] {strides = array<i32>} : memref<2x16x2048xf32, #tpu.memory_space<vmem>>, vector<16xf32>,
      tpu.vector_store %arg6[%swap3A_1305, %swap3A_1306, %swap3A_1307], %broadcast_in_dim3A_3 {strides = array<i32>} : memref<2x16x2048xf32, #tpu.memory_space<vmem>>, vector<16xf32>,
      %swap3A_1309 = arith.constant 0 : i32
      %swap3A_1310 = arith.index_cast %swap3A_1309 : i32 to index
      %swap3A_1311 = arith.index_cast %scan3A_218 : i32 to index
      %swap3A_1312 = arith.constant 1744 : index
      %swap3A_1313 = tpu.vector_load %arg6[%swap3A_1310, %swap3A_1311, %swap3A_1312] {strides = array<i32>} : memref<2x16x2048xf32, #tpu.memory_space<vmem>>, vector<16xf32>,
      tpu.vector_store %arg6[%swap3A_1310, %swap3A_1311, %swap3A_1312], %broadcast_in_dim3A_3 {strides = array<i32>} : memref<2x16x2048xf32, #tpu.memory_space<vmem>>, vector<16xf32>,
      %swap3A_1314 = arith.constant 1 : i32
      %swap3A_1315 = arith.index_cast %swap3A_1314 : i32 to index
      %swap3A_1316 = arith.index_cast %scan3A_218 : i32 to index
      %swap3A_1317 = arith.constant 1744 : index
      %swap3A_1318 = tpu.vector_load %arg6[%swap3A_1315, %swap3A_1316, %swap3A_1317] {strides = array<i32>} : memref<2x16x2048xf32, #tpu.memory_space<vmem>>, vector<16xf32>,
      tpu.vector_store %arg6[%swap3A_1315, %swap3A_1316, %swap3A_1317], %broadcast_in_dim3A_3 {strides = array<i32>} : memref<2x16x2048xf32, #tpu.memory_space<vmem>>, vector<16xf32>,
      %swap3A_1319 = arith.constant 0 : i32
      %swap3A_1320 = arith.index_cast %swap3A_1319 : i32 to index
      %swap3A_1321 = arith.index_cast %scan3A_218 : i32 to index
      %swap3A_1322 = arith.constant 1760 : index
      %swap3A_1323 = tpu.vector_load %arg6[%swap3A_1320, %swap3A_1321, %swap3A_1322] {strides = array<i32>} : memref<2x16x2048xf32, #tpu.memory_space<vmem>>, vector<16xf32>,
      tpu.vector_store %arg6[%swap3A_1320, %swap3A_1321, %swap3A_1322], %broadcast_in_dim3A_3 {strides = array<i32>} : memref<2x16x2048xf32, #tpu.memory_space<vmem>>, vector<16xf32>,
      %swap3A_1324 = arith.constant 1 : i32
      %swap3A_1325 = arith.index_cast %swap3A_1324 : i32 to index
      %swap3A_1326 = arith.index_cast %scan3A_218 : i32 to index
      %swap3A_1327 = arith.constant 1760 : index
      %swap3A_1328 = tpu.vector_load %arg6[%swap3A_1325, %swap3A_1326, %swap3A_1327] {strides = array<i32>} : memref<2x16x2048xf32, #tpu.memory_space<vmem>>, vector<16xf32>,
      tpu.vector_store %arg6[%swap3A_1325, %swap3A_1326, %swap3A_1327], %broadcast_in_dim3A_3 {strides = array<i32>} : memref<2x16x2048xf32, #tpu.memory_space<vmem>>, vector<16xf32>,
      %swap3A_1329 = arith.constant 0 : i32
      %swap3A_1330 = arith.index_cast %swap3A_1329 : i32 to index
      %swap3A_1331 = arith.index_cast %scan3A_218 : i32 to index
      %swap3A_1332 = arith.constant 1776 : index
      %swap3A_1333 = tpu.vector_load %arg6[%swap3A_1330, %swap3A_1331, %swap3A_1332] {strides = array<i32>} : memref<2x16x2048xf32, #tpu.memory_space<vmem>>, vector<16xf32>,
      tpu.vector_store %arg6[%swap3A_1330, %swap3A_1331, %swap3A_1332], %broadcast_in_dim3A_3 {strides = array<i32>} : memref<2x16x2048xf32, #tpu.memory_space<vmem>>, vector<16xf32>,
      %swap3A_1334 = arith.constant 1 : i32
      %swap3A_1335 = arith.index_cast %swap3A_1334 : i32 to index
      %swap3A_1336 = arith.index_cast %scan3A_218 : i32 to index
      %swap3A_1337 = arith.constant 1776 : index
      %swap3A_1338 = tpu.vector_load %arg6[%swap3A_1335, %swap3A_1336, %swap3A_1337] {strides = array<i32>} : memref<2x16x2048xf32, #tpu.memory_space<vmem>>, vector<16xf32>,
      tpu.vector_store %arg6[%swap3A_1335, %swap3A_1336, %swap3A_1337], %broadcast_in_dim3A_3 {strides = array<i32>} : memref<2x16x2048xf32, #tpu.memory_space<vmem>>, vector<16xf32>,
      %swap3A_1339 = arith.constant 0 : i32
      %swap3A_1340 = arith.index_cast %swap3A_1339 : i32 to index
      %swap3A_1341 = arith.index_cast %scan3A_218 : i32 to index
      %swap3A_1342 = arith.constant 1792 : index
      %swap3A_1343 = tpu.vector_load %arg6[%swap3A_1340, %swap3A_1341, %swap3A_1342] {strides = array<i32>} : memref<2x16x2048xf32, #tpu.memory_space<vmem>>, vector<16xf32>,
      tpu.vector_store %arg6[%swap3A_1340, %swap3A_1341, %swap3A_1342], %broadcast_in_dim3A_3 {strides = array<i32>} : memref<2x16x2048xf32, #tpu.memory_space<vmem>>, vector<16xf32>,
      %swap3A_1344 = arith.constant 1 : i32
      %swap3A_1345 = arith.index_cast %swap3A_1344 : i32 to index
      %swap3A_1346 = arith.index_cast %scan3A_218 : i32 to index
      %swap3A_1347 = arith.constant 1792 : index
      %swap3A_1348 = tpu.vector_load %arg6[%swap3A_1345, %swap3A_1346, %swap3A_1347] {strides = array<i32>} : memref<2x16x2048xf32, #tpu.memory_space<vmem>>, vector<16xf32>,
      tpu.vector_store %arg6[%swap3A_1345, %swap3A_1346, %swap3A_1347], %broadcast_in_dim3A_3 {strides = array<i32>} : memref<2x16x2048xf32, #tpu.memory_space<vmem>>, vector<16xf32>,
      %swap3A_1349 = arith.constant 0 : i32
      %swap3A_1350 = arith.index_cast %swap3A_1349 : i32 to index
      %swap3A_1351 = arith.index_cast %scan3A_218 : i32 to index
      %swap3A_1352 = arith.constant 1808 : index
      %swap3A_1353 = tpu.vector_load %arg6[%swap3A_1350, %swap3A_1351, %swap3A_1352] {strides = array<i32>} : memref<2x16x2048xf32, #tpu.memory_space<vmem>>, vector<16xf32>,
      tpu.vector_store %arg6[%swap3A_1350, %swap3A_1351, %swap3A_1352], %broadcast_in_dim3A_3 {strides = array<i32>} : memref<2x16x2048xf32, #tpu.memory_space<vmem>>, vector<16xf32>,
      %swap3A_1354 = arith.constant 1 : i32
      %swap3A_1355 = arith.index_cast %swap3A_1354 : i32 to index
      %swap3A_1356 = arith.index_cast %scan3A_218 : i32 to index
      %swap3A_1357 = arith.constant 1808 : index
      %swap3A_1358 = tpu.vector_load %arg6[%swap3A_1355, %swap3A_1356, %swap3A_1357] {strides = array<i32>} : memref<2x16x2048xf32, #tpu.memory_space<vmem>>, vector<16xf32>,
      tpu.vector_store %arg6[%swap3A_1355, %swap3A_1356, %swap3A_1357], %broadcast_in_dim3A_3 {strides = array<i32>} : memref<2x16x2048xf32, #tpu.memory_space<vmem>>, vector<16xf32>,
      %swap3A_1359 = arith.constant 0 : i32
      %swap3A_1360 = arith.index_cast %swap3A_1359 : i32 to index
      %swap3A_1361 = arith.index_cast %scan3A_218 : i32 to index
      %swap3A_1362 = arith.constant 1824 : index
      %swap3A_1363 = tpu.vector_load %arg6[%swap3A_1360, %swap3A_1361, %swap3A_1362] {strides = array<i32>} : memref<2x16x2048xf32, #tpu.memory_space<vmem>>, vector<16xf32>,
      tpu.vector_store %arg6[%swap3A_1360, %swap3A_1361, %swap3A_1362], %broadcast_in_dim3A_3 {strides = array<i32>} : memref<2x16x2048xf32, #tpu.memory_space<vmem>>, vector<16xf32>,
      %swap3A_1364 = arith.constant 1 : i32
      %swap3A_1365 = arith.index_cast %swap3A_1364 : i32 to index
      %swap3A_1366 = arith.index_cast %scan3A_218 : i32 to index
      %swap3A_1367 = arith.constant 1824 : index
      %swap3A_1368 = tpu.vector_load %arg6[%swap3A_1365, %swap3A_1366, %swap3A_1367] {strides = array<i32>} : memref<2x16x2048xf32, #tpu.memory_space<vmem>>, vector<16xf32>,
      tpu.vector_store %arg6[%swap3A_1365, %swap3A_1366, %swap3A_1367], %broadcast_in_dim3A_3 {strides = array<i32>} : memref<2x16x2048xf32, #tpu.memory_space<vmem>>, vector<16xf32>,
      %swap3A_1369 = arith.constant 0 : i32
      %swap3A_1370 = arith.index_cast %swap3A_1369 : i32 to index
      %swap3A_1371 = arith.index_cast %scan3A_218 : i32 to index
      %swap3A_1372 = arith.constant 1840 : index
      %swap3A_1373 = tpu.vector_load %arg6[%swap3A_1370, %swap3A_1371, %swap3A_1372] {strides = array<i32>} : memref<2x16x2048xf32, #tpu.memory_space<vmem>>, vector<16xf32>,
      tpu.vector_store %arg6[%swap3A_1370, %swap3A_1371, %swap3A_1372], %broadcast_in_dim3A_3 {strides = array<i32>} : memref<2x16x2048xf32, #tpu.memory_space<vmem>>, vector<16xf32>,
      %swap3A_1374 = arith.constant 1 : i32
      %swap3A_1375 = arith.index_cast %swap3A_1374 : i32 to index
      %swap3A_1376 = arith.index_cast %scan3A_218 : i32 to index
      %swap3A_1377 = arith.constant 1840 : index
      %swap3A_1378 = tpu.vector_load %arg6[%swap3A_1375, %swap3A_1376, %swap3A_1377] {strides = array<i32>} : memref<2x16x2048xf32, #tpu.memory_space<vmem>>, vector<16xf32>,
      tpu.vector_store %arg6[%swap3A_1375, %swap3A_1376, %swap3A_1377], %broadcast_in_dim3A_3 {strides = array<i32>} : memref<2x16x2048xf32, #tpu.memory_space<vmem>>, vector<16xf32>,
      %swap3A_1379 = arith.constant 0 : i32
      %swap3A_1380 = arith.index_cast %swap3A_1379 : i32 to index
      %swap3A_1381 = arith.index_cast %scan3A_218 : i32 to index
      %swap3A_1382 = arith.constant 1856 : index
      %swap3A_1383 = tpu.vector_load %arg6[%swap3A_1380, %swap3A_1381, %swap3A_1382] {strides = array<i32>} : memref<2x16x2048xf32, #tpu.memory_space<vmem>>, vector<16xf32>,
      tpu.vector_store %arg6[%swap3A_1380, %swap3A_1381, %swap3A_1382], %broadcast_in_dim3A_3 {strides = array<i32>} : memref<2x16x2048xf32, #tpu.memory_space<vmem>>, vector<16xf32>,
      %swap3A_1384 = arith.constant 1 : i32
      %swap3A_1385 = arith.index_cast %swap3A_1384 : i32 to index
      %swap3A_1386 = arith.index_cast %scan3A_218 : i32 to index
      %swap3A_1387 = arith.constant 1856 : index
      %swap3A_1388 = tpu.vector_load %arg6[%swap3A_1385, %swap3A_1386, %swap3A_1387] {strides = array<i32>} : memref<2x16x2048xf32, #tpu.memory_space<vmem>>, vector<16xf32>,
      tpu.vector_store %arg6[%swap3A_1385, %swap3A_1386, %swap3A_1387], %broadcast_in_dim3A_3 {strides = array<i32>} : memref<2x16x2048xf32, #tpu.memory_space<vmem>>, vector<16xf32>,
      %swap3A_1389 = arith.constant 0 : i32
      %swap3A_1390 = arith.index_cast %swap3A_1389 : i32 to index
      %swap3A_1391 = arith.index_cast %scan3A_218 : i32 to index
      %swap3A_1392 = arith.constant 1872 : index
      %swap3A_1393 = tpu.vector_load %arg6[%swap3A_1390, %swap3A_1391, %swap3A_1392] {strides = array<i32>} : memref<2x16x2048xf32, #tpu.memory_space<vmem>>, vector<16xf32>,
      tpu.vector_store %arg6[%swap3A_1390, %swap3A_1391, %swap3A_1392], %broadcast_in_dim3A_3 {strides = array<i32>} : memref<2x16x2048xf32, #tpu.memory_space<vmem>>, vector<16xf32>,
      %swap3A_1394 = arith.constant 1 : i32
      %swap3A_1395 = arith.index_cast %swap3A_1394 : i32 to index
      %swap3A_1396 = arith.index_cast %scan3A_218 : i32 to index
      %swap3A_1397 = arith.constant 1872 : index
      %swap3A_1398 = tpu.vector_load %arg6[%swap3A_1395, %swap3A_1396, %swap3A_1397] {strides = array<i32>} : memref<2x16x2048xf32, #tpu.memory_space<vmem>>, vector<16xf32>,
      tpu.vector_store %arg6[%swap3A_1395, %swap3A_1396, %swap3A_1397], %broadcast_in_dim3A_3 {strides = array<i32>} : memref<2x16x2048xf32, #tpu.memory_space<vmem>>, vector<16xf32>,
      %swap3A_1399 = arith.constant 0 : i32
      %swap3A_1400 = arith.index_cast %swap3A_1399 : i32 to index
      %swap3A_1401 = arith.index_cast %scan3A_218 : i32 to index
      %swap3A_1402 = arith.constant 1888 : index
      %swap3A_1403 = tpu.vector_load %arg6[%swap3A_1400, %swap3A_1401, %swap3A_1402] {strides = array<i32>} : memref<2x16x2048xf32, #tpu.memory_space<vmem>>, vector<16xf32>,
      tpu.vector_store %arg6[%swap3A_1400, %swap3A_1401, %swap3A_1402], %broadcast_in_dim3A_3 {strides = array<i32>} : memref<2x16x2048xf32, #tpu.memory_space<vmem>>, vector<16xf32>,
      %swap3A_1404 = arith.constant 1 : i32
      %swap3A_1405 = arith.index_cast %swap3A_1404 : i32 to index
      %swap3A_1406 = arith.index_cast %scan3A_218 : i32 to index
      %swap3A_1407 = arith.constant 1888 : index
      %swap3A_1408 = tpu.vector_load %arg6[%swap3A_1405, %swap3A_1406, %swap3A_1407] {strides = array<i32>} : memref<2x16x2048xf32, #tpu.memory_space<vmem>>, vector<16xf32>,
      tpu.vector_store %arg6[%swap3A_1405, %swap3A_1406, %swap3A_1407], %broadcast_in_dim3A_3 {strides = array<i32>} : memref<2x16x2048xf32, #tpu.memory_space<vmem>>, vector<16xf32>,
      %swap3A_1409 = arith.constant 0 : i32
      %swap3A_1410 = arith.index_cast %swap3A_1409 : i32 to index
      %swap3A_1411 = arith.index_cast %scan3A_218 : i32 to index
      %swap3A_1412 = arith.constant 1904 : index
      %swap3A_1413 = tpu.vector_load %arg6[%swap3A_1410, %swap3A_1411, %swap3A_1412] {strides = array<i32>} : memref<2x16x2048xf32, #tpu.memory_space<vmem>>, vector<16xf32>,
      tpu.vector_store %arg6[%swap3A_1410, %swap3A_1411, %swap3A_1412], %broadcast_in_dim3A_3 {strides = array<i32>} : memref<2x16x2048xf32, #tpu.memory_space<vmem>>, vector<16xf32>,
      %swap3A_1414 = arith.constant 1 : i32
      %swap3A_1415 = arith.index_cast %swap3A_1414 : i32 to index
      %swap3A_1416 = arith.index_cast %scan3A_218 : i32 to index
      %swap3A_1417 = arith.constant 1904 : index
      %swap3A_1418 = tpu.vector_load %arg6[%swap3A_1415, %swap3A_1416, %swap3A_1417] {strides = array<i32>} : memref<2x16x2048xf32, #tpu.memory_space<vmem>>, vector<16xf32>,
      tpu.vector_store %arg6[%swap3A_1415, %swap3A_1416, %swap3A_1417], %broadcast_in_dim3A_3 {strides = array<i32>} : memref<2x16x2048xf32, #tpu.memory_space<vmem>>, vector<16xf32>,
      %swap3A_1419 = arith.constant 0 : i32
      %swap3A_1420 = arith.index_cast %swap3A_1419 : i32 to index
      %swap3A_1421 = arith.index_cast %scan3A_218 : i32 to index
      %swap3A_1422 = arith.constant 1920 : index
      %swap3A_1423 = tpu.vector_load %arg6[%swap3A_1420, %swap3A_1421, %swap3A_1422] {strides = array<i32>} : memref<2x16x2048xf32, #tpu.memory_space<vmem>>, vector<16xf32>,
      tpu.vector_store %arg6[%swap3A_1420, %swap3A_1421, %swap3A_1422], %broadcast_in_dim3A_3 {strides = array<i32>} : memref<2x16x2048xf32, #tpu.memory_space<vmem>>, vector<16xf32>,
      %swap3A_1424 = arith.constant 1 : i32
      %swap3A_1425 = arith.index_cast %swap3A_1424 : i32 to index
      %swap3A_1426 = arith.index_cast %scan3A_218 : i32 to index
      %swap3A_1427 = arith.constant 1920 : index
      %swap3A_1428 = tpu.vector_load %arg6[%swap3A_1425, %swap3A_1426, %swap3A_1427] {strides = array<i32>} : memref<2x16x2048xf32, #tpu.memory_space<vmem>>, vector<16xf32>,
      tpu.vector_store %arg6[%swap3A_1425, %swap3A_1426, %swap3A_1427], %broadcast_in_dim3A_3 {strides = array<i32>} : memref<2x16x2048xf32, #tpu.memory_space<vmem>>, vector<16xf32>,
      %swap3A_1429 = arith.constant 0 : i32
      %swap3A_1430 = arith.index_cast %swap3A_1429 : i32 to index
      %swap3A_1431 = arith.index_cast %scan3A_218 : i32 to index
      %swap3A_1432 = arith.constant 1936 : index
      %swap3A_1433 = tpu.vector_load %arg6[%swap3A_1430, %swap3A_1431, %swap3A_1432] {strides = array<i32>} : memref<2x16x2048xf32, #tpu.memory_space<vmem>>, vector<16xf32>,
      tpu.vector_store %arg6[%swap3A_1430, %swap3A_1431, %swap3A_1432], %broadcast_in_dim3A_3 {strides = array<i32>} : memref<2x16x2048xf32, #tpu.memory_space<vmem>>, vector<16xf32>,
      %swap3A_1434 = arith.constant 1 : i32
      %swap3A_1435 = arith.index_cast %swap3A_1434 : i32 to index
      %swap3A_1436 = arith.index_cast %scan3A_218 : i32 to index
      %swap3A_1437 = arith.constant 1936 : index
      %swap3A_1438 = tpu.vector_load %arg6[%swap3A_1435, %swap3A_1436, %swap3A_1437] {strides = array<i32>} : memref<2x16x2048xf32, #tpu.memory_space<vmem>>, vector<16xf32>,
      tpu.vector_store %arg6[%swap3A_1435, %swap3A_1436, %swap3A_1437], %broadcast_in_dim3A_3 {strides = array<i32>} : memref<2x16x2048xf32, #tpu.memory_space<vmem>>, vector<16xf32>,
      %swap3A_1439 = arith.constant 0 : i32
      %swap3A_1440 = arith.index_cast %swap3A_1439 : i32 to index
      %swap3A_1441 = arith.index_cast %scan3A_218 : i32 to index
      %swap3A_1442 = arith.constant 1952 : index
      %swap3A_1443 = tpu.vector_load %arg6[%swap3A_1440, %swap3A_1441, %swap3A_1442] {strides = array<i32>} : memref<2x16x2048xf32, #tpu.memory_space<vmem>>, vector<16xf32>,
      tpu.vector_store %arg6[%swap3A_1440, %swap3A_1441, %swap3A_1442], %broadcast_in_dim3A_3 {strides = array<i32>} : memref<2x16x2048xf32, #tpu.memory_space<vmem>>, vector<16xf32>,
      %swap3A_1444 = arith.constant 1 : i32
      %swap3A_1445 = arith.index_cast %swap3A_1444 : i32 to index
      %swap3A_1446 = arith.index_cast %scan3A_218 : i32 to index
      %swap3A_1447 = arith.constant 1952 : index
      %swap3A_1448 = tpu.vector_load %arg6[%swap3A_1445, %swap3A_1446, %swap3A_1447] {strides = array<i32>} : memref<2x16x2048xf32, #tpu.memory_space<vmem>>, vector<16xf32>,
      tpu.vector_store %arg6[%swap3A_1445, %swap3A_1446, %swap3A_1447], %broadcast_in_dim3A_3 {strides = array<i32>} : memref<2x16x2048xf32, #tpu.memory_space<vmem>>, vector<16xf32>,
      %swap3A_1449 = arith.constant 0 : i32
      %swap3A_1450 = arith.index_cast %swap3A_1449 : i32 to index
      %swap3A_1451 = arith.index_cast %scan3A_218 : i32 to index
      %swap3A_1452 = arith.constant 1968 : index
      %swap3A_1453 = tpu.vector_load %arg6[%swap3A_1450, %swap3A_1451, %swap3A_1452] {strides = array<i32>} : memref<2x16x2048xf32, #tpu.memory_space<vmem>>, vector<16xf32>,
      tpu.vector_store %arg6[%swap3A_1450, %swap3A_1451, %swap3A_1452], %broadcast_in_dim3A_3 {strides = array<i32>} : memref<2x16x2048xf32, #tpu.memory_space<vmem>>, vector<16xf32>,
      %swap3A_1454 = arith.constant 1 : i32
      %swap3A_1455 = arith.index_cast %swap3A_1454 : i32 to index
      %swap3A_1456 = arith.index_cast %scan3A_218 : i32 to index
      %swap3A_1457 = arith.constant 1968 : index
      %swap3A_1458 = tpu.vector_load %arg6[%swap3A_1455, %swap3A_1456, %swap3A_1457] {strides = array<i32>} : memref<2x16x2048xf32, #tpu.memory_space<vmem>>, vector<16xf32>,
      tpu.vector_store %arg6[%swap3A_1455, %swap3A_1456, %swap3A_1457], %broadcast_in_dim3A_3 {strides = array<i32>} : memref<2x16x2048xf32, #tpu.memory_space<vmem>>, vector<16xf32>,
      %swap3A_1459 = arith.constant 0 : i32
      %swap3A_1460 = arith.index_cast %swap3A_1459 : i32 to index
      %swap3A_1461 = arith.index_cast %scan3A_218 : i32 to index
      %swap3A_1462 = arith.constant 1984 : index
      %swap3A_1463 = tpu.vector_load %arg6[%swap3A_1460, %swap3A_1461, %swap3A_1462] {strides = array<i32>} : memref<2x16x2048xf32, #tpu.memory_space<vmem>>, vector<16xf32>,
      tpu.vector_store %arg6[%swap3A_1460, %swap3A_1461, %swap3A_1462], %broadcast_in_dim3A_3 {strides = array<i32>} : memref<2x16x2048xf32, #tpu.memory_space<vmem>>, vector<16xf32>,
      %swap3A_1464 = arith.constant 1 : i32
      %swap3A_1465 = arith.index_cast %swap3A_1464 : i32 to index
      %swap3A_1466 = arith.index_cast %scan3A_218 : i32 to index
      %swap3A_1467 = arith.constant 1984 : index
      %swap3A_1468 = tpu.vector_load %arg6[%swap3A_1465, %swap3A_1466, %swap3A_1467] {strides = array<i32>} : memref<2x16x2048xf32, #tpu.memory_space<vmem>>, vector<16xf32>,
      tpu.vector_store %arg6[%swap3A_1465, %swap3A_1466, %swap3A_1467], %broadcast_in_dim3A_3 {strides = array<i32>} : memref<2x16x2048xf32, #tpu.memory_space<vmem>>, vector<16xf32>,
      %swap3A_1469 = arith.constant 0 : i32
      %swap3A_1470 = arith.index_cast %swap3A_1469 : i32 to index
      %swap3A_1471 = arith.index_cast %scan3A_218 : i32 to index
      %swap3A_1472 = arith.constant 2000 : index
      %swap3A_1473 = tpu.vector_load %arg6[%swap3A_1470, %swap3A_1471, %swap3A_1472] {strides = array<i32>} : memref<2x16x2048xf32, #tpu.memory_space<vmem>>, vector<16xf32>,
      tpu.vector_store %arg6[%swap3A_1470, %swap3A_1471, %swap3A_1472], %broadcast_in_dim3A_3 {strides = array<i32>} : memref<2x16x2048xf32, #tpu.memory_space<vmem>>, vector<16xf32>,
      %swap3A_1474 = arith.constant 1 : i32
      %swap3A_1475 = arith.index_cast %swap3A_1474 : i32 to index
      %swap3A_1476 = arith.index_cast %scan3A_218 : i32 to index
      %swap3A_1477 = arith.constant 2000 : index
      %swap3A_1478 = tpu.vector_load %arg6[%swap3A_1475, %swap3A_1476, %swap3A_1477] {strides = array<i32>} : memref<2x16x2048xf32, #tpu.memory_space<vmem>>, vector<16xf32>,
      tpu.vector_store %arg6[%swap3A_1475, %swap3A_1476, %swap3A_1477], %broadcast_in_dim3A_3 {strides = array<i32>} : memref<2x16x2048xf32, #tpu.memory_space<vmem>>, vector<16xf32>,
      %swap3A_1479 = arith.constant 0 : i32
      %swap3A_1480 = arith.index_cast %swap3A_1479 : i32 to index
      %swap3A_1481 = arith.index_cast %scan3A_218 : i32 to index
      %swap3A_1482 = arith.constant 2016 : index
      %swap3A_1483 = tpu.vector_load %arg6[%swap3A_1480, %swap3A_1481, %swap3A_1482] {strides = array<i32>} : memref<2x16x2048xf32, #tpu.memory_space<vmem>>, vector<16xf32>,
      tpu.vector_store %arg6[%swap3A_1480, %swap3A_1481, %swap3A_1482], %broadcast_in_dim3A_3 {strides = array<i32>} : memref<2x16x2048xf32, #tpu.memory_space<vmem>>, vector<16xf32>,
      %swap3A_1484 = arith.constant 1 : i32
      %swap3A_1485 = arith.index_cast %swap3A_1484 : i32 to index
      %swap3A_1486 = arith.index_cast %scan3A_218 : i32 to index
      %swap3A_1487 = arith.constant 2016 : index
      %swap3A_1488 = tpu.vector_load %arg6[%swap3A_1485, %swap3A_1486, %swap3A_1487] {strides = array<i32>} : memref<2x16x2048xf32, #tpu.memory_space<vmem>>, vector<16xf32>,
      tpu.vector_store %arg6[%swap3A_1485, %swap3A_1486, %swap3A_1487], %broadcast_in_dim3A_3 {strides = array<i32>} : memref<2x16x2048xf32, #tpu.memory_space<vmem>>, vector<16xf32>,
      %swap3A_1489 = arith.constant 0 : i32
      %swap3A_1490 = arith.index_cast %swap3A_1489 : i32 to index
      %swap3A_1491 = arith.index_cast %scan3A_218 : i32 to index
      %swap3A_1492 = arith.constant 2032 : index
      %swap3A_1493 = tpu.vector_load %arg6[%swap3A_1490, %swap3A_1491, %swap3A_1492] {strides = array<i32>} : memref<2x16x2048xf32, #tpu.memory_space<vmem>>, vector<16xf32>,
      tpu.vector_store %arg6[%swap3A_1490, %swap3A_1491, %swap3A_1492], %broadcast_in_dim3A_3 {strides = array<i32>} : memref<2x16x2048xf32, #tpu.memory_space<vmem>>, vector<16xf32>,
      %swap3A_1494 = arith.constant 1 : i32
      %swap3A_1495 = arith.index_cast %swap3A_1494 : i32 to index
      %swap3A_1496 = arith.index_cast %scan3A_218 : i32 to index
      %swap3A_1497 = arith.constant 2032 : index
      %swap3A_1498 = tpu.vector_load %arg6[%swap3A_1495, %swap3A_1496, %swap3A_1497] {strides = array<i32>} : memref<2x16x2048xf32, #tpu.memory_space<vmem>>, vector<16xf32>,
      tpu.vector_store %arg6[%swap3A_1495, %swap3A_1496, %swap3A_1497], %broadcast_in_dim3A_3 {strides = array<i32>} : memref<2x16x2048xf32, #tpu.memory_space<vmem>>, vector<16xf32>,
    }
    %scan3A_47 = arith.constant 16 : i32
    %scan3A_48 = arith.constant 0 : i32
    %scan3A_49 = arith.constant 0 : i32
    %scan3A_50 = arith.constant 16 : i32
    %scan3A_51 = arith.addi %scan3A_49, %scan3A_50 : i32
    %scan3A_52 = arith.constant 1 : i32
    scf.for %scan3A_218 = %scan3A_49 to %scan3A_51 step %scan3A_52  : i32 {
      %broadcast_in_dim3A_219 = arith.constant 0 : i32
      %broadcast_in_dim3A_220 = vector.broadcast %broadcast_in_dim3A_219 : i32 to vector<16xi32>
      %add3A_221 = vector.broadcast %scan3A_218 : i32 to vector<16xi32>
      %add3A_222 = arith.addi %broadcast_in_dim3A_220, %add3A_221 : vector<16xi32>
      %add3A_223 = arith.constant 0 : i32
      %add3A_224 = arith.addi %add3A_223, %scan3A_218 : i32
      %get3A = arith.index_cast %add3A_224 : i32 to index
      %get3A_225 = arith.constant 0 : index
      %get3A_226 = tpu.vector_load %arg5[%get3A, %get3A_225] {strides = array<i32>} : memref<64x256xi32, #tpu.memory_space<vmem>>, vector<16xi32>,
      %scatter3A = arith.constant 0 : i32
      %scatter3A_227 = arith.constant 0 : i32
      %scatter3A_228 = arith.constant 0 : i32
      %scatter3A_229 = tpu.memref_slice %arg6[%scatter3A, %scatter3A_227, %scatter3A_228] : memref<2x16x2048xf32, #tpu.memory_space<vmem>> -> memref<1x16x2048xf32, #tpu.memory_space<vmem>>
      %scatter3A_230 = tpu.memref_squeeze %scatter3A_229 : memref<1x16x2048xf32, #tpu.memory_space<vmem>> -> memref<16x2048xf32, #tpu.memory_space<vmem>>
      tpu.vector_store_idx %scatter3A_230[%add3A_222, %get3A_226], %broadcast_in_dim3A_5 : memref<16x2048xf32, #tpu.memory_space<vmem>>[vector<16xi32>, vector<16xi32>], vector<16xf32>,
      %add3A_231 = arith.constant 0 : i32
      %add3A_232 = arith.addi %add3A_231, %scan3A_218 : i32
      %get3A_233 = arith.index_cast %add3A_232 : i32 to index
      %get3A_234 = arith.constant 16 : index
      %get3A_235 = tpu.vector_load %arg5[%get3A_233, %get3A_234] {strides = array<i32>} : memref<64x256xi32, #tpu.memory_space<vmem>>, vector<16xi32>,
      %scatter3A_236 = arith.constant 0 : i32
      %scatter3A_237 = arith.constant 0 : i32
      %scatter3A_238 = arith.constant 0 : i32
      %scatter3A_239 = tpu.memref_slice %arg6[%scatter3A_236, %scatter3A_237, %scatter3A_238] : memref<2x16x2048xf32, #tpu.memory_space<vmem>> -> memref<1x16x2048xf32, #tpu.memory_space<vmem>>
      %scatter3A_240 = tpu.memref_squeeze %scatter3A_239 : memref<1x16x2048xf32, #tpu.memory_space<vmem>> -> memref<16x2048xf32, #tpu.memory_space<vmem>>
      tpu.vector_store_idx %scatter3A_240[%add3A_222, %get3A_235], %broadcast_in_dim3A_5 : memref<16x2048xf32, #tpu.memory_space<vmem>>[vector<16xi32>, vector<16xi32>], vector<16xf32>,
      %add3A_241 = arith.constant 0 : i32
      %add3A_242 = arith.addi %add3A_241, %scan3A_218 : i32
      %get3A_243 = arith.index_cast %add3A_242 : i32 to index
      %get3A_244 = arith.constant 32 : index
      %get3A_245 = tpu.vector_load %arg5[%get3A_243, %get3A_244] {strides = array<i32>} : memref<64x256xi32, #tpu.memory_space<vmem>>, vector<16xi32>,
      %scatter3A_246 = arith.constant 0 : i32
      %scatter3A_247 = arith.constant 0 : i32
      %scatter3A_248 = arith.constant 0 : i32
      %scatter3A_249 = tpu.memref_slice %arg6[%scatter3A_246, %scatter3A_247, %scatter3A_248] : memref<2x16x2048xf32, #tpu.memory_space<vmem>> -> memref<1x16x2048xf32, #tpu.memory_space<vmem>>
      %scatter3A_250 = tpu.memref_squeeze %scatter3A_249 : memref<1x16x2048xf32, #tpu.memory_space<vmem>> -> memref<16x2048xf32, #tpu.memory_space<vmem>>
      tpu.vector_store_idx %scatter3A_250[%add3A_222, %get3A_245], %broadcast_in_dim3A_5 : memref<16x2048xf32, #tpu.memory_space<vmem>>[vector<16xi32>, vector<16xi32>], vector<16xf32>,
      %add3A_251 = arith.constant 0 : i32
      %add3A_252 = arith.addi %add3A_251, %scan3A_218 : i32
      %get3A_253 = arith.index_cast %add3A_252 : i32 to index
      %get3A_254 = arith.constant 48 : index
      %get3A_255 = tpu.vector_load %arg5[%get3A_253, %get3A_254] {strides = array<i32>} : memref<64x256xi32, #tpu.memory_space<vmem>>, vector<16xi32>,
      %scatter3A_256 = arith.constant 0 : i32
      %scatter3A_257 = arith.constant 0 : i32
      %scatter3A_258 = arith.constant 0 : i32
      %scatter3A_259 = tpu.memref_slice %arg6[%scatter3A_256, %scatter3A_257, %scatter3A_258] : memref<2x16x2048xf32, #tpu.memory_space<vmem>> -> memref<1x16x2048xf32, #tpu.memory_space<vmem>>
      %scatter3A_260 = tpu.memref_squeeze %scatter3A_259 : memref<1x16x2048xf32, #tpu.memory_space<vmem>> -> memref<16x2048xf32, #tpu.memory_space<vmem>>
      tpu.vector_store_idx %scatter3A_260[%add3A_222, %get3A_255], %broadcast_in_dim3A_5 : memref<16x2048xf32, #tpu.memory_space<vmem>>[vector<16xi32>, vector<16xi32>], vector<16xf32>,
      %add3A_261 = arith.constant 0 : i32
      %add3A_262 = arith.addi %add3A_261, %scan3A_218 : i32
      %get3A_263 = arith.index_cast %add3A_262 : i32 to index
      %get3A_264 = arith.constant 64 : index
      %get3A_265 = tpu.vector_load %arg5[%get3A_263, %get3A_264] {strides = array<i32>} : memref<64x256xi32, #tpu.memory_space<vmem>>, vector<16xi32>,
      %scatter3A_266 = arith.constant 0 : i32
      %scatter3A_267 = arith.constant 0 : i32
      %scatter3A_268 = arith.constant 0 : i32
      %scatter3A_269 = tpu.memref_slice %arg6[%scatter3A_266, %scatter3A_267, %scatter3A_268] : memref<2x16x2048xf32, #tpu.memory_space<vmem>> -> memref<1x16x2048xf32, #tpu.memory_space<vmem>>
      %scatter3A_270 = tpu.memref_squeeze %scatter3A_269 : memref<1x16x2048xf32, #tpu.memory_space<vmem>> -> memref<16x2048xf32, #tpu.memory_space<vmem>>
      tpu.vector_store_idx %scatter3A_270[%add3A_222, %get3A_265], %broadcast_in_dim3A_5 : memref<16x2048xf32, #tpu.memory_space<vmem>>[vector<16xi32>, vector<16xi32>], vector<16xf32>,
      %add3A_271 = arith.constant 0 : i32
      %add3A_272 = arith.addi %add3A_271, %scan3A_218 : i32
      %get3A_273 = arith.index_cast %add3A_272 : i32 to index
      %get3A_274 = arith.constant 80 : index
      %get3A_275 = tpu.vector_load %arg5[%get3A_273, %get3A_274] {strides = array<i32>} : memref<64x256xi32, #tpu.memory_space<vmem>>, vector<16xi32>,
      %scatter3A_276 = arith.constant 0 : i32
      %scatter3A_277 = arith.constant 0 : i32
      %scatter3A_278 = arith.constant 0 : i32
      %scatter3A_279 = tpu.memref_slice %arg6[%scatter3A_276, %scatter3A_277, %scatter3A_278] : memref<2x16x2048xf32, #tpu.memory_space<vmem>> -> memref<1x16x2048xf32, #tpu.memory_space<vmem>>
      %scatter3A_280 = tpu.memref_squeeze %scatter3A_279 : memref<1x16x2048xf32, #tpu.memory_space<vmem>> -> memref<16x2048xf32, #tpu.memory_space<vmem>>
      tpu.vector_store_idx %scatter3A_280[%add3A_222, %get3A_275], %broadcast_in_dim3A_5 : memref<16x2048xf32, #tpu.memory_space<vmem>>[vector<16xi32>, vector<16xi32>], vector<16xf32>,
      %add3A_281 = arith.constant 0 : i32
      %add3A_282 = arith.addi %add3A_281, %scan3A_218 : i32
      %get3A_283 = arith.index_cast %add3A_282 : i32 to index
      %get3A_284 = arith.constant 96 : index
      %get3A_285 = tpu.vector_load %arg5[%get3A_283, %get3A_284] {strides = array<i32>} : memref<64x256xi32, #tpu.memory_space<vmem>>, vector<16xi32>,
      %scatter3A_286 = arith.constant 0 : i32
      %scatter3A_287 = arith.constant 0 : i32
      %scatter3A_288 = arith.constant 0 : i32
      %scatter3A_289 = tpu.memref_slice %arg6[%scatter3A_286, %scatter3A_287, %scatter3A_288] : memref<2x16x2048xf32, #tpu.memory_space<vmem>> -> memref<1x16x2048xf32, #tpu.memory_space<vmem>>
      %scatter3A_290 = tpu.memref_squeeze %scatter3A_289 : memref<1x16x2048xf32, #tpu.memory_space<vmem>> -> memref<16x2048xf32, #tpu.memory_space<vmem>>
      tpu.vector_store_idx %scatter3A_290[%add3A_222, %get3A_285], %broadcast_in_dim3A_5 : memref<16x2048xf32, #tpu.memory_space<vmem>>[vector<16xi32>, vector<16xi32>], vector<16xf32>,
      %add3A_291 = arith.constant 0 : i32
      %add3A_292 = arith.addi %add3A_291, %scan3A_218 : i32
      %get3A_293 = arith.index_cast %add3A_292 : i32 to index
      %get3A_294 = arith.constant 112 : index
      %get3A_295 = tpu.vector_load %arg5[%get3A_293, %get3A_294] {strides = array<i32>} : memref<64x256xi32, #tpu.memory_space<vmem>>, vector<16xi32>,
      %scatter3A_296 = arith.constant 0 : i32
      %scatter3A_297 = arith.constant 0 : i32
      %scatter3A_298 = arith.constant 0 : i32
      %scatter3A_299 = tpu.memref_slice %arg6[%scatter3A_296, %scatter3A_297, %scatter3A_298] : memref<2x16x2048xf32, #tpu.memory_space<vmem>> -> memref<1x16x2048xf32, #tpu.memory_space<vmem>>
      %scatter3A_300 = tpu.memref_squeeze %scatter3A_299 : memref<1x16x2048xf32, #tpu.memory_space<vmem>> -> memref<16x2048xf32, #tpu.memory_space<vmem>>
      tpu.vector_store_idx %scatter3A_300[%add3A_222, %get3A_295], %broadcast_in_dim3A_5 : memref<16x2048xf32, #tpu.memory_space<vmem>>[vector<16xi32>, vector<16xi32>], vector<16xf32>,
      %add3A_301 = arith.constant 0 : i32
      %add3A_302 = arith.addi %add3A_301, %scan3A_218 : i32
      %get3A_303 = arith.index_cast %add3A_302 : i32 to index
      %get3A_304 = arith.constant 128 : index
      %get3A_305 = tpu.vector_load %arg5[%get3A_303, %get3A_304] {strides = array<i32>} : memref<64x256xi32, #tpu.memory_space<vmem>>, vector<16xi32>,
      %scatter3A_306 = arith.constant 0 : i32
      %scatter3A_307 = arith.constant 0 : i32
      %scatter3A_308 = arith.constant 0 : i32
      %scatter3A_309 = tpu.memref_slice %arg6[%scatter3A_306, %scatter3A_307, %scatter3A_308] : memref<2x16x2048xf32, #tpu.memory_space<vmem>> -> memref<1x16x2048xf32, #tpu.memory_space<vmem>>
      %scatter3A_310 = tpu.memref_squeeze %scatter3A_309 : memref<1x16x2048xf32, #tpu.memory_space<vmem>> -> memref<16x2048xf32, #tpu.memory_space<vmem>>
      tpu.vector_store_idx %scatter3A_310[%add3A_222, %get3A_305], %broadcast_in_dim3A_5 : memref<16x2048xf32, #tpu.memory_space<vmem>>[vector<16xi32>, vector<16xi32>], vector<16xf32>,
      %add3A_311 = arith.constant 0 : i32
      %add3A_312 = arith.addi %add3A_311, %scan3A_218 : i32
      %get3A_313 = arith.index_cast %add3A_312 : i32 to index
      %get3A_314 = arith.constant 144 : index
      %get3A_315 = tpu.vector_load %arg5[%get3A_313, %get3A_314] {strides = array<i32>} : memref<64x256xi32, #tpu.memory_space<vmem>>, vector<16xi32>,
      %scatter3A_316 = arith.constant 0 : i32
      %scatter3A_317 = arith.constant 0 : i32
      %scatter3A_318 = arith.constant 0 : i32
      %scatter3A_319 = tpu.memref_slice %arg6[%scatter3A_316, %scatter3A_317, %scatter3A_318] : memref<2x16x2048xf32, #tpu.memory_space<vmem>> -> memref<1x16x2048xf32, #tpu.memory_space<vmem>>
      %scatter3A_320 = tpu.memref_squeeze %scatter3A_319 : memref<1x16x2048xf32, #tpu.memory_space<vmem>> -> memref<16x2048xf32, #tpu.memory_space<vmem>>
      tpu.vector_store_idx %scatter3A_320[%add3A_222, %get3A_315], %broadcast_in_dim3A_5 : memref<16x2048xf32, #tpu.memory_space<vmem>>[vector<16xi32>, vector<16xi32>], vector<16xf32>,
      %add3A_321 = arith.constant 0 : i32
      %add3A_322 = arith.addi %add3A_321, %scan3A_218 : i32
      %get3A_323 = arith.index_cast %add3A_322 : i32 to index
      %get3A_324 = arith.constant 160 : index
      %get3A_325 = tpu.vector_load %arg5[%get3A_323, %get3A_324] {strides = array<i32>} : memref<64x256xi32, #tpu.memory_space<vmem>>, vector<16xi32>,
      %scatter3A_326 = arith.constant 0 : i32
      %scatter3A_327 = arith.constant 0 : i32
      %scatter3A_328 = arith.constant 0 : i32
      %scatter3A_329 = tpu.memref_slice %arg6[%scatter3A_326, %scatter3A_327, %scatter3A_328] : memref<2x16x2048xf32, #tpu.memory_space<vmem>> -> memref<1x16x2048xf32, #tpu.memory_space<vmem>>
      %scatter3A_330 = tpu.memref_squeeze %scatter3A_329 : memref<1x16x2048xf32, #tpu.memory_space<vmem>> -> memref<16x2048xf32, #tpu.memory_space<vmem>>
      tpu.vector_store_idx %scatter3A_330[%add3A_222, %get3A_325], %broadcast_in_dim3A_5 : memref<16x2048xf32, #tpu.memory_space<vmem>>[vector<16xi32>, vector<16xi32>], vector<16xf32>,
      %add3A_331 = arith.constant 0 : i32
      %add3A_332 = arith.addi %add3A_331, %scan3A_218 : i32
      %get3A_333 = arith.index_cast %add3A_332 : i32 to index
      %get3A_334 = arith.constant 176 : index
      %get3A_335 = tpu.vector_load %arg5[%get3A_333, %get3A_334] {strides = array<i32>} : memref<64x256xi32, #tpu.memory_space<vmem>>, vector<16xi32>,
      %scatter3A_336 = arith.constant 0 : i32
      %scatter3A_337 = arith.constant 0 : i32
      %scatter3A_338 = arith.constant 0 : i32
      %scatter3A_339 = tpu.memref_slice %arg6[%scatter3A_336, %scatter3A_337, %scatter3A_338] : memref<2x16x2048xf32, #tpu.memory_space<vmem>> -> memref<1x16x2048xf32, #tpu.memory_space<vmem>>
      %scatter3A_340 = tpu.memref_squeeze %scatter3A_339 : memref<1x16x2048xf32, #tpu.memory_space<vmem>> -> memref<16x2048xf32, #tpu.memory_space<vmem>>
      tpu.vector_store_idx %scatter3A_340[%add3A_222, %get3A_335], %broadcast_in_dim3A_5 : memref<16x2048xf32, #tpu.memory_space<vmem>>[vector<16xi32>, vector<16xi32>], vector<16xf32>,
      %add3A_341 = arith.constant 0 : i32
      %add3A_342 = arith.addi %add3A_341, %scan3A_218 : i32
      %get3A_343 = arith.index_cast %add3A_342 : i32 to index
      %get3A_344 = arith.constant 192 : index
      %get3A_345 = tpu.vector_load %arg5[%get3A_343, %get3A_344] {strides = array<i32>} : memref<64x256xi32, #tpu.memory_space<vmem>>, vector<16xi32>,
      %scatter3A_346 = arith.constant 0 : i32
      %scatter3A_347 = arith.constant 0 : i32
      %scatter3A_348 = arith.constant 0 : i32
      %scatter3A_349 = tpu.memref_slice %arg6[%scatter3A_346, %scatter3A_347, %scatter3A_348] : memref<2x16x2048xf32, #tpu.memory_space<vmem>> -> memref<1x16x2048xf32, #tpu.memory_space<vmem>>
      %scatter3A_350 = tpu.memref_squeeze %scatter3A_349 : memref<1x16x2048xf32, #tpu.memory_space<vmem>> -> memref<16x2048xf32, #tpu.memory_space<vmem>>
      tpu.vector_store_idx %scatter3A_350[%add3A_222, %get3A_345], %broadcast_in_dim3A_5 : memref<16x2048xf32, #tpu.memory_space<vmem>>[vector<16xi32>, vector<16xi32>], vector<16xf32>,
      %add3A_351 = arith.constant 0 : i32
      %add3A_352 = arith.addi %add3A_351, %scan3A_218 : i32
      %get3A_353 = arith.index_cast %add3A_352 : i32 to index
      %get3A_354 = arith.constant 208 : index
      %get3A_355 = tpu.vector_load %arg5[%get3A_353, %get3A_354] {strides = array<i32>} : memref<64x256xi32, #tpu.memory_space<vmem>>, vector<16xi32>,
      %scatter3A_356 = arith.constant 0 : i32
      %scatter3A_357 = arith.constant 0 : i32
      %scatter3A_358 = arith.constant 0 : i32
      %scatter3A_359 = tpu.memref_slice %arg6[%scatter3A_356, %scatter3A_357, %scatter3A_358] : memref<2x16x2048xf32, #tpu.memory_space<vmem>> -> memref<1x16x2048xf32, #tpu.memory_space<vmem>>
      %scatter3A_360 = tpu.memref_squeeze %scatter3A_359 : memref<1x16x2048xf32, #tpu.memory_space<vmem>> -> memref<16x2048xf32, #tpu.memory_space<vmem>>
      tpu.vector_store_idx %scatter3A_360[%add3A_222, %get3A_355], %broadcast_in_dim3A_5 : memref<16x2048xf32, #tpu.memory_space<vmem>>[vector<16xi32>, vector<16xi32>], vector<16xf32>,
      %add3A_361 = arith.constant 0 : i32
      %add3A_362 = arith.addi %add3A_361, %scan3A_218 : i32
      %get3A_363 = arith.index_cast %add3A_362 : i32 to index
      %get3A_364 = arith.constant 224 : index
      %get3A_365 = tpu.vector_load %arg5[%get3A_363, %get3A_364] {strides = array<i32>} : memref<64x256xi32, #tpu.memory_space<vmem>>, vector<16xi32>,
      %scatter3A_366 = arith.constant 0 : i32
      %scatter3A_367 = arith.constant 0 : i32
      %scatter3A_368 = arith.constant 0 : i32
      %scatter3A_369 = tpu.memref_slice %arg6[%scatter3A_366, %scatter3A_367, %scatter3A_368] : memref<2x16x2048xf32, #tpu.memory_space<vmem>> -> memref<1x16x2048xf32, #tpu.memory_space<vmem>>
      %scatter3A_370 = tpu.memref_squeeze %scatter3A_369 : memref<1x16x2048xf32, #tpu.memory_space<vmem>> -> memref<16x2048xf32, #tpu.memory_space<vmem>>
      tpu.vector_store_idx %scatter3A_370[%add3A_222, %get3A_365], %broadcast_in_dim3A_5 : memref<16x2048xf32, #tpu.memory_space<vmem>>[vector<16xi32>, vector<16xi32>], vector<16xf32>,
      %add3A_371 = arith.constant 0 : i32
      %add3A_372 = arith.addi %add3A_371, %scan3A_218 : i32
      %get3A_373 = arith.index_cast %add3A_372 : i32 to index
      %get3A_374 = arith.constant 240 : index
      %get3A_375 = tpu.vector_load %arg5[%get3A_373, %get3A_374] {strides = array<i32>} : memref<64x256xi32, #tpu.memory_space<vmem>>, vector<16xi32>,
      %scatter3A_376 = arith.constant 0 : i32
      %scatter3A_377 = arith.constant 0 : i32
      %scatter3A_378 = arith.constant 0 : i32
      %scatter3A_379 = tpu.memref_slice %arg6[%scatter3A_376, %scatter3A_377, %scatter3A_378] : memref<2x16x2048xf32, #tpu.memory_space<vmem>> -> memref<1x16x2048xf32, #tpu.memory_space<vmem>>
      %scatter3A_380 = tpu.memref_squeeze %scatter3A_379 : memref<1x16x2048xf32, #tpu.memory_space<vmem>> -> memref<16x2048xf32, #tpu.memory_space<vmem>>
      tpu.vector_store_idx %scatter3A_380[%add3A_222, %get3A_375], %broadcast_in_dim3A_5 : memref<16x2048xf32, #tpu.memory_space<vmem>>[vector<16xi32>, vector<16xi32>], vector<16xf32>,
    }
    %scan3A_53 = arith.constant 16 : i32
    %add3A_54 = arith.constant 0 : i32
    %add3A_55 = arith.addi %mul3A_2, %add3A_54 : i32
    %dma_start3A = arith.constant 0 : i32
    %dma_start3A_56 = arith.constant 0 : i32
    %dma_start3A_57 = arith.constant 0 : i32
    %dma_start3A_58 = arith.constant 0 : i32
    %dma_start3A_59 = tpu.memref_slice %arg6[%dma_start3A, %dma_start3A_57, %dma_start3A_58] : memref<2x16x2048xf32, #tpu.memory_space<vmem>> -> memref<1x16x2048xf32, #tpu.memory_space<vmem>>
    %dma_start3A_60 = tpu.memref_squeeze %dma_start3A_59 : memref<1x16x2048xf32, #tpu.memory_space<vmem>> -> memref<16x2048xf32, #tpu.memory_space<vmem>>
    %dma_start3A_61 = arith.constant 0 : i32
    %dma_start3A_62 = tpu.memref_slice %arg3[%add3A_55, %dma_start3A_61] : memref<2048x2048xf32, #tpu.memory_space<hbm>> -> memref<16x2048xf32, #tpu.memory_space<hbm>>
    %dma_start3A_63 = tpu.memref_slice %arg8[%dma_start3A_56] : memref<2x!tpu.dma_semaphore, #tpu.memory_space<semaphore_mem>> -> memref<1x!tpu.dma_semaphore, #tpu.memory_space<semaphore_mem>>
    %dma_start3A_64 = tpu.memref_squeeze %dma_start3A_63 : memref<1x!tpu.dma_semaphore, #tpu.memory_space<semaphore_mem>> -> memref<!tpu.dma_semaphore, #tpu.memory_space<semaphore_mem>>
    %dma_start3A_65 = arith.constant 0 : i32
    %dma_start3A_66 = tpu.memref_slice %arg3[%add3A_55, %dma_start3A_65] : memref<2048x2048xf32, #tpu.memory_space<hbm>> -> memref<16x2048xf32, #tpu.memory_space<hbm>>
    %dma_start3A_67 = arith.constant 0 : i32
    %dma_start3A_68 = arith.constant 0 : i32
    %dma_start3A_69 = tpu.memref_slice %arg6[%dma_start3A, %dma_start3A_67, %dma_start3A_68] : memref<2x16x2048xf32, #tpu.memory_space<vmem>> -> memref<1x16x2048xf32, #tpu.memory_space<vmem>>
    %dma_start3A_70 = tpu.memref_squeeze %dma_start3A_69 : memref<1x16x2048xf32, #tpu.memory_space<vmem>> -> memref<16x2048xf32, #tpu.memory_space<vmem>>
    tpu.enqueue_dma source(%dma_start3A_70 : memref<16x2048xf32, #tpu.memory_space<vmem>>) target(%dma_start3A_66 : memref<16x2048xf32, #tpu.memory_space<hbm>>) target_semaphore(%dma_start3A_64 : memref<!tpu.dma_semaphore, #tpu.memory_space<semaphore_mem>>)
    %scan3A_71 = arith.constant 0 : i32
    %scan3A_72 = arith.constant 0 : i32
    %scan3A_73 = arith.constant 16 : i32
    %scan3A_74 = arith.addi %scan3A_72, %scan3A_73 : i32
    %scan3A_75 = arith.constant 1 : i32
    scf.for %scan3A_218 = %scan3A_72 to %scan3A_74 step %scan3A_75  : i32 {
      %broadcast_in_dim3A_219 = arith.constant 0 : i32
      %broadcast_in_dim3A_220 = vector.broadcast %broadcast_in_dim3A_219 : i32 to vector<16xi32>
      %add3A_221 = vector.broadcast %scan3A_218 : i32 to vector<16xi32>
      %add3A_222 = arith.addi %broadcast_in_dim3A_220, %add3A_221 : vector<16xi32>
      %add3A_223 = arith.constant 16 : i32
      %add3A_224 = arith.addi %add3A_223, %scan3A_218 : i32
      %get3A = arith.index_cast %add3A_224 : i32 to index
      %get3A_225 = arith.constant 0 : index
      %get3A_226 = tpu.vector_load %arg5[%get3A, %get3A_225] {strides = array<i32>} : memref<64x256xi32, #tpu.memory_space<vmem>>, vector<16xi32>,
      %scatter3A = arith.constant 1 : i32
      %scatter3A_227 = arith.constant 0 : i32
      %scatter3A_228 = arith.constant 0 : i32
      %scatter3A_229 = tpu.memref_slice %arg6[%scatter3A, %scatter3A_227, %scatter3A_228] : memref<2x16x2048xf32, #tpu.memory_space<vmem>> -> memref<1x16x2048xf32, #tpu.memory_space<vmem>>
      %scatter3A_230 = tpu.memref_squeeze %scatter3A_229 : memref<1x16x2048xf32, #tpu.memory_space<vmem>> -> memref<16x2048xf32, #tpu.memory_space<vmem>>
      tpu.vector_store_idx %scatter3A_230[%add3A_222, %get3A_226], %broadcast_in_dim3A_5 : memref<16x2048xf32, #tpu.memory_space<vmem>>[vector<16xi32>, vector<16xi32>], vector<16xf32>,
      %add3A_231 = arith.constant 16 : i32
      %add3A_232 = arith.addi %add3A_231, %scan3A_218 : i32
      %get3A_233 = arith.index_cast %add3A_232 : i32 to index
      %get3A_234 = arith.constant 16 : index
      %get3A_235 = tpu.vector_load %arg5[%get3A_233, %get3A_234] {strides = array<i32>} : memref<64x256xi32, #tpu.memory_space<vmem>>, vector<16xi32>,
      %scatter3A_236 = arith.constant 1 : i32
      %scatter3A_237 = arith.constant 0 : i32
      %scatter3A_238 = arith.constant 0 : i32
      %scatter3A_239 = tpu.memref_slice %arg6[%scatter3A_236, %scatter3A_237, %scatter3A_238] : memref<2x16x2048xf32, #tpu.memory_space<vmem>> -> memref<1x16x2048xf32, #tpu.memory_space<vmem>>
      %scatter3A_240 = tpu.memref_squeeze %scatter3A_239 : memref<1x16x2048xf32, #tpu.memory_space<vmem>> -> memref<16x2048xf32, #tpu.memory_space<vmem>>
      tpu.vector_store_idx %scatter3A_240[%add3A_222, %get3A_235], %broadcast_in_dim3A_5 : memref<16x2048xf32, #tpu.memory_space<vmem>>[vector<16xi32>, vector<16xi32>], vector<16xf32>,
      %add3A_241 = arith.constant 16 : i32
      %add3A_242 = arith.addi %add3A_241, %scan3A_218 : i32
      %get3A_243 = arith.index_cast %add3A_242 : i32 to index
      %get3A_244 = arith.constant 32 : index
      %get3A_245 = tpu.vector_load %arg5[%get3A_243, %get3A_244] {strides = array<i32>} : memref<64x256xi32, #tpu.memory_space<vmem>>, vector<16xi32>,
      %scatter3A_246 = arith.constant 1 : i32
      %scatter3A_247 = arith.constant 0 : i32
      %scatter3A_248 = arith.constant 0 : i32
      %scatter3A_249 = tpu.memref_slice %arg6[%scatter3A_246, %scatter3A_247, %scatter3A_248] : memref<2x16x2048xf32, #tpu.memory_space<vmem>> -> memref<1x16x2048xf32, #tpu.memory_space<vmem>>
      %scatter3A_250 = tpu.memref_squeeze %scatter3A_249 : memref<1x16x2048xf32, #tpu.memory_space<vmem>> -> memref<16x2048xf32, #tpu.memory_space<vmem>>
      tpu.vector_store_idx %scatter3A_250[%add3A_222, %get3A_245], %broadcast_in_dim3A_5 : memref<16x2048xf32, #tpu.memory_space<vmem>>[vector<16xi32>, vector<16xi32>], vector<16xf32>,
      %add3A_251 = arith.constant 16 : i32
      %add3A_252 = arith.addi %add3A_251, %scan3A_218 : i32
      %get3A_253 = arith.index_cast %add3A_252 : i32 to index
      %get3A_254 = arith.constant 48 : index
      %get3A_255 = tpu.vector_load %arg5[%get3A_253, %get3A_254] {strides = array<i32>} : memref<64x256xi32, #tpu.memory_space<vmem>>, vector<16xi32>,
      %scatter3A_256 = arith.constant 1 : i32
      %scatter3A_257 = arith.constant 0 : i32
      %scatter3A_258 = arith.constant 0 : i32
      %scatter3A_259 = tpu.memref_slice %arg6[%scatter3A_256, %scatter3A_257, %scatter3A_258] : memref<2x16x2048xf32, #tpu.memory_space<vmem>> -> memref<1x16x2048xf32, #tpu.memory_space<vmem>>
      %scatter3A_260 = tpu.memref_squeeze %scatter3A_259 : memref<1x16x2048xf32, #tpu.memory_space<vmem>> -> memref<16x2048xf32, #tpu.memory_space<vmem>>
      tpu.vector_store_idx %scatter3A_260[%add3A_222, %get3A_255], %broadcast_in_dim3A_5 : memref<16x2048xf32, #tpu.memory_space<vmem>>[vector<16xi32>, vector<16xi32>], vector<16xf32>,
      %add3A_261 = arith.constant 16 : i32
      %add3A_262 = arith.addi %add3A_261, %scan3A_218 : i32
      %get3A_263 = arith.index_cast %add3A_262 : i32 to index
      %get3A_264 = arith.constant 64 : index
      %get3A_265 = tpu.vector_load %arg5[%get3A_263, %get3A_264] {strides = array<i32>} : memref<64x256xi32, #tpu.memory_space<vmem>>, vector<16xi32>,
      %scatter3A_266 = arith.constant 1 : i32
      %scatter3A_267 = arith.constant 0 : i32
      %scatter3A_268 = arith.constant 0 : i32
      %scatter3A_269 = tpu.memref_slice %arg6[%scatter3A_266, %scatter3A_267, %scatter3A_268] : memref<2x16x2048xf32, #tpu.memory_space<vmem>> -> memref<1x16x2048xf32, #tpu.memory_space<vmem>>
      %scatter3A_270 = tpu.memref_squeeze %scatter3A_269 : memref<1x16x2048xf32, #tpu.memory_space<vmem>> -> memref<16x2048xf32, #tpu.memory_space<vmem>>
      tpu.vector_store_idx %scatter3A_270[%add3A_222, %get3A_265], %broadcast_in_dim3A_5 : memref<16x2048xf32, #tpu.memory_space<vmem>>[vector<16xi32>, vector<16xi32>], vector<16xf32>,
      %add3A_271 = arith.constant 16 : i32
      %add3A_272 = arith.addi %add3A_271, %scan3A_218 : i32
      %get3A_273 = arith.index_cast %add3A_272 : i32 to index
      %get3A_274 = arith.constant 80 : index
      %get3A_275 = tpu.vector_load %arg5[%get3A_273, %get3A_274] {strides = array<i32>} : memref<64x256xi32, #tpu.memory_space<vmem>>, vector<16xi32>,
      %scatter3A_276 = arith.constant 1 : i32
      %scatter3A_277 = arith.constant 0 : i32
      %scatter3A_278 = arith.constant 0 : i32
      %scatter3A_279 = tpu.memref_slice %arg6[%scatter3A_276, %scatter3A_277, %scatter3A_278] : memref<2x16x2048xf32, #tpu.memory_space<vmem>> -> memref<1x16x2048xf32, #tpu.memory_space<vmem>>
      %scatter3A_280 = tpu.memref_squeeze %scatter3A_279 : memref<1x16x2048xf32, #tpu.memory_space<vmem>> -> memref<16x2048xf32, #tpu.memory_space<vmem>>
      tpu.vector_store_idx %scatter3A_280[%add3A_222, %get3A_275], %broadcast_in_dim3A_5 : memref<16x2048xf32, #tpu.memory_space<vmem>>[vector<16xi32>, vector<16xi32>], vector<16xf32>,
      %add3A_281 = arith.constant 16 : i32
      %add3A_282 = arith.addi %add3A_281, %scan3A_218 : i32
      %get3A_283 = arith.index_cast %add3A_282 : i32 to index
      %get3A_284 = arith.constant 96 : index
      %get3A_285 = tpu.vector_load %arg5[%get3A_283, %get3A_284] {strides = array<i32>} : memref<64x256xi32, #tpu.memory_space<vmem>>, vector<16xi32>,
      %scatter3A_286 = arith.constant 1 : i32
      %scatter3A_287 = arith.constant 0 : i32
      %scatter3A_288 = arith.constant 0 : i32
      %scatter3A_289 = tpu.memref_slice %arg6[%scatter3A_286, %scatter3A_287, %scatter3A_288] : memref<2x16x2048xf32, #tpu.memory_space<vmem>> -> memref<1x16x2048xf32, #tpu.memory_space<vmem>>
      %scatter3A_290 = tpu.memref_squeeze %scatter3A_289 : memref<1x16x2048xf32, #tpu.memory_space<vmem>> -> memref<16x2048xf32, #tpu.memory_space<vmem>>
      tpu.vector_store_idx %scatter3A_290[%add3A_222, %get3A_285], %broadcast_in_dim3A_5 : memref<16x2048xf32, #tpu.memory_space<vmem>>[vector<16xi32>, vector<16xi32>], vector<16xf32>,
      %add3A_291 = arith.constant 16 : i32
      %add3A_292 = arith.addi %add3A_291, %scan3A_218 : i32
      %get3A_293 = arith.index_cast %add3A_292 : i32 to index
      %get3A_294 = arith.constant 112 : index
      %get3A_295 = tpu.vector_load %arg5[%get3A_293, %get3A_294] {strides = array<i32>} : memref<64x256xi32, #tpu.memory_space<vmem>>, vector<16xi32>,
      %scatter3A_296 = arith.constant 1 : i32
      %scatter3A_297 = arith.constant 0 : i32
      %scatter3A_298 = arith.constant 0 : i32
      %scatter3A_299 = tpu.memref_slice %arg6[%scatter3A_296, %scatter3A_297, %scatter3A_298] : memref<2x16x2048xf32, #tpu.memory_space<vmem>> -> memref<1x16x2048xf32, #tpu.memory_space<vmem>>
      %scatter3A_300 = tpu.memref_squeeze %scatter3A_299 : memref<1x16x2048xf32, #tpu.memory_space<vmem>> -> memref<16x2048xf32, #tpu.memory_space<vmem>>
      tpu.vector_store_idx %scatter3A_300[%add3A_222, %get3A_295], %broadcast_in_dim3A_5 : memref<16x2048xf32, #tpu.memory_space<vmem>>[vector<16xi32>, vector<16xi32>], vector<16xf32>,
      %add3A_301 = arith.constant 16 : i32
      %add3A_302 = arith.addi %add3A_301, %scan3A_218 : i32
      %get3A_303 = arith.index_cast %add3A_302 : i32 to index
      %get3A_304 = arith.constant 128 : index
      %get3A_305 = tpu.vector_load %arg5[%get3A_303, %get3A_304] {strides = array<i32>} : memref<64x256xi32, #tpu.memory_space<vmem>>, vector<16xi32>,
      %scatter3A_306 = arith.constant 1 : i32
      %scatter3A_307 = arith.constant 0 : i32
      %scatter3A_308 = arith.constant 0 : i32
      %scatter3A_309 = tpu.memref_slice %arg6[%scatter3A_306, %scatter3A_307, %scatter3A_308] : memref<2x16x2048xf32, #tpu.memory_space<vmem>> -> memref<1x16x2048xf32, #tpu.memory_space<vmem>>
      %scatter3A_310 = tpu.memref_squeeze %scatter3A_309 : memref<1x16x2048xf32, #tpu.memory_space<vmem>> -> memref<16x2048xf32, #tpu.memory_space<vmem>>
      tpu.vector_store_idx %scatter3A_310[%add3A_222, %get3A_305], %broadcast_in_dim3A_5 : memref<16x2048xf32, #tpu.memory_space<vmem>>[vector<16xi32>, vector<16xi32>], vector<16xf32>,
      %add3A_311 = arith.constant 16 : i32
      %add3A_312 = arith.addi %add3A_311, %scan3A_218 : i32
      %get3A_313 = arith.index_cast %add3A_312 : i32 to index
      %get3A_314 = arith.constant 144 : index
      %get3A_315 = tpu.vector_load %arg5[%get3A_313, %get3A_314] {strides = array<i32>} : memref<64x256xi32, #tpu.memory_space<vmem>>, vector<16xi32>,
      %scatter3A_316 = arith.constant 1 : i32
      %scatter3A_317 = arith.constant 0 : i32
      %scatter3A_318 = arith.constant 0 : i32
      %scatter3A_319 = tpu.memref_slice %arg6[%scatter3A_316, %scatter3A_317, %scatter3A_318] : memref<2x16x2048xf32, #tpu.memory_space<vmem>> -> memref<1x16x2048xf32, #tpu.memory_space<vmem>>
      %scatter3A_320 = tpu.memref_squeeze %scatter3A_319 : memref<1x16x2048xf32, #tpu.memory_space<vmem>> -> memref<16x2048xf32, #tpu.memory_space<vmem>>
      tpu.vector_store_idx %scatter3A_320[%add3A_222, %get3A_315], %broadcast_in_dim3A_5 : memref<16x2048xf32, #tpu.memory_space<vmem>>[vector<16xi32>, vector<16xi32>], vector<16xf32>,
      %add3A_321 = arith.constant 16 : i32
      %add3A_322 = arith.addi %add3A_321, %scan3A_218 : i32
      %get3A_323 = arith.index_cast %add3A_322 : i32 to index
      %get3A_324 = arith.constant 160 : index
      %get3A_325 = tpu.vector_load %arg5[%get3A_323, %get3A_324] {strides = array<i32>} : memref<64x256xi32, #tpu.memory_space<vmem>>, vector<16xi32>,
      %scatter3A_326 = arith.constant 1 : i32
      %scatter3A_327 = arith.constant 0 : i32
      %scatter3A_328 = arith.constant 0 : i32
      %scatter3A_329 = tpu.memref_slice %arg6[%scatter3A_326, %scatter3A_327, %scatter3A_328] : memref<2x16x2048xf32, #tpu.memory_space<vmem>> -> memref<1x16x2048xf32, #tpu.memory_space<vmem>>
      %scatter3A_330 = tpu.memref_squeeze %scatter3A_329 : memref<1x16x2048xf32, #tpu.memory_space<vmem>> -> memref<16x2048xf32, #tpu.memory_space<vmem>>
      tpu.vector_store_idx %scatter3A_330[%add3A_222, %get3A_325], %broadcast_in_dim3A_5 : memref<16x2048xf32, #tpu.memory_space<vmem>>[vector<16xi32>, vector<16xi32>], vector<16xf32>,
      %add3A_331 = arith.constant 16 : i32
      %add3A_332 = arith.addi %add3A_331, %scan3A_218 : i32
      %get3A_333 = arith.index_cast %add3A_332 : i32 to index
      %get3A_334 = arith.constant 176 : index
      %get3A_335 = tpu.vector_load %arg5[%get3A_333, %get3A_334] {strides = array<i32>} : memref<64x256xi32, #tpu.memory_space<vmem>>, vector<16xi32>,
      %scatter3A_336 = arith.constant 1 : i32
      %scatter3A_337 = arith.constant 0 : i32
      %scatter3A_338 = arith.constant 0 : i32
      %scatter3A_339 = tpu.memref_slice %arg6[%scatter3A_336, %scatter3A_337, %scatter3A_338] : memref<2x16x2048xf32, #tpu.memory_space<vmem>> -> memref<1x16x2048xf32, #tpu.memory_space<vmem>>
      %scatter3A_340 = tpu.memref_squeeze %scatter3A_339 : memref<1x16x2048xf32, #tpu.memory_space<vmem>> -> memref<16x2048xf32, #tpu.memory_space<vmem>>
      tpu.vector_store_idx %scatter3A_340[%add3A_222, %get3A_335], %broadcast_in_dim3A_5 : memref<16x2048xf32, #tpu.memory_space<vmem>>[vector<16xi32>, vector<16xi32>], vector<16xf32>,
      %add3A_341 = arith.constant 16 : i32
      %add3A_342 = arith.addi %add3A_341, %scan3A_218 : i32
      %get3A_343 = arith.index_cast %add3A_342 : i32 to index
      %get3A_344 = arith.constant 192 : index
      %get3A_345 = tpu.vector_load %arg5[%get3A_343, %get3A_344] {strides = array<i32>} : memref<64x256xi32, #tpu.memory_space<vmem>>, vector<16xi32>,
      %scatter3A_346 = arith.constant 1 : i32
      %scatter3A_347 = arith.constant 0 : i32
      %scatter3A_348 = arith.constant 0 : i32
      %scatter3A_349 = tpu.memref_slice %arg6[%scatter3A_346, %scatter3A_347, %scatter3A_348] : memref<2x16x2048xf32, #tpu.memory_space<vmem>> -> memref<1x16x2048xf32, #tpu.memory_space<vmem>>
      %scatter3A_350 = tpu.memref_squeeze %scatter3A_349 : memref<1x16x2048xf32, #tpu.memory_space<vmem>> -> memref<16x2048xf32, #tpu.memory_space<vmem>>
      tpu.vector_store_idx %scatter3A_350[%add3A_222, %get3A_345], %broadcast_in_dim3A_5 : memref<16x2048xf32, #tpu.memory_space<vmem>>[vector<16xi32>, vector<16xi32>], vector<16xf32>,
      %add3A_351 = arith.constant 16 : i32
      %add3A_352 = arith.addi %add3A_351, %scan3A_218 : i32
      %get3A_353 = arith.index_cast %add3A_352 : i32 to index
      %get3A_354 = arith.constant 208 : index
      %get3A_355 = tpu.vector_load %arg5[%get3A_353, %get3A_354] {strides = array<i32>} : memref<64x256xi32, #tpu.memory_space<vmem>>, vector<16xi32>,
      %scatter3A_356 = arith.constant 1 : i32
      %scatter3A_357 = arith.constant 0 : i32
      %scatter3A_358 = arith.constant 0 : i32
      %scatter3A_359 = tpu.memref_slice %arg6[%scatter3A_356, %scatter3A_357, %scatter3A_358] : memref<2x16x2048xf32, #tpu.memory_space<vmem>> -> memref<1x16x2048xf32, #tpu.memory_space<vmem>>
      %scatter3A_360 = tpu.memref_squeeze %scatter3A_359 : memref<1x16x2048xf32, #tpu.memory_space<vmem>> -> memref<16x2048xf32, #tpu.memory_space<vmem>>
      tpu.vector_store_idx %scatter3A_360[%add3A_222, %get3A_355], %broadcast_in_dim3A_5 : memref<16x2048xf32, #tpu.memory_space<vmem>>[vector<16xi32>, vector<16xi32>], vector<16xf32>,
      %add3A_361 = arith.constant 16 : i32
      %add3A_362 = arith.addi %add3A_361, %scan3A_218 : i32
      %get3A_363 = arith.index_cast %add3A_362 : i32 to index
      %get3A_364 = arith.constant 224 : index
      %get3A_365 = tpu.vector_load %arg5[%get3A_363, %get3A_364] {strides = array<i32>} : memref<64x256xi32, #tpu.memory_space<vmem>>, vector<16xi32>,
      %scatter3A_366 = arith.constant 1 : i32
      %scatter3A_367 = arith.constant 0 : i32
      %scatter3A_368 = arith.constant 0 : i32
      %scatter3A_369 = tpu.memref_slice %arg6[%scatter3A_366, %scatter3A_367, %scatter3A_368] : memref<2x16x2048xf32, #tpu.memory_space<vmem>> -> memref<1x16x2048xf32, #tpu.memory_space<vmem>>
      %scatter3A_370 = tpu.memref_squeeze %scatter3A_369 : memref<1x16x2048xf32, #tpu.memory_space<vmem>> -> memref<16x2048xf32, #tpu.memory_space<vmem>>
      tpu.vector_store_idx %scatter3A_370[%add3A_222, %get3A_365], %broadcast_in_dim3A_5 : memref<16x2048xf32, #tpu.memory_space<vmem>>[vector<16xi32>, vector<16xi32>], vector<16xf32>,
      %add3A_371 = arith.constant 16 : i32
      %add3A_372 = arith.addi %add3A_371, %scan3A_218 : i32
      %get3A_373 = arith.index_cast %add3A_372 : i32 to index
      %get3A_374 = arith.constant 240 : index
      %get3A_375 = tpu.vector_load %arg5[%get3A_373, %get3A_374] {strides = array<i32>} : memref<64x256xi32, #tpu.memory_space<vmem>>, vector<16xi32>,
      %scatter3A_376 = arith.constant 1 : i32
      %scatter3A_377 = arith.constant 0 : i32
      %scatter3A_378 = arith.constant 0 : i32
      %scatter3A_379 = tpu.memref_slice %arg6[%scatter3A_376, %scatter3A_377, %scatter3A_378] : memref<2x16x2048xf32, #tpu.memory_space<vmem>> -> memref<1x16x2048xf32, #tpu.memory_space<vmem>>
      %scatter3A_380 = tpu.memref_squeeze %scatter3A_379 : memref<1x16x2048xf32, #tpu.memory_space<vmem>> -> memref<16x2048xf32, #tpu.memory_space<vmem>>
      tpu.vector_store_idx %scatter3A_380[%add3A_222, %get3A_375], %broadcast_in_dim3A_5 : memref<16x2048xf32, #tpu.memory_space<vmem>>[vector<16xi32>, vector<16xi32>], vector<16xf32>,
    }
    %scan3A_76 = arith.constant 16 : i32
    %add3A_77 = arith.constant 16 : i32
    %add3A_78 = arith.addi %mul3A_2, %add3A_77 : i32
    %dma_start3A_79 = arith.constant 1 : i32
    %dma_start3A_80 = arith.constant 1 : i32
    %dma_start3A_81 = arith.constant 0 : i32
    %dma_start3A_82 = arith.constant 0 : i32
    %dma_start3A_83 = tpu.memref_slice %arg6[%dma_start3A_79, %dma_start3A_81, %dma_start3A_82] : memref<2x16x2048xf32, #tpu.memory_space<vmem>> -> memref<1x16x2048xf32, #tpu.memory_space<vmem>>
    %dma_start3A_84 = tpu.memref_squeeze %dma_start3A_83 : memref<1x16x2048xf32, #tpu.memory_space<vmem>> -> memref<16x2048xf32, #tpu.memory_space<vmem>>
    %dma_start3A_85 = arith.constant 0 : i32
    %dma_start3A_86 = tpu.memref_slice %arg3[%add3A_78, %dma_start3A_85] : memref<2048x2048xf32, #tpu.memory_space<hbm>> -> memref<16x2048xf32, #tpu.memory_space<hbm>>
    %dma_start3A_87 = tpu.memref_slice %arg8[%dma_start3A_80] : memref<2x!tpu.dma_semaphore, #tpu.memory_space<semaphore_mem>> -> memref<1x!tpu.dma_semaphore, #tpu.memory_space<semaphore_mem>>
    %dma_start3A_88 = tpu.memref_squeeze %dma_start3A_87 : memref<1x!tpu.dma_semaphore, #tpu.memory_space<semaphore_mem>> -> memref<!tpu.dma_semaphore, #tpu.memory_space<semaphore_mem>>
    %dma_start3A_89 = arith.constant 0 : i32
    %dma_start3A_90 = tpu.memref_slice %arg3[%add3A_78, %dma_start3A_89] : memref<2048x2048xf32, #tpu.memory_space<hbm>> -> memref<16x2048xf32, #tpu.memory_space<hbm>>
    %dma_start3A_91 = arith.constant 0 : i32
    %dma_start3A_92 = arith.constant 0 : i32
    %dma_start3A_93 = tpu.memref_slice %arg6[%dma_start3A_79, %dma_start3A_91, %dma_start3A_92] : memref<2x16x2048xf32, #tpu.memory_space<vmem>> -> memref<1x16x2048xf32, #tpu.memory_space<vmem>>
    %dma_start3A_94 = tpu.memref_squeeze %dma_start3A_93 : memref<1x16x2048xf32, #tpu.memory_space<vmem>> -> memref<16x2048xf32, #tpu.memory_space<vmem>>
    tpu.enqueue_dma source(%dma_start3A_94 : memref<16x2048xf32, #tpu.memory_space<vmem>>) target(%dma_start3A_90 : memref<16x2048xf32, #tpu.memory_space<hbm>>) target_semaphore(%dma_start3A_88 : memref<!tpu.dma_semaphore, #tpu.memory_space<semaphore_mem>>)
    %dma_wait3A = arith.constant 0 : i32
    %dma_wait3A_95 = arith.constant 0 : i32
    %dma_wait3A_96 = arith.constant 0 : i32
    %dma_wait3A_97 = arith.constant 0 : i32
    %dma_wait3A_98 = tpu.memref_slice %arg6[%dma_wait3A, %dma_wait3A_96, %dma_wait3A_97] : memref<2x16x2048xf32, #tpu.memory_space<vmem>> -> memref<1x16x2048xf32, #tpu.memory_space<vmem>>
    %dma_wait3A_99 = tpu.memref_squeeze %dma_wait3A_98 : memref<1x16x2048xf32, #tpu.memory_space<vmem>> -> memref<16x2048xf32, #tpu.memory_space<vmem>>
    %dma_wait3A_100 = arith.constant 0 : i32
    %dma_wait3A_101 = tpu.memref_slice %arg3[%add3A_55, %dma_wait3A_100] : memref<2048x2048xf32, #tpu.memory_space<hbm>> -> memref<16x2048xf32, #tpu.memory_space<hbm>>
    %dma_wait3A_102 = tpu.memref_slice %arg8[%dma_wait3A_95] : memref<2x!tpu.dma_semaphore, #tpu.memory_space<semaphore_mem>> -> memref<1x!tpu.dma_semaphore, #tpu.memory_space<semaphore_mem>>
    %dma_wait3A_103 = tpu.memref_squeeze %dma_wait3A_102 : memref<1x!tpu.dma_semaphore, #tpu.memory_space<semaphore_mem>> -> memref<!tpu.dma_semaphore, #tpu.memory_space<semaphore_mem>>
    %dma_wait3A_104 = arith.constant 0 : i32
    %dma_wait3A_105 = tpu.memref_slice %arg3[%add3A_55, %dma_wait3A_104] : memref<2048x2048xf32, #tpu.memory_space<hbm>> -> memref<16x2048xf32, #tpu.memory_space<hbm>>
    %dma_wait3A_106 = arith.constant 0 : i32
    %dma_wait3A_107 = arith.constant 0 : i32
    %dma_wait3A_108 = tpu.memref_slice %arg6[%dma_wait3A, %dma_wait3A_106, %dma_wait3A_107] : memref<2x16x2048xf32, #tpu.memory_space<vmem>> -> memref<1x16x2048xf32, #tpu.memory_space<vmem>>
    %dma_wait3A_109 = tpu.memref_squeeze %dma_wait3A_108 : memref<1x16x2048xf32, #tpu.memory_space<vmem>> -> memref<16x2048xf32, #tpu.memory_space<vmem>>
    tpu.wait_dma2 semaphore(%dma_wait3A_103 : memref<!tpu.dma_semaphore, #tpu.memory_space<semaphore_mem>>) src(%dma_wait3A_109 : memref<16x2048xf32, #tpu.memory_space<vmem>>) dst(%dma_wait3A_105 : memref<16x2048xf32, #tpu.memory_space<hbm>>)
    %scan3A_110 = arith.constant 0 : i32
    %scan3A_111 = arith.constant 0 : i32
    %scan3A_112 = arith.constant 16 : i32
    %scan3A_113 = arith.addi %scan3A_111, %scan3A_112 : i32
    %scan3A_114 = arith.constant 1 : i32
    scf.for %scan3A_218 = %scan3A_111 to %scan3A_113 step %scan3A_114  : i32 {
      %broadcast_in_dim3A_219 = arith.constant 0 : i32
      %broadcast_in_dim3A_220 = vector.broadcast %broadcast_in_dim3A_219 : i32 to vector<16xi32>
      %add3A_221 = vector.broadcast %scan3A_218 : i32 to vector<16xi32>
      %add3A_222 = arith.addi %broadcast_in_dim3A_220, %add3A_221 : vector<16xi32>
      %add3A_223 = arith.constant 0 : i32
      %add3A_224 = arith.addi %add3A_223, %scan3A_218 : i32
      %get3A = arith.index_cast %add3A_224 : i32 to index
      %get3A_225 = arith.constant 0 : index
      %get3A_226 = tpu.vector_load %arg5[%get3A, %get3A_225] {strides = array<i32>} : memref<64x256xi32, #tpu.memory_space<vmem>>, vector<16xi32>,
      %scatter3A = arith.constant 0 : i32
      %scatter3A_227 = arith.constant 0 : i32
      %scatter3A_228 = arith.constant 0 : i32
      %scatter3A_229 = tpu.memref_slice %arg6[%scatter3A, %scatter3A_227, %scatter3A_228] : memref<2x16x2048xf32, #tpu.memory_space<vmem>> -> memref<1x16x2048xf32, #tpu.memory_space<vmem>>
      %scatter3A_230 = tpu.memref_squeeze %scatter3A_229 : memref<1x16x2048xf32, #tpu.memory_space<vmem>> -> memref<16x2048xf32, #tpu.memory_space<vmem>>
      tpu.vector_store_idx %scatter3A_230[%add3A_222, %get3A_226], %broadcast_in_dim3A_3 : memref<16x2048xf32, #tpu.memory_space<vmem>>[vector<16xi32>, vector<16xi32>], vector<16xf32>,
      %add3A_231 = arith.constant 0 : i32
      %add3A_232 = arith.addi %add3A_231, %scan3A_218 : i32
      %get3A_233 = arith.index_cast %add3A_232 : i32 to index
      %get3A_234 = arith.constant 16 : index
      %get3A_235 = tpu.vector_load %arg5[%get3A_233, %get3A_234] {strides = array<i32>} : memref<64x256xi32, #tpu.memory_space<vmem>>, vector<16xi32>,
      %scatter3A_236 = arith.constant 0 : i32
      %scatter3A_237 = arith.constant 0 : i32
      %scatter3A_238 = arith.constant 0 : i32
      %scatter3A_239 = tpu.memref_slice %arg6[%scatter3A_236, %scatter3A_237, %scatter3A_238] : memref<2x16x2048xf32, #tpu.memory_space<vmem>> -> memref<1x16x2048xf32, #tpu.memory_space<vmem>>
      %scatter3A_240 = tpu.memref_squeeze %scatter3A_239 : memref<1x16x2048xf32, #tpu.memory_space<vmem>> -> memref<16x2048xf32, #tpu.memory_space<vmem>>
      tpu.vector_store_idx %scatter3A_240[%add3A_222, %get3A_235], %broadcast_in_dim3A_3 : memref<16x2048xf32, #tpu.memory_space<vmem>>[vector<16xi32>, vector<16xi32>], vector<16xf32>,
      %add3A_241 = arith.constant 0 : i32
      %add3A_242 = arith.addi %add3A_241, %scan3A_218 : i32
      %get3A_243 = arith.index_cast %add3A_242 : i32 to index
      %get3A_244 = arith.constant 32 : index
      %get3A_245 = tpu.vector_load %arg5[%get3A_243, %get3A_244] {strides = array<i32>} : memref<64x256xi32, #tpu.memory_space<vmem>>, vector<16xi32>,
      %scatter3A_246 = arith.constant 0 : i32
      %scatter3A_247 = arith.constant 0 : i32
      %scatter3A_248 = arith.constant 0 : i32
      %scatter3A_249 = tpu.memref_slice %arg6[%scatter3A_246, %scatter3A_247, %scatter3A_248] : memref<2x16x2048xf32, #tpu.memory_space<vmem>> -> memref<1x16x2048xf32, #tpu.memory_space<vmem>>
      %scatter3A_250 = tpu.memref_squeeze %scatter3A_249 : memref<1x16x2048xf32, #tpu.memory_space<vmem>> -> memref<16x2048xf32, #tpu.memory_space<vmem>>
      tpu.vector_store_idx %scatter3A_250[%add3A_222, %get3A_245], %broadcast_in_dim3A_3 : memref<16x2048xf32, #tpu.memory_space<vmem>>[vector<16xi32>, vector<16xi32>], vector<16xf32>,
      %add3A_251 = arith.constant 0 : i32
      %add3A_252 = arith.addi %add3A_251, %scan3A_218 : i32
      %get3A_253 = arith.index_cast %add3A_252 : i32 to index
      %get3A_254 = arith.constant 48 : index
      %get3A_255 = tpu.vector_load %arg5[%get3A_253, %get3A_254] {strides = array<i32>} : memref<64x256xi32, #tpu.memory_space<vmem>>, vector<16xi32>,
      %scatter3A_256 = arith.constant 0 : i32
      %scatter3A_257 = arith.constant 0 : i32
      %scatter3A_258 = arith.constant 0 : i32
      %scatter3A_259 = tpu.memref_slice %arg6[%scatter3A_256, %scatter3A_257, %scatter3A_258] : memref<2x16x2048xf32, #tpu.memory_space<vmem>> -> memref<1x16x2048xf32, #tpu.memory_space<vmem>>
      %scatter3A_260 = tpu.memref_squeeze %scatter3A_259 : memref<1x16x2048xf32, #tpu.memory_space<vmem>> -> memref<16x2048xf32, #tpu.memory_space<vmem>>
      tpu.vector_store_idx %scatter3A_260[%add3A_222, %get3A_255], %broadcast_in_dim3A_3 : memref<16x2048xf32, #tpu.memory_space<vmem>>[vector<16xi32>, vector<16xi32>], vector<16xf32>,
      %add3A_261 = arith.constant 0 : i32
      %add3A_262 = arith.addi %add3A_261, %scan3A_218 : i32
      %get3A_263 = arith.index_cast %add3A_262 : i32 to index
      %get3A_264 = arith.constant 64 : index
      %get3A_265 = tpu.vector_load %arg5[%get3A_263, %get3A_264] {strides = array<i32>} : memref<64x256xi32, #tpu.memory_space<vmem>>, vector<16xi32>,
      %scatter3A_266 = arith.constant 0 : i32
      %scatter3A_267 = arith.constant 0 : i32
      %scatter3A_268 = arith.constant 0 : i32
      %scatter3A_269 = tpu.memref_slice %arg6[%scatter3A_266, %scatter3A_267, %scatter3A_268] : memref<2x16x2048xf32, #tpu.memory_space<vmem>> -> memref<1x16x2048xf32, #tpu.memory_space<vmem>>
      %scatter3A_270 = tpu.memref_squeeze %scatter3A_269 : memref<1x16x2048xf32, #tpu.memory_space<vmem>> -> memref<16x2048xf32, #tpu.memory_space<vmem>>
      tpu.vector_store_idx %scatter3A_270[%add3A_222, %get3A_265], %broadcast_in_dim3A_3 : memref<16x2048xf32, #tpu.memory_space<vmem>>[vector<16xi32>, vector<16xi32>], vector<16xf32>,
      %add3A_271 = arith.constant 0 : i32
      %add3A_272 = arith.addi %add3A_271, %scan3A_218 : i32
      %get3A_273 = arith.index_cast %add3A_272 : i32 to index
      %get3A_274 = arith.constant 80 : index
      %get3A_275 = tpu.vector_load %arg5[%get3A_273, %get3A_274] {strides = array<i32>} : memref<64x256xi32, #tpu.memory_space<vmem>>, vector<16xi32>,
      %scatter3A_276 = arith.constant 0 : i32
      %scatter3A_277 = arith.constant 0 : i32
      %scatter3A_278 = arith.constant 0 : i32
      %scatter3A_279 = tpu.memref_slice %arg6[%scatter3A_276, %scatter3A_277, %scatter3A_278] : memref<2x16x2048xf32, #tpu.memory_space<vmem>> -> memref<1x16x2048xf32, #tpu.memory_space<vmem>>
      %scatter3A_280 = tpu.memref_squeeze %scatter3A_279 : memref<1x16x2048xf32, #tpu.memory_space<vmem>> -> memref<16x2048xf32, #tpu.memory_space<vmem>>
      tpu.vector_store_idx %scatter3A_280[%add3A_222, %get3A_275], %broadcast_in_dim3A_3 : memref<16x2048xf32, #tpu.memory_space<vmem>>[vector<16xi32>, vector<16xi32>], vector<16xf32>,
      %add3A_281 = arith.constant 0 : i32
      %add3A_282 = arith.addi %add3A_281, %scan3A_218 : i32
      %get3A_283 = arith.index_cast %add3A_282 : i32 to index
      %get3A_284 = arith.constant 96 : index
      %get3A_285 = tpu.vector_load %arg5[%get3A_283, %get3A_284] {strides = array<i32>} : memref<64x256xi32, #tpu.memory_space<vmem>>, vector<16xi32>,
      %scatter3A_286 = arith.constant 0 : i32
      %scatter3A_287 = arith.constant 0 : i32
      %scatter3A_288 = arith.constant 0 : i32
      %scatter3A_289 = tpu.memref_slice %arg6[%scatter3A_286, %scatter3A_287, %scatter3A_288] : memref<2x16x2048xf32, #tpu.memory_space<vmem>> -> memref<1x16x2048xf32, #tpu.memory_space<vmem>>
      %scatter3A_290 = tpu.memref_squeeze %scatter3A_289 : memref<1x16x2048xf32, #tpu.memory_space<vmem>> -> memref<16x2048xf32, #tpu.memory_space<vmem>>
      tpu.vector_store_idx %scatter3A_290[%add3A_222, %get3A_285], %broadcast_in_dim3A_3 : memref<16x2048xf32, #tpu.memory_space<vmem>>[vector<16xi32>, vector<16xi32>], vector<16xf32>,
      %add3A_291 = arith.constant 0 : i32
      %add3A_292 = arith.addi %add3A_291, %scan3A_218 : i32
      %get3A_293 = arith.index_cast %add3A_292 : i32 to index
      %get3A_294 = arith.constant 112 : index
      %get3A_295 = tpu.vector_load %arg5[%get3A_293, %get3A_294] {strides = array<i32>} : memref<64x256xi32, #tpu.memory_space<vmem>>, vector<16xi32>,
      %scatter3A_296 = arith.constant 0 : i32
      %scatter3A_297 = arith.constant 0 : i32
      %scatter3A_298 = arith.constant 0 : i32
      %scatter3A_299 = tpu.memref_slice %arg6[%scatter3A_296, %scatter3A_297, %scatter3A_298] : memref<2x16x2048xf32, #tpu.memory_space<vmem>> -> memref<1x16x2048xf32, #tpu.memory_space<vmem>>
      %scatter3A_300 = tpu.memref_squeeze %scatter3A_299 : memref<1x16x2048xf32, #tpu.memory_space<vmem>> -> memref<16x2048xf32, #tpu.memory_space<vmem>>
      tpu.vector_store_idx %scatter3A_300[%add3A_222, %get3A_295], %broadcast_in_dim3A_3 : memref<16x2048xf32, #tpu.memory_space<vmem>>[vector<16xi32>, vector<16xi32>], vector<16xf32>,
      %add3A_301 = arith.constant 0 : i32
      %add3A_302 = arith.addi %add3A_301, %scan3A_218 : i32
      %get3A_303 = arith.index_cast %add3A_302 : i32 to index
      %get3A_304 = arith.constant 128 : index
      %get3A_305 = tpu.vector_load %arg5[%get3A_303, %get3A_304] {strides = array<i32>} : memref<64x256xi32, #tpu.memory_space<vmem>>, vector<16xi32>,
      %scatter3A_306 = arith.constant 0 : i32
      %scatter3A_307 = arith.constant 0 : i32
      %scatter3A_308 = arith.constant 0 : i32
      %scatter3A_309 = tpu.memref_slice %arg6[%scatter3A_306, %scatter3A_307, %scatter3A_308] : memref<2x16x2048xf32, #tpu.memory_space<vmem>> -> memref<1x16x2048xf32, #tpu.memory_space<vmem>>
      %scatter3A_310 = tpu.memref_squeeze %scatter3A_309 : memref<1x16x2048xf32, #tpu.memory_space<vmem>> -> memref<16x2048xf32, #tpu.memory_space<vmem>>
      tpu.vector_store_idx %scatter3A_310[%add3A_222, %get3A_305], %broadcast_in_dim3A_3 : memref<16x2048xf32, #tpu.memory_space<vmem>>[vector<16xi32>, vector<16xi32>], vector<16xf32>,
      %add3A_311 = arith.constant 0 : i32
      %add3A_312 = arith.addi %add3A_311, %scan3A_218 : i32
      %get3A_313 = arith.index_cast %add3A_312 : i32 to index
      %get3A_314 = arith.constant 144 : index
      %get3A_315 = tpu.vector_load %arg5[%get3A_313, %get3A_314] {strides = array<i32>} : memref<64x256xi32, #tpu.memory_space<vmem>>, vector<16xi32>,
      %scatter3A_316 = arith.constant 0 : i32
      %scatter3A_317 = arith.constant 0 : i32
      %scatter3A_318 = arith.constant 0 : i32
      %scatter3A_319 = tpu.memref_slice %arg6[%scatter3A_316, %scatter3A_317, %scatter3A_318] : memref<2x16x2048xf32, #tpu.memory_space<vmem>> -> memref<1x16x2048xf32, #tpu.memory_space<vmem>>
      %scatter3A_320 = tpu.memref_squeeze %scatter3A_319 : memref<1x16x2048xf32, #tpu.memory_space<vmem>> -> memref<16x2048xf32, #tpu.memory_space<vmem>>
      tpu.vector_store_idx %scatter3A_320[%add3A_222, %get3A_315], %broadcast_in_dim3A_3 : memref<16x2048xf32, #tpu.memory_space<vmem>>[vector<16xi32>, vector<16xi32>], vector<16xf32>,
      %add3A_321 = arith.constant 0 : i32
      %add3A_322 = arith.addi %add3A_321, %scan3A_218 : i32
      %get3A_323 = arith.index_cast %add3A_322 : i32 to index
      %get3A_324 = arith.constant 160 : index
      %get3A_325 = tpu.vector_load %arg5[%get3A_323, %get3A_324] {strides = array<i32>} : memref<64x256xi32, #tpu.memory_space<vmem>>, vector<16xi32>,
      %scatter3A_326 = arith.constant 0 : i32
      %scatter3A_327 = arith.constant 0 : i32
      %scatter3A_328 = arith.constant 0 : i32
      %scatter3A_329 = tpu.memref_slice %arg6[%scatter3A_326, %scatter3A_327, %scatter3A_328] : memref<2x16x2048xf32, #tpu.memory_space<vmem>> -> memref<1x16x2048xf32, #tpu.memory_space<vmem>>
      %scatter3A_330 = tpu.memref_squeeze %scatter3A_329 : memref<1x16x2048xf32, #tpu.memory_space<vmem>> -> memref<16x2048xf32, #tpu.memory_space<vmem>>
      tpu.vector_store_idx %scatter3A_330[%add3A_222, %get3A_325], %broadcast_in_dim3A_3 : memref<16x2048xf32, #tpu.memory_space<vmem>>[vector<16xi32>, vector<16xi32>], vector<16xf32>,
      %add3A_331 = arith.constant 0 : i32
      %add3A_332 = arith.addi %add3A_331, %scan3A_218 : i32
      %get3A_333 = arith.index_cast %add3A_332 : i32 to index
      %get3A_334 = arith.constant 176 : index
      %get3A_335 = tpu.vector_load %arg5[%get3A_333, %get3A_334] {strides = array<i32>} : memref<64x256xi32, #tpu.memory_space<vmem>>, vector<16xi32>,
      %scatter3A_336 = arith.constant 0 : i32
      %scatter3A_337 = arith.constant 0 : i32
      %scatter3A_338 = arith.constant 0 : i32
      %scatter3A_339 = tpu.memref_slice %arg6[%scatter3A_336, %scatter3A_337, %scatter3A_338] : memref<2x16x2048xf32, #tpu.memory_space<vmem>> -> memref<1x16x2048xf32, #tpu.memory_space<vmem>>
      %scatter3A_340 = tpu.memref_squeeze %scatter3A_339 : memref<1x16x2048xf32, #tpu.memory_space<vmem>> -> memref<16x2048xf32, #tpu.memory_space<vmem>>
      tpu.vector_store_idx %scatter3A_340[%add3A_222, %get3A_335], %broadcast_in_dim3A_3 : memref<16x2048xf32, #tpu.memory_space<vmem>>[vector<16xi32>, vector<16xi32>], vector<16xf32>,
      %add3A_341 = arith.constant 0 : i32
      %add3A_342 = arith.addi %add3A_341, %scan3A_218 : i32
      %get3A_343 = arith.index_cast %add3A_342 : i32 to index
      %get3A_344 = arith.constant 192 : index
      %get3A_345 = tpu.vector_load %arg5[%get3A_343, %get3A_344] {strides = array<i32>} : memref<64x256xi32, #tpu.memory_space<vmem>>, vector<16xi32>,
      %scatter3A_346 = arith.constant 0 : i32
      %scatter3A_347 = arith.constant 0 : i32
      %scatter3A_348 = arith.constant 0 : i32
      %scatter3A_349 = tpu.memref_slice %arg6[%scatter3A_346, %scatter3A_347, %scatter3A_348] : memref<2x16x2048xf32, #tpu.memory_space<vmem>> -> memref<1x16x2048xf32, #tpu.memory_space<vmem>>
      %scatter3A_350 = tpu.memref_squeeze %scatter3A_349 : memref<1x16x2048xf32, #tpu.memory_space<vmem>> -> memref<16x2048xf32, #tpu.memory_space<vmem>>
      tpu.vector_store_idx %scatter3A_350[%add3A_222, %get3A_345], %broadcast_in_dim3A_3 : memref<16x2048xf32, #tpu.memory_space<vmem>>[vector<16xi32>, vector<16xi32>], vector<16xf32>,
      %add3A_351 = arith.constant 0 : i32
      %add3A_352 = arith.addi %add3A_351, %scan3A_218 : i32
      %get3A_353 = arith.index_cast %add3A_352 : i32 to index
      %get3A_354 = arith.constant 208 : index
      %get3A_355 = tpu.vector_load %arg5[%get3A_353, %get3A_354] {strides = array<i32>} : memref<64x256xi32, #tpu.memory_space<vmem>>, vector<16xi32>,
      %scatter3A_356 = arith.constant 0 : i32
      %scatter3A_357 = arith.constant 0 : i32
      %scatter3A_358 = arith.constant 0 : i32
      %scatter3A_359 = tpu.memref_slice %arg6[%scatter3A_356, %scatter3A_357, %scatter3A_358] : memref<2x16x2048xf32, #tpu.memory_space<vmem>> -> memref<1x16x2048xf32, #tpu.memory_space<vmem>>
      %scatter3A_360 = tpu.memref_squeeze %scatter3A_359 : memref<1x16x2048xf32, #tpu.memory_space<vmem>> -> memref<16x2048xf32, #tpu.memory_space<vmem>>
      tpu.vector_store_idx %scatter3A_360[%add3A_222, %get3A_355], %broadcast_in_dim3A_3 : memref<16x2048xf32, #tpu.memory_space<vmem>>[vector<16xi32>, vector<16xi32>], vector<16xf32>,
      %add3A_361 = arith.constant 0 : i32
      %add3A_362 = arith.addi %add3A_361, %scan3A_218 : i32
      %get3A_363 = arith.index_cast %add3A_362 : i32 to index
      %get3A_364 = arith.constant 224 : index
      %get3A_365 = tpu.vector_load %arg5[%get3A_363, %get3A_364] {strides = array<i32>} : memref<64x256xi32, #tpu.memory_space<vmem>>, vector<16xi32>,
      %scatter3A_366 = arith.constant 0 : i32
      %scatter3A_367 = arith.constant 0 : i32
      %scatter3A_368 = arith.constant 0 : i32
      %scatter3A_369 = tpu.memref_slice %arg6[%scatter3A_366, %scatter3A_367, %scatter3A_368] : memref<2x16x2048xf32, #tpu.memory_space<vmem>> -> memref<1x16x2048xf32, #tpu.memory_space<vmem>>
      %scatter3A_370 = tpu.memref_squeeze %scatter3A_369 : memref<1x16x2048xf32, #tpu.memory_space<vmem>> -> memref<16x2048xf32, #tpu.memory_space<vmem>>
      tpu.vector_store_idx %scatter3A_370[%add3A_222, %get3A_365], %broadcast_in_dim3A_3 : memref<16x2048xf32, #tpu.memory_space<vmem>>[vector<16xi32>, vector<16xi32>], vector<16xf32>,
      %add3A_371 = arith.constant 0 : i32
      %add3A_372 = arith.addi %add3A_371, %scan3A_218 : i32
      %get3A_373 = arith.index_cast %add3A_372 : i32 to index
      %get3A_374 = arith.constant 240 : index
      %get3A_375 = tpu.vector_load %arg5[%get3A_373, %get3A_374] {strides = array<i32>} : memref<64x256xi32, #tpu.memory_space<vmem>>, vector<16xi32>,
      %scatter3A_376 = arith.constant 0 : i32
      %scatter3A_377 = arith.constant 0 : i32
      %scatter3A_378 = arith.constant 0 : i32
      %scatter3A_379 = tpu.memref_slice %arg6[%scatter3A_376, %scatter3A_377, %scatter3A_378] : memref<2x16x2048xf32, #tpu.memory_space<vmem>> -> memref<1x16x2048xf32, #tpu.memory_space<vmem>>
      %scatter3A_380 = tpu.memref_squeeze %scatter3A_379 : memref<1x16x2048xf32, #tpu.memory_space<vmem>> -> memref<16x2048xf32, #tpu.memory_space<vmem>>
      tpu.vector_store_idx %scatter3A_380[%add3A_222, %get3A_375], %broadcast_in_dim3A_3 : memref<16x2048xf32, #tpu.memory_space<vmem>>[vector<16xi32>, vector<16xi32>], vector<16xf32>,
    }
    %scan3A_115 = arith.constant 16 : i32
    %scan3A_116 = arith.constant 0 : i32
    %scan3A_117 = arith.constant 0 : i32
    %scan3A_118 = arith.constant 16 : i32
    %scan3A_119 = arith.addi %scan3A_117, %scan3A_118 : i32
    %scan3A_120 = arith.constant 1 : i32
    scf.for %scan3A_218 = %scan3A_117 to %scan3A_119 step %scan3A_120  : i32 {
      %broadcast_in_dim3A_219 = arith.constant 0 : i32
      %broadcast_in_dim3A_220 = vector.broadcast %broadcast_in_dim3A_219 : i32 to vector<16xi32>
      %add3A_221 = vector.broadcast %scan3A_218 : i32 to vector<16xi32>
      %add3A_222 = arith.addi %broadcast_in_dim3A_220, %add3A_221 : vector<16xi32>
      %add3A_223 = arith.constant 32 : i32
      %add3A_224 = arith.addi %add3A_223, %scan3A_218 : i32
      %get3A = arith.index_cast %add3A_224 : i32 to index
      %get3A_225 = arith.constant 0 : index
      %get3A_226 = tpu.vector_load %arg5[%get3A, %get3A_225] {strides = array<i32>} : memref<64x256xi32, #tpu.memory_space<vmem>>, vector<16xi32>,
      %scatter3A = arith.constant 0 : i32
      %scatter3A_227 = arith.constant 0 : i32
      %scatter3A_228 = arith.constant 0 : i32
      %scatter3A_229 = tpu.memref_slice %arg6[%scatter3A, %scatter3A_227, %scatter3A_228] : memref<2x16x2048xf32, #tpu.memory_space<vmem>> -> memref<1x16x2048xf32, #tpu.memory_space<vmem>>
      %scatter3A_230 = tpu.memref_squeeze %scatter3A_229 : memref<1x16x2048xf32, #tpu.memory_space<vmem>> -> memref<16x2048xf32, #tpu.memory_space<vmem>>
      tpu.vector_store_idx %scatter3A_230[%add3A_222, %get3A_226], %broadcast_in_dim3A_5 : memref<16x2048xf32, #tpu.memory_space<vmem>>[vector<16xi32>, vector<16xi32>], vector<16xf32>,
      %add3A_231 = arith.constant 32 : i32
      %add3A_232 = arith.addi %add3A_231, %scan3A_218 : i32
      %get3A_233 = arith.index_cast %add3A_232 : i32 to index
      %get3A_234 = arith.constant 16 : index
      %get3A_235 = tpu.vector_load %arg5[%get3A_233, %get3A_234] {strides = array<i32>} : memref<64x256xi32, #tpu.memory_space<vmem>>, vector<16xi32>,
      %scatter3A_236 = arith.constant 0 : i32
      %scatter3A_237 = arith.constant 0 : i32
      %scatter3A_238 = arith.constant 0 : i32
      %scatter3A_239 = tpu.memref_slice %arg6[%scatter3A_236, %scatter3A_237, %scatter3A_238] : memref<2x16x2048xf32, #tpu.memory_space<vmem>> -> memref<1x16x2048xf32, #tpu.memory_space<vmem>>
      %scatter3A_240 = tpu.memref_squeeze %scatter3A_239 : memref<1x16x2048xf32, #tpu.memory_space<vmem>> -> memref<16x2048xf32, #tpu.memory_space<vmem>>
      tpu.vector_store_idx %scatter3A_240[%add3A_222, %get3A_235], %broadcast_in_dim3A_5 : memref<16x2048xf32, #tpu.memory_space<vmem>>[vector<16xi32>, vector<16xi32>], vector<16xf32>,
      %add3A_241 = arith.constant 32 : i32
      %add3A_242 = arith.addi %add3A_241, %scan3A_218 : i32
      %get3A_243 = arith.index_cast %add3A_242 : i32 to index
      %get3A_244 = arith.constant 32 : index
      %get3A_245 = tpu.vector_load %arg5[%get3A_243, %get3A_244] {strides = array<i32>} : memref<64x256xi32, #tpu.memory_space<vmem>>, vector<16xi32>,
      %scatter3A_246 = arith.constant 0 : i32
      %scatter3A_247 = arith.constant 0 : i32
      %scatter3A_248 = arith.constant 0 : i32
      %scatter3A_249 = tpu.memref_slice %arg6[%scatter3A_246, %scatter3A_247, %scatter3A_248] : memref<2x16x2048xf32, #tpu.memory_space<vmem>> -> memref<1x16x2048xf32, #tpu.memory_space<vmem>>
      %scatter3A_250 = tpu.memref_squeeze %scatter3A_249 : memref<1x16x2048xf32, #tpu.memory_space<vmem>> -> memref<16x2048xf32, #tpu.memory_space<vmem>>
      tpu.vector_store_idx %scatter3A_250[%add3A_222, %get3A_245], %broadcast_in_dim3A_5 : memref<16x2048xf32, #tpu.memory_space<vmem>>[vector<16xi32>, vector<16xi32>], vector<16xf32>,
      %add3A_251 = arith.constant 32 : i32
      %add3A_252 = arith.addi %add3A_251, %scan3A_218 : i32
      %get3A_253 = arith.index_cast %add3A_252 : i32 to index
      %get3A_254 = arith.constant 48 : index
      %get3A_255 = tpu.vector_load %arg5[%get3A_253, %get3A_254] {strides = array<i32>} : memref<64x256xi32, #tpu.memory_space<vmem>>, vector<16xi32>,
      %scatter3A_256 = arith.constant 0 : i32
      %scatter3A_257 = arith.constant 0 : i32
      %scatter3A_258 = arith.constant 0 : i32
      %scatter3A_259 = tpu.memref_slice %arg6[%scatter3A_256, %scatter3A_257, %scatter3A_258] : memref<2x16x2048xf32, #tpu.memory_space<vmem>> -> memref<1x16x2048xf32, #tpu.memory_space<vmem>>
      %scatter3A_260 = tpu.memref_squeeze %scatter3A_259 : memref<1x16x2048xf32, #tpu.memory_space<vmem>> -> memref<16x2048xf32, #tpu.memory_space<vmem>>
      tpu.vector_store_idx %scatter3A_260[%add3A_222, %get3A_255], %broadcast_in_dim3A_5 : memref<16x2048xf32, #tpu.memory_space<vmem>>[vector<16xi32>, vector<16xi32>], vector<16xf32>,
      %add3A_261 = arith.constant 32 : i32
      %add3A_262 = arith.addi %add3A_261, %scan3A_218 : i32
      %get3A_263 = arith.index_cast %add3A_262 : i32 to index
      %get3A_264 = arith.constant 64 : index
      %get3A_265 = tpu.vector_load %arg5[%get3A_263, %get3A_264] {strides = array<i32>} : memref<64x256xi32, #tpu.memory_space<vmem>>, vector<16xi32>,
      %scatter3A_266 = arith.constant 0 : i32
      %scatter3A_267 = arith.constant 0 : i32
      %scatter3A_268 = arith.constant 0 : i32
      %scatter3A_269 = tpu.memref_slice %arg6[%scatter3A_266, %scatter3A_267, %scatter3A_268] : memref<2x16x2048xf32, #tpu.memory_space<vmem>> -> memref<1x16x2048xf32, #tpu.memory_space<vmem>>
      %scatter3A_270 = tpu.memref_squeeze %scatter3A_269 : memref<1x16x2048xf32, #tpu.memory_space<vmem>> -> memref<16x2048xf32, #tpu.memory_space<vmem>>
      tpu.vector_store_idx %scatter3A_270[%add3A_222, %get3A_265], %broadcast_in_dim3A_5 : memref<16x2048xf32, #tpu.memory_space<vmem>>[vector<16xi32>, vector<16xi32>], vector<16xf32>,
      %add3A_271 = arith.constant 32 : i32
      %add3A_272 = arith.addi %add3A_271, %scan3A_218 : i32
      %get3A_273 = arith.index_cast %add3A_272 : i32 to index
      %get3A_274 = arith.constant 80 : index
      %get3A_275 = tpu.vector_load %arg5[%get3A_273, %get3A_274] {strides = array<i32>} : memref<64x256xi32, #tpu.memory_space<vmem>>, vector<16xi32>,
      %scatter3A_276 = arith.constant 0 : i32
      %scatter3A_277 = arith.constant 0 : i32
      %scatter3A_278 = arith.constant 0 : i32
      %scatter3A_279 = tpu.memref_slice %arg6[%scatter3A_276, %scatter3A_277, %scatter3A_278] : memref<2x16x2048xf32, #tpu.memory_space<vmem>> -> memref<1x16x2048xf32, #tpu.memory_space<vmem>>
      %scatter3A_280 = tpu.memref_squeeze %scatter3A_279 : memref<1x16x2048xf32, #tpu.memory_space<vmem>> -> memref<16x2048xf32, #tpu.memory_space<vmem>>
      tpu.vector_store_idx %scatter3A_280[%add3A_222, %get3A_275], %broadcast_in_dim3A_5 : memref<16x2048xf32, #tpu.memory_space<vmem>>[vector<16xi32>, vector<16xi32>], vector<16xf32>,
      %add3A_281 = arith.constant 32 : i32
      %add3A_282 = arith.addi %add3A_281, %scan3A_218 : i32
      %get3A_283 = arith.index_cast %add3A_282 : i32 to index
      %get3A_284 = arith.constant 96 : index
      %get3A_285 = tpu.vector_load %arg5[%get3A_283, %get3A_284] {strides = array<i32>} : memref<64x256xi32, #tpu.memory_space<vmem>>, vector<16xi32>,
      %scatter3A_286 = arith.constant 0 : i32
      %scatter3A_287 = arith.constant 0 : i32
      %scatter3A_288 = arith.constant 0 : i32
      %scatter3A_289 = tpu.memref_slice %arg6[%scatter3A_286, %scatter3A_287, %scatter3A_288] : memref<2x16x2048xf32, #tpu.memory_space<vmem>> -> memref<1x16x2048xf32, #tpu.memory_space<vmem>>
      %scatter3A_290 = tpu.memref_squeeze %scatter3A_289 : memref<1x16x2048xf32, #tpu.memory_space<vmem>> -> memref<16x2048xf32, #tpu.memory_space<vmem>>
      tpu.vector_store_idx %scatter3A_290[%add3A_222, %get3A_285], %broadcast_in_dim3A_5 : memref<16x2048xf32, #tpu.memory_space<vmem>>[vector<16xi32>, vector<16xi32>], vector<16xf32>,
      %add3A_291 = arith.constant 32 : i32
      %add3A_292 = arith.addi %add3A_291, %scan3A_218 : i32
      %get3A_293 = arith.index_cast %add3A_292 : i32 to index
      %get3A_294 = arith.constant 112 : index
      %get3A_295 = tpu.vector_load %arg5[%get3A_293, %get3A_294] {strides = array<i32>} : memref<64x256xi32, #tpu.memory_space<vmem>>, vector<16xi32>,
      %scatter3A_296 = arith.constant 0 : i32
      %scatter3A_297 = arith.constant 0 : i32
      %scatter3A_298 = arith.constant 0 : i32
      %scatter3A_299 = tpu.memref_slice %arg6[%scatter3A_296, %scatter3A_297, %scatter3A_298] : memref<2x16x2048xf32, #tpu.memory_space<vmem>> -> memref<1x16x2048xf32, #tpu.memory_space<vmem>>
      %scatter3A_300 = tpu.memref_squeeze %scatter3A_299 : memref<1x16x2048xf32, #tpu.memory_space<vmem>> -> memref<16x2048xf32, #tpu.memory_space<vmem>>
      tpu.vector_store_idx %scatter3A_300[%add3A_222, %get3A_295], %broadcast_in_dim3A_5 : memref<16x2048xf32, #tpu.memory_space<vmem>>[vector<16xi32>, vector<16xi32>], vector<16xf32>,
      %add3A_301 = arith.constant 32 : i32
      %add3A_302 = arith.addi %add3A_301, %scan3A_218 : i32
      %get3A_303 = arith.index_cast %add3A_302 : i32 to index
      %get3A_304 = arith.constant 128 : index
      %get3A_305 = tpu.vector_load %arg5[%get3A_303, %get3A_304] {strides = array<i32>} : memref<64x256xi32, #tpu.memory_space<vmem>>, vector<16xi32>,
      %scatter3A_306 = arith.constant 0 : i32
      %scatter3A_307 = arith.constant 0 : i32
      %scatter3A_308 = arith.constant 0 : i32
      %scatter3A_309 = tpu.memref_slice %arg6[%scatter3A_306, %scatter3A_307, %scatter3A_308] : memref<2x16x2048xf32, #tpu.memory_space<vmem>> -> memref<1x16x2048xf32, #tpu.memory_space<vmem>>
      %scatter3A_310 = tpu.memref_squeeze %scatter3A_309 : memref<1x16x2048xf32, #tpu.memory_space<vmem>> -> memref<16x2048xf32, #tpu.memory_space<vmem>>
      tpu.vector_store_idx %scatter3A_310[%add3A_222, %get3A_305], %broadcast_in_dim3A_5 : memref<16x2048xf32, #tpu.memory_space<vmem>>[vector<16xi32>, vector<16xi32>], vector<16xf32>,
      %add3A_311 = arith.constant 32 : i32
      %add3A_312 = arith.addi %add3A_311, %scan3A_218 : i32
      %get3A_313 = arith.index_cast %add3A_312 : i32 to index
      %get3A_314 = arith.constant 144 : index
      %get3A_315 = tpu.vector_load %arg5[%get3A_313, %get3A_314] {strides = array<i32>} : memref<64x256xi32, #tpu.memory_space<vmem>>, vector<16xi32>,
      %scatter3A_316 = arith.constant 0 : i32
      %scatter3A_317 = arith.constant 0 : i32
      %scatter3A_318 = arith.constant 0 : i32
      %scatter3A_319 = tpu.memref_slice %arg6[%scatter3A_316, %scatter3A_317, %scatter3A_318] : memref<2x16x2048xf32, #tpu.memory_space<vmem>> -> memref<1x16x2048xf32, #tpu.memory_space<vmem>>
      %scatter3A_320 = tpu.memref_squeeze %scatter3A_319 : memref<1x16x2048xf32, #tpu.memory_space<vmem>> -> memref<16x2048xf32, #tpu.memory_space<vmem>>
      tpu.vector_store_idx %scatter3A_320[%add3A_222, %get3A_315], %broadcast_in_dim3A_5 : memref<16x2048xf32, #tpu.memory_space<vmem>>[vector<16xi32>, vector<16xi32>], vector<16xf32>,
      %add3A_321 = arith.constant 32 : i32
      %add3A_322 = arith.addi %add3A_321, %scan3A_218 : i32
      %get3A_323 = arith.index_cast %add3A_322 : i32 to index
      %get3A_324 = arith.constant 160 : index
      %get3A_325 = tpu.vector_load %arg5[%get3A_323, %get3A_324] {strides = array<i32>} : memref<64x256xi32, #tpu.memory_space<vmem>>, vector<16xi32>,
      %scatter3A_326 = arith.constant 0 : i32
      %scatter3A_327 = arith.constant 0 : i32
      %scatter3A_328 = arith.constant 0 : i32
      %scatter3A_329 = tpu.memref_slice %arg6[%scatter3A_326, %scatter3A_327, %scatter3A_328] : memref<2x16x2048xf32, #tpu.memory_space<vmem>> -> memref<1x16x2048xf32, #tpu.memory_space<vmem>>
      %scatter3A_330 = tpu.memref_squeeze %scatter3A_329 : memref<1x16x2048xf32, #tpu.memory_space<vmem>> -> memref<16x2048xf32, #tpu.memory_space<vmem>>
      tpu.vector_store_idx %scatter3A_330[%add3A_222, %get3A_325], %broadcast_in_dim3A_5 : memref<16x2048xf32, #tpu.memory_space<vmem>>[vector<16xi32>, vector<16xi32>], vector<16xf32>,
      %add3A_331 = arith.constant 32 : i32
      %add3A_332 = arith.addi %add3A_331, %scan3A_218 : i32
      %get3A_333 = arith.index_cast %add3A_332 : i32 to index
      %get3A_334 = arith.constant 176 : index
      %get3A_335 = tpu.vector_load %arg5[%get3A_333, %get3A_334] {strides = array<i32>} : memref<64x256xi32, #tpu.memory_space<vmem>>, vector<16xi32>,
      %scatter3A_336 = arith.constant 0 : i32
      %scatter3A_337 = arith.constant 0 : i32
      %scatter3A_338 = arith.constant 0 : i32
      %scatter3A_339 = tpu.memref_slice %arg6[%scatter3A_336, %scatter3A_337, %scatter3A_338] : memref<2x16x2048xf32, #tpu.memory_space<vmem>> -> memref<1x16x2048xf32, #tpu.memory_space<vmem>>
      %scatter3A_340 = tpu.memref_squeeze %scatter3A_339 : memref<1x16x2048xf32, #tpu.memory_space<vmem>> -> memref<16x2048xf32, #tpu.memory_space<vmem>>
      tpu.vector_store_idx %scatter3A_340[%add3A_222, %get3A_335], %broadcast_in_dim3A_5 : memref<16x2048xf32, #tpu.memory_space<vmem>>[vector<16xi32>, vector<16xi32>], vector<16xf32>,
      %add3A_341 = arith.constant 32 : i32
      %add3A_342 = arith.addi %add3A_341, %scan3A_218 : i32
      %get3A_343 = arith.index_cast %add3A_342 : i32 to index
      %get3A_344 = arith.constant 192 : index
      %get3A_345 = tpu.vector_load %arg5[%get3A_343, %get3A_344] {strides = array<i32>} : memref<64x256xi32, #tpu.memory_space<vmem>>, vector<16xi32>,
      %scatter3A_346 = arith.constant 0 : i32
      %scatter3A_347 = arith.constant 0 : i32
      %scatter3A_348 = arith.constant 0 : i32
      %scatter3A_349 = tpu.memref_slice %arg6[%scatter3A_346, %scatter3A_347, %scatter3A_348] : memref<2x16x2048xf32, #tpu.memory_space<vmem>> -> memref<1x16x2048xf32, #tpu.memory_space<vmem>>
      %scatter3A_350 = tpu.memref_squeeze %scatter3A_349 : memref<1x16x2048xf32, #tpu.memory_space<vmem>> -> memref<16x2048xf32, #tpu.memory_space<vmem>>
      tpu.vector_store_idx %scatter3A_350[%add3A_222, %get3A_345], %broadcast_in_dim3A_5 : memref<16x2048xf32, #tpu.memory_space<vmem>>[vector<16xi32>, vector<16xi32>], vector<16xf32>,
      %add3A_351 = arith.constant 32 : i32
      %add3A_352 = arith.addi %add3A_351, %scan3A_218 : i32
      %get3A_353 = arith.index_cast %add3A_352 : i32 to index
      %get3A_354 = arith.constant 208 : index
      %get3A_355 = tpu.vector_load %arg5[%get3A_353, %get3A_354] {strides = array<i32>} : memref<64x256xi32, #tpu.memory_space<vmem>>, vector<16xi32>,
      %scatter3A_356 = arith.constant 0 : i32
      %scatter3A_357 = arith.constant 0 : i32
      %scatter3A_358 = arith.constant 0 : i32
      %scatter3A_359 = tpu.memref_slice %arg6[%scatter3A_356, %scatter3A_357, %scatter3A_358] : memref<2x16x2048xf32, #tpu.memory_space<vmem>> -> memref<1x16x2048xf32, #tpu.memory_space<vmem>>
      %scatter3A_360 = tpu.memref_squeeze %scatter3A_359 : memref<1x16x2048xf32, #tpu.memory_space<vmem>> -> memref<16x2048xf32, #tpu.memory_space<vmem>>
      tpu.vector_store_idx %scatter3A_360[%add3A_222, %get3A_355], %broadcast_in_dim3A_5 : memref<16x2048xf32, #tpu.memory_space<vmem>>[vector<16xi32>, vector<16xi32>], vector<16xf32>,
      %add3A_361 = arith.constant 32 : i32
      %add3A_362 = arith.addi %add3A_361, %scan3A_218 : i32
      %get3A_363 = arith.index_cast %add3A_362 : i32 to index
      %get3A_364 = arith.constant 224 : index
      %get3A_365 = tpu.vector_load %arg5[%get3A_363, %get3A_364] {strides = array<i32>} : memref<64x256xi32, #tpu.memory_space<vmem>>, vector<16xi32>,
      %scatter3A_366 = arith.constant 0 : i32
      %scatter3A_367 = arith.constant 0 : i32
      %scatter3A_368 = arith.constant 0 : i32
      %scatter3A_369 = tpu.memref_slice %arg6[%scatter3A_366, %scatter3A_367, %scatter3A_368] : memref<2x16x2048xf32, #tpu.memory_space<vmem>> -> memref<1x16x2048xf32, #tpu.memory_space<vmem>>
      %scatter3A_370 = tpu.memref_squeeze %scatter3A_369 : memref<1x16x2048xf32, #tpu.memory_space<vmem>> -> memref<16x2048xf32, #tpu.memory_space<vmem>>
      tpu.vector_store_idx %scatter3A_370[%add3A_222, %get3A_365], %broadcast_in_dim3A_5 : memref<16x2048xf32, #tpu.memory_space<vmem>>[vector<16xi32>, vector<16xi32>], vector<16xf32>,
      %add3A_371 = arith.constant 32 : i32
      %add3A_372 = arith.addi %add3A_371, %scan3A_218 : i32
      %get3A_373 = arith.index_cast %add3A_372 : i32 to index
      %get3A_374 = arith.constant 240 : index
      %get3A_375 = tpu.vector_load %arg5[%get3A_373, %get3A_374] {strides = array<i32>} : memref<64x256xi32, #tpu.memory_space<vmem>>, vector<16xi32>,
      %scatter3A_376 = arith.constant 0 : i32
      %scatter3A_377 = arith.constant 0 : i32
      %scatter3A_378 = arith.constant 0 : i32
      %scatter3A_379 = tpu.memref_slice %arg6[%scatter3A_376, %scatter3A_377, %scatter3A_378] : memref<2x16x2048xf32, #tpu.memory_space<vmem>> -> memref<1x16x2048xf32, #tpu.memory_space<vmem>>
      %scatter3A_380 = tpu.memref_squeeze %scatter3A_379 : memref<1x16x2048xf32, #tpu.memory_space<vmem>> -> memref<16x2048xf32, #tpu.memory_space<vmem>>
      tpu.vector_store_idx %scatter3A_380[%add3A_222, %get3A_375], %broadcast_in_dim3A_5 : memref<16x2048xf32, #tpu.memory_space<vmem>>[vector<16xi32>, vector<16xi32>], vector<16xf32>,
    }
    %scan3A_121 = arith.constant 16 : i32
    %add3A_122 = arith.constant 32 : i32
    %add3A_123 = arith.addi %mul3A_2, %add3A_122 : i32
    %dma_start3A_124 = arith.constant 0 : i32
    %dma_start3A_125 = arith.constant 0 : i32
    %dma_start3A_126 = arith.constant 0 : i32
    %dma_start3A_127 = arith.constant 0 : i32
    %dma_start3A_128 = tpu.memref_slice %arg6[%dma_start3A_124, %dma_start3A_126, %dma_start3A_127] : memref<2x16x2048xf32, #tpu.memory_space<vmem>> -> memref<1x16x2048xf32, #tpu.memory_space<vmem>>
    %dma_start3A_129 = tpu.memref_squeeze %dma_start3A_128 : memref<1x16x2048xf32, #tpu.memory_space<vmem>> -> memref<16x2048xf32, #tpu.memory_space<vmem>>
    %dma_start3A_130 = arith.constant 0 : i32
    %dma_start3A_131 = tpu.memref_slice %arg3[%add3A_123, %dma_start3A_130] : memref<2048x2048xf32, #tpu.memory_space<hbm>> -> memref<16x2048xf32, #tpu.memory_space<hbm>>
    %dma_start3A_132 = tpu.memref_slice %arg8[%dma_start3A_125] : memref<2x!tpu.dma_semaphore, #tpu.memory_space<semaphore_mem>> -> memref<1x!tpu.dma_semaphore, #tpu.memory_space<semaphore_mem>>
    %dma_start3A_133 = tpu.memref_squeeze %dma_start3A_132 : memref<1x!tpu.dma_semaphore, #tpu.memory_space<semaphore_mem>> -> memref<!tpu.dma_semaphore, #tpu.memory_space<semaphore_mem>>
    %dma_start3A_134 = arith.constant 0 : i32
    %dma_start3A_135 = tpu.memref_slice %arg3[%add3A_123, %dma_start3A_134] : memref<2048x2048xf32, #tpu.memory_space<hbm>> -> memref<16x2048xf32, #tpu.memory_space<hbm>>
    %dma_start3A_136 = arith.constant 0 : i32
    %dma_start3A_137 = arith.constant 0 : i32
    %dma_start3A_138 = tpu.memref_slice %arg6[%dma_start3A_124, %dma_start3A_136, %dma_start3A_137] : memref<2x16x2048xf32, #tpu.memory_space<vmem>> -> memref<1x16x2048xf32, #tpu.memory_space<vmem>>
    %dma_start3A_139 = tpu.memref_squeeze %dma_start3A_138 : memref<1x16x2048xf32, #tpu.memory_space<vmem>> -> memref<16x2048xf32, #tpu.memory_space<vmem>>
    tpu.enqueue_dma source(%dma_start3A_139 : memref<16x2048xf32, #tpu.memory_space<vmem>>) target(%dma_start3A_135 : memref<16x2048xf32, #tpu.memory_space<hbm>>) target_semaphore(%dma_start3A_133 : memref<!tpu.dma_semaphore, #tpu.memory_space<semaphore_mem>>)
    %dma_wait3A_140 = arith.constant 1 : i32
    %dma_wait3A_141 = arith.constant 1 : i32
    %dma_wait3A_142 = arith.constant 0 : i32
    %dma_wait3A_143 = arith.constant 0 : i32
    %dma_wait3A_144 = tpu.memref_slice %arg6[%dma_wait3A_140, %dma_wait3A_142, %dma_wait3A_143] : memref<2x16x2048xf32, #tpu.memory_space<vmem>> -> memref<1x16x2048xf32, #tpu.memory_space<vmem>>
    %dma_wait3A_145 = tpu.memref_squeeze %dma_wait3A_144 : memref<1x16x2048xf32, #tpu.memory_space<vmem>> -> memref<16x2048xf32, #tpu.memory_space<vmem>>
    %dma_wait3A_146 = arith.constant 0 : i32
    %dma_wait3A_147 = tpu.memref_slice %arg3[%add3A_78, %dma_wait3A_146] : memref<2048x2048xf32, #tpu.memory_space<hbm>> -> memref<16x2048xf32, #tpu.memory_space<hbm>>
    %dma_wait3A_148 = tpu.memref_slice %arg8[%dma_wait3A_141] : memref<2x!tpu.dma_semaphore, #tpu.memory_space<semaphore_mem>> -> memref<1x!tpu.dma_semaphore, #tpu.memory_space<semaphore_mem>>
    %dma_wait3A_149 = tpu.memref_squeeze %dma_wait3A_148 : memref<1x!tpu.dma_semaphore, #tpu.memory_space<semaphore_mem>> -> memref<!tpu.dma_semaphore, #tpu.memory_space<semaphore_mem>>
    %dma_wait3A_150 = arith.constant 0 : i32
    %dma_wait3A_151 = tpu.memref_slice %arg3[%add3A_78, %dma_wait3A_150] : memref<2048x2048xf32, #tpu.memory_space<hbm>> -> memref<16x2048xf32, #tpu.memory_space<hbm>>
    %dma_wait3A_152 = arith.constant 0 : i32
    %dma_wait3A_153 = arith.constant 0 : i32
    %dma_wait3A_154 = tpu.memref_slice %arg6[%dma_wait3A_140, %dma_wait3A_152, %dma_wait3A_153] : memref<2x16x2048xf32, #tpu.memory_space<vmem>> -> memref<1x16x2048xf32, #tpu.memory_space<vmem>>
    %dma_wait3A_155 = tpu.memref_squeeze %dma_wait3A_154 : memref<1x16x2048xf32, #tpu.memory_space<vmem>> -> memref<16x2048xf32, #tpu.memory_space<vmem>>
    tpu.wait_dma2 semaphore(%dma_wait3A_149 : memref<!tpu.dma_semaphore, #tpu.memory_space<semaphore_mem>>) src(%dma_wait3A_155 : memref<16x2048xf32, #tpu.memory_space<vmem>>) dst(%dma_wait3A_151 : memref<16x2048xf32, #tpu.memory_space<hbm>>)
    %scan3A_156 = arith.constant 0 : i32
    %scan3A_157 = arith.constant 0 : i32
    %scan3A_158 = arith.constant 16 : i32
    %scan3A_159 = arith.addi %scan3A_157, %scan3A_158 : i32
    %scan3A_160 = arith.constant 1 : i32
    scf.for %scan3A_218 = %scan3A_157 to %scan3A_159 step %scan3A_160  : i32 {
      %broadcast_in_dim3A_219 = arith.constant 0 : i32
      %broadcast_in_dim3A_220 = vector.broadcast %broadcast_in_dim3A_219 : i32 to vector<16xi32>
      %add3A_221 = vector.broadcast %scan3A_218 : i32 to vector<16xi32>
      %add3A_222 = arith.addi %broadcast_in_dim3A_220, %add3A_221 : vector<16xi32>
      %add3A_223 = arith.constant 16 : i32
      %add3A_224 = arith.addi %add3A_223, %scan3A_218 : i32
      %get3A = arith.index_cast %add3A_224 : i32 to index
      %get3A_225 = arith.constant 0 : index
      %get3A_226 = tpu.vector_load %arg5[%get3A, %get3A_225] {strides = array<i32>} : memref<64x256xi32, #tpu.memory_space<vmem>>, vector<16xi32>,
      %scatter3A = arith.constant 1 : i32
      %scatter3A_227 = arith.constant 0 : i32
      %scatter3A_228 = arith.constant 0 : i32
      %scatter3A_229 = tpu.memref_slice %arg6[%scatter3A, %scatter3A_227, %scatter3A_228] : memref<2x16x2048xf32, #tpu.memory_space<vmem>> -> memref<1x16x2048xf32, #tpu.memory_space<vmem>>
      %scatter3A_230 = tpu.memref_squeeze %scatter3A_229 : memref<1x16x2048xf32, #tpu.memory_space<vmem>> -> memref<16x2048xf32, #tpu.memory_space<vmem>>
      tpu.vector_store_idx %scatter3A_230[%add3A_222, %get3A_226], %broadcast_in_dim3A_3 : memref<16x2048xf32, #tpu.memory_space<vmem>>[vector<16xi32>, vector<16xi32>], vector<16xf32>,
      %add3A_231 = arith.constant 16 : i32
      %add3A_232 = arith.addi %add3A_231, %scan3A_218 : i32
      %get3A_233 = arith.index_cast %add3A_232 : i32 to index
      %get3A_234 = arith.constant 16 : index
      %get3A_235 = tpu.vector_load %arg5[%get3A_233, %get3A_234] {strides = array<i32>} : memref<64x256xi32, #tpu.memory_space<vmem>>, vector<16xi32>,
      %scatter3A_236 = arith.constant 1 : i32
      %scatter3A_237 = arith.constant 0 : i32
      %scatter3A_238 = arith.constant 0 : i32
      %scatter3A_239 = tpu.memref_slice %arg6[%scatter3A_236, %scatter3A_237, %scatter3A_238] : memref<2x16x2048xf32, #tpu.memory_space<vmem>> -> memref<1x16x2048xf32, #tpu.memory_space<vmem>>
      %scatter3A_240 = tpu.memref_squeeze %scatter3A_239 : memref<1x16x2048xf32, #tpu.memory_space<vmem>> -> memref<16x2048xf32, #tpu.memory_space<vmem>>
      tpu.vector_store_idx %scatter3A_240[%add3A_222, %get3A_235], %broadcast_in_dim3A_3 : memref<16x2048xf32, #tpu.memory_space<vmem>>[vector<16xi32>, vector<16xi32>], vector<16xf32>,
      %add3A_241 = arith.constant 16 : i32
      %add3A_242 = arith.addi %add3A_241, %scan3A_218 : i32
      %get3A_243 = arith.index_cast %add3A_242 : i32 to index
      %get3A_244 = arith.constant 32 : index
      %get3A_245 = tpu.vector_load %arg5[%get3A_243, %get3A_244] {strides = array<i32>} : memref<64x256xi32, #tpu.memory_space<vmem>>, vector<16xi32>,
      %scatter3A_246 = arith.constant 1 : i32
      %scatter3A_247 = arith.constant 0 : i32
      %scatter3A_248 = arith.constant 0 : i32
      %scatter3A_249 = tpu.memref_slice %arg6[%scatter3A_246, %scatter3A_247, %scatter3A_248] : memref<2x16x2048xf32, #tpu.memory_space<vmem>> -> memref<1x16x2048xf32, #tpu.memory_space<vmem>>
      %scatter3A_250 = tpu.memref_squeeze %scatter3A_249 : memref<1x16x2048xf32, #tpu.memory_space<vmem>> -> memref<16x2048xf32, #tpu.memory_space<vmem>>
      tpu.vector_store_idx %scatter3A_250[%add3A_222, %get3A_245], %broadcast_in_dim3A_3 : memref<16x2048xf32, #tpu.memory_space<vmem>>[vector<16xi32>, vector<16xi32>], vector<16xf32>,
      %add3A_251 = arith.constant 16 : i32
      %add3A_252 = arith.addi %add3A_251, %scan3A_218 : i32
      %get3A_253 = arith.index_cast %add3A_252 : i32 to index
      %get3A_254 = arith.constant 48 : index
      %get3A_255 = tpu.vector_load %arg5[%get3A_253, %get3A_254] {strides = array<i32>} : memref<64x256xi32, #tpu.memory_space<vmem>>, vector<16xi32>,
      %scatter3A_256 = arith.constant 1 : i32
      %scatter3A_257 = arith.constant 0 : i32
      %scatter3A_258 = arith.constant 0 : i32
      %scatter3A_259 = tpu.memref_slice %arg6[%scatter3A_256, %scatter3A_257, %scatter3A_258] : memref<2x16x2048xf32, #tpu.memory_space<vmem>> -> memref<1x16x2048xf32, #tpu.memory_space<vmem>>
      %scatter3A_260 = tpu.memref_squeeze %scatter3A_259 : memref<1x16x2048xf32, #tpu.memory_space<vmem>> -> memref<16x2048xf32, #tpu.memory_space<vmem>>
      tpu.vector_store_idx %scatter3A_260[%add3A_222, %get3A_255], %broadcast_in_dim3A_3 : memref<16x2048xf32, #tpu.memory_space<vmem>>[vector<16xi32>, vector<16xi32>], vector<16xf32>,
      %add3A_261 = arith.constant 16 : i32
      %add3A_262 = arith.addi %add3A_261, %scan3A_218 : i32
      %get3A_263 = arith.index_cast %add3A_262 : i32 to index
      %get3A_264 = arith.constant 64 : index
      %get3A_265 = tpu.vector_load %arg5[%get3A_263, %get3A_264] {strides = array<i32>} : memref<64x256xi32, #tpu.memory_space<vmem>>, vector<16xi32>,
      %scatter3A_266 = arith.constant 1 : i32
      %scatter3A_267 = arith.constant 0 : i32
      %scatter3A_268 = arith.constant 0 : i32
      %scatter3A_269 = tpu.memref_slice %arg6[%scatter3A_266, %scatter3A_267, %scatter3A_268] : memref<2x16x2048xf32, #tpu.memory_space<vmem>> -> memref<1x16x2048xf32, #tpu.memory_space<vmem>>
      %scatter3A_270 = tpu.memref_squeeze %scatter3A_269 : memref<1x16x2048xf32, #tpu.memory_space<vmem>> -> memref<16x2048xf32, #tpu.memory_space<vmem>>
      tpu.vector_store_idx %scatter3A_270[%add3A_222, %get3A_265], %broadcast_in_dim3A_3 : memref<16x2048xf32, #tpu.memory_space<vmem>>[vector<16xi32>, vector<16xi32>], vector<16xf32>,
      %add3A_271 = arith.constant 16 : i32
      %add3A_272 = arith.addi %add3A_271, %scan3A_218 : i32
      %get3A_273 = arith.index_cast %add3A_272 : i32 to index
      %get3A_274 = arith.constant 80 : index
      %get3A_275 = tpu.vector_load %arg5[%get3A_273, %get3A_274] {strides = array<i32>} : memref<64x256xi32, #tpu.memory_space<vmem>>, vector<16xi32>,
      %scatter3A_276 = arith.constant 1 : i32
      %scatter3A_277 = arith.constant 0 : i32
      %scatter3A_278 = arith.constant 0 : i32
      %scatter3A_279 = tpu.memref_slice %arg6[%scatter3A_276, %scatter3A_277, %scatter3A_278] : memref<2x16x2048xf32, #tpu.memory_space<vmem>> -> memref<1x16x2048xf32, #tpu.memory_space<vmem>>
      %scatter3A_280 = tpu.memref_squeeze %scatter3A_279 : memref<1x16x2048xf32, #tpu.memory_space<vmem>> -> memref<16x2048xf32, #tpu.memory_space<vmem>>
      tpu.vector_store_idx %scatter3A_280[%add3A_222, %get3A_275], %broadcast_in_dim3A_3 : memref<16x2048xf32, #tpu.memory_space<vmem>>[vector<16xi32>, vector<16xi32>], vector<16xf32>,
      %add3A_281 = arith.constant 16 : i32
      %add3A_282 = arith.addi %add3A_281, %scan3A_218 : i32
      %get3A_283 = arith.index_cast %add3A_282 : i32 to index
      %get3A_284 = arith.constant 96 : index
      %get3A_285 = tpu.vector_load %arg5[%get3A_283, %get3A_284] {strides = array<i32>} : memref<64x256xi32, #tpu.memory_space<vmem>>, vector<16xi32>,
      %scatter3A_286 = arith.constant 1 : i32
      %scatter3A_287 = arith.constant 0 : i32
      %scatter3A_288 = arith.constant 0 : i32
      %scatter3A_289 = tpu.memref_slice %arg6[%scatter3A_286, %scatter3A_287, %scatter3A_288] : memref<2x16x2048xf32, #tpu.memory_space<vmem>> -> memref<1x16x2048xf32, #tpu.memory_space<vmem>>
      %scatter3A_290 = tpu.memref_squeeze %scatter3A_289 : memref<1x16x2048xf32, #tpu.memory_space<vmem>> -> memref<16x2048xf32, #tpu.memory_space<vmem>>
      tpu.vector_store_idx %scatter3A_290[%add3A_222, %get3A_285], %broadcast_in_dim3A_3 : memref<16x2048xf32, #tpu.memory_space<vmem>>[vector<16xi32>, vector<16xi32>], vector<16xf32>,
      %add3A_291 = arith.constant 16 : i32
      %add3A_292 = arith.addi %add3A_291, %scan3A_218 : i32
      %get3A_293 = arith.index_cast %add3A_292 : i32 to index
      %get3A_294 = arith.constant 112 : index
      %get3A_295 = tpu.vector_load %arg5[%get3A_293, %get3A_294] {strides = array<i32>} : memref<64x256xi32, #tpu.memory_space<vmem>>, vector<16xi32>,
      %scatter3A_296 = arith.constant 1 : i32
      %scatter3A_297 = arith.constant 0 : i32
      %scatter3A_298 = arith.constant 0 : i32
      %scatter3A_299 = tpu.memref_slice %arg6[%scatter3A_296, %scatter3A_297, %scatter3A_298] : memref<2x16x2048xf32, #tpu.memory_space<vmem>> -> memref<1x16x2048xf32, #tpu.memory_space<vmem>>
      %scatter3A_300 = tpu.memref_squeeze %scatter3A_299 : memref<1x16x2048xf32, #tpu.memory_space<vmem>> -> memref<16x2048xf32, #tpu.memory_space<vmem>>
      tpu.vector_store_idx %scatter3A_300[%add3A_222, %get3A_295], %broadcast_in_dim3A_3 : memref<16x2048xf32, #tpu.memory_space<vmem>>[vector<16xi32>, vector<16xi32>], vector<16xf32>,
      %add3A_301 = arith.constant 16 : i32
      %add3A_302 = arith.addi %add3A_301, %scan3A_218 : i32
      %get3A_303 = arith.index_cast %add3A_302 : i32 to index
      %get3A_304 = arith.constant 128 : index
      %get3A_305 = tpu.vector_load %arg5[%get3A_303, %get3A_304] {strides = array<i32>} : memref<64x256xi32, #tpu.memory_space<vmem>>, vector<16xi32>,
      %scatter3A_306 = arith.constant 1 : i32
      %scatter3A_307 = arith.constant 0 : i32
      %scatter3A_308 = arith.constant 0 : i32
      %scatter3A_309 = tpu.memref_slice %arg6[%scatter3A_306, %scatter3A_307, %scatter3A_308] : memref<2x16x2048xf32, #tpu.memory_space<vmem>> -> memref<1x16x2048xf32, #tpu.memory_space<vmem>>
      %scatter3A_310 = tpu.memref_squeeze %scatter3A_309 : memref<1x16x2048xf32, #tpu.memory_space<vmem>> -> memref<16x2048xf32, #tpu.memory_space<vmem>>
      tpu.vector_store_idx %scatter3A_310[%add3A_222, %get3A_305], %broadcast_in_dim3A_3 : memref<16x2048xf32, #tpu.memory_space<vmem>>[vector<16xi32>, vector<16xi32>], vector<16xf32>,
      %add3A_311 = arith.constant 16 : i32
      %add3A_312 = arith.addi %add3A_311, %scan3A_218 : i32
      %get3A_313 = arith.index_cast %add3A_312 : i32 to index
      %get3A_314 = arith.constant 144 : index
      %get3A_315 = tpu.vector_load %arg5[%get3A_313, %get3A_314] {strides = array<i32>} : memref<64x256xi32, #tpu.memory_space<vmem>>, vector<16xi32>,
      %scatter3A_316 = arith.constant 1 : i32
      %scatter3A_317 = arith.constant 0 : i32
      %scatter3A_318 = arith.constant 0 : i32
      %scatter3A_319 = tpu.memref_slice %arg6[%scatter3A_316, %scatter3A_317, %scatter3A_318] : memref<2x16x2048xf32, #tpu.memory_space<vmem>> -> memref<1x16x2048xf32, #tpu.memory_space<vmem>>
      %scatter3A_320 = tpu.memref_squeeze %scatter3A_319 : memref<1x16x2048xf32, #tpu.memory_space<vmem>> -> memref<16x2048xf32, #tpu.memory_space<vmem>>
      tpu.vector_store_idx %scatter3A_320[%add3A_222, %get3A_315], %broadcast_in_dim3A_3 : memref<16x2048xf32, #tpu.memory_space<vmem>>[vector<16xi32>, vector<16xi32>], vector<16xf32>,
      %add3A_321 = arith.constant 16 : i32
      %add3A_322 = arith.addi %add3A_321, %scan3A_218 : i32
      %get3A_323 = arith.index_cast %add3A_322 : i32 to index
      %get3A_324 = arith.constant 160 : index
      %get3A_325 = tpu.vector_load %arg5[%get3A_323, %get3A_324] {strides = array<i32>} : memref<64x256xi32, #tpu.memory_space<vmem>>, vector<16xi32>,
      %scatter3A_326 = arith.constant 1 : i32
      %scatter3A_327 = arith.constant 0 : i32
      %scatter3A_328 = arith.constant 0 : i32
      %scatter3A_329 = tpu.memref_slice %arg6[%scatter3A_326, %scatter3A_327, %scatter3A_328] : memref<2x16x2048xf32, #tpu.memory_space<vmem>> -> memref<1x16x2048xf32, #tpu.memory_space<vmem>>
      %scatter3A_330 = tpu.memref_squeeze %scatter3A_329 : memref<1x16x2048xf32, #tpu.memory_space<vmem>> -> memref<16x2048xf32, #tpu.memory_space<vmem>>
      tpu.vector_store_idx %scatter3A_330[%add3A_222, %get3A_325], %broadcast_in_dim3A_3 : memref<16x2048xf32, #tpu.memory_space<vmem>>[vector<16xi32>, vector<16xi32>], vector<16xf32>,
      %add3A_331 = arith.constant 16 : i32
      %add3A_332 = arith.addi %add3A_331, %scan3A_218 : i32
      %get3A_333 = arith.index_cast %add3A_332 : i32 to index
      %get3A_334 = arith.constant 176 : index
      %get3A_335 = tpu.vector_load %arg5[%get3A_333, %get3A_334] {strides = array<i32>} : memref<64x256xi32, #tpu.memory_space<vmem>>, vector<16xi32>,
      %scatter3A_336 = arith.constant 1 : i32
      %scatter3A_337 = arith.constant 0 : i32
      %scatter3A_338 = arith.constant 0 : i32
      %scatter3A_339 = tpu.memref_slice %arg6[%scatter3A_336, %scatter3A_337, %scatter3A_338] : memref<2x16x2048xf32, #tpu.memory_space<vmem>> -> memref<1x16x2048xf32, #tpu.memory_space<vmem>>
      %scatter3A_340 = tpu.memref_squeeze %scatter3A_339 : memref<1x16x2048xf32, #tpu.memory_space<vmem>> -> memref<16x2048xf32, #tpu.memory_space<vmem>>
      tpu.vector_store_idx %scatter3A_340[%add3A_222, %get3A_335], %broadcast_in_dim3A_3 : memref<16x2048xf32, #tpu.memory_space<vmem>>[vector<16xi32>, vector<16xi32>], vector<16xf32>,
      %add3A_341 = arith.constant 16 : i32
      %add3A_342 = arith.addi %add3A_341, %scan3A_218 : i32
      %get3A_343 = arith.index_cast %add3A_342 : i32 to index
      %get3A_344 = arith.constant 192 : index
      %get3A_345 = tpu.vector_load %arg5[%get3A_343, %get3A_344] {strides = array<i32>} : memref<64x256xi32, #tpu.memory_space<vmem>>, vector<16xi32>,
      %scatter3A_346 = arith.constant 1 : i32
      %scatter3A_347 = arith.constant 0 : i32
      %scatter3A_348 = arith.constant 0 : i32
      %scatter3A_349 = tpu.memref_slice %arg6[%scatter3A_346, %scatter3A_347, %scatter3A_348] : memref<2x16x2048xf32, #tpu.memory_space<vmem>> -> memref<1x16x2048xf32, #tpu.memory_space<vmem>>
      %scatter3A_350 = tpu.memref_squeeze %scatter3A_349 : memref<1x16x2048xf32, #tpu.memory_space<vmem>> -> memref<16x2048xf32, #tpu.memory_space<vmem>>
      tpu.vector_store_idx %scatter3A_350[%add3A_222, %get3A_345], %broadcast_in_dim3A_3 : memref<16x2048xf32, #tpu.memory_space<vmem>>[vector<16xi32>, vector<16xi32>], vector<16xf32>,
      %add3A_351 = arith.constant 16 : i32
      %add3A_352 = arith.addi %add3A_351, %scan3A_218 : i32
      %get3A_353 = arith.index_cast %add3A_352 : i32 to index
      %get3A_354 = arith.constant 208 : index
      %get3A_355 = tpu.vector_load %arg5[%get3A_353, %get3A_354] {strides = array<i32>} : memref<64x256xi32, #tpu.memory_space<vmem>>, vector<16xi32>,
      %scatter3A_356 = arith.constant 1 : i32
      %scatter3A_357 = arith.constant 0 : i32
      %scatter3A_358 = arith.constant 0 : i32
      %scatter3A_359 = tpu.memref_slice %arg6[%scatter3A_356, %scatter3A_357, %scatter3A_358] : memref<2x16x2048xf32, #tpu.memory_space<vmem>> -> memref<1x16x2048xf32, #tpu.memory_space<vmem>>
      %scatter3A_360 = tpu.memref_squeeze %scatter3A_359 : memref<1x16x2048xf32, #tpu.memory_space<vmem>> -> memref<16x2048xf32, #tpu.memory_space<vmem>>
      tpu.vector_store_idx %scatter3A_360[%add3A_222, %get3A_355], %broadcast_in_dim3A_3 : memref<16x2048xf32, #tpu.memory_space<vmem>>[vector<16xi32>, vector<16xi32>], vector<16xf32>,
      %add3A_361 = arith.constant 16 : i32
      %add3A_362 = arith.addi %add3A_361, %scan3A_218 : i32
      %get3A_363 = arith.index_cast %add3A_362 : i32 to index
      %get3A_364 = arith.constant 224 : index
      %get3A_365 = tpu.vector_load %arg5[%get3A_363, %get3A_364] {strides = array<i32>} : memref<64x256xi32, #tpu.memory_space<vmem>>, vector<16xi32>,
      %scatter3A_366 = arith.constant 1 : i32
      %scatter3A_367 = arith.constant 0 : i32
      %scatter3A_368 = arith.constant 0 : i32
      %scatter3A_369 = tpu.memref_slice %arg6[%scatter3A_366, %scatter3A_367, %scatter3A_368] : memref<2x16x2048xf32, #tpu.memory_space<vmem>> -> memref<1x16x2048xf32, #tpu.memory_space<vmem>>
      %scatter3A_370 = tpu.memref_squeeze %scatter3A_369 : memref<1x16x2048xf32, #tpu.memory_space<vmem>> -> memref<16x2048xf32, #tpu.memory_space<vmem>>
      tpu.vector_store_idx %scatter3A_370[%add3A_222, %get3A_365], %broadcast_in_dim3A_3 : memref<16x2048xf32, #tpu.memory_space<vmem>>[vector<16xi32>, vector<16xi32>], vector<16xf32>,
      %add3A_371 = arith.constant 16 : i32
      %add3A_372 = arith.addi %add3A_371, %scan3A_218 : i32
      %get3A_373 = arith.index_cast %add3A_372 : i32 to index
      %get3A_374 = arith.constant 240 : index
      %get3A_375 = tpu.vector_load %arg5[%get3A_373, %get3A_374] {strides = array<i32>} : memref<64x256xi32, #tpu.memory_space<vmem>>, vector<16xi32>,
      %scatter3A_376 = arith.constant 1 : i32
      %scatter3A_377 = arith.constant 0 : i32
      %scatter3A_378 = arith.constant 0 : i32
      %scatter3A_379 = tpu.memref_slice %arg6[%scatter3A_376, %scatter3A_377, %scatter3A_378] : memref<2x16x2048xf32, #tpu.memory_space<vmem>> -> memref<1x16x2048xf32, #tpu.memory_space<vmem>>
      %scatter3A_380 = tpu.memref_squeeze %scatter3A_379 : memref<1x16x2048xf32, #tpu.memory_space<vmem>> -> memref<16x2048xf32, #tpu.memory_space<vmem>>
      tpu.vector_store_idx %scatter3A_380[%add3A_222, %get3A_375], %broadcast_in_dim3A_3 : memref<16x2048xf32, #tpu.memory_space<vmem>>[vector<16xi32>, vector<16xi32>], vector<16xf32>,
    }
    %scan3A_161 = arith.constant 16 : i32
    %scan3A_162 = arith.constant 0 : i32
    %scan3A_163 = arith.constant 0 : i32
    %scan3A_164 = arith.constant 16 : i32
    %scan3A_165 = arith.addi %scan3A_163, %scan3A_164 : i32
    %scan3A_166 = arith.constant 1 : i32
    scf.for %scan3A_218 = %scan3A_163 to %scan3A_165 step %scan3A_166  : i32 {
      %broadcast_in_dim3A_219 = arith.constant 0 : i32
      %broadcast_in_dim3A_220 = vector.broadcast %broadcast_in_dim3A_219 : i32 to vector<16xi32>
      %add3A_221 = vector.broadcast %scan3A_218 : i32 to vector<16xi32>
      %add3A_222 = arith.addi %broadcast_in_dim3A_220, %add3A_221 : vector<16xi32>
      %add3A_223 = arith.constant 48 : i32
      %add3A_224 = arith.addi %add3A_223, %scan3A_218 : i32
      %get3A = arith.index_cast %add3A_224 : i32 to index
      %get3A_225 = arith.constant 0 : index
      %get3A_226 = tpu.vector_load %arg5[%get3A, %get3A_225] {strides = array<i32>} : memref<64x256xi32, #tpu.memory_space<vmem>>, vector<16xi32>,
      %scatter3A = arith.constant 1 : i32
      %scatter3A_227 = arith.constant 0 : i32
      %scatter3A_228 = arith.constant 0 : i32
      %scatter3A_229 = tpu.memref_slice %arg6[%scatter3A, %scatter3A_227, %scatter3A_228] : memref<2x16x2048xf32, #tpu.memory_space<vmem>> -> memref<1x16x2048xf32, #tpu.memory_space<vmem>>
      %scatter3A_230 = tpu.memref_squeeze %scatter3A_229 : memref<1x16x2048xf32, #tpu.memory_space<vmem>> -> memref<16x2048xf32, #tpu.memory_space<vmem>>
      tpu.vector_store_idx %scatter3A_230[%add3A_222, %get3A_226], %broadcast_in_dim3A_5 : memref<16x2048xf32, #tpu.memory_space<vmem>>[vector<16xi32>, vector<16xi32>], vector<16xf32>,
      %add3A_231 = arith.constant 48 : i32
      %add3A_232 = arith.addi %add3A_231, %scan3A_218 : i32
      %get3A_233 = arith.index_cast %add3A_232 : i32 to index
      %get3A_234 = arith.constant 16 : index
      %get3A_235 = tpu.vector_load %arg5[%get3A_233, %get3A_234] {strides = array<i32>} : memref<64x256xi32, #tpu.memory_space<vmem>>, vector<16xi32>,
      %scatter3A_236 = arith.constant 1 : i32
      %scatter3A_237 = arith.constant 0 : i32
      %scatter3A_238 = arith.constant 0 : i32
      %scatter3A_239 = tpu.memref_slice %arg6[%scatter3A_236, %scatter3A_237, %scatter3A_238] : memref<2x16x2048xf32, #tpu.memory_space<vmem>> -> memref<1x16x2048xf32, #tpu.memory_space<vmem>>
      %scatter3A_240 = tpu.memref_squeeze %scatter3A_239 : memref<1x16x2048xf32, #tpu.memory_space<vmem>> -> memref<16x2048xf32, #tpu.memory_space<vmem>>
      tpu.vector_store_idx %scatter3A_240[%add3A_222, %get3A_235], %broadcast_in_dim3A_5 : memref<16x2048xf32, #tpu.memory_space<vmem>>[vector<16xi32>, vector<16xi32>], vector<16xf32>,
      %add3A_241 = arith.constant 48 : i32
      %add3A_242 = arith.addi %add3A_241, %scan3A_218 : i32
      %get3A_243 = arith.index_cast %add3A_242 : i32 to index
      %get3A_244 = arith.constant 32 : index
      %get3A_245 = tpu.vector_load %arg5[%get3A_243, %get3A_244] {strides = array<i32>} : memref<64x256xi32, #tpu.memory_space<vmem>>, vector<16xi32>,
      %scatter3A_246 = arith.constant 1 : i32
      %scatter3A_247 = arith.constant 0 : i32
      %scatter3A_248 = arith.constant 0 : i32
      %scatter3A_249 = tpu.memref_slice %arg6[%scatter3A_246, %scatter3A_247, %scatter3A_248] : memref<2x16x2048xf32, #tpu.memory_space<vmem>> -> memref<1x16x2048xf32, #tpu.memory_space<vmem>>
      %scatter3A_250 = tpu.memref_squeeze %scatter3A_249 : memref<1x16x2048xf32, #tpu.memory_space<vmem>> -> memref<16x2048xf32, #tpu.memory_space<vmem>>
      tpu.vector_store_idx %scatter3A_250[%add3A_222, %get3A_245], %broadcast_in_dim3A_5 : memref<16x2048xf32, #tpu.memory_space<vmem>>[vector<16xi32>, vector<16xi32>], vector<16xf32>,
      %add3A_251 = arith.constant 48 : i32
      %add3A_252 = arith.addi %add3A_251, %scan3A_218 : i32
      %get3A_253 = arith.index_cast %add3A_252 : i32 to index
      %get3A_254 = arith.constant 48 : index
      %get3A_255 = tpu.vector_load %arg5[%get3A_253, %get3A_254] {strides = array<i32>} : memref<64x256xi32, #tpu.memory_space<vmem>>, vector<16xi32>,
      %scatter3A_256 = arith.constant 1 : i32
      %scatter3A_257 = arith.constant 0 : i32
      %scatter3A_258 = arith.constant 0 : i32
      %scatter3A_259 = tpu.memref_slice %arg6[%scatter3A_256, %scatter3A_257, %scatter3A_258] : memref<2x16x2048xf32, #tpu.memory_space<vmem>> -> memref<1x16x2048xf32, #tpu.memory_space<vmem>>
      %scatter3A_260 = tpu.memref_squeeze %scatter3A_259 : memref<1x16x2048xf32, #tpu.memory_space<vmem>> -> memref<16x2048xf32, #tpu.memory_space<vmem>>
      tpu.vector_store_idx %scatter3A_260[%add3A_222, %get3A_255], %broadcast_in_dim3A_5 : memref<16x2048xf32, #tpu.memory_space<vmem>>[vector<16xi32>, vector<16xi32>], vector<16xf32>,
      %add3A_261 = arith.constant 48 : i32
      %add3A_262 = arith.addi %add3A_261, %scan3A_218 : i32
      %get3A_263 = arith.index_cast %add3A_262 : i32 to index
      %get3A_264 = arith.constant 64 : index
      %get3A_265 = tpu.vector_load %arg5[%get3A_263, %get3A_264] {strides = array<i32>} : memref<64x256xi32, #tpu.memory_space<vmem>>, vector<16xi32>,
      %scatter3A_266 = arith.constant 1 : i32
      %scatter3A_267 = arith.constant 0 : i32
      %scatter3A_268 = arith.constant 0 : i32
      %scatter3A_269 = tpu.memref_slice %arg6[%scatter3A_266, %scatter3A_267, %scatter3A_268] : memref<2x16x2048xf32, #tpu.memory_space<vmem>> -> memref<1x16x2048xf32, #tpu.memory_space<vmem>>
      %scatter3A_270 = tpu.memref_squeeze %scatter3A_269 : memref<1x16x2048xf32, #tpu.memory_space<vmem>> -> memref<16x2048xf32, #tpu.memory_space<vmem>>
      tpu.vector_store_idx %scatter3A_270[%add3A_222, %get3A_265], %broadcast_in_dim3A_5 : memref<16x2048xf32, #tpu.memory_space<vmem>>[vector<16xi32>, vector<16xi32>], vector<16xf32>,
      %add3A_271 = arith.constant 48 : i32
      %add3A_272 = arith.addi %add3A_271, %scan3A_218 : i32
      %get3A_273 = arith.index_cast %add3A_272 : i32 to index
      %get3A_274 = arith.constant 80 : index
      %get3A_275 = tpu.vector_load %arg5[%get3A_273, %get3A_274] {strides = array<i32>} : memref<64x256xi32, #tpu.memory_space<vmem>>, vector<16xi32>,
      %scatter3A_276 = arith.constant 1 : i32
      %scatter3A_277 = arith.constant 0 : i32
      %scatter3A_278 = arith.constant 0 : i32
      %scatter3A_279 = tpu.memref_slice %arg6[%scatter3A_276, %scatter3A_277, %scatter3A_278] : memref<2x16x2048xf32, #tpu.memory_space<vmem>> -> memref<1x16x2048xf32, #tpu.memory_space<vmem>>
      %scatter3A_280 = tpu.memref_squeeze %scatter3A_279 : memref<1x16x2048xf32, #tpu.memory_space<vmem>> -> memref<16x2048xf32, #tpu.memory_space<vmem>>
      tpu.vector_store_idx %scatter3A_280[%add3A_222, %get3A_275], %broadcast_in_dim3A_5 : memref<16x2048xf32, #tpu.memory_space<vmem>>[vector<16xi32>, vector<16xi32>], vector<16xf32>,
      %add3A_281 = arith.constant 48 : i32
      %add3A_282 = arith.addi %add3A_281, %scan3A_218 : i32
      %get3A_283 = arith.index_cast %add3A_282 : i32 to index
      %get3A_284 = arith.constant 96 : index
      %get3A_285 = tpu.vector_load %arg5[%get3A_283, %get3A_284] {strides = array<i32>} : memref<64x256xi32, #tpu.memory_space<vmem>>, vector<16xi32>,
      %scatter3A_286 = arith.constant 1 : i32
      %scatter3A_287 = arith.constant 0 : i32
      %scatter3A_288 = arith.constant 0 : i32
      %scatter3A_289 = tpu.memref_slice %arg6[%scatter3A_286, %scatter3A_287, %scatter3A_288] : memref<2x16x2048xf32, #tpu.memory_space<vmem>> -> memref<1x16x2048xf32, #tpu.memory_space<vmem>>
      %scatter3A_290 = tpu.memref_squeeze %scatter3A_289 : memref<1x16x2048xf32, #tpu.memory_space<vmem>> -> memref<16x2048xf32, #tpu.memory_space<vmem>>
      tpu.vector_store_idx %scatter3A_290[%add3A_222, %get3A_285], %broadcast_in_dim3A_5 : memref<16x2048xf32, #tpu.memory_space<vmem>>[vector<16xi32>, vector<16xi32>], vector<16xf32>,
      %add3A_291 = arith.constant 48 : i32
      %add3A_292 = arith.addi %add3A_291, %scan3A_218 : i32
      %get3A_293 = arith.index_cast %add3A_292 : i32 to index
      %get3A_294 = arith.constant 112 : index
      %get3A_295 = tpu.vector_load %arg5[%get3A_293, %get3A_294] {strides = array<i32>} : memref<64x256xi32, #tpu.memory_space<vmem>>, vector<16xi32>,
      %scatter3A_296 = arith.constant 1 : i32
      %scatter3A_297 = arith.constant 0 : i32
      %scatter3A_298 = arith.constant 0 : i32
      %scatter3A_299 = tpu.memref_slice %arg6[%scatter3A_296, %scatter3A_297, %scatter3A_298] : memref<2x16x2048xf32, #tpu.memory_space<vmem>> -> memref<1x16x2048xf32, #tpu.memory_space<vmem>>
      %scatter3A_300 = tpu.memref_squeeze %scatter3A_299 : memref<1x16x2048xf32, #tpu.memory_space<vmem>> -> memref<16x2048xf32, #tpu.memory_space<vmem>>
      tpu.vector_store_idx %scatter3A_300[%add3A_222, %get3A_295], %broadcast_in_dim3A_5 : memref<16x2048xf32, #tpu.memory_space<vmem>>[vector<16xi32>, vector<16xi32>], vector<16xf32>,
      %add3A_301 = arith.constant 48 : i32
      %add3A_302 = arith.addi %add3A_301, %scan3A_218 : i32
      %get3A_303 = arith.index_cast %add3A_302 : i32 to index
      %get3A_304 = arith.constant 128 : index
      %get3A_305 = tpu.vector_load %arg5[%get3A_303, %get3A_304] {strides = array<i32>} : memref<64x256xi32, #tpu.memory_space<vmem>>, vector<16xi32>,
      %scatter3A_306 = arith.constant 1 : i32
      %scatter3A_307 = arith.constant 0 : i32
      %scatter3A_308 = arith.constant 0 : i32
      %scatter3A_309 = tpu.memref_slice %arg6[%scatter3A_306, %scatter3A_307, %scatter3A_308] : memref<2x16x2048xf32, #tpu.memory_space<vmem>> -> memref<1x16x2048xf32, #tpu.memory_space<vmem>>
      %scatter3A_310 = tpu.memref_squeeze %scatter3A_309 : memref<1x16x2048xf32, #tpu.memory_space<vmem>> -> memref<16x2048xf32, #tpu.memory_space<vmem>>
      tpu.vector_store_idx %scatter3A_310[%add3A_222, %get3A_305], %broadcast_in_dim3A_5 : memref<16x2048xf32, #tpu.memory_space<vmem>>[vector<16xi32>, vector<16xi32>], vector<16xf32>,
      %add3A_311 = arith.constant 48 : i32
      %add3A_312 = arith.addi %add3A_311, %scan3A_218 : i32
      %get3A_313 = arith.index_cast %add3A_312 : i32 to index
      %get3A_314 = arith.constant 144 : index
      %get3A_315 = tpu.vector_load %arg5[%get3A_313, %get3A_314] {strides = array<i32>} : memref<64x256xi32, #tpu.memory_space<vmem>>, vector<16xi32>,
      %scatter3A_316 = arith.constant 1 : i32
      %scatter3A_317 = arith.constant 0 : i32
      %scatter3A_318 = arith.constant 0 : i32
      %scatter3A_319 = tpu.memref_slice %arg6[%scatter3A_316, %scatter3A_317, %scatter3A_318] : memref<2x16x2048xf32, #tpu.memory_space<vmem>> -> memref<1x16x2048xf32, #tpu.memory_space<vmem>>
      %scatter3A_320 = tpu.memref_squeeze %scatter3A_319 : memref<1x16x2048xf32, #tpu.memory_space<vmem>> -> memref<16x2048xf32, #tpu.memory_space<vmem>>
      tpu.vector_store_idx %scatter3A_320[%add3A_222, %get3A_315], %broadcast_in_dim3A_5 : memref<16x2048xf32, #tpu.memory_space<vmem>>[vector<16xi32>, vector<16xi32>], vector<16xf32>,
      %add3A_321 = arith.constant 48 : i32
      %add3A_322 = arith.addi %add3A_321, %scan3A_218 : i32
      %get3A_323 = arith.index_cast %add3A_322 : i32 to index
      %get3A_324 = arith.constant 160 : index
      %get3A_325 = tpu.vector_load %arg5[%get3A_323, %get3A_324] {strides = array<i32>} : memref<64x256xi32, #tpu.memory_space<vmem>>, vector<16xi32>,
      %scatter3A_326 = arith.constant 1 : i32
      %scatter3A_327 = arith.constant 0 : i32
      %scatter3A_328 = arith.constant 0 : i32
      %scatter3A_329 = tpu.memref_slice %arg6[%scatter3A_326, %scatter3A_327, %scatter3A_328] : memref<2x16x2048xf32, #tpu.memory_space<vmem>> -> memref<1x16x2048xf32, #tpu.memory_space<vmem>>
      %scatter3A_330 = tpu.memref_squeeze %scatter3A_329 : memref<1x16x2048xf32, #tpu.memory_space<vmem>> -> memref<16x2048xf32, #tpu.memory_space<vmem>>
      tpu.vector_store_idx %scatter3A_330[%add3A_222, %get3A_325], %broadcast_in_dim3A_5 : memref<16x2048xf32, #tpu.memory_space<vmem>>[vector<16xi32>, vector<16xi32>], vector<16xf32>,
      %add3A_331 = arith.constant 48 : i32
      %add3A_332 = arith.addi %add3A_331, %scan3A_218 : i32
      %get3A_333 = arith.index_cast %add3A_332 : i32 to index
      %get3A_334 = arith.constant 176 : index
      %get3A_335 = tpu.vector_load %arg5[%get3A_333, %get3A_334] {strides = array<i32>} : memref<64x256xi32, #tpu.memory_space<vmem>>, vector<16xi32>,
      %scatter3A_336 = arith.constant 1 : i32
      %scatter3A_337 = arith.constant 0 : i32
      %scatter3A_338 = arith.constant 0 : i32
      %scatter3A_339 = tpu.memref_slice %arg6[%scatter3A_336, %scatter3A_337, %scatter3A_338] : memref<2x16x2048xf32, #tpu.memory_space<vmem>> -> memref<1x16x2048xf32, #tpu.memory_space<vmem>>
      %scatter3A_340 = tpu.memref_squeeze %scatter3A_339 : memref<1x16x2048xf32, #tpu.memory_space<vmem>> -> memref<16x2048xf32, #tpu.memory_space<vmem>>
      tpu.vector_store_idx %scatter3A_340[%add3A_222, %get3A_335], %broadcast_in_dim3A_5 : memref<16x2048xf32, #tpu.memory_space<vmem>>[vector<16xi32>, vector<16xi32>], vector<16xf32>,
      %add3A_341 = arith.constant 48 : i32
      %add3A_342 = arith.addi %add3A_341, %scan3A_218 : i32
      %get3A_343 = arith.index_cast %add3A_342 : i32 to index
      %get3A_344 = arith.constant 192 : index
      %get3A_345 = tpu.vector_load %arg5[%get3A_343, %get3A_344] {strides = array<i32>} : memref<64x256xi32, #tpu.memory_space<vmem>>, vector<16xi32>,
      %scatter3A_346 = arith.constant 1 : i32
      %scatter3A_347 = arith.constant 0 : i32
      %scatter3A_348 = arith.constant 0 : i32
      %scatter3A_349 = tpu.memref_slice %arg6[%scatter3A_346, %scatter3A_347, %scatter3A_348] : memref<2x16x2048xf32, #tpu.memory_space<vmem>> -> memref<1x16x2048xf32, #tpu.memory_space<vmem>>
      %scatter3A_350 = tpu.memref_squeeze %scatter3A_349 : memref<1x16x2048xf32, #tpu.memory_space<vmem>> -> memref<16x2048xf32, #tpu.memory_space<vmem>>
      tpu.vector_store_idx %scatter3A_350[%add3A_222, %get3A_345], %broadcast_in_dim3A_5 : memref<16x2048xf32, #tpu.memory_space<vmem>>[vector<16xi32>, vector<16xi32>], vector<16xf32>,
      %add3A_351 = arith.constant 48 : i32
      %add3A_352 = arith.addi %add3A_351, %scan3A_218 : i32
      %get3A_353 = arith.index_cast %add3A_352 : i32 to index
      %get3A_354 = arith.constant 208 : index
      %get3A_355 = tpu.vector_load %arg5[%get3A_353, %get3A_354] {strides = array<i32>} : memref<64x256xi32, #tpu.memory_space<vmem>>, vector<16xi32>,
      %scatter3A_356 = arith.constant 1 : i32
      %scatter3A_357 = arith.constant 0 : i32
      %scatter3A_358 = arith.constant 0 : i32
      %scatter3A_359 = tpu.memref_slice %arg6[%scatter3A_356, %scatter3A_357, %scatter3A_358] : memref<2x16x2048xf32, #tpu.memory_space<vmem>> -> memref<1x16x2048xf32, #tpu.memory_space<vmem>>
      %scatter3A_360 = tpu.memref_squeeze %scatter3A_359 : memref<1x16x2048xf32, #tpu.memory_space<vmem>> -> memref<16x2048xf32, #tpu.memory_space<vmem>>
      tpu.vector_store_idx %scatter3A_360[%add3A_222, %get3A_355], %broadcast_in_dim3A_5 : memref<16x2048xf32, #tpu.memory_space<vmem>>[vector<16xi32>, vector<16xi32>], vector<16xf32>,
      %add3A_361 = arith.constant 48 : i32
      %add3A_362 = arith.addi %add3A_361, %scan3A_218 : i32
      %get3A_363 = arith.index_cast %add3A_362 : i32 to index
      %get3A_364 = arith.constant 224 : index
      %get3A_365 = tpu.vector_load %arg5[%get3A_363, %get3A_364] {strides = array<i32>} : memref<64x256xi32, #tpu.memory_space<vmem>>, vector<16xi32>,
      %scatter3A_366 = arith.constant 1 : i32
      %scatter3A_367 = arith.constant 0 : i32
      %scatter3A_368 = arith.constant 0 : i32
      %scatter3A_369 = tpu.memref_slice %arg6[%scatter3A_366, %scatter3A_367, %scatter3A_368] : memref<2x16x2048xf32, #tpu.memory_space<vmem>> -> memref<1x16x2048xf32, #tpu.memory_space<vmem>>
      %scatter3A_370 = tpu.memref_squeeze %scatter3A_369 : memref<1x16x2048xf32, #tpu.memory_space<vmem>> -> memref<16x2048xf32, #tpu.memory_space<vmem>>
      tpu.vector_store_idx %scatter3A_370[%add3A_222, %get3A_365], %broadcast_in_dim3A_5 : memref<16x2048xf32, #tpu.memory_space<vmem>>[vector<16xi32>, vector<16xi32>], vector<16xf32>,
      %add3A_371 = arith.constant 48 : i32
      %add3A_372 = arith.addi %add3A_371, %scan3A_218 : i32
      %get3A_373 = arith.index_cast %add3A_372 : i32 to index
      %get3A_374 = arith.constant 240 : index
      %get3A_375 = tpu.vector_load %arg5[%get3A_373, %get3A_374] {strides = array<i32>} : memref<64x256xi32, #tpu.memory_space<vmem>>, vector<16xi32>,
      %scatter3A_376 = arith.constant 1 : i32
      %scatter3A_377 = arith.constant 0 : i32
      %scatter3A_378 = arith.constant 0 : i32
      %scatter3A_379 = tpu.memref_slice %arg6[%scatter3A_376, %scatter3A_377, %scatter3A_378] : memref<2x16x2048xf32, #tpu.memory_space<vmem>> -> memref<1x16x2048xf32, #tpu.memory_space<vmem>>
      %scatter3A_380 = tpu.memref_squeeze %scatter3A_379 : memref<1x16x2048xf32, #tpu.memory_space<vmem>> -> memref<16x2048xf32, #tpu.memory_space<vmem>>
      tpu.vector_store_idx %scatter3A_380[%add3A_222, %get3A_375], %broadcast_in_dim3A_5 : memref<16x2048xf32, #tpu.memory_space<vmem>>[vector<16xi32>, vector<16xi32>], vector<16xf32>,
    }
    %scan3A_167 = arith.constant 16 : i32
    %add3A_168 = arith.constant 48 : i32
    %add3A_169 = arith.addi %mul3A_2, %add3A_168 : i32
    %dma_start3A_170 = arith.constant 1 : i32
    %dma_start3A_171 = arith.constant 1 : i32
    %dma_start3A_172 = arith.constant 0 : i32
    %dma_start3A_173 = arith.constant 0 : i32
    %dma_start3A_174 = tpu.memref_slice %arg6[%dma_start3A_170, %dma_start3A_172, %dma_start3A_173] : memref<2x16x2048xf32, #tpu.memory_space<vmem>> -> memref<1x16x2048xf32, #tpu.memory_space<vmem>>
    %dma_start3A_175 = tpu.memref_squeeze %dma_start3A_174 : memref<1x16x2048xf32, #tpu.memory_space<vmem>> -> memref<16x2048xf32, #tpu.memory_space<vmem>>
    %dma_start3A_176 = arith.constant 0 : i32
    %dma_start3A_177 = tpu.memref_slice %arg3[%add3A_169, %dma_start3A_176] : memref<2048x2048xf32, #tpu.memory_space<hbm>> -> memref<16x2048xf32, #tpu.memory_space<hbm>>
    %dma_start3A_178 = tpu.memref_slice %arg8[%dma_start3A_171] : memref<2x!tpu.dma_semaphore, #tpu.memory_space<semaphore_mem>> -> memref<1x!tpu.dma_semaphore, #tpu.memory_space<semaphore_mem>>
    %dma_start3A_179 = tpu.memref_squeeze %dma_start3A_178 : memref<1x!tpu.dma_semaphore, #tpu.memory_space<semaphore_mem>> -> memref<!tpu.dma_semaphore, #tpu.memory_space<semaphore_mem>>
    %dma_start3A_180 = arith.constant 0 : i32
    %dma_start3A_181 = tpu.memref_slice %arg3[%add3A_169, %dma_start3A_180] : memref<2048x2048xf32, #tpu.memory_space<hbm>> -> memref<16x2048xf32, #tpu.memory_space<hbm>>
    %dma_start3A_182 = arith.constant 0 : i32
    %dma_start3A_183 = arith.constant 0 : i32
    %dma_start3A_184 = tpu.memref_slice %arg6[%dma_start3A_170, %dma_start3A_182, %dma_start3A_183] : memref<2x16x2048xf32, #tpu.memory_space<vmem>> -> memref<1x16x2048xf32, #tpu.memory_space<vmem>>
    %dma_start3A_185 = tpu.memref_squeeze %dma_start3A_184 : memref<1x16x2048xf32, #tpu.memory_space<vmem>> -> memref<16x2048xf32, #tpu.memory_space<vmem>>
    tpu.enqueue_dma source(%dma_start3A_185 : memref<16x2048xf32, #tpu.memory_space<vmem>>) target(%dma_start3A_181 : memref<16x2048xf32, #tpu.memory_space<hbm>>) target_semaphore(%dma_start3A_179 : memref<!tpu.dma_semaphore, #tpu.memory_space<semaphore_mem>>)
    %dma_wait3A_186 = arith.constant 0 : i32
    %dma_wait3A_187 = arith.constant 0 : i32
    %dma_wait3A_188 = arith.constant 0 : i32
    %dma_wait3A_189 = arith.constant 0 : i32
    %dma_wait3A_190 = tpu.memref_slice %arg6[%dma_wait3A_186, %dma_wait3A_188, %dma_wait3A_189] : memref<2x16x2048xf32, #tpu.memory_space<vmem>> -> memref<1x16x2048xf32, #tpu.memory_space<vmem>>
    %dma_wait3A_191 = tpu.memref_squeeze %dma_wait3A_190 : memref<1x16x2048xf32, #tpu.memory_space<vmem>> -> memref<16x2048xf32, #tpu.memory_space<vmem>>
    %dma_wait3A_192 = arith.constant 0 : i32
    %dma_wait3A_193 = tpu.memref_slice %arg3[%add3A_123, %dma_wait3A_192] : memref<2048x2048xf32, #tpu.memory_space<hbm>> -> memref<16x2048xf32, #tpu.memory_space<hbm>>
    %dma_wait3A_194 = tpu.memref_slice %arg8[%dma_wait3A_187] : memref<2x!tpu.dma_semaphore, #tpu.memory_space<semaphore_mem>> -> memref<1x!tpu.dma_semaphore, #tpu.memory_space<semaphore_mem>>
    %dma_wait3A_195 = tpu.memref_squeeze %dma_wait3A_194 : memref<1x!tpu.dma_semaphore, #tpu.memory_space<semaphore_mem>> -> memref<!tpu.dma_semaphore, #tpu.memory_space<semaphore_mem>>
    %dma_wait3A_196 = arith.constant 0 : i32
    %dma_wait3A_197 = tpu.memref_slice %arg3[%add3A_123, %dma_wait3A_196] : memref<2048x2048xf32, #tpu.memory_space<hbm>> -> memref<16x2048xf32, #tpu.memory_space<hbm>>
    %dma_wait3A_198 = arith.constant 0 : i32
    %dma_wait3A_199 = arith.constant 0 : i32
    %dma_wait3A_200 = tpu.memref_slice %arg6[%dma_wait3A_186, %dma_wait3A_198, %dma_wait3A_199] : memref<2x16x2048xf32, #tpu.memory_space<vmem>> -> memref<1x16x2048xf32, #tpu.memory_space<vmem>>
    %dma_wait3A_201 = tpu.memref_squeeze %dma_wait3A_200 : memref<1x16x2048xf32, #tpu.memory_space<vmem>> -> memref<16x2048xf32, #tpu.memory_space<vmem>>
    tpu.wait_dma2 semaphore(%dma_wait3A_195 : memref<!tpu.dma_semaphore, #tpu.memory_space<semaphore_mem>>) src(%dma_wait3A_201 : memref<16x2048xf32, #tpu.memory_space<vmem>>) dst(%dma_wait3A_197 : memref<16x2048xf32, #tpu.memory_space<hbm>>)
    %dma_wait3A_202 = arith.constant 1 : i32
    %dma_wait3A_203 = arith.constant 1 : i32
    %dma_wait3A_204 = arith.constant 0 : i32
    %dma_wait3A_205 = arith.constant 0 : i32
    %dma_wait3A_206 = tpu.memref_slice %arg6[%dma_wait3A_202, %dma_wait3A_204, %dma_wait3A_205] : memref<2x16x2048xf32, #tpu.memory_space<vmem>> -> memref<1x16x2048xf32, #tpu.memory_space<vmem>>
    %dma_wait3A_207 = tpu.memref_squeeze %dma_wait3A_206 : memref<1x16x2048xf32, #tpu.memory_space<vmem>> -> memref<16x2048xf32, #tpu.memory_space<vmem>>
    %dma_wait3A_208 = arith.constant 0 : i32
    %dma_wait3A_209 = tpu.memref_slice %arg3[%add3A_169, %dma_wait3A_208] : memref<2048x2048xf32, #tpu.memory_space<hbm>> -> memref<16x2048xf32, #tpu.memory_space<hbm>>
    %dma_wait3A_210 = tpu.memref_slice %arg8[%dma_wait3A_203] : memref<2x!tpu.dma_semaphore, #tpu.memory_space<semaphore_mem>> -> memref<1x!tpu.dma_semaphore, #tpu.memory_space<semaphore_mem>>
    %dma_wait3A_211 = tpu.memref_squeeze %dma_wait3A_210 : memref<1x!tpu.dma_semaphore, #tpu.memory_space<semaphore_mem>> -> memref<!tpu.dma_semaphore, #tpu.memory_space<semaphore_mem>>
    %dma_wait3A_212 = arith.constant 0 : i32
    %dma_wait3A_213 = tpu.memref_slice %arg3[%add3A_169, %dma_wait3A_212] : memref<2048x2048xf32, #tpu.memory_space<hbm>> -> memref<16x2048xf32, #tpu.memory_space<hbm>>
    %dma_wait3A_214 = arith.constant 0 : i32
    %dma_wait3A_215 = arith.constant 0 : i32
    %dma_wait3A_216 = tpu.memref_slice %arg6[%dma_wait3A_202, %dma_wait3A_214, %dma_wait3A_215] : memref<2x16x2048xf32, #tpu.memory_space<vmem>> -> memref<1x16x2048xf32, #tpu.memory_space<vmem>>
    %dma_wait3A_217 = tpu.memref_squeeze %dma_wait3A_216 : memref<1x16x2048xf32, #tpu.memory_space<vmem>> -> memref<16x2048xf32, #tpu.memory_space<vmem>>
    tpu.wait_dma2 semaphore(%dma_wait3A_211 : memref<!tpu.dma_semaphore, #tpu.memory_space<semaphore_mem>>) src(%dma_wait3A_217 : memref<16x2048xf32, #tpu.memory_space<vmem>>) dst(%dma_wait3A_213 : memref<16x2048xf32, #tpu.memory_space<hbm>>)
    return
  }
}

module attributes {stable_mosaic.version = 14 : i64} {
  func.func @_attn_body(%arg0: i32, %arg1: i32, %arg2: memref<512x768xbf16, #tpu.memory_space<vmem>>, %arg3: memref<768x768xbf16, #tpu.memory_space<vmem>>, %arg4: memref<1x768xf32, #tpu.memory_space<vmem>>, %arg5: memref<2048x768xbf16, #tpu.memory_space<vmem>>, %arg6: memref<768x768xbf16, #tpu.memory_space<vmem>>, %arg7: memref<1x768xf32, #tpu.memory_space<vmem>>, %arg8: memref<2048x768xbf16, #tpu.memory_space<vmem>>, %arg9: memref<768x768xbf16, #tpu.memory_space<vmem>>, %arg10: memref<1x768xf32, #tpu.memory_space<vmem>>, %arg11: memref<512x2048xbf16, #tpu.memory_space<vmem>>, %arg12: memref<4xi32, #tpu.memory_space<smem>>, %arg13: memref<4xi32, #tpu.memory_space<smem>>, %arg14: memref<768x768xbf16, #tpu.memory_space<vmem>>, %arg15: memref<1x768xf32, #tpu.memory_space<vmem>>, %arg16: memref<512x768xf32, #tpu.memory_space<vmem>>, %arg17: memref<12x2048x64xbf16, #tpu.memory_space<vmem>>, %arg18: memref<12x2048x128xbf16, #tpu.memory_space<vmem>>, %arg19: memref<12x1xf32, #tpu.memory_space<smem>>, %arg20: memref<12x512x64xbf16, #tpu.memory_space<vmem>>, %arg21: memref<12x512x64xbf16, #tpu.memory_space<vmem>>, %arg22: memref<512x128xf32, #tpu.memory_space<vmem>>) attributes {dimension_semantics = [#tpu.dimension_semantics<arbitrary>, #tpu.dimension_semantics<arbitrary>], iteration_bounds = array<i64: 4, 12>, scalar_prefetch = 0 : i64, scratch_operands = 6 : i64, tpu.core_type = #tpu.core_type<tc>, window_params = [{transform_indices = @transform_0, window_bounds = array<i64: 512, 768>}, {pipeline_mode = #tpu.pipeline_mode<synchronous>, transform_indices = @transform_1, window_bounds = array<i64: 768, 768>}, {pipeline_mode = #tpu.pipeline_mode<synchronous>, transform_indices = @transform_2, window_bounds = array<i64: 1, 768>}, {pipeline_mode = #tpu.pipeline_mode<synchronous>, transform_indices = @transform_3, window_bounds = array<i64: 2048, 768>}, {pipeline_mode = #tpu.pipeline_mode<synchronous>, transform_indices = @transform_4, window_bounds = array<i64: 768, 768>}, {pipeline_mode = #tpu.pipeline_mode<synchronous>, transform_indices = @transform_5, window_bounds = array<i64: 1, 768>}, {pipeline_mode = #tpu.pipeline_mode<synchronous>, transform_indices = @transform_6, window_bounds = array<i64: 2048, 768>}, {pipeline_mode = #tpu.pipeline_mode<synchronous>, transform_indices = @transform_7, window_bounds = array<i64: 768, 768>}, {pipeline_mode = #tpu.pipeline_mode<synchronous>, transform_indices = @transform_8, window_bounds = array<i64: 1, 768>}, {transform_indices = @transform_9, window_bounds = array<i64: 512, 2048>}, {transform_indices = @transform_10, window_bounds = array<i64: 4>}, {transform_indices = @transform_11, window_bounds = array<i64: 4>}, {pipeline_mode = #tpu.pipeline_mode<synchronous>, transform_indices = @transform_12, window_bounds = array<i64: 768, 768>}, {pipeline_mode = #tpu.pipeline_mode<synchronous>, transform_indices = @transform_13, window_bounds = array<i64: 1, 768>}, {transform_indices = @transform_14, window_bounds = array<i64: 512, 768>}]} {
    %eq3A = arith.constant 0 : i32
    %eq3A_0 = arith.cmpi eq, %arg0, %eq3A : i32
    %eq3A_1 = arith.constant 0 : i32
    %eq3A_2 = arith.cmpi eq, %arg1, %eq3A_1 : i32
    %and3A = arith.andi %eq3A_0, %eq3A_2 : i1
    %convert_element_type3A = arith.extui %and3A : i1 to i32
    %cond3A = arith.constant 0 : i32
    %cond3A_3 = arith.cmpi ne, %convert_element_type3A, %cond3A : i32
    scf.if %cond3A_3 {
      %get3A_50 = arith.constant 0 : index
      %get3A_51 = arith.constant 0 : index
      %get3A_52 = vector.load %arg5[%get3A_50, %get3A_51] : memref<2048x768xbf16, #tpu.memory_space<vmem>>, vector<2048x768xbf16>
      %get3A_53 = arith.constant 0 : index
      %get3A_54 = arith.constant 0 : index
      %get3A_55 = vector.load %arg6[%get3A_53, %get3A_54] : memref<768x768xbf16, #tpu.memory_space<vmem>>, vector<768x768xbf16>
      %dot_general3A = arith.constant dense<0.000000e+00> : vector<2048x768xf32>
      %dot_general3A_56 = tpu.matmul %get3A_52, %get3A_55, %dot_general3A {dimension_numbers = #tpu.dot_dimension_numbers<[1], [1], [0], [0], [0, 0, 1, 0], [], []>, transpose_lhs_hint = false} : vector<2048x768xbf16>, vector<768x768xbf16>, vector<2048x768xf32> -> vector<2048x768xf32>
      %get3A_57 = arith.constant 0 : index
      %get3A_58 = arith.constant 0 : index
      %get3A_59 = vector.load %arg7[%get3A_57, %get3A_58] : memref<1x768xf32, #tpu.memory_space<vmem>>, vector<1x768xf32>
      %add3A = vector.broadcast %get3A_59 : vector<1x768xf32> to vector<2048x768xf32>
      %add3A_60 = arith.addf %dot_general3A_56, %add3A : vector<2048x768xf32>
      %get3A_61 = arith.constant 0 : index
      %get3A_62 = arith.constant 0 : index
      %get3A_63 = vector.load %arg8[%get3A_61, %get3A_62] : memref<2048x768xbf16, #tpu.memory_space<vmem>>, vector<2048x768xbf16>
      %get3A_64 = arith.constant 0 : index
      %get3A_65 = arith.constant 0 : index
      %get3A_66 = vector.load %arg9[%get3A_64, %get3A_65] : memref<768x768xbf16, #tpu.memory_space<vmem>>, vector<768x768xbf16>
      %dot_general3A_67 = arith.constant dense<0.000000e+00> : vector<2048x768xf32>
      %dot_general3A_68 = tpu.matmul %get3A_63, %get3A_66, %dot_general3A_67 {dimension_numbers = #tpu.dot_dimension_numbers<[1], [1], [0], [0], [0, 0, 1, 0], [], []>, transpose_lhs_hint = false} : vector<2048x768xbf16>, vector<768x768xbf16>, vector<2048x768xf32> -> vector<2048x768xf32>
      %get3A_69 = arith.constant 0 : index
      %get3A_70 = arith.constant 0 : index
      %get3A_71 = vector.load %arg10[%get3A_69, %get3A_70] : memref<1x768xf32, #tpu.memory_space<vmem>>, vector<1x768xf32>
      %add3A_72 = vector.broadcast %get3A_71 : vector<1x768xf32> to vector<2048x768xf32>
      %add3A_73 = arith.addf %dot_general3A_68, %add3A_72 : vector<2048x768xf32>
      %iota3A = tpu.iota {dimensions = array<i32: 1>} : vector<2048x64xi32>
      %eq3A_74 = arith.constant 0 : i32
      %eq3A_75 = vector.broadcast %eq3A_74 : i32 to vector<2048x64xi32>
      %eq3A_76 = arith.cmpi eq, %iota3A, %eq3A_75 : vector<2048x64xi32>
      %jit3A = arith.constant 1.000000e+00 : f32
      %jit3A_77 = arith.constant 0.000000e+00 : f32
      %broadcast_in_dim3A_78 = vector.broadcast %jit3A : f32 to vector<2048x64xf32>
      %broadcast_in_dim3A_79 = vector.broadcast %jit3A_77 : f32 to vector<2048x64xf32>
      %select_n3A = arith.select %eq3A_76, %broadcast_in_dim3A_78, %broadcast_in_dim3A_79 : vector<2048x64xi1>, vector<2048x64xf32>
      %convert_element_type3A_80 = arith.truncf %select_n3A : vector<2048x64xf32> to vector<2048x64xbf16>
      %slice3A_81 = vector.extract_strided_slice %add3A_60 {offsets = [0, 0], sizes = [2048, 64], strides = [1, 1]} : vector<2048x768xf32> to vector<2048x64xf32>
      %mul3A_82 = arith.mulf %slice3A_81, %slice3A_81 : vector<2048x64xf32>
      %reduce_sum3A_83 = arith.constant dense<0.000000e+00> : vector<2048xf32>
      %reduce_sum3A_84 = vector.multi_reduction <add>, %mul3A_82, %reduce_sum3A_83 [1] : vector<2048x64xf32> to vector<2048xf32>
      %reduce_max3A = vector.shape_cast %reduce_sum3A_84 : vector<2048xf32> to vector<1x2048xf32>
      %reduce_max3A_85 = arith.constant dense<0xFF800000> : vector<1xf32>
      %reduce_max3A_86 = vector.multi_reduction <maximumf>, %reduce_max3A, %reduce_max3A_85 [1] : vector<1x2048xf32> to vector<1xf32>
      %reduce_max3A_87 = vector.shape_cast %reduce_max3A_86 : vector<1xf32> to vector<1x1xf32>
      %reduce_max3A_88 = vector.extract %reduce_max3A_87[0, 0] : f32 from vector<1x1xf32>
      %sqrt3A_89 = math.sqrt %reduce_max3A_88 : f32
      %swap3A_90 = arith.constant 0 : index
      %swap3A_91 = arith.constant 0 : index
      %swap3A_92 = memref.load %arg19[%swap3A_90, %swap3A_91] : memref<12x1xf32, #tpu.memory_space<smem>>
      memref.store %sqrt3A_89, %arg19[%swap3A_90, %swap3A_91] : memref<12x1xf32, #tpu.memory_space<smem>>
      %convert_element_type3A_93 = arith.truncf %slice3A_81 : vector<2048x64xf32> to vector<2048x64xbf16>
      %swap3A_94 = arith.constant 0 : index
      %swap3A_95 = arith.constant 0 : index
      %swap3A_96 = arith.constant 0 : index
      %swap3A_97 = vector.load %arg17[%swap3A_94, %swap3A_95, %swap3A_96] : memref<12x2048x64xbf16, #tpu.memory_space<vmem>>, vector<1x2048x64xbf16>
      %swap3A_98 = vector.shape_cast %swap3A_97 : vector<1x2048x64xbf16> to vector<2048x64xbf16>
      %swap3A_99 = vector.shape_cast %convert_element_type3A_93 : vector<2048x64xbf16> to vector<1x2048x64xbf16>
      tpu.vector_store %arg17[%swap3A_94, %swap3A_95, %swap3A_96], %swap3A_99 {strides = array<i32>} : memref<12x2048x64xbf16, #tpu.memory_space<vmem>>, vector<1x2048x64xbf16>,
      %slice3A_100 = vector.extract_strided_slice %add3A_73 {offsets = [0, 0], sizes = [2048, 64], strides = [1, 1]} : vector<2048x768xf32> to vector<2048x64xf32>
      %convert_element_type3A_101 = arith.truncf %slice3A_100 : vector<2048x64xf32> to vector<2048x64xbf16>
      %concatenate3A = tpu.concatenate %convert_element_type3A_101, %convert_element_type3A_80 in 1 : vector<2048x64xbf16>, vector<2048x64xbf16> -> vector<2048x128xbf16>
      %swap3A_102 = arith.constant 0 : index
      %swap3A_103 = arith.constant 0 : index
      %swap3A_104 = arith.constant 0 : index
      %swap3A_105 = vector.load %arg18[%swap3A_102, %swap3A_103, %swap3A_104] : memref<12x2048x128xbf16, #tpu.memory_space<vmem>>, vector<1x2048x128xbf16>
      %swap3A_106 = vector.shape_cast %swap3A_105 : vector<1x2048x128xbf16> to vector<2048x128xbf16>
      %swap3A_107 = vector.shape_cast %concatenate3A : vector<2048x128xbf16> to vector<1x2048x128xbf16>
      tpu.vector_store %arg18[%swap3A_102, %swap3A_103, %swap3A_104], %swap3A_107 {strides = array<i32>} : memref<12x2048x128xbf16, #tpu.memory_space<vmem>>, vector<1x2048x128xbf16>,
      %slice3A_108 = vector.extract_strided_slice %add3A_60 {offsets = [0, 64], sizes = [2048, 64], strides = [1, 1]} : vector<2048x768xf32> to vector<2048x64xf32>
      %mul3A_109 = arith.mulf %slice3A_108, %slice3A_108 : vector<2048x64xf32>
      %reduce_sum3A_110 = arith.constant dense<0.000000e+00> : vector<2048xf32>
      %reduce_sum3A_111 = vector.multi_reduction <add>, %mul3A_109, %reduce_sum3A_110 [1] : vector<2048x64xf32> to vector<2048xf32>
      %reduce_max3A_112 = vector.shape_cast %reduce_sum3A_111 : vector<2048xf32> to vector<1x2048xf32>
      %reduce_max3A_113 = arith.constant dense<0xFF800000> : vector<1xf32>
      %reduce_max3A_114 = vector.multi_reduction <maximumf>, %reduce_max3A_112, %reduce_max3A_113 [1] : vector<1x2048xf32> to vector<1xf32>
      %reduce_max3A_115 = vector.shape_cast %reduce_max3A_114 : vector<1xf32> to vector<1x1xf32>
      %reduce_max3A_116 = vector.extract %reduce_max3A_115[0, 0] : f32 from vector<1x1xf32>
      %sqrt3A_117 = math.sqrt %reduce_max3A_116 : f32
      %swap3A_118 = arith.constant 1 : index
      %swap3A_119 = arith.constant 0 : index
      %swap3A_120 = memref.load %arg19[%swap3A_118, %swap3A_119] : memref<12x1xf32, #tpu.memory_space<smem>>
      memref.store %sqrt3A_117, %arg19[%swap3A_118, %swap3A_119] : memref<12x1xf32, #tpu.memory_space<smem>>
      %convert_element_type3A_121 = arith.truncf %slice3A_108 : vector<2048x64xf32> to vector<2048x64xbf16>
      %swap3A_122 = arith.constant 1 : index
      %swap3A_123 = arith.constant 0 : index
      %swap3A_124 = arith.constant 0 : index
      %swap3A_125 = vector.load %arg17[%swap3A_122, %swap3A_123, %swap3A_124] : memref<12x2048x64xbf16, #tpu.memory_space<vmem>>, vector<1x2048x64xbf16>
      %swap3A_126 = vector.shape_cast %swap3A_125 : vector<1x2048x64xbf16> to vector<2048x64xbf16>
      %swap3A_127 = vector.shape_cast %convert_element_type3A_121 : vector<2048x64xbf16> to vector<1x2048x64xbf16>
      tpu.vector_store %arg17[%swap3A_122, %swap3A_123, %swap3A_124], %swap3A_127 {strides = array<i32>} : memref<12x2048x64xbf16, #tpu.memory_space<vmem>>, vector<1x2048x64xbf16>,
      %slice3A_128 = vector.extract_strided_slice %add3A_73 {offsets = [0, 64], sizes = [2048, 64], strides = [1, 1]} : vector<2048x768xf32> to vector<2048x64xf32>
      %convert_element_type3A_129 = arith.truncf %slice3A_128 : vector<2048x64xf32> to vector<2048x64xbf16>
      %concatenate3A_130 = tpu.concatenate %convert_element_type3A_129, %convert_element_type3A_80 in 1 : vector<2048x64xbf16>, vector<2048x64xbf16> -> vector<2048x128xbf16>
      %swap3A_131 = arith.constant 1 : index
      %swap3A_132 = arith.constant 0 : index
      %swap3A_133 = arith.constant 0 : index
      %swap3A_134 = vector.load %arg18[%swap3A_131, %swap3A_132, %swap3A_133] : memref<12x2048x128xbf16, #tpu.memory_space<vmem>>, vector<1x2048x128xbf16>
      %swap3A_135 = vector.shape_cast %swap3A_134 : vector<1x2048x128xbf16> to vector<2048x128xbf16>
      %swap3A_136 = vector.shape_cast %concatenate3A_130 : vector<2048x128xbf16> to vector<1x2048x128xbf16>
      tpu.vector_store %arg18[%swap3A_131, %swap3A_132, %swap3A_133], %swap3A_136 {strides = array<i32>} : memref<12x2048x128xbf16, #tpu.memory_space<vmem>>, vector<1x2048x128xbf16>,
      %slice3A_137 = vector.extract_strided_slice %add3A_60 {offsets = [0, 128], sizes = [2048, 64], strides = [1, 1]} : vector<2048x768xf32> to vector<2048x64xf32>
      %mul3A_138 = arith.mulf %slice3A_137, %slice3A_137 : vector<2048x64xf32>
      %reduce_sum3A_139 = arith.constant dense<0.000000e+00> : vector<2048xf32>
      %reduce_sum3A_140 = vector.multi_reduction <add>, %mul3A_138, %reduce_sum3A_139 [1] : vector<2048x64xf32> to vector<2048xf32>
      %reduce_max3A_141 = vector.shape_cast %reduce_sum3A_140 : vector<2048xf32> to vector<1x2048xf32>
      %reduce_max3A_142 = arith.constant dense<0xFF800000> : vector<1xf32>
      %reduce_max3A_143 = vector.multi_reduction <maximumf>, %reduce_max3A_141, %reduce_max3A_142 [1] : vector<1x2048xf32> to vector<1xf32>
      %reduce_max3A_144 = vector.shape_cast %reduce_max3A_143 : vector<1xf32> to vector<1x1xf32>
      %reduce_max3A_145 = vector.extract %reduce_max3A_144[0, 0] : f32 from vector<1x1xf32>
      %sqrt3A_146 = math.sqrt %reduce_max3A_145 : f32
      %swap3A_147 = arith.constant 2 : index
      %swap3A_148 = arith.constant 0 : index
      %swap3A_149 = memref.load %arg19[%swap3A_147, %swap3A_148] : memref<12x1xf32, #tpu.memory_space<smem>>
      memref.store %sqrt3A_146, %arg19[%swap3A_147, %swap3A_148] : memref<12x1xf32, #tpu.memory_space<smem>>
      %convert_element_type3A_150 = arith.truncf %slice3A_137 : vector<2048x64xf32> to vector<2048x64xbf16>
      %swap3A_151 = arith.constant 2 : index
      %swap3A_152 = arith.constant 0 : index
      %swap3A_153 = arith.constant 0 : index
      %swap3A_154 = vector.load %arg17[%swap3A_151, %swap3A_152, %swap3A_153] : memref<12x2048x64xbf16, #tpu.memory_space<vmem>>, vector<1x2048x64xbf16>
      %swap3A_155 = vector.shape_cast %swap3A_154 : vector<1x2048x64xbf16> to vector<2048x64xbf16>
      %swap3A_156 = vector.shape_cast %convert_element_type3A_150 : vector<2048x64xbf16> to vector<1x2048x64xbf16>
      tpu.vector_store %arg17[%swap3A_151, %swap3A_152, %swap3A_153], %swap3A_156 {strides = array<i32>} : memref<12x2048x64xbf16, #tpu.memory_space<vmem>>, vector<1x2048x64xbf16>,
      %slice3A_157 = vector.extract_strided_slice %add3A_73 {offsets = [0, 128], sizes = [2048, 64], strides = [1, 1]} : vector<2048x768xf32> to vector<2048x64xf32>
      %convert_element_type3A_158 = arith.truncf %slice3A_157 : vector<2048x64xf32> to vector<2048x64xbf16>
      %concatenate3A_159 = tpu.concatenate %convert_element_type3A_158, %convert_element_type3A_80 in 1 : vector<2048x64xbf16>, vector<2048x64xbf16> -> vector<2048x128xbf16>
      %swap3A_160 = arith.constant 2 : index
      %swap3A_161 = arith.constant 0 : index
      %swap3A_162 = arith.constant 0 : index
      %swap3A_163 = vector.load %arg18[%swap3A_160, %swap3A_161, %swap3A_162] : memref<12x2048x128xbf16, #tpu.memory_space<vmem>>, vector<1x2048x128xbf16>
      %swap3A_164 = vector.shape_cast %swap3A_163 : vector<1x2048x128xbf16> to vector<2048x128xbf16>
      %swap3A_165 = vector.shape_cast %concatenate3A_159 : vector<2048x128xbf16> to vector<1x2048x128xbf16>
      tpu.vector_store %arg18[%swap3A_160, %swap3A_161, %swap3A_162], %swap3A_165 {strides = array<i32>} : memref<12x2048x128xbf16, #tpu.memory_space<vmem>>, vector<1x2048x128xbf16>,
      %slice3A_166 = vector.extract_strided_slice %add3A_60 {offsets = [0, 192], sizes = [2048, 64], strides = [1, 1]} : vector<2048x768xf32> to vector<2048x64xf32>
      %mul3A_167 = arith.mulf %slice3A_166, %slice3A_166 : vector<2048x64xf32>
      %reduce_sum3A_168 = arith.constant dense<0.000000e+00> : vector<2048xf32>
      %reduce_sum3A_169 = vector.multi_reduction <add>, %mul3A_167, %reduce_sum3A_168 [1] : vector<2048x64xf32> to vector<2048xf32>
      %reduce_max3A_170 = vector.shape_cast %reduce_sum3A_169 : vector<2048xf32> to vector<1x2048xf32>
      %reduce_max3A_171 = arith.constant dense<0xFF800000> : vector<1xf32>
      %reduce_max3A_172 = vector.multi_reduction <maximumf>, %reduce_max3A_170, %reduce_max3A_171 [1] : vector<1x2048xf32> to vector<1xf32>
      %reduce_max3A_173 = vector.shape_cast %reduce_max3A_172 : vector<1xf32> to vector<1x1xf32>
      %reduce_max3A_174 = vector.extract %reduce_max3A_173[0, 0] : f32 from vector<1x1xf32>
      %sqrt3A_175 = math.sqrt %reduce_max3A_174 : f32
      %swap3A_176 = arith.constant 3 : index
      %swap3A_177 = arith.constant 0 : index
      %swap3A_178 = memref.load %arg19[%swap3A_176, %swap3A_177] : memref<12x1xf32, #tpu.memory_space<smem>>
      memref.store %sqrt3A_175, %arg19[%swap3A_176, %swap3A_177] : memref<12x1xf32, #tpu.memory_space<smem>>
      %convert_element_type3A_179 = arith.truncf %slice3A_166 : vector<2048x64xf32> to vector<2048x64xbf16>
      %swap3A_180 = arith.constant 3 : index
      %swap3A_181 = arith.constant 0 : index
      %swap3A_182 = arith.constant 0 : index
      %swap3A_183 = vector.load %arg17[%swap3A_180, %swap3A_181, %swap3A_182] : memref<12x2048x64xbf16, #tpu.memory_space<vmem>>, vector<1x2048x64xbf16>
      %swap3A_184 = vector.shape_cast %swap3A_183 : vector<1x2048x64xbf16> to vector<2048x64xbf16>
      %swap3A_185 = vector.shape_cast %convert_element_type3A_179 : vector<2048x64xbf16> to vector<1x2048x64xbf16>
      tpu.vector_store %arg17[%swap3A_180, %swap3A_181, %swap3A_182], %swap3A_185 {strides = array<i32>} : memref<12x2048x64xbf16, #tpu.memory_space<vmem>>, vector<1x2048x64xbf16>,
      %slice3A_186 = vector.extract_strided_slice %add3A_73 {offsets = [0, 192], sizes = [2048, 64], strides = [1, 1]} : vector<2048x768xf32> to vector<2048x64xf32>
      %convert_element_type3A_187 = arith.truncf %slice3A_186 : vector<2048x64xf32> to vector<2048x64xbf16>
      %concatenate3A_188 = tpu.concatenate %convert_element_type3A_187, %convert_element_type3A_80 in 1 : vector<2048x64xbf16>, vector<2048x64xbf16> -> vector<2048x128xbf16>
      %swap3A_189 = arith.constant 3 : index
      %swap3A_190 = arith.constant 0 : index
      %swap3A_191 = arith.constant 0 : index
      %swap3A_192 = vector.load %arg18[%swap3A_189, %swap3A_190, %swap3A_191] : memref<12x2048x128xbf16, #tpu.memory_space<vmem>>, vector<1x2048x128xbf16>
      %swap3A_193 = vector.shape_cast %swap3A_192 : vector<1x2048x128xbf16> to vector<2048x128xbf16>
      %swap3A_194 = vector.shape_cast %concatenate3A_188 : vector<2048x128xbf16> to vector<1x2048x128xbf16>
      tpu.vector_store %arg18[%swap3A_189, %swap3A_190, %swap3A_191], %swap3A_194 {strides = array<i32>} : memref<12x2048x128xbf16, #tpu.memory_space<vmem>>, vector<1x2048x128xbf16>,
      %slice3A_195 = vector.extract_strided_slice %add3A_60 {offsets = [0, 256], sizes = [2048, 64], strides = [1, 1]} : vector<2048x768xf32> to vector<2048x64xf32>
      %mul3A_196 = arith.mulf %slice3A_195, %slice3A_195 : vector<2048x64xf32>
      %reduce_sum3A_197 = arith.constant dense<0.000000e+00> : vector<2048xf32>
      %reduce_sum3A_198 = vector.multi_reduction <add>, %mul3A_196, %reduce_sum3A_197 [1] : vector<2048x64xf32> to vector<2048xf32>
      %reduce_max3A_199 = vector.shape_cast %reduce_sum3A_198 : vector<2048xf32> to vector<1x2048xf32>
      %reduce_max3A_200 = arith.constant dense<0xFF800000> : vector<1xf32>
      %reduce_max3A_201 = vector.multi_reduction <maximumf>, %reduce_max3A_199, %reduce_max3A_200 [1] : vector<1x2048xf32> to vector<1xf32>
      %reduce_max3A_202 = vector.shape_cast %reduce_max3A_201 : vector<1xf32> to vector<1x1xf32>
      %reduce_max3A_203 = vector.extract %reduce_max3A_202[0, 0] : f32 from vector<1x1xf32>
      %sqrt3A_204 = math.sqrt %reduce_max3A_203 : f32
      %swap3A_205 = arith.constant 4 : index
      %swap3A_206 = arith.constant 0 : index
      %swap3A_207 = memref.load %arg19[%swap3A_205, %swap3A_206] : memref<12x1xf32, #tpu.memory_space<smem>>
      memref.store %sqrt3A_204, %arg19[%swap3A_205, %swap3A_206] : memref<12x1xf32, #tpu.memory_space<smem>>
      %convert_element_type3A_208 = arith.truncf %slice3A_195 : vector<2048x64xf32> to vector<2048x64xbf16>
      %swap3A_209 = arith.constant 4 : index
      %swap3A_210 = arith.constant 0 : index
      %swap3A_211 = arith.constant 0 : index
      %swap3A_212 = vector.load %arg17[%swap3A_209, %swap3A_210, %swap3A_211] : memref<12x2048x64xbf16, #tpu.memory_space<vmem>>, vector<1x2048x64xbf16>
      %swap3A_213 = vector.shape_cast %swap3A_212 : vector<1x2048x64xbf16> to vector<2048x64xbf16>
      %swap3A_214 = vector.shape_cast %convert_element_type3A_208 : vector<2048x64xbf16> to vector<1x2048x64xbf16>
      tpu.vector_store %arg17[%swap3A_209, %swap3A_210, %swap3A_211], %swap3A_214 {strides = array<i32>} : memref<12x2048x64xbf16, #tpu.memory_space<vmem>>, vector<1x2048x64xbf16>,
      %slice3A_215 = vector.extract_strided_slice %add3A_73 {offsets = [0, 256], sizes = [2048, 64], strides = [1, 1]} : vector<2048x768xf32> to vector<2048x64xf32>
      %convert_element_type3A_216 = arith.truncf %slice3A_215 : vector<2048x64xf32> to vector<2048x64xbf16>
      %concatenate3A_217 = tpu.concatenate %convert_element_type3A_216, %convert_element_type3A_80 in 1 : vector<2048x64xbf16>, vector<2048x64xbf16> -> vector<2048x128xbf16>
      %swap3A_218 = arith.constant 4 : index
      %swap3A_219 = arith.constant 0 : index
      %swap3A_220 = arith.constant 0 : index
      %swap3A_221 = vector.load %arg18[%swap3A_218, %swap3A_219, %swap3A_220] : memref<12x2048x128xbf16, #tpu.memory_space<vmem>>, vector<1x2048x128xbf16>
      %swap3A_222 = vector.shape_cast %swap3A_221 : vector<1x2048x128xbf16> to vector<2048x128xbf16>
      %swap3A_223 = vector.shape_cast %concatenate3A_217 : vector<2048x128xbf16> to vector<1x2048x128xbf16>
      tpu.vector_store %arg18[%swap3A_218, %swap3A_219, %swap3A_220], %swap3A_223 {strides = array<i32>} : memref<12x2048x128xbf16, #tpu.memory_space<vmem>>, vector<1x2048x128xbf16>,
      %slice3A_224 = vector.extract_strided_slice %add3A_60 {offsets = [0, 320], sizes = [2048, 64], strides = [1, 1]} : vector<2048x768xf32> to vector<2048x64xf32>
      %mul3A_225 = arith.mulf %slice3A_224, %slice3A_224 : vector<2048x64xf32>
      %reduce_sum3A_226 = arith.constant dense<0.000000e+00> : vector<2048xf32>
      %reduce_sum3A_227 = vector.multi_reduction <add>, %mul3A_225, %reduce_sum3A_226 [1] : vector<2048x64xf32> to vector<2048xf32>
      %reduce_max3A_228 = vector.shape_cast %reduce_sum3A_227 : vector<2048xf32> to vector<1x2048xf32>
      %reduce_max3A_229 = arith.constant dense<0xFF800000> : vector<1xf32>
      %reduce_max3A_230 = vector.multi_reduction <maximumf>, %reduce_max3A_228, %reduce_max3A_229 [1] : vector<1x2048xf32> to vector<1xf32>
      %reduce_max3A_231 = vector.shape_cast %reduce_max3A_230 : vector<1xf32> to vector<1x1xf32>
      %reduce_max3A_232 = vector.extract %reduce_max3A_231[0, 0] : f32 from vector<1x1xf32>
      %sqrt3A_233 = math.sqrt %reduce_max3A_232 : f32
      %swap3A_234 = arith.constant 5 : index
      %swap3A_235 = arith.constant 0 : index
      %swap3A_236 = memref.load %arg19[%swap3A_234, %swap3A_235] : memref<12x1xf32, #tpu.memory_space<smem>>
      memref.store %sqrt3A_233, %arg19[%swap3A_234, %swap3A_235] : memref<12x1xf32, #tpu.memory_space<smem>>
      %convert_element_type3A_237 = arith.truncf %slice3A_224 : vector<2048x64xf32> to vector<2048x64xbf16>
      %swap3A_238 = arith.constant 5 : index
      %swap3A_239 = arith.constant 0 : index
      %swap3A_240 = arith.constant 0 : index
      %swap3A_241 = vector.load %arg17[%swap3A_238, %swap3A_239, %swap3A_240] : memref<12x2048x64xbf16, #tpu.memory_space<vmem>>, vector<1x2048x64xbf16>
      %swap3A_242 = vector.shape_cast %swap3A_241 : vector<1x2048x64xbf16> to vector<2048x64xbf16>
      %swap3A_243 = vector.shape_cast %convert_element_type3A_237 : vector<2048x64xbf16> to vector<1x2048x64xbf16>
      tpu.vector_store %arg17[%swap3A_238, %swap3A_239, %swap3A_240], %swap3A_243 {strides = array<i32>} : memref<12x2048x64xbf16, #tpu.memory_space<vmem>>, vector<1x2048x64xbf16>,
      %slice3A_244 = vector.extract_strided_slice %add3A_73 {offsets = [0, 320], sizes = [2048, 64], strides = [1, 1]} : vector<2048x768xf32> to vector<2048x64xf32>
      %convert_element_type3A_245 = arith.truncf %slice3A_244 : vector<2048x64xf32> to vector<2048x64xbf16>
      %concatenate3A_246 = tpu.concatenate %convert_element_type3A_245, %convert_element_type3A_80 in 1 : vector<2048x64xbf16>, vector<2048x64xbf16> -> vector<2048x128xbf16>
      %swap3A_247 = arith.constant 5 : index
      %swap3A_248 = arith.constant 0 : index
      %swap3A_249 = arith.constant 0 : index
      %swap3A_250 = vector.load %arg18[%swap3A_247, %swap3A_248, %swap3A_249] : memref<12x2048x128xbf16, #tpu.memory_space<vmem>>, vector<1x2048x128xbf16>
      %swap3A_251 = vector.shape_cast %swap3A_250 : vector<1x2048x128xbf16> to vector<2048x128xbf16>
      %swap3A_252 = vector.shape_cast %concatenate3A_246 : vector<2048x128xbf16> to vector<1x2048x128xbf16>
      tpu.vector_store %arg18[%swap3A_247, %swap3A_248, %swap3A_249], %swap3A_252 {strides = array<i32>} : memref<12x2048x128xbf16, #tpu.memory_space<vmem>>, vector<1x2048x128xbf16>,
      %slice3A_253 = vector.extract_strided_slice %add3A_60 {offsets = [0, 384], sizes = [2048, 64], strides = [1, 1]} : vector<2048x768xf32> to vector<2048x64xf32>
      %mul3A_254 = arith.mulf %slice3A_253, %slice3A_253 : vector<2048x64xf32>
      %reduce_sum3A_255 = arith.constant dense<0.000000e+00> : vector<2048xf32>
      %reduce_sum3A_256 = vector.multi_reduction <add>, %mul3A_254, %reduce_sum3A_255 [1] : vector<2048x64xf32> to vector<2048xf32>
      %reduce_max3A_257 = vector.shape_cast %reduce_sum3A_256 : vector<2048xf32> to vector<1x2048xf32>
      %reduce_max3A_258 = arith.constant dense<0xFF800000> : vector<1xf32>
      %reduce_max3A_259 = vector.multi_reduction <maximumf>, %reduce_max3A_257, %reduce_max3A_258 [1] : vector<1x2048xf32> to vector<1xf32>
      %reduce_max3A_260 = vector.shape_cast %reduce_max3A_259 : vector<1xf32> to vector<1x1xf32>
      %reduce_max3A_261 = vector.extract %reduce_max3A_260[0, 0] : f32 from vector<1x1xf32>
      %sqrt3A_262 = math.sqrt %reduce_max3A_261 : f32
      %swap3A_263 = arith.constant 6 : index
      %swap3A_264 = arith.constant 0 : index
      %swap3A_265 = memref.load %arg19[%swap3A_263, %swap3A_264] : memref<12x1xf32, #tpu.memory_space<smem>>
      memref.store %sqrt3A_262, %arg19[%swap3A_263, %swap3A_264] : memref<12x1xf32, #tpu.memory_space<smem>>
      %convert_element_type3A_266 = arith.truncf %slice3A_253 : vector<2048x64xf32> to vector<2048x64xbf16>
      %swap3A_267 = arith.constant 6 : index
      %swap3A_268 = arith.constant 0 : index
      %swap3A_269 = arith.constant 0 : index
      %swap3A_270 = vector.load %arg17[%swap3A_267, %swap3A_268, %swap3A_269] : memref<12x2048x64xbf16, #tpu.memory_space<vmem>>, vector<1x2048x64xbf16>
      %swap3A_271 = vector.shape_cast %swap3A_270 : vector<1x2048x64xbf16> to vector<2048x64xbf16>
      %swap3A_272 = vector.shape_cast %convert_element_type3A_266 : vector<2048x64xbf16> to vector<1x2048x64xbf16>
      tpu.vector_store %arg17[%swap3A_267, %swap3A_268, %swap3A_269], %swap3A_272 {strides = array<i32>} : memref<12x2048x64xbf16, #tpu.memory_space<vmem>>, vector<1x2048x64xbf16>,
      %slice3A_273 = vector.extract_strided_slice %add3A_73 {offsets = [0, 384], sizes = [2048, 64], strides = [1, 1]} : vector<2048x768xf32> to vector<2048x64xf32>
      %convert_element_type3A_274 = arith.truncf %slice3A_273 : vector<2048x64xf32> to vector<2048x64xbf16>
      %concatenate3A_275 = tpu.concatenate %convert_element_type3A_274, %convert_element_type3A_80 in 1 : vector<2048x64xbf16>, vector<2048x64xbf16> -> vector<2048x128xbf16>
      %swap3A_276 = arith.constant 6 : index
      %swap3A_277 = arith.constant 0 : index
      %swap3A_278 = arith.constant 0 : index
      %swap3A_279 = vector.load %arg18[%swap3A_276, %swap3A_277, %swap3A_278] : memref<12x2048x128xbf16, #tpu.memory_space<vmem>>, vector<1x2048x128xbf16>
      %swap3A_280 = vector.shape_cast %swap3A_279 : vector<1x2048x128xbf16> to vector<2048x128xbf16>
      %swap3A_281 = vector.shape_cast %concatenate3A_275 : vector<2048x128xbf16> to vector<1x2048x128xbf16>
      tpu.vector_store %arg18[%swap3A_276, %swap3A_277, %swap3A_278], %swap3A_281 {strides = array<i32>} : memref<12x2048x128xbf16, #tpu.memory_space<vmem>>, vector<1x2048x128xbf16>,
      %slice3A_282 = vector.extract_strided_slice %add3A_60 {offsets = [0, 448], sizes = [2048, 64], strides = [1, 1]} : vector<2048x768xf32> to vector<2048x64xf32>
      %mul3A_283 = arith.mulf %slice3A_282, %slice3A_282 : vector<2048x64xf32>
      %reduce_sum3A_284 = arith.constant dense<0.000000e+00> : vector<2048xf32>
      %reduce_sum3A_285 = vector.multi_reduction <add>, %mul3A_283, %reduce_sum3A_284 [1] : vector<2048x64xf32> to vector<2048xf32>
      %reduce_max3A_286 = vector.shape_cast %reduce_sum3A_285 : vector<2048xf32> to vector<1x2048xf32>
      %reduce_max3A_287 = arith.constant dense<0xFF800000> : vector<1xf32>
      %reduce_max3A_288 = vector.multi_reduction <maximumf>, %reduce_max3A_286, %reduce_max3A_287 [1] : vector<1x2048xf32> to vector<1xf32>
      %reduce_max3A_289 = vector.shape_cast %reduce_max3A_288 : vector<1xf32> to vector<1x1xf32>
      %reduce_max3A_290 = vector.extract %reduce_max3A_289[0, 0] : f32 from vector<1x1xf32>
      %sqrt3A_291 = math.sqrt %reduce_max3A_290 : f32
      %swap3A_292 = arith.constant 7 : index
      %swap3A_293 = arith.constant 0 : index
      %swap3A_294 = memref.load %arg19[%swap3A_292, %swap3A_293] : memref<12x1xf32, #tpu.memory_space<smem>>
      memref.store %sqrt3A_291, %arg19[%swap3A_292, %swap3A_293] : memref<12x1xf32, #tpu.memory_space<smem>>
      %convert_element_type3A_295 = arith.truncf %slice3A_282 : vector<2048x64xf32> to vector<2048x64xbf16>
      %swap3A_296 = arith.constant 7 : index
      %swap3A_297 = arith.constant 0 : index
      %swap3A_298 = arith.constant 0 : index
      %swap3A_299 = vector.load %arg17[%swap3A_296, %swap3A_297, %swap3A_298] : memref<12x2048x64xbf16, #tpu.memory_space<vmem>>, vector<1x2048x64xbf16>
      %swap3A_300 = vector.shape_cast %swap3A_299 : vector<1x2048x64xbf16> to vector<2048x64xbf16>
      %swap3A_301 = vector.shape_cast %convert_element_type3A_295 : vector<2048x64xbf16> to vector<1x2048x64xbf16>
      tpu.vector_store %arg17[%swap3A_296, %swap3A_297, %swap3A_298], %swap3A_301 {strides = array<i32>} : memref<12x2048x64xbf16, #tpu.memory_space<vmem>>, vector<1x2048x64xbf16>,
      %slice3A_302 = vector.extract_strided_slice %add3A_73 {offsets = [0, 448], sizes = [2048, 64], strides = [1, 1]} : vector<2048x768xf32> to vector<2048x64xf32>
      %convert_element_type3A_303 = arith.truncf %slice3A_302 : vector<2048x64xf32> to vector<2048x64xbf16>
      %concatenate3A_304 = tpu.concatenate %convert_element_type3A_303, %convert_element_type3A_80 in 1 : vector<2048x64xbf16>, vector<2048x64xbf16> -> vector<2048x128xbf16>
      %swap3A_305 = arith.constant 7 : index
      %swap3A_306 = arith.constant 0 : index
      %swap3A_307 = arith.constant 0 : index
      %swap3A_308 = vector.load %arg18[%swap3A_305, %swap3A_306, %swap3A_307] : memref<12x2048x128xbf16, #tpu.memory_space<vmem>>, vector<1x2048x128xbf16>
      %swap3A_309 = vector.shape_cast %swap3A_308 : vector<1x2048x128xbf16> to vector<2048x128xbf16>
      %swap3A_310 = vector.shape_cast %concatenate3A_304 : vector<2048x128xbf16> to vector<1x2048x128xbf16>
      tpu.vector_store %arg18[%swap3A_305, %swap3A_306, %swap3A_307], %swap3A_310 {strides = array<i32>} : memref<12x2048x128xbf16, #tpu.memory_space<vmem>>, vector<1x2048x128xbf16>,
      %slice3A_311 = vector.extract_strided_slice %add3A_60 {offsets = [0, 512], sizes = [2048, 64], strides = [1, 1]} : vector<2048x768xf32> to vector<2048x64xf32>
      %mul3A_312 = arith.mulf %slice3A_311, %slice3A_311 : vector<2048x64xf32>
      %reduce_sum3A_313 = arith.constant dense<0.000000e+00> : vector<2048xf32>
      %reduce_sum3A_314 = vector.multi_reduction <add>, %mul3A_312, %reduce_sum3A_313 [1] : vector<2048x64xf32> to vector<2048xf32>
      %reduce_max3A_315 = vector.shape_cast %reduce_sum3A_314 : vector<2048xf32> to vector<1x2048xf32>
      %reduce_max3A_316 = arith.constant dense<0xFF800000> : vector<1xf32>
      %reduce_max3A_317 = vector.multi_reduction <maximumf>, %reduce_max3A_315, %reduce_max3A_316 [1] : vector<1x2048xf32> to vector<1xf32>
      %reduce_max3A_318 = vector.shape_cast %reduce_max3A_317 : vector<1xf32> to vector<1x1xf32>
      %reduce_max3A_319 = vector.extract %reduce_max3A_318[0, 0] : f32 from vector<1x1xf32>
      %sqrt3A_320 = math.sqrt %reduce_max3A_319 : f32
      %swap3A_321 = arith.constant 8 : index
      %swap3A_322 = arith.constant 0 : index
      %swap3A_323 = memref.load %arg19[%swap3A_321, %swap3A_322] : memref<12x1xf32, #tpu.memory_space<smem>>
      memref.store %sqrt3A_320, %arg19[%swap3A_321, %swap3A_322] : memref<12x1xf32, #tpu.memory_space<smem>>
      %convert_element_type3A_324 = arith.truncf %slice3A_311 : vector<2048x64xf32> to vector<2048x64xbf16>
      %swap3A_325 = arith.constant 8 : index
      %swap3A_326 = arith.constant 0 : index
      %swap3A_327 = arith.constant 0 : index
      %swap3A_328 = vector.load %arg17[%swap3A_325, %swap3A_326, %swap3A_327] : memref<12x2048x64xbf16, #tpu.memory_space<vmem>>, vector<1x2048x64xbf16>
      %swap3A_329 = vector.shape_cast %swap3A_328 : vector<1x2048x64xbf16> to vector<2048x64xbf16>
      %swap3A_330 = vector.shape_cast %convert_element_type3A_324 : vector<2048x64xbf16> to vector<1x2048x64xbf16>
      tpu.vector_store %arg17[%swap3A_325, %swap3A_326, %swap3A_327], %swap3A_330 {strides = array<i32>} : memref<12x2048x64xbf16, #tpu.memory_space<vmem>>, vector<1x2048x64xbf16>,
      %slice3A_331 = vector.extract_strided_slice %add3A_73 {offsets = [0, 512], sizes = [2048, 64], strides = [1, 1]} : vector<2048x768xf32> to vector<2048x64xf32>
      %convert_element_type3A_332 = arith.truncf %slice3A_331 : vector<2048x64xf32> to vector<2048x64xbf16>
      %concatenate3A_333 = tpu.concatenate %convert_element_type3A_332, %convert_element_type3A_80 in 1 : vector<2048x64xbf16>, vector<2048x64xbf16> -> vector<2048x128xbf16>
      %swap3A_334 = arith.constant 8 : index
      %swap3A_335 = arith.constant 0 : index
      %swap3A_336 = arith.constant 0 : index
      %swap3A_337 = vector.load %arg18[%swap3A_334, %swap3A_335, %swap3A_336] : memref<12x2048x128xbf16, #tpu.memory_space<vmem>>, vector<1x2048x128xbf16>
      %swap3A_338 = vector.shape_cast %swap3A_337 : vector<1x2048x128xbf16> to vector<2048x128xbf16>
      %swap3A_339 = vector.shape_cast %concatenate3A_333 : vector<2048x128xbf16> to vector<1x2048x128xbf16>
      tpu.vector_store %arg18[%swap3A_334, %swap3A_335, %swap3A_336], %swap3A_339 {strides = array<i32>} : memref<12x2048x128xbf16, #tpu.memory_space<vmem>>, vector<1x2048x128xbf16>,
      %slice3A_340 = vector.extract_strided_slice %add3A_60 {offsets = [0, 576], sizes = [2048, 64], strides = [1, 1]} : vector<2048x768xf32> to vector<2048x64xf32>
      %mul3A_341 = arith.mulf %slice3A_340, %slice3A_340 : vector<2048x64xf32>
      %reduce_sum3A_342 = arith.constant dense<0.000000e+00> : vector<2048xf32>
      %reduce_sum3A_343 = vector.multi_reduction <add>, %mul3A_341, %reduce_sum3A_342 [1] : vector<2048x64xf32> to vector<2048xf32>
      %reduce_max3A_344 = vector.shape_cast %reduce_sum3A_343 : vector<2048xf32> to vector<1x2048xf32>
      %reduce_max3A_345 = arith.constant dense<0xFF800000> : vector<1xf32>
      %reduce_max3A_346 = vector.multi_reduction <maximumf>, %reduce_max3A_344, %reduce_max3A_345 [1] : vector<1x2048xf32> to vector<1xf32>
      %reduce_max3A_347 = vector.shape_cast %reduce_max3A_346 : vector<1xf32> to vector<1x1xf32>
      %reduce_max3A_348 = vector.extract %reduce_max3A_347[0, 0] : f32 from vector<1x1xf32>
      %sqrt3A_349 = math.sqrt %reduce_max3A_348 : f32
      %swap3A_350 = arith.constant 9 : index
      %swap3A_351 = arith.constant 0 : index
      %swap3A_352 = memref.load %arg19[%swap3A_350, %swap3A_351] : memref<12x1xf32, #tpu.memory_space<smem>>
      memref.store %sqrt3A_349, %arg19[%swap3A_350, %swap3A_351] : memref<12x1xf32, #tpu.memory_space<smem>>
      %convert_element_type3A_353 = arith.truncf %slice3A_340 : vector<2048x64xf32> to vector<2048x64xbf16>
      %swap3A_354 = arith.constant 9 : index
      %swap3A_355 = arith.constant 0 : index
      %swap3A_356 = arith.constant 0 : index
      %swap3A_357 = vector.load %arg17[%swap3A_354, %swap3A_355, %swap3A_356] : memref<12x2048x64xbf16, #tpu.memory_space<vmem>>, vector<1x2048x64xbf16>
      %swap3A_358 = vector.shape_cast %swap3A_357 : vector<1x2048x64xbf16> to vector<2048x64xbf16>
      %swap3A_359 = vector.shape_cast %convert_element_type3A_353 : vector<2048x64xbf16> to vector<1x2048x64xbf16>
      tpu.vector_store %arg17[%swap3A_354, %swap3A_355, %swap3A_356], %swap3A_359 {strides = array<i32>} : memref<12x2048x64xbf16, #tpu.memory_space<vmem>>, vector<1x2048x64xbf16>,
      %slice3A_360 = vector.extract_strided_slice %add3A_73 {offsets = [0, 576], sizes = [2048, 64], strides = [1, 1]} : vector<2048x768xf32> to vector<2048x64xf32>
      %convert_element_type3A_361 = arith.truncf %slice3A_360 : vector<2048x64xf32> to vector<2048x64xbf16>
      %concatenate3A_362 = tpu.concatenate %convert_element_type3A_361, %convert_element_type3A_80 in 1 : vector<2048x64xbf16>, vector<2048x64xbf16> -> vector<2048x128xbf16>
      %swap3A_363 = arith.constant 9 : index
      %swap3A_364 = arith.constant 0 : index
      %swap3A_365 = arith.constant 0 : index
      %swap3A_366 = vector.load %arg18[%swap3A_363, %swap3A_364, %swap3A_365] : memref<12x2048x128xbf16, #tpu.memory_space<vmem>>, vector<1x2048x128xbf16>
      %swap3A_367 = vector.shape_cast %swap3A_366 : vector<1x2048x128xbf16> to vector<2048x128xbf16>
      %swap3A_368 = vector.shape_cast %concatenate3A_362 : vector<2048x128xbf16> to vector<1x2048x128xbf16>
      tpu.vector_store %arg18[%swap3A_363, %swap3A_364, %swap3A_365], %swap3A_368 {strides = array<i32>} : memref<12x2048x128xbf16, #tpu.memory_space<vmem>>, vector<1x2048x128xbf16>,
      %slice3A_369 = vector.extract_strided_slice %add3A_60 {offsets = [0, 640], sizes = [2048, 64], strides = [1, 1]} : vector<2048x768xf32> to vector<2048x64xf32>
      %mul3A_370 = arith.mulf %slice3A_369, %slice3A_369 : vector<2048x64xf32>
      %reduce_sum3A_371 = arith.constant dense<0.000000e+00> : vector<2048xf32>
      %reduce_sum3A_372 = vector.multi_reduction <add>, %mul3A_370, %reduce_sum3A_371 [1] : vector<2048x64xf32> to vector<2048xf32>
      %reduce_max3A_373 = vector.shape_cast %reduce_sum3A_372 : vector<2048xf32> to vector<1x2048xf32>
      %reduce_max3A_374 = arith.constant dense<0xFF800000> : vector<1xf32>
      %reduce_max3A_375 = vector.multi_reduction <maximumf>, %reduce_max3A_373, %reduce_max3A_374 [1] : vector<1x2048xf32> to vector<1xf32>
      %reduce_max3A_376 = vector.shape_cast %reduce_max3A_375 : vector<1xf32> to vector<1x1xf32>
      %reduce_max3A_377 = vector.extract %reduce_max3A_376[0, 0] : f32 from vector<1x1xf32>
      %sqrt3A_378 = math.sqrt %reduce_max3A_377 : f32
      %swap3A_379 = arith.constant 10 : index
      %swap3A_380 = arith.constant 0 : index
      %swap3A_381 = memref.load %arg19[%swap3A_379, %swap3A_380] : memref<12x1xf32, #tpu.memory_space<smem>>
      memref.store %sqrt3A_378, %arg19[%swap3A_379, %swap3A_380] : memref<12x1xf32, #tpu.memory_space<smem>>
      %convert_element_type3A_382 = arith.truncf %slice3A_369 : vector<2048x64xf32> to vector<2048x64xbf16>
      %swap3A_383 = arith.constant 10 : index
      %swap3A_384 = arith.constant 0 : index
      %swap3A_385 = arith.constant 0 : index
      %swap3A_386 = vector.load %arg17[%swap3A_383, %swap3A_384, %swap3A_385] : memref<12x2048x64xbf16, #tpu.memory_space<vmem>>, vector<1x2048x64xbf16>
      %swap3A_387 = vector.shape_cast %swap3A_386 : vector<1x2048x64xbf16> to vector<2048x64xbf16>
      %swap3A_388 = vector.shape_cast %convert_element_type3A_382 : vector<2048x64xbf16> to vector<1x2048x64xbf16>
      tpu.vector_store %arg17[%swap3A_383, %swap3A_384, %swap3A_385], %swap3A_388 {strides = array<i32>} : memref<12x2048x64xbf16, #tpu.memory_space<vmem>>, vector<1x2048x64xbf16>,
      %slice3A_389 = vector.extract_strided_slice %add3A_73 {offsets = [0, 640], sizes = [2048, 64], strides = [1, 1]} : vector<2048x768xf32> to vector<2048x64xf32>
      %convert_element_type3A_390 = arith.truncf %slice3A_389 : vector<2048x64xf32> to vector<2048x64xbf16>
      %concatenate3A_391 = tpu.concatenate %convert_element_type3A_390, %convert_element_type3A_80 in 1 : vector<2048x64xbf16>, vector<2048x64xbf16> -> vector<2048x128xbf16>
      %swap3A_392 = arith.constant 10 : index
      %swap3A_393 = arith.constant 0 : index
      %swap3A_394 = arith.constant 0 : index
      %swap3A_395 = vector.load %arg18[%swap3A_392, %swap3A_393, %swap3A_394] : memref<12x2048x128xbf16, #tpu.memory_space<vmem>>, vector<1x2048x128xbf16>
      %swap3A_396 = vector.shape_cast %swap3A_395 : vector<1x2048x128xbf16> to vector<2048x128xbf16>
      %swap3A_397 = vector.shape_cast %concatenate3A_391 : vector<2048x128xbf16> to vector<1x2048x128xbf16>
      tpu.vector_store %arg18[%swap3A_392, %swap3A_393, %swap3A_394], %swap3A_397 {strides = array<i32>} : memref<12x2048x128xbf16, #tpu.memory_space<vmem>>, vector<1x2048x128xbf16>,
      %slice3A_398 = vector.extract_strided_slice %add3A_60 {offsets = [0, 704], sizes = [2048, 64], strides = [1, 1]} : vector<2048x768xf32> to vector<2048x64xf32>
      %mul3A_399 = arith.mulf %slice3A_398, %slice3A_398 : vector<2048x64xf32>
      %reduce_sum3A_400 = arith.constant dense<0.000000e+00> : vector<2048xf32>
      %reduce_sum3A_401 = vector.multi_reduction <add>, %mul3A_399, %reduce_sum3A_400 [1] : vector<2048x64xf32> to vector<2048xf32>
      %reduce_max3A_402 = vector.shape_cast %reduce_sum3A_401 : vector<2048xf32> to vector<1x2048xf32>
      %reduce_max3A_403 = arith.constant dense<0xFF800000> : vector<1xf32>
      %reduce_max3A_404 = vector.multi_reduction <maximumf>, %reduce_max3A_402, %reduce_max3A_403 [1] : vector<1x2048xf32> to vector<1xf32>
      %reduce_max3A_405 = vector.shape_cast %reduce_max3A_404 : vector<1xf32> to vector<1x1xf32>
      %reduce_max3A_406 = vector.extract %reduce_max3A_405[0, 0] : f32 from vector<1x1xf32>
      %sqrt3A_407 = math.sqrt %reduce_max3A_406 : f32
      %swap3A_408 = arith.constant 11 : index
      %swap3A_409 = arith.constant 0 : index
      %swap3A_410 = memref.load %arg19[%swap3A_408, %swap3A_409] : memref<12x1xf32, #tpu.memory_space<smem>>
      memref.store %sqrt3A_407, %arg19[%swap3A_408, %swap3A_409] : memref<12x1xf32, #tpu.memory_space<smem>>
      %convert_element_type3A_411 = arith.truncf %slice3A_398 : vector<2048x64xf32> to vector<2048x64xbf16>
      %swap3A_412 = arith.constant 11 : index
      %swap3A_413 = arith.constant 0 : index
      %swap3A_414 = arith.constant 0 : index
      %swap3A_415 = vector.load %arg17[%swap3A_412, %swap3A_413, %swap3A_414] : memref<12x2048x64xbf16, #tpu.memory_space<vmem>>, vector<1x2048x64xbf16>
      %swap3A_416 = vector.shape_cast %swap3A_415 : vector<1x2048x64xbf16> to vector<2048x64xbf16>
      %swap3A_417 = vector.shape_cast %convert_element_type3A_411 : vector<2048x64xbf16> to vector<1x2048x64xbf16>
      tpu.vector_store %arg17[%swap3A_412, %swap3A_413, %swap3A_414], %swap3A_417 {strides = array<i32>} : memref<12x2048x64xbf16, #tpu.memory_space<vmem>>, vector<1x2048x64xbf16>,
      %slice3A_418 = vector.extract_strided_slice %add3A_73 {offsets = [0, 704], sizes = [2048, 64], strides = [1, 1]} : vector<2048x768xf32> to vector<2048x64xf32>
      %convert_element_type3A_419 = arith.truncf %slice3A_418 : vector<2048x64xf32> to vector<2048x64xbf16>
      %concatenate3A_420 = tpu.concatenate %convert_element_type3A_419, %convert_element_type3A_80 in 1 : vector<2048x64xbf16>, vector<2048x64xbf16> -> vector<2048x128xbf16>
      %swap3A_421 = arith.constant 11 : index
      %swap3A_422 = arith.constant 0 : index
      %swap3A_423 = arith.constant 0 : index
      %swap3A_424 = vector.load %arg18[%swap3A_421, %swap3A_422, %swap3A_423] : memref<12x2048x128xbf16, #tpu.memory_space<vmem>>, vector<1x2048x128xbf16>
      %swap3A_425 = vector.shape_cast %swap3A_424 : vector<1x2048x128xbf16> to vector<2048x128xbf16>
      %swap3A_426 = vector.shape_cast %concatenate3A_420 : vector<2048x128xbf16> to vector<1x2048x128xbf16>
      tpu.vector_store %arg18[%swap3A_421, %swap3A_422, %swap3A_423], %swap3A_426 {strides = array<i32>} : memref<12x2048x128xbf16, #tpu.memory_space<vmem>>, vector<1x2048x128xbf16>,
    } else {
    }
    %eq3A_4 = arith.constant 0 : i32
    %eq3A_5 = arith.cmpi eq, %arg1, %eq3A_4 : i32
    %convert_element_type3A_6 = arith.extui %eq3A_5 : i1 to i32
    %cond3A_7 = arith.constant 0 : i32
    %cond3A_8 = arith.cmpi ne, %convert_element_type3A_6, %cond3A_7 : i32
    scf.if %cond3A_8 {
      %get3A_50 = arith.constant 0 : index
      %get3A_51 = arith.constant 0 : index
      %get3A_52 = vector.load %arg2[%get3A_50, %get3A_51] : memref<512x768xbf16, #tpu.memory_space<vmem>>, vector<512x768xbf16>
      %get3A_53 = arith.constant 0 : index
      %get3A_54 = arith.constant 0 : index
      %get3A_55 = vector.load %arg3[%get3A_53, %get3A_54] : memref<768x768xbf16, #tpu.memory_space<vmem>>, vector<768x768xbf16>
      %dot_general3A = arith.constant dense<0.000000e+00> : vector<512x768xf32>
      %dot_general3A_56 = tpu.matmul %get3A_52, %get3A_55, %dot_general3A {dimension_numbers = #tpu.dot_dimension_numbers<[1], [1], [0], [0], [0, 0, 1, 0], [], []>, transpose_lhs_hint = false} : vector<512x768xbf16>, vector<768x768xbf16>, vector<512x768xf32> -> vector<512x768xf32>
      %get3A_57 = arith.constant 0 : index
      %get3A_58 = arith.constant 0 : index
      %get3A_59 = vector.load %arg4[%get3A_57, %get3A_58] : memref<1x768xf32, #tpu.memory_space<vmem>>, vector<1x768xf32>
      %add3A = vector.broadcast %get3A_59 : vector<1x768xf32> to vector<512x768xf32>
      %add3A_60 = arith.addf %dot_general3A_56, %add3A : vector<512x768xf32>
      %slice3A_61 = vector.extract_strided_slice %add3A_60 {offsets = [0, 0], sizes = [512, 64], strides = [1, 1]} : vector<512x768xf32> to vector<512x64xf32>
      %convert_element_type3A_62 = arith.truncf %slice3A_61 : vector<512x64xf32> to vector<512x64xbf16>
      %swap3A_63 = arith.constant 0 : index
      %swap3A_64 = arith.constant 0 : index
      %swap3A_65 = arith.constant 0 : index
      %swap3A_66 = vector.load %arg20[%swap3A_63, %swap3A_64, %swap3A_65] : memref<12x512x64xbf16, #tpu.memory_space<vmem>>, vector<1x512x64xbf16>
      %swap3A_67 = vector.shape_cast %swap3A_66 : vector<1x512x64xbf16> to vector<512x64xbf16>
      %swap3A_68 = vector.shape_cast %convert_element_type3A_62 : vector<512x64xbf16> to vector<1x512x64xbf16>
      tpu.vector_store %arg20[%swap3A_63, %swap3A_64, %swap3A_65], %swap3A_68 {strides = array<i32>} : memref<12x512x64xbf16, #tpu.memory_space<vmem>>, vector<1x512x64xbf16>,
      %slice3A_69 = vector.extract_strided_slice %add3A_60 {offsets = [0, 64], sizes = [512, 64], strides = [1, 1]} : vector<512x768xf32> to vector<512x64xf32>
      %convert_element_type3A_70 = arith.truncf %slice3A_69 : vector<512x64xf32> to vector<512x64xbf16>
      %swap3A_71 = arith.constant 1 : index
      %swap3A_72 = arith.constant 0 : index
      %swap3A_73 = arith.constant 0 : index
      %swap3A_74 = vector.load %arg20[%swap3A_71, %swap3A_72, %swap3A_73] : memref<12x512x64xbf16, #tpu.memory_space<vmem>>, vector<1x512x64xbf16>
      %swap3A_75 = vector.shape_cast %swap3A_74 : vector<1x512x64xbf16> to vector<512x64xbf16>
      %swap3A_76 = vector.shape_cast %convert_element_type3A_70 : vector<512x64xbf16> to vector<1x512x64xbf16>
      tpu.vector_store %arg20[%swap3A_71, %swap3A_72, %swap3A_73], %swap3A_76 {strides = array<i32>} : memref<12x512x64xbf16, #tpu.memory_space<vmem>>, vector<1x512x64xbf16>,
      %slice3A_77 = vector.extract_strided_slice %add3A_60 {offsets = [0, 128], sizes = [512, 64], strides = [1, 1]} : vector<512x768xf32> to vector<512x64xf32>
      %convert_element_type3A_78 = arith.truncf %slice3A_77 : vector<512x64xf32> to vector<512x64xbf16>
      %swap3A_79 = arith.constant 2 : index
      %swap3A_80 = arith.constant 0 : index
      %swap3A_81 = arith.constant 0 : index
      %swap3A_82 = vector.load %arg20[%swap3A_79, %swap3A_80, %swap3A_81] : memref<12x512x64xbf16, #tpu.memory_space<vmem>>, vector<1x512x64xbf16>
      %swap3A_83 = vector.shape_cast %swap3A_82 : vector<1x512x64xbf16> to vector<512x64xbf16>
      %swap3A_84 = vector.shape_cast %convert_element_type3A_78 : vector<512x64xbf16> to vector<1x512x64xbf16>
      tpu.vector_store %arg20[%swap3A_79, %swap3A_80, %swap3A_81], %swap3A_84 {strides = array<i32>} : memref<12x512x64xbf16, #tpu.memory_space<vmem>>, vector<1x512x64xbf16>,
      %slice3A_85 = vector.extract_strided_slice %add3A_60 {offsets = [0, 192], sizes = [512, 64], strides = [1, 1]} : vector<512x768xf32> to vector<512x64xf32>
      %convert_element_type3A_86 = arith.truncf %slice3A_85 : vector<512x64xf32> to vector<512x64xbf16>
      %swap3A_87 = arith.constant 3 : index
      %swap3A_88 = arith.constant 0 : index
      %swap3A_89 = arith.constant 0 : index
      %swap3A_90 = vector.load %arg20[%swap3A_87, %swap3A_88, %swap3A_89] : memref<12x512x64xbf16, #tpu.memory_space<vmem>>, vector<1x512x64xbf16>
      %swap3A_91 = vector.shape_cast %swap3A_90 : vector<1x512x64xbf16> to vector<512x64xbf16>
      %swap3A_92 = vector.shape_cast %convert_element_type3A_86 : vector<512x64xbf16> to vector<1x512x64xbf16>
      tpu.vector_store %arg20[%swap3A_87, %swap3A_88, %swap3A_89], %swap3A_92 {strides = array<i32>} : memref<12x512x64xbf16, #tpu.memory_space<vmem>>, vector<1x512x64xbf16>,
      %slice3A_93 = vector.extract_strided_slice %add3A_60 {offsets = [0, 256], sizes = [512, 64], strides = [1, 1]} : vector<512x768xf32> to vector<512x64xf32>
      %convert_element_type3A_94 = arith.truncf %slice3A_93 : vector<512x64xf32> to vector<512x64xbf16>
      %swap3A_95 = arith.constant 4 : index
      %swap3A_96 = arith.constant 0 : index
      %swap3A_97 = arith.constant 0 : index
      %swap3A_98 = vector.load %arg20[%swap3A_95, %swap3A_96, %swap3A_97] : memref<12x512x64xbf16, #tpu.memory_space<vmem>>, vector<1x512x64xbf16>
      %swap3A_99 = vector.shape_cast %swap3A_98 : vector<1x512x64xbf16> to vector<512x64xbf16>
      %swap3A_100 = vector.shape_cast %convert_element_type3A_94 : vector<512x64xbf16> to vector<1x512x64xbf16>
      tpu.vector_store %arg20[%swap3A_95, %swap3A_96, %swap3A_97], %swap3A_100 {strides = array<i32>} : memref<12x512x64xbf16, #tpu.memory_space<vmem>>, vector<1x512x64xbf16>,
      %slice3A_101 = vector.extract_strided_slice %add3A_60 {offsets = [0, 320], sizes = [512, 64], strides = [1, 1]} : vector<512x768xf32> to vector<512x64xf32>
      %convert_element_type3A_102 = arith.truncf %slice3A_101 : vector<512x64xf32> to vector<512x64xbf16>
      %swap3A_103 = arith.constant 5 : index
      %swap3A_104 = arith.constant 0 : index
      %swap3A_105 = arith.constant 0 : index
      %swap3A_106 = vector.load %arg20[%swap3A_103, %swap3A_104, %swap3A_105] : memref<12x512x64xbf16, #tpu.memory_space<vmem>>, vector<1x512x64xbf16>
      %swap3A_107 = vector.shape_cast %swap3A_106 : vector<1x512x64xbf16> to vector<512x64xbf16>
      %swap3A_108 = vector.shape_cast %convert_element_type3A_102 : vector<512x64xbf16> to vector<1x512x64xbf16>
      tpu.vector_store %arg20[%swap3A_103, %swap3A_104, %swap3A_105], %swap3A_108 {strides = array<i32>} : memref<12x512x64xbf16, #tpu.memory_space<vmem>>, vector<1x512x64xbf16>,
      %slice3A_109 = vector.extract_strided_slice %add3A_60 {offsets = [0, 384], sizes = [512, 64], strides = [1, 1]} : vector<512x768xf32> to vector<512x64xf32>
      %convert_element_type3A_110 = arith.truncf %slice3A_109 : vector<512x64xf32> to vector<512x64xbf16>
      %swap3A_111 = arith.constant 6 : index
      %swap3A_112 = arith.constant 0 : index
      %swap3A_113 = arith.constant 0 : index
      %swap3A_114 = vector.load %arg20[%swap3A_111, %swap3A_112, %swap3A_113] : memref<12x512x64xbf16, #tpu.memory_space<vmem>>, vector<1x512x64xbf16>
      %swap3A_115 = vector.shape_cast %swap3A_114 : vector<1x512x64xbf16> to vector<512x64xbf16>
      %swap3A_116 = vector.shape_cast %convert_element_type3A_110 : vector<512x64xbf16> to vector<1x512x64xbf16>
      tpu.vector_store %arg20[%swap3A_111, %swap3A_112, %swap3A_113], %swap3A_116 {strides = array<i32>} : memref<12x512x64xbf16, #tpu.memory_space<vmem>>, vector<1x512x64xbf16>,
      %slice3A_117 = vector.extract_strided_slice %add3A_60 {offsets = [0, 448], sizes = [512, 64], strides = [1, 1]} : vector<512x768xf32> to vector<512x64xf32>
      %convert_element_type3A_118 = arith.truncf %slice3A_117 : vector<512x64xf32> to vector<512x64xbf16>
      %swap3A_119 = arith.constant 7 : index
      %swap3A_120 = arith.constant 0 : index
      %swap3A_121 = arith.constant 0 : index
      %swap3A_122 = vector.load %arg20[%swap3A_119, %swap3A_120, %swap3A_121] : memref<12x512x64xbf16, #tpu.memory_space<vmem>>, vector<1x512x64xbf16>
      %swap3A_123 = vector.shape_cast %swap3A_122 : vector<1x512x64xbf16> to vector<512x64xbf16>
      %swap3A_124 = vector.shape_cast %convert_element_type3A_118 : vector<512x64xbf16> to vector<1x512x64xbf16>
      tpu.vector_store %arg20[%swap3A_119, %swap3A_120, %swap3A_121], %swap3A_124 {strides = array<i32>} : memref<12x512x64xbf16, #tpu.memory_space<vmem>>, vector<1x512x64xbf16>,
      %slice3A_125 = vector.extract_strided_slice %add3A_60 {offsets = [0, 512], sizes = [512, 64], strides = [1, 1]} : vector<512x768xf32> to vector<512x64xf32>
      %convert_element_type3A_126 = arith.truncf %slice3A_125 : vector<512x64xf32> to vector<512x64xbf16>
      %swap3A_127 = arith.constant 8 : index
      %swap3A_128 = arith.constant 0 : index
      %swap3A_129 = arith.constant 0 : index
      %swap3A_130 = vector.load %arg20[%swap3A_127, %swap3A_128, %swap3A_129] : memref<12x512x64xbf16, #tpu.memory_space<vmem>>, vector<1x512x64xbf16>
      %swap3A_131 = vector.shape_cast %swap3A_130 : vector<1x512x64xbf16> to vector<512x64xbf16>
      %swap3A_132 = vector.shape_cast %convert_element_type3A_126 : vector<512x64xbf16> to vector<1x512x64xbf16>
      tpu.vector_store %arg20[%swap3A_127, %swap3A_128, %swap3A_129], %swap3A_132 {strides = array<i32>} : memref<12x512x64xbf16, #tpu.memory_space<vmem>>, vector<1x512x64xbf16>,
      %slice3A_133 = vector.extract_strided_slice %add3A_60 {offsets = [0, 576], sizes = [512, 64], strides = [1, 1]} : vector<512x768xf32> to vector<512x64xf32>
      %convert_element_type3A_134 = arith.truncf %slice3A_133 : vector<512x64xf32> to vector<512x64xbf16>
      %swap3A_135 = arith.constant 9 : index
      %swap3A_136 = arith.constant 0 : index
      %swap3A_137 = arith.constant 0 : index
      %swap3A_138 = vector.load %arg20[%swap3A_135, %swap3A_136, %swap3A_137] : memref<12x512x64xbf16, #tpu.memory_space<vmem>>, vector<1x512x64xbf16>
      %swap3A_139 = vector.shape_cast %swap3A_138 : vector<1x512x64xbf16> to vector<512x64xbf16>
      %swap3A_140 = vector.shape_cast %convert_element_type3A_134 : vector<512x64xbf16> to vector<1x512x64xbf16>
      tpu.vector_store %arg20[%swap3A_135, %swap3A_136, %swap3A_137], %swap3A_140 {strides = array<i32>} : memref<12x512x64xbf16, #tpu.memory_space<vmem>>, vector<1x512x64xbf16>,
      %slice3A_141 = vector.extract_strided_slice %add3A_60 {offsets = [0, 640], sizes = [512, 64], strides = [1, 1]} : vector<512x768xf32> to vector<512x64xf32>
      %convert_element_type3A_142 = arith.truncf %slice3A_141 : vector<512x64xf32> to vector<512x64xbf16>
      %swap3A_143 = arith.constant 10 : index
      %swap3A_144 = arith.constant 0 : index
      %swap3A_145 = arith.constant 0 : index
      %swap3A_146 = vector.load %arg20[%swap3A_143, %swap3A_144, %swap3A_145] : memref<12x512x64xbf16, #tpu.memory_space<vmem>>, vector<1x512x64xbf16>
      %swap3A_147 = vector.shape_cast %swap3A_146 : vector<1x512x64xbf16> to vector<512x64xbf16>
      %swap3A_148 = vector.shape_cast %convert_element_type3A_142 : vector<512x64xbf16> to vector<1x512x64xbf16>
      tpu.vector_store %arg20[%swap3A_143, %swap3A_144, %swap3A_145], %swap3A_148 {strides = array<i32>} : memref<12x512x64xbf16, #tpu.memory_space<vmem>>, vector<1x512x64xbf16>,
      %slice3A_149 = vector.extract_strided_slice %add3A_60 {offsets = [0, 704], sizes = [512, 64], strides = [1, 1]} : vector<512x768xf32> to vector<512x64xf32>
      %convert_element_type3A_150 = arith.truncf %slice3A_149 : vector<512x64xf32> to vector<512x64xbf16>
      %swap3A_151 = arith.constant 11 : index
      %swap3A_152 = arith.constant 0 : index
      %swap3A_153 = arith.constant 0 : index
      %swap3A_154 = vector.load %arg20[%swap3A_151, %swap3A_152, %swap3A_153] : memref<12x512x64xbf16, #tpu.memory_space<vmem>>, vector<1x512x64xbf16>
      %swap3A_155 = vector.shape_cast %swap3A_154 : vector<1x512x64xbf16> to vector<512x64xbf16>
      %swap3A_156 = vector.shape_cast %convert_element_type3A_150 : vector<512x64xbf16> to vector<1x512x64xbf16>
      tpu.vector_store %arg20[%swap3A_151, %swap3A_152, %swap3A_153], %swap3A_156 {strides = array<i32>} : memref<12x512x64xbf16, #tpu.memory_space<vmem>>, vector<1x512x64xbf16>,
    } else {
    }
    %get3A = arith.index_cast %arg1 : i32 to index
    %get3A_9 = arith.constant 0 : index
    %get3A_10 = arith.constant 0 : index
    %get3A_11 = vector.load %arg20[%get3A, %get3A_9, %get3A_10] : memref<12x512x64xbf16, #tpu.memory_space<vmem>>, vector<1x512x64xbf16>
    %get3A_12 = vector.shape_cast %get3A_11 : vector<1x512x64xbf16> to vector<512x64xbf16>
    %convert_element_type3A_13 = arith.extf %get3A_12 : vector<512x64xbf16> to vector<512x64xf32>
    %mul3A = arith.mulf %convert_element_type3A_13, %convert_element_type3A_13 : vector<512x64xf32>
    %reduce_sum3A = arith.constant dense<0.000000e+00> : vector<512xf32>
    %reduce_sum3A_14 = vector.multi_reduction <add>, %mul3A, %reduce_sum3A [1] : vector<512x64xf32> to vector<512xf32>
    %broadcast_in_dim3A = vector.shape_cast %reduce_sum3A_14 : vector<512xf32> to vector<512x1xf32>
    %sqrt3A = math.sqrt %broadcast_in_dim3A : vector<512x1xf32>
    %get3A_15 = arith.index_cast %arg1 : i32 to index
    %get3A_16 = arith.constant 0 : index
    %get3A_17 = memref.load %arg19[%get3A_15, %get3A_16] : memref<12x1xf32, #tpu.memory_space<smem>>
    %mul3A_18 = vector.broadcast %get3A_17 : f32 to vector<512x1xf32>
    %mul3A_19 = arith.mulf %sqrt3A, %mul3A_18 : vector<512x1xf32>
    %get3A_20 = arith.index_cast %arg0 : i32 to index
    %get3A_21 = memref.load %arg12[%get3A_20] : memref<4xi32, #tpu.memory_space<smem>>
    %eq3A_22 = arith.constant 1 : i32
    %eq3A_23 = arith.cmpi eq, %get3A_21, %eq3A_22 : i32
    %convert_element_type3A_24 = arith.extui %eq3A_23 : i1 to i32
    %cond3A_25 = arith.constant 0 : i32
    %cond3A_26 = arith.cmpi ne, %convert_element_type3A_24, %cond3A_25 : i32
    scf.if %cond3A_26 {
      %get3A_50 = arith.index_cast %arg0 : i32 to index
      %get3A_51 = memref.load %arg13[%get3A_50] : memref<4xi32, #tpu.memory_space<smem>>
      %multiple_of3A = tpu.assume_multiple %get3A_51, 256 : i32
      %get3A_52 = arith.index_cast %arg1 : i32 to index
      %get3A_53 = arith.index_cast %multiple_of3A : i32 to index
      %get3A_54 = arith.constant 0 : index
      %get3A_55 = vector.load %arg17[%get3A_52, %get3A_53, %get3A_54] : memref<12x2048x64xbf16, #tpu.memory_space<vmem>>, vector<1x1024x64xbf16>
      %get3A_56 = vector.shape_cast %get3A_55 : vector<1x1024x64xbf16> to vector<1024x64xbf16>
      %dot_general3A = arith.constant dense<0.000000e+00> : vector<512x1024xf32>
      %dot_general3A_57 = tpu.matmul %get3A_12, %get3A_56, %dot_general3A {dimension_numbers = #tpu.dot_dimension_numbers<[1], [1], [0], [0], [0, 0, 1, 0], [], []>, transpose_lhs_hint = false} : vector<512x64xbf16>, vector<1024x64xbf16>, vector<512x1024xf32> -> vector<512x1024xf32>
      %sub3A = vector.broadcast %mul3A_19 : vector<512x1xf32> to vector<512x1024xf32>
      %sub3A_58 = arith.subf %dot_general3A_57, %sub3A : vector<512x1024xf32>
      %get3A_59 = arith.constant 0 : index
      %get3A_60 = arith.index_cast %multiple_of3A : i32 to index
      %get3A_61 = vector.load %arg11[%get3A_59, %get3A_60] : memref<512x2048xbf16, #tpu.memory_space<vmem>>, vector<512x1024xbf16>
      %convert_element_type3A_62 = arith.extf %get3A_61 : vector<512x1024xbf16> to vector<512x1024xf32>
      %add3A = arith.addf %sub3A_58, %convert_element_type3A_62 : vector<512x1024xf32>
      %exp3A = math.exp %add3A : vector<512x1024xf32>
      %convert_element_type3A_63 = arith.truncf %exp3A : vector<512x1024xf32> to vector<512x1024xbf16>
      %get3A_64 = arith.index_cast %arg1 : i32 to index
      %get3A_65 = arith.index_cast %multiple_of3A : i32 to index
      %get3A_66 = arith.constant 0 : index
      %get3A_67 = vector.load %arg18[%get3A_64, %get3A_65, %get3A_66] : memref<12x2048x128xbf16, #tpu.memory_space<vmem>>, vector<1x1024x128xbf16>
      %get3A_68 = vector.shape_cast %get3A_67 : vector<1x1024x128xbf16> to vector<1024x128xbf16>
      %dot_general3A_69 = arith.constant dense<0.000000e+00> : vector<512x128xf32>
      %dot_general3A_70 = tpu.matmul %convert_element_type3A_63, %get3A_68, %dot_general3A_69 {dimension_numbers = #tpu.dot_dimension_numbers<[1], [0], [0], [1], [0, 0, 1, 1], [], []>, transpose_lhs_hint = false} : vector<512x1024xbf16>, vector<1024x128xbf16>, vector<512x128xf32> -> vector<512x128xf32>
      %swap3A_71 = arith.constant 0 : index
      %swap3A_72 = arith.constant 0 : index
      %swap3A_73 = vector.load %arg22[%swap3A_71, %swap3A_72] : memref<512x128xf32, #tpu.memory_space<vmem>>, vector<512x128xf32>
      tpu.vector_store %arg22[%swap3A_71, %swap3A_72], %dot_general3A_70 {strides = array<i32>} : memref<512x128xf32, #tpu.memory_space<vmem>>, vector<512x128xf32>,
    } else {
    }
    %get3A_27 = arith.index_cast %arg0 : i32 to index
    %get3A_28 = memref.load %arg12[%get3A_27] : memref<4xi32, #tpu.memory_space<smem>>
    %eq3A_29 = arith.constant 0 : i32
    %eq3A_30 = arith.cmpi eq, %get3A_28, %eq3A_29 : i32
    %convert_element_type3A_31 = arith.extui %eq3A_30 : i1 to i32
    %cond3A_32 = arith.constant 0 : i32
    %cond3A_33 = arith.cmpi ne, %convert_element_type3A_31, %cond3A_32 : i32
    scf.if %cond3A_33 {
      %get3A_50 = arith.index_cast %arg1 : i32 to index
      %get3A_51 = arith.constant 0 : index
      %get3A_52 = arith.constant 0 : index
      %get3A_53 = vector.load %arg17[%get3A_50, %get3A_51, %get3A_52] : memref<12x2048x64xbf16, #tpu.memory_space<vmem>>, vector<1x2048x64xbf16>
      %get3A_54 = vector.shape_cast %get3A_53 : vector<1x2048x64xbf16> to vector<2048x64xbf16>
      %dot_general3A = arith.constant dense<0.000000e+00> : vector<512x2048xf32>
      %dot_general3A_55 = tpu.matmul %get3A_12, %get3A_54, %dot_general3A {dimension_numbers = #tpu.dot_dimension_numbers<[1], [1], [0], [0], [0, 0, 1, 0], [], []>, transpose_lhs_hint = false} : vector<512x64xbf16>, vector<2048x64xbf16>, vector<512x2048xf32> -> vector<512x2048xf32>
      %sub3A = vector.broadcast %mul3A_19 : vector<512x1xf32> to vector<512x2048xf32>
      %sub3A_56 = arith.subf %dot_general3A_55, %sub3A : vector<512x2048xf32>
      %get3A_57 = arith.constant 0 : index
      %get3A_58 = arith.constant 0 : index
      %get3A_59 = vector.load %arg11[%get3A_57, %get3A_58] : memref<512x2048xbf16, #tpu.memory_space<vmem>>, vector<512x2048xbf16>
      %convert_element_type3A_60 = arith.extf %get3A_59 : vector<512x2048xbf16> to vector<512x2048xf32>
      %add3A = arith.addf %sub3A_56, %convert_element_type3A_60 : vector<512x2048xf32>
      %exp3A = math.exp %add3A : vector<512x2048xf32>
      %convert_element_type3A_61 = arith.truncf %exp3A : vector<512x2048xf32> to vector<512x2048xbf16>
      %get3A_62 = arith.index_cast %arg1 : i32 to index
      %get3A_63 = arith.constant 0 : index
      %get3A_64 = arith.constant 0 : index
      %get3A_65 = vector.load %arg18[%get3A_62, %get3A_63, %get3A_64] : memref<12x2048x128xbf16, #tpu.memory_space<vmem>>, vector<1x2048x128xbf16>
      %get3A_66 = vector.shape_cast %get3A_65 : vector<1x2048x128xbf16> to vector<2048x128xbf16>
      %dot_general3A_67 = arith.constant dense<0.000000e+00> : vector<512x128xf32>
      %dot_general3A_68 = tpu.matmul %convert_element_type3A_61, %get3A_66, %dot_general3A_67 {dimension_numbers = #tpu.dot_dimension_numbers<[1], [0], [0], [1], [0, 0, 1, 1], [], []>, transpose_lhs_hint = false} : vector<512x2048xbf16>, vector<2048x128xbf16>, vector<512x128xf32> -> vector<512x128xf32>
      %swap3A_69 = arith.constant 0 : index
      %swap3A_70 = arith.constant 0 : index
      %swap3A_71 = vector.load %arg22[%swap3A_69, %swap3A_70] : memref<512x128xf32, #tpu.memory_space<vmem>>, vector<512x128xf32>
      tpu.vector_store %arg22[%swap3A_69, %swap3A_70], %dot_general3A_68 {strides = array<i32>} : memref<512x128xf32, #tpu.memory_space<vmem>>, vector<512x128xf32>,
    } else {
    }
    %get3A_34 = arith.constant 0 : index
    %get3A_35 = arith.constant 0 : index
    %get3A_36 = vector.load %arg22[%get3A_34, %get3A_35] : memref<512x128xf32, #tpu.memory_space<vmem>>, vector<512x128xf32>
    %slice3A = vector.extract_strided_slice %get3A_36 {offsets = [0, 0], sizes = [512, 64], strides = [1, 1]} : vector<512x128xf32> to vector<512x64xf32>
    %slice3A_37 = vector.extract_strided_slice %get3A_36 {offsets = [0, 64], sizes = [512, 1], strides = [1, 1]} : vector<512x128xf32> to vector<512x1xf32>
    %div3A = vector.broadcast %slice3A_37 : vector<512x1xf32> to vector<512x64xf32>
    %div3A_38 = arith.divf %slice3A, %div3A : vector<512x64xf32>
    %convert_element_type3A_39 = arith.truncf %div3A_38 : vector<512x64xf32> to vector<512x64xbf16>
    %swap3A = arith.index_cast %arg1 : i32 to index
    %swap3A_40 = arith.constant 0 : index
    %swap3A_41 = arith.constant 0 : index
    %swap3A_42 = vector.load %arg21[%swap3A, %swap3A_40, %swap3A_41] : memref<12x512x64xbf16, #tpu.memory_space<vmem>>, vector<1x512x64xbf16>
    %swap3A_43 = vector.shape_cast %swap3A_42 : vector<1x512x64xbf16> to vector<512x64xbf16>
    %swap3A_44 = vector.shape_cast %convert_element_type3A_39 : vector<512x64xbf16> to vector<1x512x64xbf16>
    tpu.vector_store %arg21[%swap3A, %swap3A_40, %swap3A_41], %swap3A_44 {strides = array<i32>} : memref<12x512x64xbf16, #tpu.memory_space<vmem>>, vector<1x512x64xbf16>,
    %eq3A_45 = arith.constant 11 : i32
    %eq3A_46 = arith.cmpi eq, %arg1, %eq3A_45 : i32
    %convert_element_type3A_47 = arith.extui %eq3A_46 : i1 to i32
    %cond3A_48 = arith.constant 0 : i32
    %cond3A_49 = arith.cmpi ne, %convert_element_type3A_47, %cond3A_48 : i32
    scf.if %cond3A_49 {
      %get3A_50 = arith.constant 0 : index
      %get3A_51 = arith.constant 0 : index
      %get3A_52 = arith.constant 0 : index
      %get3A_53 = vector.load %arg21[%get3A_50, %get3A_51, %get3A_52] : memref<12x512x64xbf16, #tpu.memory_space<vmem>>, vector<1x512x64xbf16>
      %get3A_54 = vector.shape_cast %get3A_53 : vector<1x512x64xbf16> to vector<512x64xbf16>
      %get3A_55 = arith.constant 1 : index
      %get3A_56 = arith.constant 0 : index
      %get3A_57 = arith.constant 0 : index
      %get3A_58 = vector.load %arg21[%get3A_55, %get3A_56, %get3A_57] : memref<12x512x64xbf16, #tpu.memory_space<vmem>>, vector<1x512x64xbf16>
      %get3A_59 = vector.shape_cast %get3A_58 : vector<1x512x64xbf16> to vector<512x64xbf16>
      %get3A_60 = arith.constant 2 : index
      %get3A_61 = arith.constant 0 : index
      %get3A_62 = arith.constant 0 : index
      %get3A_63 = vector.load %arg21[%get3A_60, %get3A_61, %get3A_62] : memref<12x512x64xbf16, #tpu.memory_space<vmem>>, vector<1x512x64xbf16>
      %get3A_64 = vector.shape_cast %get3A_63 : vector<1x512x64xbf16> to vector<512x64xbf16>
      %get3A_65 = arith.constant 3 : index
      %get3A_66 = arith.constant 0 : index
      %get3A_67 = arith.constant 0 : index
      %get3A_68 = vector.load %arg21[%get3A_65, %get3A_66, %get3A_67] : memref<12x512x64xbf16, #tpu.memory_space<vmem>>, vector<1x512x64xbf16>
      %get3A_69 = vector.shape_cast %get3A_68 : vector<1x512x64xbf16> to vector<512x64xbf16>
      %get3A_70 = arith.constant 4 : index
      %get3A_71 = arith.constant 0 : index
      %get3A_72 = arith.constant 0 : index
      %get3A_73 = vector.load %arg21[%get3A_70, %get3A_71, %get3A_72] : memref<12x512x64xbf16, #tpu.memory_space<vmem>>, vector<1x512x64xbf16>
      %get3A_74 = vector.shape_cast %get3A_73 : vector<1x512x64xbf16> to vector<512x64xbf16>
      %get3A_75 = arith.constant 5 : index
      %get3A_76 = arith.constant 0 : index
      %get3A_77 = arith.constant 0 : index
      %get3A_78 = vector.load %arg21[%get3A_75, %get3A_76, %get3A_77] : memref<12x512x64xbf16, #tpu.memory_space<vmem>>, vector<1x512x64xbf16>
      %get3A_79 = vector.shape_cast %get3A_78 : vector<1x512x64xbf16> to vector<512x64xbf16>
      %get3A_80 = arith.constant 6 : index
      %get3A_81 = arith.constant 0 : index
      %get3A_82 = arith.constant 0 : index
      %get3A_83 = vector.load %arg21[%get3A_80, %get3A_81, %get3A_82] : memref<12x512x64xbf16, #tpu.memory_space<vmem>>, vector<1x512x64xbf16>
      %get3A_84 = vector.shape_cast %get3A_83 : vector<1x512x64xbf16> to vector<512x64xbf16>
      %get3A_85 = arith.constant 7 : index
      %get3A_86 = arith.constant 0 : index
      %get3A_87 = arith.constant 0 : index
      %get3A_88 = vector.load %arg21[%get3A_85, %get3A_86, %get3A_87] : memref<12x512x64xbf16, #tpu.memory_space<vmem>>, vector<1x512x64xbf16>
      %get3A_89 = vector.shape_cast %get3A_88 : vector<1x512x64xbf16> to vector<512x64xbf16>
      %get3A_90 = arith.constant 8 : index
      %get3A_91 = arith.constant 0 : index
      %get3A_92 = arith.constant 0 : index
      %get3A_93 = vector.load %arg21[%get3A_90, %get3A_91, %get3A_92] : memref<12x512x64xbf16, #tpu.memory_space<vmem>>, vector<1x512x64xbf16>
      %get3A_94 = vector.shape_cast %get3A_93 : vector<1x512x64xbf16> to vector<512x64xbf16>
      %get3A_95 = arith.constant 9 : index
      %get3A_96 = arith.constant 0 : index
      %get3A_97 = arith.constant 0 : index
      %get3A_98 = vector.load %arg21[%get3A_95, %get3A_96, %get3A_97] : memref<12x512x64xbf16, #tpu.memory_space<vmem>>, vector<1x512x64xbf16>
      %get3A_99 = vector.shape_cast %get3A_98 : vector<1x512x64xbf16> to vector<512x64xbf16>
      %get3A_100 = arith.constant 10 : index
      %get3A_101 = arith.constant 0 : index
      %get3A_102 = arith.constant 0 : index
      %get3A_103 = vector.load %arg21[%get3A_100, %get3A_101, %get3A_102] : memref<12x512x64xbf16, #tpu.memory_space<vmem>>, vector<1x512x64xbf16>
      %get3A_104 = vector.shape_cast %get3A_103 : vector<1x512x64xbf16> to vector<512x64xbf16>
      %get3A_105 = arith.constant 11 : index
      %get3A_106 = arith.constant 0 : index
      %get3A_107 = arith.constant 0 : index
      %get3A_108 = vector.load %arg21[%get3A_105, %get3A_106, %get3A_107] : memref<12x512x64xbf16, #tpu.memory_space<vmem>>, vector<1x512x64xbf16>
      %get3A_109 = vector.shape_cast %get3A_108 : vector<1x512x64xbf16> to vector<512x64xbf16>
      %concatenate3A = tpu.concatenate %get3A_54, %get3A_59, %get3A_64, %get3A_69, %get3A_74, %get3A_79, %get3A_84, %get3A_89, %get3A_94, %get3A_99, %get3A_104, %get3A_109 in 1 : vector<512x64xbf16>, vector<512x64xbf16>, vector<512x64xbf16>, vector<512x64xbf16>, vector<512x64xbf16>, vector<512x64xbf16>, vector<512x64xbf16>, vector<512x64xbf16>, vector<512x64xbf16>, vector<512x64xbf16>, vector<512x64xbf16>, vector<512x64xbf16> -> vector<512x768xbf16>
      %get3A_110 = arith.constant 0 : index
      %get3A_111 = arith.constant 0 : index
      %get3A_112 = vector.load %arg14[%get3A_110, %get3A_111] : memref<768x768xbf16, #tpu.memory_space<vmem>>, vector<768x768xbf16>
      %dot_general3A = arith.constant dense<0.000000e+00> : vector<512x768xf32>
      %dot_general3A_113 = tpu.matmul %concatenate3A, %get3A_112, %dot_general3A {dimension_numbers = #tpu.dot_dimension_numbers<[1], [1], [0], [0], [0, 0, 1, 0], [], []>, transpose_lhs_hint = false} : vector<512x768xbf16>, vector<768x768xbf16>, vector<512x768xf32> -> vector<512x768xf32>
      %get3A_114 = arith.constant 0 : index
      %get3A_115 = arith.constant 0 : index
      %get3A_116 = vector.load %arg15[%get3A_114, %get3A_115] : memref<1x768xf32, #tpu.memory_space<vmem>>, vector<1x768xf32>
      %add3A = vector.broadcast %get3A_116 : vector<1x768xf32> to vector<512x768xf32>
      %add3A_117 = arith.addf %dot_general3A_113, %add3A : vector<512x768xf32>
      %swap3A_118 = arith.constant 0 : index
      %swap3A_119 = arith.constant 0 : index
      %swap3A_120 = vector.load %arg16[%swap3A_118, %swap3A_119] : memref<512x768xf32, #tpu.memory_space<vmem>>, vector<512x768xf32>
      tpu.vector_store %arg16[%swap3A_118, %swap3A_119], %add3A_117 {strides = array<i32>} : memref<512x768xf32, #tpu.memory_space<vmem>>, vector<512x768xf32>,
    } else {
    }
    return
  }
  func.func @transform_0(%arg0: i32, %arg1: i32) -> (i32, i32) {
    %c0_i32 = arith.constant 0 : i32
    %c0_i32_0 = arith.constant 0 : i32
    return %arg0, %c0_i32 : i32, i32
  }
  func.func @transform_1(%arg0: i32, %arg1: i32) -> (i32, i32) {
    %c0_i32 = arith.constant 0 : i32
    %c0_i32_0 = arith.constant 0 : i32
    %c0_i32_1 = arith.constant 0 : i32
    return %c0_i32, %c0_i32_0 : i32, i32
  }
  func.func @transform_2(%arg0: i32, %arg1: i32) -> (i32, i32) {
    %c0_i32 = arith.constant 0 : i32
    %c0_i32_0 = arith.constant 0 : i32
    %c0_i32_1 = arith.constant 0 : i32
    return %c0_i32, %c0_i32_0 : i32, i32
  }
  func.func @transform_3(%arg0: i32, %arg1: i32) -> (i32, i32) {
    %c0_i32 = arith.constant 0 : i32
    %c0_i32_0 = arith.constant 0 : i32
    %c0_i32_1 = arith.constant 0 : i32
    return %c0_i32, %c0_i32_0 : i32, i32
  }
  func.func @transform_4(%arg0: i32, %arg1: i32) -> (i32, i32) {
    %c0_i32 = arith.constant 0 : i32
    %c0_i32_0 = arith.constant 0 : i32
    %c0_i32_1 = arith.constant 0 : i32
    return %c0_i32, %c0_i32_0 : i32, i32
  }
  func.func @transform_5(%arg0: i32, %arg1: i32) -> (i32, i32) {
    %c0_i32 = arith.constant 0 : i32
    %c0_i32_0 = arith.constant 0 : i32
    %c0_i32_1 = arith.constant 0 : i32
    return %c0_i32, %c0_i32_0 : i32, i32
  }
  func.func @transform_6(%arg0: i32, %arg1: i32) -> (i32, i32) {
    %c0_i32 = arith.constant 0 : i32
    %c0_i32_0 = arith.constant 0 : i32
    %c0_i32_1 = arith.constant 0 : i32
    return %c0_i32, %c0_i32_0 : i32, i32
  }
  func.func @transform_7(%arg0: i32, %arg1: i32) -> (i32, i32) {
    %c0_i32 = arith.constant 0 : i32
    %c0_i32_0 = arith.constant 0 : i32
    %c0_i32_1 = arith.constant 0 : i32
    return %c0_i32, %c0_i32_0 : i32, i32
  }
  func.func @transform_8(%arg0: i32, %arg1: i32) -> (i32, i32) {
    %c0_i32 = arith.constant 0 : i32
    %c0_i32_0 = arith.constant 0 : i32
    %c0_i32_1 = arith.constant 0 : i32
    return %c0_i32, %c0_i32_0 : i32, i32
  }
  func.func @transform_9(%arg0: i32, %arg1: i32) -> (i32, i32) {
    %c0_i32 = arith.constant 0 : i32
    %c0_i32_0 = arith.constant 0 : i32
    return %arg0, %c0_i32 : i32, i32
  }
  func.func @transform_10(%arg0: i32, %arg1: i32) -> i32 {
    %c0_i32 = arith.constant 0 : i32
    %c0_i32_0 = arith.constant 0 : i32
    return %c0_i32 : i32
  }
  func.func @transform_11(%arg0: i32, %arg1: i32) -> i32 {
    %c0_i32 = arith.constant 0 : i32
    %c0_i32_0 = arith.constant 0 : i32
    return %c0_i32 : i32
  }
  func.func @transform_12(%arg0: i32, %arg1: i32) -> (i32, i32) {
    %c0_i32 = arith.constant 0 : i32
    %c0_i32_0 = arith.constant 0 : i32
    %c0_i32_1 = arith.constant 0 : i32
    return %c0_i32, %c0_i32_0 : i32, i32
  }
  func.func @transform_13(%arg0: i32, %arg1: i32) -> (i32, i32) {
    %c0_i32 = arith.constant 0 : i32
    %c0_i32_0 = arith.constant 0 : i32
    %c0_i32_1 = arith.constant 0 : i32
    return %c0_i32, %c0_i32_0 : i32, i32
  }
  func.func @transform_14(%arg0: i32, %arg1: i32) -> (i32, i32) {
    %c0_i32 = arith.constant 0 : i32
    %c0_i32_0 = arith.constant 0 : i32
    return %arg0, %c0_i32 : i32, i32
  }
}

</mosaic_0001>

<sc_bundles>
// kernel: kernel.4.cloned.1.call-start
scs
__scs_entry_jumppad:
0x0: {  	(pc) =	sbr.rel $0x88, $3  }
0x1: {  	(tag) =	ssettag $0x0;
	lr =	simm.s32 $0x1  }
0x2: {  	[smem:$0x3F95] =	sst lr;
	_ =	strace $0xD0000000  }
0x3: {  	_ = 	snop  }
0x4: {  	_ = 	snop  }
0x5: {  	_ = 	snop  }
0x6: {  	_ = 	snop  }
0x7: {  	_ = 	snop  }
__scs_overlays_trampoline_lowered:
0x8: {  	[smem:$0x3FA4] =	sst s0  }
0x9: {  	[smem:$0x3FA5] =	sst s1  }
0xa: {  	[smem:$0x3FA6] =	sst s2  }
0xb: {  	[smem:$0x3FA7] =	sst s3  }
0xc: {  	[smem:$0x3FA8] =	sst s4  }
0xd: {  	[smem:$0x3FA9] =	sst s5  }
0xe: {  	[smem:$0x3FAA] =	sst s6  }
0xf: {  	[smem:$0x3FAB] =	sst s7  }
0x10: {  	[smem:$0x3FAC] =	sst s8  }
0x11: {  	[smem:$0x3FAD] =	sst s9;
	s0 =	simm.s32 @!p0 $0x0  }
0x12: {  	s1 =	sld [smem:$0x3F93];
	s0 =	simm.s32 @p0 $0x1  }
0x13: {  	[smem:$0x3FAE] =	sst s0;
	s0 =	simm.s32 @!p1 $0x0  }
0x14: {  	s2 =	sld [smem:$0x3F92];
	s0 =	simm.s32 @p1 $0x1  }
0x15: {  	[smem:$0x3FAF] =	sst s0;
	s0 =	simm.s32 @!p2 $0x0  }
0x16: {  	s3 =	sld [smem:$0x3FDB];
	s0 =	simm.s32 @p2 $0x1  }
0x17: {  	s4 =	simm.s32 $0x1BF5;
	[smem:$0x3FB1] =	sst s0  }
0x18: {  	s0 =	sld [smem:$0x3F94];
	_ =	swait.ge [sflag:s4], $0x0  }
0x19: {  	s7 =	sld [smem:$0x3F95]  }
0x1a: {  	s8 =	sadd.s32 $0xFFFFE003, lr  }
0x1b: {  	s9 =	sadd.s32 $0xFFFFFEF7, lr;
	s5 =	simm.s32 $0xFFFFFFFF;
	p2 =	slt.u32 s8, $0xFFFFF086  }
0x1c: {  	p1 =	slt.u32 s9, $0xF7A;
	s5 =	simm.s32 @!p2 $0x0  }
0x1d: {  	s5 =	simm.s32 @p1 $0x1;
	p0 =	seq.s32 s7, s2  }
0x1e: {  	s7 =	smul.u32 @!p0 $0xF7A, s2;
	p2 =	seq.s32 @!p0 s5, $0x0  }
0x1f: {  	s9 =	smul.u32 $0xF7A, s1;
	s8 =	simm.s32 @!p0 $0x1BF5;
	p2 =	por !p2, p0  }
0x20: {  	[sflag:s8] =	ssyncset.s32 @!p0 $0xFFFFF086;
	s6 =	sadd.s32 @!p0 s3, s7;
	s7 =	simm.s32 @!p0 $0x108  }
0x21: {  	s3 =	sadd.s32 s3, s9;
	s6 =	sadd.s32 @!p0 $0x88, s6;
	s7 =	simm.s32 @p2 $0x1082  }
0x22: {  	[simem:s7], [sflag:s8] =	dma.local @!p0 [hbm:s6], $0xF7A  }
0x23: {  	s9 =	sor.u32 $0xD0000000, s2;
	s6 =	simm.s32 $0x108;
	_ =	swait.ge @!p0 [sflag:s8], $0x0  }
0x24: {  	s3 =	sadd.s32 $0x88, s3;
	s6 =	simm.s32 @!p1 $0x1082;
	[sflag:s4] =	ssyncset.s32 $0xFFFFF086  }
0x25: {  	[simem:s6], [sflag:s4] =	dma.local [hbm:s3], $0xF7A  }
0x26: {  	[smem:$0x3F95] =	sst s1;
	(tag) =	ssettag s2;
	_ =	strace s9  }
0x27: {  	s1 =	sld [smem:$0x3FA5]  }
0x28: {  	s2 =	sld [smem:$0x3FA6]  }
0x29: {  	s4 =	sld [smem:$0x3FA8]  }
0x2a: {  	p0 =	seq.s32 s5, $0x0;
	s5 =	sld [smem:$0x3FA9]  }
0x2b: {  	s6 =	sld [smem:$0x3FAA]  }
0x2c: {  	s7 =	sld [smem:$0x3FAB]  }
0x2d: {  	s3 =	simm.s32 $0x108;
	s8 =	sld [smem:$0x3FAC]  }
0x2e: {  	s3 =	simm.s32 @!p0 $0x1082;
	s9 =	sld [smem:$0x3FAD]  }
0x2f: {  	lr =	sadd.s32 s0, s3;
	s0 =	sld [smem:$0x3FA4]  }
0x30: {  	s3 =	sld [smem:$0x3FA7]  }
0x31: {  	[smem:$0x3FB0] =	sst s10  }
0x32: {  	s10 =	sld [smem:$0x3FAE];
	_ =	sdelay $0x3  }
0x33: {  	p0 =	seq.s32 s10, $0x1;
	s10 =	sld [smem:$0x3FB0];
	_ =	sdelay $0x3  }
0x34: {  	[smem:$0x3FB0] =	sst s10  }
0x35: {  	s10 =	sld [smem:$0x3FAF];
	_ =	sdelay $0x3  }
0x36: {  	p1 =	seq.s32 s10, $0x1;
	s10 =	sld [smem:$0x3FB0];
	_ =	sdelay $0x3  }
0x37: {  	[smem:$0x3FB0] =	sst s10  }
0x38: {  	s10 =	sld [smem:$0x3FB1]  }
0x39: {  	_ = 	snop;
	(pc) =	sbr.ind lr, $3  }
0x3a: {  	_ = 	snop  }
0x3b: {  	_ = 	snop  }
0x3c: {  	p2 =	seq.s32 s10, $0x1;
	s10 =	sld [smem:$0x3FB0]  }
0x3d: {  	_ =	shalt  }
0x3e: {  	_ =	shalt  }
0x3f: {  	_ =	shalt  }
0x40: {  	_ =	shalt  }
0x41: {  	_ =	shalt  }
0x42: {  	_ =	shalt  }
0x43: {  	_ =	shalt  }
0x44: {  	_ =	shalt  }
0x45: {  	_ =	shalt  }
0x46: {  	_ =	shalt  }
0x47: {  	_ =	shalt  }
0x48: {  	_ =	shalt  }
0x49: {  	_ =	shalt  }
0x4a: {  	_ =	shalt  }
0x4b: {  	_ =	shalt  }
0x4c: {  	_ =	shalt  }
0x4d: {  	_ =	shalt  }
0x4e: {  	_ =	shalt  }
0x4f: {  	_ =	shalt  }
0x50: {  	_ =	shalt  }
0x51: {  	_ =	shalt  }
0x52: {  	_ =	shalt  }
0x53: {  	_ =	shalt  }
0x54: {  	_ =	shalt  }
0x55: {  	_ =	shalt  }
0x56: {  	_ =	shalt  }
0x57: {  	_ =	shalt  }
0x58: {  	_ =	shalt  }
0x59: {  	_ =	shalt  }
0x5a: {  	_ =	shalt  }
0x5b: {  	_ =	shalt  }
0x5c: {  	_ =	shalt  }
0x5d: {  	_ =	shalt  }
0x5e: {  	_ =	shalt  }
0x5f: {  	_ =	shalt  }
0x60: {  	_ =	shalt  }
0x61: {  	_ =	shalt  }
0x62: {  	_ =	shalt  }
0x63: {  	_ =	shalt  }
0x64: {  	_ =	shalt  }
0x65: {  	_ =	shalt  }
0x66: {  	_ =	shalt  }
0x67: {  	_ =	shalt  }
0x68: {  	_ =	shalt  }
0x69: {  	_ =	shalt  }
0x6a: {  	_ =	shalt  }
0x6b: {  	_ =	shalt  }
0x6c: {  	_ =	shalt  }
0x6d: {  	_ =	shalt  }
0x6e: {  	_ =	shalt  }
0x6f: {  	_ =	shalt  }
0x70: {  	_ =	shalt  }
0x71: {  	_ =	shalt  }
0x72: {  	_ =	shalt  }
0x73: {  	_ =	shalt  }
0x74: {  	_ =	shalt  }
0x75: {  	_ =	shalt  }
0x76: {  	_ =	shalt  }
0x77: {  	_ =	shalt  }
0x78: {  	_ =	shalt  }
0x79: {  	_ =	shalt  }
0x7a: {  	_ =	shalt  }
0x7b: {  	_ =	shalt  }
0x7c: {  	_ =	shalt  }
0x7d: {  	_ =	shalt  }
0x7e: {  	_ =	shalt  }
0x7f: {  	_ =	shalt  }
0x80: {  	_ =	shalt  }
0x81: {  	_ =	shalt  }
0x82: {  	_ =	shalt  }
0x83: {  	_ =	shalt  }
0x84: {  	_ =	shalt  }
0x85: {  	_ =	shalt  }
0x86: {  	_ =	shalt  }
0x87: {  	_ =	shalt  }
.Lfunc_end0:
.L_simem_size_0:
called_computation_lowered:
.L_overlay_start_0:
0x88: {  	s2 =	sld [smem:$0x3FD9]  }
0x89: {  	s3 =	sld [smem:$0x3FFE];
	_ =	sdelay $0x1  }
0x8a: {  	s1 =	srdreg.scid  }
0x8b: {  	s0 =	sand.u32 $0x1, s1  }
0x8c: {  	s16 =	sshll.u32 s0, $0xA;
	s2 =	sadd.s32 s3, s2  }
0x8d: {  	s2 =	sadd.s32 s2, s16  }
0x8e: {  	[smem:$0x3FBC] =	sst s2  }
0x8f: {  	_ = 	snop  }
0x90: {  	(tm) =	ssettm $0x1  }
0x91: {  	s17 =	sld [smem:$0x3FFB];
	_ =	sdelay $0x3  }
0x92: {  	_ =	strace s17  }
0x93: {  	s2 =	sld [smem:$0x3FFC];
	_ =	sdelay $0x3  }
0x94: {  	_ =	strace s2  }
0x95: {  	s2 =	sld [smem:$0x3FFD];
	_ =	sdelay $0x3  }
0x96: {  	_ =	strace s2  }
0x97: {  	_ =	strace $0x8FFFFFFF  }
0x98: {  	s18 =	sld [smem:$0x3FDB];
	_ =	sdelay $0x1  }
0x99: {  	s19 =	simm.s32 $_scs_section_size  }
0x9a: {  	s4 =	simm.s32 $_size__tile_overlayer_lowered;
	s5 =	simm.s32 $_tile_overlayer_lowered  }
0x9b: {  	s22 =	simm.s32 $0x1BFF;
	s21 =	sshll.u32 s5, $0x1;
	s2 =	sadd.s32 s19, s18  }
0x9c: {  	s6 =	simm.s32 $0x0;
	s20 =	sshll.u32 s4, $0x1;
	s4 =	sadd.s32 s21, s2  }
0x9d: {  	[timem:s6], [sflag:s22] =	dma.local [hbm:s4], s20  }
0x9e: {  	_ =	swait.ge [sflag:s22], s20  }
0x9f: {  	s3 =	ssub.s32 $0x0, s20;
	[sflag:s22] =	ssyncset.done $0x0  }
0xa0: {  	[sflag:s22] =	ssyncadd.s32 s3;
	_ =	sdelay $0x1  }
0xa1: {  	s23 =	simm.s32 $0x1B8B  }
0xa2: {  	_ =	swait.ge [sflag:s23], $0x1  }
0xa3: {  	[sflag:s23] =	ssyncset.done $0x0  }
0xa4: {  	s25 =	simm.s32 $0x1B8E;
	s24 =	sld [smem:$0x3FFE];
	[sflag:s23] =	ssyncadd.s32 $0xFFFFFFFF  }
0xa5: {  	s26 =	simm.s32 $execute0_lowered;
	[smem:$0x3FD2] =	sst s25  }
0xa6: {  	s4 =	sshll.u32 s26, $0x1;
	_ =	strace $0x80000046;
	[dreg:$0x1] =	wrdreg $0xFFFFFFFF  }
0xa7: {  	s28 =	simm.s32 $_size_execute0_lowered;
	s2 =	sadd.s32 s2, s4;
	[dreg:$0x0] =	wrdreg $0x0  }
0xa8: {  	s4 =	sshll.u32 s28, $0x1;
	[dreg:$0x2] =	wrdreg s2  }
0xa9: {  	[dreg:$0x3] =	wrdreg s4  }
0xaa: {  	[dreg:$0x4] =	wrdreg $0xC0  }
0xab: {  	_ =	task [dreg:s6], $0x5FFFF  }
0xac: {  	[dreg:$0x1] =	wrdreg $0xFFFFFFFF  }
0xad: {  	[dreg:$0x0] =	wrdreg $0x60  }
0xae: {  	[dreg:$0x2] =	wrdreg s24  }
0xaf: {  	[dreg:$0x3] =	wrdreg $0x9  }
0xb0: {  	_ =	task.clear_ibuf [dreg:s6], $0x4FFFF;
	_ =	strace $0x90000046  }
0xb1: {  	s29 =	simm.s32 $0x9;
	_ =	strace $0x80000048  }
0xb2: {  	_ =	swait.ge [sflag:s29], $0x1  }
0xb3: {  	[sflag:s29] =	ssyncadd.s32 $0xFFFFFFFF  }
0xb4: {  	_ =	strace $0x90000048  }
0xb5: {  	_ =	sfence  }
0xb6: {  	s30 =	sld [smem:$0x0];
	_ =	sdelay $0x2  }
0xb7: {  	s31 =	sshll.u32 s1, $0xD;
	s1 =	sshrl.u32 s1, $0x2  }
0xb8: {  	s3 =	sand.u32 $0x4000, s31;
	s1 =	sadd.s32 s1, s30  }
0xb9: {  	s0 =	sor.u32 s3, s0;
	s1 =	sshll.u32 s1, $0x11  }
0xba: {  	s0 =	sor.u32 s1, s0  }
0xbb: {  	s0 =	sadd.s32 $0x8F2B, s0  }
0xbc: {  	[sflag:s0] =	ssyncadd.remote.s32 $0x1  }
0xbd: {  	_ =	sfence.sel $0xFFFF  }
0xbe: {  	[dreg:$0x0] =	wrdreg $0xFFFFFFFF;
	(pc) =	sbr.abs _section_cstart, $3  }
0xbf: {  	[dreg:$0x1] =	wrdreg $0xFFFFFFFF  }
0xc0: {  	_ =	task.clear_ibuf [dreg:s6], $0x2FFFF;
	_ =	strace $0x9FFFFFFF  }
0xc1: {  	(tm) =	ssettm $0x7FFFFFFF  }
tec
execute0_lowered:
.L_overlay_start_1:
0x0: {  	(tag) =	ssettag $0x1  }
0x1: {  	s3 =	rddreg [dreg:$0x0]  }
0x2: {  	s0 =	rddreg [dreg:$0x1]  }
0x3: {  	s4 =	srdreg.scid;
	s1 =	stileid.u32;
	s2 =	simm.s32 $0x0  }
0x4: {  	s10 =	simm.s32 $0x3;
	s11 =	simm.s32 $0x14000;
	s12 =	simm.s32 $0x4000  }
0x5: {  	s13 =	simm.s32 $0xC000;
	s14 =	simm.s32 $0x1;
	s15 =	simm.s32 $0x2  }
0x6: {  	s4 =	sand.u32 $0x1, s4;
	s5 =	sshll.u32 s1, $0x1;
	[smem:$0x7FF] =	sst s2  }
0x7: {  	s16 =	simm.s32 $0x0;
	s5 =	sor.u32 s4, s5;
	_ =	strace $0x80000047  }
0x8: {  	s4 =	ssub.s32 $0x2, s4;
	s6 =	sshll.u32 s5, $0xE;
	s31 =	sshll.u32 s5, $0x4  }
0x9: {  	s7 =	sshrl.u32 s4, $0x1;
	s5 =	sshll.u32 s5, $0xB;
	s8 =	sadd.s32 s6, s3  }
0xa: {  	s6 =	sadd.s32 s31, s3;
	s9 =	ssub.s32 s4, s7;
	s3 =	sadd.s32 s3, s5  }
0xb: {  	s4 =	sadd.s32 $0x10000, s6;
	s5 =	sadd.s32 $0x10200, s8;
	s6 =	sadd.s32 $0x11200, s8  }
0xc: {  	v0 =	vimm.f32 $-1.000000020e+30;
	v1 =	vimm.f32 $0.0e+00;
	s7 =	sadd.s32 $0x12200, s8;
	s8 =	sadd.s32 $0x13200, s8;
	s9 =	smax.u32 s9, $0x1  }
.LBB2_1:
0xd: {  	[tilespmem:s2], [sflag:$0x3] =	stream.linear.gather [hbm4b:s3+s2], $0x4000, $0x38;
	[tilespmem:$0x14080] =	vst v63  }
0xe: {  	s17 =	sand.u32 $0xFC00, s2;
	_ =	swait.ge [sflag:s10], $0x4000  }
0xf: {  	s18 =	sand.u32 $0xF0, s2;
	s17 =	sshrl.u32 s17, $0x2;
	[sflag:s10] =	ssyncset.done $0x0  }
0x10: {  	s17 =	sor.u32 s18, s17;
	[sflag:s10] =	ssyncadd.s32 $0xFFFFC000  }
0x11: {  	v2 =	vld [tilespmem:s17+$0x0];
	_ =	sdelay $0x2  }
0x12: {  	v8 =	vimm.s32 $0x0;
	v9 =	vimm.s32 $0x0;
	v6 =	vimm.s32 $0x0  }
0x13: {  	v4 =	vimm.s32 $0x0;
	v7 =	vimm.s32 $0x0;
	v5 =	vimm.s32 $0x0  }
0x14: {  	s31 =	simm.s32 $0x40;
	v3 =	vimm.s32 $0x0;
	v10 =	vshrl.u32 v2, $0x8;
	v2 =	vimm.s32 $0x0  }
0x15: {  	s19 =	sand.u32 $0xFC00, s31;
	s18 =	simm.s32 $0x80;
	s17 =	simm.s32 $0x10;
	vm0 =	veq.s32 v10, $0x0;
	vm1 =	veq.s32 v10, $0x1;
	vm2 =	veq.s32 v10, $0x7  }
.LBB2_2:
0x16: {  	p0 =	sne.s32 s18, $0xFFC0;
	s20 =	sand.u32 $0xF0, s17;
	s19 =	sshrl.u32 s19, $0x2;
	vm3 =	veq.s32 v10, $0x2;
	vm4 =	veq.s32 v10, $0x3;
	v11 =	vmpcnt.ones.xlane vm2  }
0x17: {  	vm2 =	veq.s32 v10, $0x4;
	vm5 =	veq.s32 v10, $0x5;
	vm6 =	veq.s32 v10, $0x6;
	s19 =	sor.u32 s20, s19  }
0x18: {  	v12 =	vmpcnt.ones.xlane vm0;
	v13 =	vmpcnt.ones.xlane vm1;
	v10 =	vld [tilespmem:s19+$0x0];
	v2 =	vadd.s32 v2, v11  }
0x19: {  	v14 =	vmpcnt.ones.xlane vm4;
	v11 =	vmpcnt.ones.xlane vm3  }
.Ltmp0:
0x1a: {  	v15 =	vmpcnt.ones.xlane vm5;
	v8 =	vadd.s32 v8, v12;
	v12 =	vmpcnt.ones.xlane vm2;
	(pc) =	sbr.rel @p0 .LBB2_2-.Ltmp0, $4  }
0x1b: {  	v9 =	vadd.s32 v9, v13;
	v6 =	vadd.s32 v6, v11;
	v11 =	vmpcnt.ones.xlane vm6  }
0x1c: {  	v4 =	vadd.s32 v4, v14;
	v5 =	vadd.s32 v5, v15;
	v7 =	vadd.s32 v7, v12  }
0x1d: {  	v3 =	vadd.s32 v3, v11;
	v10 =	vshrl.u32 v10, $0x8  }
0x1e: {  	s17 =	sadd.s32 $0x10, s17;
	s19 =	sand.u32 $0xFC00, s18;
	s18 =	sadd.s32 $0x40, s18;
	vm0 =	veq.s32 v10, $0x0;
	vm1 =	veq.s32 v10, $0x1;
	vm2 =	veq.s32 v10, $0x7  }
0x1f: {  	s17 =	sand.u32 $0xF0, s17;
	s18 =	sshrl.u32 s19, $0x2  }
0x20: {  	s17 =	sor.u32 s17, s18  }
0x21: {  	vm3 =	veq.s32 v10, $0x2;
	vm4 =	veq.s32 v10, $0x3;
	v11 =	vld [tilespmem:s17+$0x0]  }
0x22: {  	v12 =	vmpcnt.ones.xlane vm2;
	vm15 =	veq.s32 v10, $0x4;
	v13 =	vmpcnt.ones.xlane vm0  }
0x23: {  	vm5 =	veq.s32 v10, $0x5;
	v14 =	vmpcnt.ones.xlane vm1;
	v51 =	vmpcnt.ones.xlane vm3  }
0x24: {  	vm7 =	veq.s32 v10, $0x6;
	v15 =	vmpcnt.ones.xlane vm4;
	v52 =	vmpcnt.ones.xlane vm15  }
0x25: {  	v53 =	vmpcnt.ones.xlane vm5;
	v55 =	vmpcnt.ones.xlane vm7  }
0x26: {  	v8 =	vadd.s32 v8, v13;
	v9 =	vadd.s32 v9, v14;
	v54 =	vshrl.u32 v11, $0x8  }
0x27: {  	v6 =	vadd.s32 v6, v51;
	v4 =	vadd.s32 v4, v15;
	vm8 =	veq.s32 v54, $0x0  }
0x28: {  	v7 =	vadd.s32 v7, v52;
	vm9 =	veq.s32 v54, $0x1;
	v56 =	vmpcnt.ones.xlane vm8  }
0x29: {  	v5 =	vadd.s32 v5, v53;
	vm10 =	veq.s32 v54, $0x2;
	v57 =	vmpcnt.ones.xlane vm9  }
0x2a: {  	vm11 =	veq.s32 v54, $0x3;
	v58 =	vmpcnt.ones.xlane vm10;
	v8 =	vadd.s32 v8, v56  }
0x2b: {  	vm12 =	veq.s32 v54, $0x4;
	v59 =	vmpcnt.ones.xlane vm11;
	v9 =	vadd.s32 v9, v57;
	[tilespmem:$0x14000] =	vst v8  }
0x2c: {  	vm13 =	veq.s32 v54, $0x5;
	v60 =	vmpcnt.ones.xlane vm12;
	v6 =	vadd.s32 v6, v58;
	[tilespmem:$0x14010] =	vst v9  }
0x2d: {  	vm14 =	veq.s32 v54, $0x6;
	v61 =	vmpcnt.ones.xlane vm13;
	v4 =	vadd.s32 v4, v59;
	[tilespmem:$0x14020] =	vst v6  }
0x2e: {  	vm15 =	veq.s32 v54, $0x7;
	v62 =	vmpcnt.ones.xlane vm14;
	v7 =	vadd.s32 v7, v60;
	[tilespmem:$0x14030] =	vst v4  }
0x2f: {  	v3 =	vadd.s32 v3, v55;
	v63 =	vmpcnt.ones.xlane vm15;
	v5 =	vadd.s32 v5, v61;
	[tilespmem:$0x14040] =	vst v7  }
0x30: {  	v2 =	vadd.s32 v2, v12;
	v3 =	vadd.s32 v3, v62;
	[tilespmem:$0x14050] =	vst v5  }
0x31: {  	v2 =	vadd.s32 v2, v63;
	[tilespmem:$0x14060] =	vst v3  }
0x32: {  	s17 =	simm.s32 $0x0;
	[tilespmem:$0x14070] =	vst v2  }
0x33: {  	[hbm4b:s4+s17] =	stream.linear.scatter [tilespmem:s11], [sflag:$0x3], $0x80, $0x38;
	[tilespmem:$0x14080] =	vst v63  }
0x34: {  	_ =	swait.ge [sflag:s10], $0x80  }
0x35: {  	s31 =	simm.s32 $0x0;
	[sflag:s10] =	ssyncset.done $0x0  }
0x36: {  	s18 =	sand.u32 $0x3FFFF800, s31;
	[sflag:s10] =	ssyncadd.s32 $0xFFFFFF80  }
0x37: {  	[tilespmem:s18+$0xC7F0] =	vst v0  }
0x38: {  	[tilespmem:s18+$0x4000] =	vst v0  }
0x39: {  	[tilespmem:s18+$0xC000] =	vst v0  }
0x3a: {  	[tilespmem:s18+$0x4010] =	vst v0  }
0x3b: {  	[tilespmem:s18+$0xC010] =	vst v0  }
0x3c: {  	[tilespmem:s18+$0x4020] =	vst v0  }
0x3d: {  	[tilespmem:s18+$0xC020] =	vst v0  }
0x3e: {  	[tilespmem:s18+$0x4030] =	vst v0  }
0x3f: {  	[tilespmem:s18+$0xC030] =	vst v0  }
0x40: {  	[tilespmem:s18+$0x4040] =	vst v0  }
0x41: {  	[tilespmem:s18+$0xC040] =	vst v0  }
0x42: {  	[tilespmem:s18+$0x4050] =	vst v0  }
0x43: {  	[tilespmem:s18+$0xC050] =	vst v0  }
0x44: {  	[tilespmem:s18+$0x4060] =	vst v0  }
0x45: {  	[tilespmem:s18+$0xC060] =	vst v0  }
0x46: {  	[tilespmem:s18+$0x4070] =	vst v0  }
0x47: {  	[tilespmem:s18+$0xC070] =	vst v0  }
0x48: {  	[tilespmem:s18+$0x4080] =	vst v0  }
0x49: {  	[tilespmem:s18+$0xC080] =	vst v0  }
0x4a: {  	[tilespmem:s18+$0x4090] =	vst v0  }
0x4b: {  	[tilespmem:s18+$0xC090] =	vst v0  }
0x4c: {  	[tilespmem:s18+$0x40A0] =	vst v0  }
0x4d: {  	[tilespmem:s18+$0xC0A0] =	vst v0  }
0x4e: {  	[tilespmem:s18+$0x40B0] =	vst v0  }
0x4f: {  	[tilespmem:s18+$0xC0B0] =	vst v0  }
0x50: {  	[tilespmem:s18+$0x40C0] =	vst v0  }
0x51: {  	[tilespmem:s18+$0xC0C0] =	vst v0  }
0x52: {  	[tilespmem:s18+$0x40D0] =	vst v0  }
0x53: {  	[tilespmem:s18+$0xC0D0] =	vst v0  }
0x54: {  	[tilespmem:s18+$0x40E0] =	vst v0  }
0x55: {  	[tilespmem:s18+$0xC0E0] =	vst v0  }
0x56: {  	[tilespmem:s18+$0x40F0] =	vst v0  }
0x57: {  	[tilespmem:s18+$0xC0F0] =	vst v0  }
0x58: {  	[tilespmem:s18+$0x4100] =	vst v0  }
0x59: {  	[tilespmem:s18+$0xC100] =	vst v0  }
0x5a: {  	[tilespmem:s18+$0x4110] =	vst v0  }
0x5b: {  	[tilespmem:s18+$0xC110] =	vst v0  }
0x5c: {  	[tilespmem:s18+$0x4120] =	vst v0  }
0x5d: {  	[tilespmem:s18+$0xC120] =	vst v0  }
0x5e: {  	[tilespmem:s18+$0x4130] =	vst v0  }
0x5f: {  	[tilespmem:s18+$0xC130] =	vst v0  }
0x60: {  	[tilespmem:s18+$0x4140] =	vst v0  }
0x61: {  	[tilespmem:s18+$0xC140] =	vst v0  }
0x62: {  	[tilespmem:s18+$0x4150] =	vst v0  }
0x63: {  	[tilespmem:s18+$0xC150] =	vst v0  }
0x64: {  	[tilespmem:s18+$0x4160] =	vst v0  }
0x65: {  	[tilespmem:s18+$0xC160] =	vst v0  }
0x66: {  	[tilespmem:s18+$0x4170] =	vst v0  }
0x67: {  	[tilespmem:s18+$0xC170] =	vst v0  }
0x68: {  	[tilespmem:s18+$0x4180] =	vst v0  }
0x69: {  	[tilespmem:s18+$0xC180] =	vst v0  }
0x6a: {  	[tilespmem:s18+$0x4190] =	vst v0  }
0x6b: {  	[tilespmem:s18+$0xC190] =	vst v0  }
0x6c: {  	[tilespmem:s18+$0x41A0] =	vst v0  }
0x6d: {  	[tilespmem:s18+$0xC1A0] =	vst v0  }
0x6e: {  	[tilespmem:s18+$0x41B0] =	vst v0  }
0x6f: {  	[tilespmem:s18+$0xC1B0] =	vst v0  }
0x70: {  	[tilespmem:s18+$0x41C0] =	vst v0  }
0x71: {  	[tilespmem:s18+$0xC1C0] =	vst v0  }
0x72: {  	[tilespmem:s18+$0x41D0] =	vst v0  }
0x73: {  	[tilespmem:s18+$0xC1D0] =	vst v0  }
0x74: {  	[tilespmem:s18+$0x41E0] =	vst v0  }
0x75: {  	[tilespmem:s18+$0xC1E0] =	vst v0  }
0x76: {  	[tilespmem:s18+$0x41F0] =	vst v0  }
0x77: {  	[tilespmem:s18+$0xC1F0] =	vst v0  }
0x78: {  	[tilespmem:s18+$0x4200] =	vst v0  }
0x79: {  	[tilespmem:s18+$0xC200] =	vst v0  }
0x7a: {  	[tilespmem:s18+$0x4210] =	vst v0  }
0x7b: {  	[tilespmem:s18+$0xC210] =	vst v0  }
0x7c: {  	[tilespmem:s18+$0x4220] =	vst v0  }
0x7d: {  	[tilespmem:s18+$0xC220] =	vst v0  }
0x7e: {  	[tilespmem:s18+$0x4230] =	vst v0  }
0x7f: {  	[tilespmem:s18+$0xC230] =	vst v0  }
0x80: {  	[tilespmem:s18+$0x4240] =	vst v0  }
0x81: {  	[tilespmem:s18+$0xC240] =	vst v0  }
0x82: {  	[tilespmem:s18+$0x4250] =	vst v0  }
0x83: {  	[tilespmem:s18+$0xC250] =	vst v0  }
0x84: {  	[tilespmem:s18+$0x4260] =	vst v0  }
0x85: {  	[tilespmem:s18+$0xC260] =	vst v0  }
0x86: {  	[tilespmem:s18+$0x4270] =	vst v0  }
0x87: {  	[tilespmem:s18+$0xC270] =	vst v0  }
0x88: {  	[tilespmem:s18+$0x4280] =	vst v0  }
0x89: {  	[tilespmem:s18+$0xC280] =	vst v0  }
0x8a: {  	[tilespmem:s18+$0x4290] =	vst v0  }
0x8b: {  	[tilespmem:s18+$0xC290] =	vst v0  }
0x8c: {  	[tilespmem:s18+$0x42A0] =	vst v0  }
0x8d: {  	[tilespmem:s18+$0xC2A0] =	vst v0  }
0x8e: {  	[tilespmem:s18+$0x42B0] =	vst v0  }
0x8f: {  	[tilespmem:s18+$0xC2B0] =	vst v0  }
0x90: {  	[tilespmem:s18+$0x42C0] =	vst v0  }
0x91: {  	[tilespmem:s18+$0xC2C0] =	vst v0  }
0x92: {  	[tilespmem:s18+$0x42D0] =	vst v0  }
0x93: {  	[tilespmem:s18+$0xC2D0] =	vst v0  }
0x94: {  	[tilespmem:s18+$0x42E0] =	vst v0  }
0x95: {  	[tilespmem:s18+$0xC2E0] =	vst v0  }
0x96: {  	[tilespmem:s18+$0x42F0] =	vst v0  }
0x97: {  	[tilespmem:s18+$0xC2F0] =	vst v0  }
0x98: {  	[tilespmem:s18+$0x4300] =	vst v0  }
0x99: {  	[tilespmem:s18+$0xC300] =	vst v0  }
0x9a: {  	[tilespmem:s18+$0x4310] =	vst v0  }
0x9b: {  	[tilespmem:s18+$0xC310] =	vst v0  }
0x9c: {  	[tilespmem:s18+$0x4320] =	vst v0  }
0x9d: {  	[tilespmem:s18+$0xC320] =	vst v0  }
0x9e: {  	[tilespmem:s18+$0x4330] =	vst v0  }
0x9f: {  	[tilespmem:s18+$0xC330] =	vst v0  }
0xa0: {  	[tilespmem:s18+$0x4340] =	vst v0  }
0xa1: {  	[tilespmem:s18+$0xC340] =	vst v0  }
0xa2: {  	[tilespmem:s18+$0x4350] =	vst v0  }
0xa3: {  	[tilespmem:s18+$0xC350] =	vst v0  }
0xa4: {  	[tilespmem:s18+$0x4360] =	vst v0  }
0xa5: {  	[tilespmem:s18+$0xC360] =	vst v0  }
0xa6: {  	[tilespmem:s18+$0x4370] =	vst v0  }
0xa7: {  	[tilespmem:s18+$0xC370] =	vst v0  }
0xa8: {  	[tilespmem:s18+$0x4380] =	vst v0  }
0xa9: {  	[tilespmem:s18+$0xC380] =	vst v0  }
0xaa: {  	[tilespmem:s18+$0x4390] =	vst v0  }
0xab: {  	[tilespmem:s18+$0xC390] =	vst v0  }
0xac: {  	[tilespmem:s18+$0x43A0] =	vst v0  }
0xad: {  	[tilespmem:s18+$0xC3A0] =	vst v0  }
0xae: {  	[tilespmem:s18+$0x43B0] =	vst v0  }
0xaf: {  	[tilespmem:s18+$0xC3B0] =	vst v0  }
0xb0: {  	[tilespmem:s18+$0x43C0] =	vst v0  }
0xb1: {  	[tilespmem:s18+$0xC3C0] =	vst v0  }
0xb2: {  	[tilespmem:s18+$0x43D0] =	vst v0  }
0xb3: {  	[tilespmem:s18+$0xC3D0] =	vst v0  }
0xb4: {  	[tilespmem:s18+$0x43E0] =	vst v0  }
0xb5: {  	[tilespmem:s18+$0xC3E0] =	vst v0  }
0xb6: {  	[tilespmem:s18+$0x43F0] =	vst v0  }
0xb7: {  	[tilespmem:s18+$0xC3F0] =	vst v0  }
0xb8: {  	[tilespmem:s18+$0x4400] =	vst v0  }
0xb9: {  	[tilespmem:s18+$0xC400] =	vst v0  }
0xba: {  	[tilespmem:s18+$0x4410] =	vst v0  }
0xbb: {  	[tilespmem:s18+$0xC410] =	vst v0  }
0xbc: {  	[tilespmem:s18+$0x4420] =	vst v0  }
0xbd: {  	[tilespmem:s18+$0xC420] =	vst v0  }
0xbe: {  	[tilespmem:s18+$0x4430] =	vst v0  }
0xbf: {  	[tilespmem:s18+$0xC430] =	vst v0  }
0xc0: {  	[tilespmem:s18+$0x4440] =	vst v0  }
0xc1: {  	[tilespmem:s18+$0xC440] =	vst v0  }
0xc2: {  	[tilespmem:s18+$0x4450] =	vst v0  }
0xc3: {  	[tilespmem:s18+$0xC450] =	vst v0  }
0xc4: {  	[tilespmem:s18+$0x4460] =	vst v0  }
0xc5: {  	[tilespmem:s18+$0xC460] =	vst v0  }
0xc6: {  	[tilespmem:s18+$0x4470] =	vst v0  }
0xc7: {  	[tilespmem:s18+$0xC470] =	vst v0  }
0xc8: {  	[tilespmem:s18+$0x4480] =	vst v0  }
0xc9: {  	[tilespmem:s18+$0xC480] =	vst v0  }
0xca: {  	[tilespmem:s18+$0x4490] =	vst v0  }
0xcb: {  	[tilespmem:s18+$0xC490] =	vst v0  }
0xcc: {  	[tilespmem:s18+$0x44A0] =	vst v0  }
0xcd: {  	[tilespmem:s18+$0xC4A0] =	vst v0  }
0xce: {  	[tilespmem:s18+$0x44B0] =	vst v0  }
0xcf: {  	[tilespmem:s18+$0xC4B0] =	vst v0  }
0xd0: {  	[tilespmem:s18+$0x44C0] =	vst v0  }
0xd1: {  	[tilespmem:s18+$0xC4C0] =	vst v0  }
0xd2: {  	[tilespmem:s18+$0x44D0] =	vst v0  }
0xd3: {  	[tilespmem:s18+$0xC4D0] =	vst v0  }
0xd4: {  	[tilespmem:s18+$0x44E0] =	vst v0  }
0xd5: {  	[tilespmem:s18+$0xC4E0] =	vst v0  }
0xd6: {  	[tilespmem:s18+$0x44F0] =	vst v0  }
0xd7: {  	[tilespmem:s18+$0xC4F0] =	vst v0  }
0xd8: {  	[tilespmem:s18+$0x4500] =	vst v0  }
0xd9: {  	[tilespmem:s18+$0xC500] =	vst v0  }
0xda: {  	[tilespmem:s18+$0x4510] =	vst v0  }
0xdb: {  	[tilespmem:s18+$0xC510] =	vst v0  }
0xdc: {  	[tilespmem:s18+$0x4520] =	vst v0  }
0xdd: {  	[tilespmem:s18+$0xC520] =	vst v0  }
0xde: {  	[tilespmem:s18+$0x4530] =	vst v0  }
0xdf: {  	[tilespmem:s18+$0xC530] =	vst v0  }
0xe0: {  	[tilespmem:s18+$0x4540] =	vst v0  }
0xe1: {  	[tilespmem:s18+$0xC540] =	vst v0  }
0xe2: {  	[tilespmem:s18+$0x4550] =	vst v0  }
0xe3: {  	[tilespmem:s18+$0xC550] =	vst v0  }
0xe4: {  	[tilespmem:s18+$0x4560] =	vst v0  }
0xe5: {  	[tilespmem:s18+$0xC560] =	vst v0  }
0xe6: {  	[tilespmem:s18+$0x4570] =	vst v0  }
0xe7: {  	[tilespmem:s18+$0xC570] =	vst v0  }
0xe8: {  	[tilespmem:s18+$0x4580] =	vst v0  }
0xe9: {  	[tilespmem:s18+$0xC580] =	vst v0  }
0xea: {  	[tilespmem:s18+$0x4590] =	vst v0  }
0xeb: {  	[tilespmem:s18+$0xC590] =	vst v0  }
0xec: {  	[tilespmem:s18+$0x45A0] =	vst v0  }
0xed: {  	[tilespmem:s18+$0xC5A0] =	vst v0  }
0xee: {  	[tilespmem:s18+$0x45B0] =	vst v0  }
0xef: {  	[tilespmem:s18+$0xC5B0] =	vst v0  }
0xf0: {  	[tilespmem:s18+$0x45C0] =	vst v0  }
0xf1: {  	[tilespmem:s18+$0xC5C0] =	vst v0  }
0xf2: {  	[tilespmem:s18+$0x45D0] =	vst v0  }
0xf3: {  	[tilespmem:s18+$0xC5D0] =	vst v0  }
0xf4: {  	[tilespmem:s18+$0x45E0] =	vst v0  }
0xf5: {  	[tilespmem:s18+$0xC5E0] =	vst v0  }
0xf6: {  	[tilespmem:s18+$0x45F0] =	vst v0  }
0xf7: {  	[tilespmem:s18+$0xC5F0] =	vst v0  }
0xf8: {  	[tilespmem:s18+$0x4600] =	vst v0  }
0xf9: {  	[tilespmem:s18+$0xC600] =	vst v0  }
0xfa: {  	[tilespmem:s18+$0x4610] =	vst v0  }
0xfb: {  	[tilespmem:s18+$0xC610] =	vst v0  }
0xfc: {  	[tilespmem:s18+$0x4620] =	vst v0  }
0xfd: {  	[tilespmem:s18+$0xC620] =	vst v0  }
0xfe: {  	[tilespmem:s18+$0x4630] =	vst v0  }
0xff: {  	[tilespmem:s18+$0xC630] =	vst v0  }
0x100: {  	[tilespmem:s18+$0x4640] =	vst v0  }
0x101: {  	[tilespmem:s18+$0xC640] =	vst v0  }
0x102: {  	[tilespmem:s18+$0x4650] =	vst v0  }
0x103: {  	[tilespmem:s18+$0xC650] =	vst v0  }
0x104: {  	[tilespmem:s18+$0x4660] =	vst v0  }
0x105: {  	[tilespmem:s18+$0xC660] =	vst v0  }
0x106: {  	[tilespmem:s18+$0x4670] =	vst v0  }
0x107: {  	[tilespmem:s18+$0xC670] =	vst v0  }
0x108: {  	[tilespmem:s18+$0x4680] =	vst v0  }
0x109: {  	[tilespmem:s18+$0xC680] =	vst v0  }
0x10a: {  	[tilespmem:s18+$0x4690] =	vst v0  }
0x10b: {  	[tilespmem:s18+$0xC690] =	vst v0  }
0x10c: {  	[tilespmem:s18+$0x46A0] =	vst v0  }
0x10d: {  	[tilespmem:s18+$0xC6A0] =	vst v0  }
0x10e: {  	[tilespmem:s18+$0x46B0] =	vst v0  }
0x10f: {  	[tilespmem:s18+$0xC6B0] =	vst v0  }
0x110: {  	[tilespmem:s18+$0x46C0] =	vst v0  }
0x111: {  	[tilespmem:s18+$0xC6C0] =	vst v0  }
0x112: {  	[tilespmem:s18+$0x46D0] =	vst v0  }
0x113: {  	[tilespmem:s18+$0xC6D0] =	vst v0  }
0x114: {  	[tilespmem:s18+$0x46E0] =	vst v0  }
0x115: {  	[tilespmem:s18+$0xC6E0] =	vst v0  }
0x116: {  	[tilespmem:s18+$0x46F0] =	vst v0  }
0x117: {  	[tilespmem:s18+$0xC6F0] =	vst v0  }
0x118: {  	[tilespmem:s18+$0x4700] =	vst v0  }
0x119: {  	[tilespmem:s18+$0xC700] =	vst v0  }
0x11a: {  	[tilespmem:s18+$0x4710] =	vst v0  }
0x11b: {  	[tilespmem:s18+$0xC710] =	vst v0  }
0x11c: {  	[tilespmem:s18+$0x4720] =	vst v0  }
0x11d: {  	[tilespmem:s18+$0xC720] =	vst v0  }
0x11e: {  	[tilespmem:s18+$0x4730] =	vst v0  }
0x11f: {  	[tilespmem:s18+$0xC730] =	vst v0  }
0x120: {  	[tilespmem:s18+$0x4740] =	vst v0  }
0x121: {  	[tilespmem:s18+$0xC740] =	vst v0  }
0x122: {  	[tilespmem:s18+$0x4750] =	vst v0  }
0x123: {  	[tilespmem:s18+$0xC750] =	vst v0  }
0x124: {  	[tilespmem:s18+$0x4760] =	vst v0  }
0x125: {  	[tilespmem:s18+$0xC760] =	vst v0  }
0x126: {  	[tilespmem:s18+$0x4770] =	vst v0  }
0x127: {  	[tilespmem:s18+$0xC770] =	vst v0  }
0x128: {  	[tilespmem:s18+$0x4780] =	vst v0  }
0x129: {  	[tilespmem:s18+$0xC780] =	vst v0  }
0x12a: {  	[tilespmem:s18+$0x4790] =	vst v0  }
0x12b: {  	[tilespmem:s18+$0xC790] =	vst v0  }
0x12c: {  	[tilespmem:s18+$0x47A0] =	vst v0  }
0x12d: {  	[tilespmem:s18+$0xC7A0] =	vst v0  }
0x12e: {  	[tilespmem:s18+$0x47B0] =	vst v0  }
0x12f: {  	[tilespmem:s18+$0xC7B0] =	vst v0  }
0x130: {  	[tilespmem:s18+$0x47C0] =	vst v0  }
0x131: {  	[tilespmem:s18+$0xC7C0] =	vst v0  }
0x132: {  	[tilespmem:s18+$0x47D0] =	vst v0  }
0x133: {  	[tilespmem:s18+$0xC7D0] =	vst v0  }
0x134: {  	[tilespmem:s18+$0x47E0] =	vst v0  }
0x135: {  	s20 =	simm.s32 $0x800;
	s19 =	simm.s32 $0x2;
	[tilespmem:s18+$0xC7E0] =	vst v0  }
.LBB2_4:
0x136: {  	p0 =	sne.s32 s19, $0xF;
	[tilespmem:s18+$0x47F0] =	vst v0;
	s18 =	sand.u32 $0x3FFFF800, s20  }
0x137: {  	[tilespmem:s18+$0xC7F0] =	vst v0  }
0x138: {  	[tilespmem:s18+$0x4000] =	vst v0  }
0x139: {  	[tilespmem:s18+$0xC000] =	vst v0  }
0x13a: {  	[tilespmem:s18+$0x4010] =	vst v0  }
0x13b: {  	[tilespmem:s18+$0xC010] =	vst v0  }
0x13c: {  	[tilespmem:s18+$0x4020] =	vst v0  }
0x13d: {  	[tilespmem:s18+$0xC020] =	vst v0  }
0x13e: {  	[tilespmem:s18+$0x4030] =	vst v0  }
0x13f: {  	[tilespmem:s18+$0xC030] =	vst v0  }
0x140: {  	[tilespmem:s18+$0x4040] =	vst v0  }
0x141: {  	[tilespmem:s18+$0xC040] =	vst v0  }
0x142: {  	[tilespmem:s18+$0x4050] =	vst v0  }
0x143: {  	[tilespmem:s18+$0xC050] =	vst v0  }
0x144: {  	[tilespmem:s18+$0x4060] =	vst v0  }
0x145: {  	[tilespmem:s18+$0xC060] =	vst v0  }
0x146: {  	[tilespmem:s18+$0x4070] =	vst v0  }
0x147: {  	[tilespmem:s18+$0xC070] =	vst v0  }
0x148: {  	[tilespmem:s18+$0x4080] =	vst v0  }
0x149: {  	[tilespmem:s18+$0xC080] =	vst v0  }
0x14a: {  	[tilespmem:s18+$0x4090] =	vst v0  }
0x14b: {  	[tilespmem:s18+$0xC090] =	vst v0  }
0x14c: {  	[tilespmem:s18+$0x40A0] =	vst v0  }
0x14d: {  	[tilespmem:s18+$0xC0A0] =	vst v0  }
0x14e: {  	[tilespmem:s18+$0x40B0] =	vst v0  }
0x14f: {  	[tilespmem:s18+$0xC0B0] =	vst v0  }
0x150: {  	[tilespmem:s18+$0x40C0] =	vst v0  }
0x151: {  	[tilespmem:s18+$0xC0C0] =	vst v0  }
0x152: {  	[tilespmem:s18+$0x40D0] =	vst v0  }
0x153: {  	[tilespmem:s18+$0xC0D0] =	vst v0  }
0x154: {  	[tilespmem:s18+$0x40E0] =	vst v0  }
0x155: {  	[tilespmem:s18+$0xC0E0] =	vst v0  }
0x156: {  	[tilespmem:s18+$0x40F0] =	vst v0  }
0x157: {  	[tilespmem:s18+$0xC0F0] =	vst v0  }
0x158: {  	[tilespmem:s18+$0x4100] =	vst v0  }
0x159: {  	[tilespmem:s18+$0xC100] =	vst v0  }
0x15a: {  	[tilespmem:s18+$0x4110] =	vst v0  }
0x15b: {  	[tilespmem:s18+$0xC110] =	vst v0  }
0x15c: {  	[tilespmem:s18+$0x4120] =	vst v0  }
0x15d: {  	[tilespmem:s18+$0xC120] =	vst v0  }
0x15e: {  	[tilespmem:s18+$0x4130] =	vst v0  }
0x15f: {  	[tilespmem:s18+$0xC130] =	vst v0  }
0x160: {  	[tilespmem:s18+$0x4140] =	vst v0  }
0x161: {  	[tilespmem:s18+$0xC140] =	vst v0  }
0x162: {  	[tilespmem:s18+$0x4150] =	vst v0  }
0x163: {  	[tilespmem:s18+$0xC150] =	vst v0  }
0x164: {  	[tilespmem:s18+$0x4160] =	vst v0  }
0x165: {  	[tilespmem:s18+$0xC160] =	vst v0  }
0x166: {  	[tilespmem:s18+$0x4170] =	vst v0  }
0x167: {  	[tilespmem:s18+$0xC170] =	vst v0  }
0x168: {  	[tilespmem:s18+$0x4180] =	vst v0  }
0x169: {  	[tilespmem:s18+$0xC180] =	vst v0  }
0x16a: {  	[tilespmem:s18+$0x4190] =	vst v0  }
0x16b: {  	[tilespmem:s18+$0xC190] =	vst v0  }
0x16c: {  	[tilespmem:s18+$0x41A0] =	vst v0  }
0x16d: {  	[tilespmem:s18+$0xC1A0] =	vst v0  }
0x16e: {  	[tilespmem:s18+$0x41B0] =	vst v0  }
0x16f: {  	[tilespmem:s18+$0xC1B0] =	vst v0  }
0x170: {  	[tilespmem:s18+$0x41C0] =	vst v0  }
0x171: {  	[tilespmem:s18+$0xC1C0] =	vst v0  }
0x172: {  	[tilespmem:s18+$0x41D0] =	vst v0  }
0x173: {  	[tilespmem:s18+$0xC1D0] =	vst v0  }
0x174: {  	[tilespmem:s18+$0x41E0] =	vst v0  }
0x175: {  	[tilespmem:s18+$0xC1E0] =	vst v0  }
0x176: {  	[tilespmem:s18+$0x41F0] =	vst v0  }
0x177: {  	[tilespmem:s18+$0xC1F0] =	vst v0  }
0x178: {  	[tilespmem:s18+$0x4200] =	vst v0  }
0x179: {  	[tilespmem:s18+$0xC200] =	vst v0  }
0x17a: {  	[tilespmem:s18+$0x4210] =	vst v0  }
0x17b: {  	[tilespmem:s18+$0xC210] =	vst v0  }
0x17c: {  	[tilespmem:s18+$0x4220] =	vst v0  }
0x17d: {  	[tilespmem:s18+$0xC220] =	vst v0  }
0x17e: {  	[tilespmem:s18+$0x4230] =	vst v0  }
0x17f: {  	[tilespmem:s18+$0xC230] =	vst v0  }
0x180: {  	[tilespmem:s18+$0x4240] =	vst v0  }
0x181: {  	[tilespmem:s18+$0xC240] =	vst v0  }
0x182: {  	[tilespmem:s18+$0x4250] =	vst v0  }
0x183: {  	[tilespmem:s18+$0xC250] =	vst v0  }
0x184: {  	[tilespmem:s18+$0x4260] =	vst v0  }
0x185: {  	[tilespmem:s18+$0xC260] =	vst v0  }
0x186: {  	[tilespmem:s18+$0x4270] =	vst v0  }
0x187: {  	[tilespmem:s18+$0xC270] =	vst v0  }
0x188: {  	[tilespmem:s18+$0x4280] =	vst v0  }
0x189: {  	[tilespmem:s18+$0xC280] =	vst v0  }
0x18a: {  	[tilespmem:s18+$0x4290] =	vst v0  }
0x18b: {  	[tilespmem:s18+$0xC290] =	vst v0  }
0x18c: {  	[tilespmem:s18+$0x42A0] =	vst v0  }
0x18d: {  	[tilespmem:s18+$0xC2A0] =	vst v0  }
0x18e: {  	[tilespmem:s18+$0x42B0] =	vst v0  }
0x18f: {  	[tilespmem:s18+$0xC2B0] =	vst v0  }
0x190: {  	[tilespmem:s18+$0x42C0] =	vst v0  }
0x191: {  	[tilespmem:s18+$0xC2C0] =	vst v0  }
0x192: {  	[tilespmem:s18+$0x42D0] =	vst v0  }
0x193: {  	[tilespmem:s18+$0xC2D0] =	vst v0  }
0x194: {  	[tilespmem:s18+$0x42E0] =	vst v0  }
0x195: {  	[tilespmem:s18+$0xC2E0] =	vst v0  }
0x196: {  	[tilespmem:s18+$0x42F0] =	vst v0  }
0x197: {  	[tilespmem:s18+$0xC2F0] =	vst v0  }
0x198: {  	[tilespmem:s18+$0x4300] =	vst v0  }
0x199: {  	[tilespmem:s18+$0xC300] =	vst v0  }
0x19a: {  	[tilespmem:s18+$0x4310] =	vst v0  }
0x19b: {  	[tilespmem:s18+$0xC310] =	vst v0  }
0x19c: {  	[tilespmem:s18+$0x4320] =	vst v0  }
0x19d: {  	[tilespmem:s18+$0xC320] =	vst v0  }
0x19e: {  	[tilespmem:s18+$0x4330] =	vst v0  }
0x19f: {  	[tilespmem:s18+$0xC330] =	vst v0  }
0x1a0: {  	[tilespmem:s18+$0x4340] =	vst v0  }
0x1a1: {  	[tilespmem:s18+$0xC340] =	vst v0  }
0x1a2: {  	[tilespmem:s18+$0x4350] =	vst v0  }
0x1a3: {  	[tilespmem:s18+$0xC350] =	vst v0  }
0x1a4: {  	[tilespmem:s18+$0x4360] =	vst v0  }
0x1a5: {  	[tilespmem:s18+$0xC360] =	vst v0  }
0x1a6: {  	[tilespmem:s18+$0x4370] =	vst v0  }
0x1a7: {  	[tilespmem:s18+$0xC370] =	vst v0  }
0x1a8: {  	[tilespmem:s18+$0x4380] =	vst v0  }
0x1a9: {  	[tilespmem:s18+$0xC380] =	vst v0  }
0x1aa: {  	[tilespmem:s18+$0x4390] =	vst v0  }
0x1ab: {  	[tilespmem:s18+$0xC390] =	vst v0  }
0x1ac: {  	[tilespmem:s18+$0x43A0] =	vst v0  }
0x1ad: {  	[tilespmem:s18+$0xC3A0] =	vst v0  }
0x1ae: {  	[tilespmem:s18+$0x43B0] =	vst v0  }
0x1af: {  	[tilespmem:s18+$0xC3B0] =	vst v0  }
0x1b0: {  	[tilespmem:s18+$0x43C0] =	vst v0  }
0x1b1: {  	[tilespmem:s18+$0xC3C0] =	vst v0  }
0x1b2: {  	[tilespmem:s18+$0x43D0] =	vst v0  }
0x1b3: {  	[tilespmem:s18+$0xC3D0] =	vst v0  }
0x1b4: {  	[tilespmem:s18+$0x43E0] =	vst v0  }
0x1b5: {  	[tilespmem:s18+$0xC3E0] =	vst v0  }
0x1b6: {  	[tilespmem:s18+$0x43F0] =	vst v0  }
0x1b7: {  	[tilespmem:s18+$0xC3F0] =	vst v0  }
0x1b8: {  	[tilespmem:s18+$0x4400] =	vst v0  }
0x1b9: {  	[tilespmem:s18+$0xC400] =	vst v0  }
0x1ba: {  	[tilespmem:s18+$0x4410] =	vst v0  }
0x1bb: {  	[tilespmem:s18+$0xC410] =	vst v0  }
0x1bc: {  	[tilespmem:s18+$0x4420] =	vst v0  }
0x1bd: {  	[tilespmem:s18+$0xC420] =	vst v0  }
0x1be: {  	[tilespmem:s18+$0x4430] =	vst v0  }
0x1bf: {  	[tilespmem:s18+$0xC430] =	vst v0  }
0x1c0: {  	[tilespmem:s18+$0x4440] =	vst v0  }
0x1c1: {  	[tilespmem:s18+$0xC440] =	vst v0  }
0x1c2: {  	[tilespmem:s18+$0x4450] =	vst v0  }
0x1c3: {  	[tilespmem:s18+$0xC450] =	vst v0  }
0x1c4: {  	[tilespmem:s18+$0x4460] =	vst v0  }
0x1c5: {  	[tilespmem:s18+$0xC460] =	vst v0  }
0x1c6: {  	[tilespmem:s18+$0x4470] =	vst v0  }
0x1c7: {  	[tilespmem:s18+$0xC470] =	vst v0  }
0x1c8: {  	[tilespmem:s18+$0x4480] =	vst v0  }
0x1c9: {  	[tilespmem:s18+$0xC480] =	vst v0  }
0x1ca: {  	[tilespmem:s18+$0x4490] =	vst v0  }
0x1cb: {  	[tilespmem:s18+$0xC490] =	vst v0  }
0x1cc: {  	[tilespmem:s18+$0x44A0] =	vst v0  }
0x1cd: {  	[tilespmem:s18+$0xC4A0] =	vst v0  }
0x1ce: {  	[tilespmem:s18+$0x44B0] =	vst v0  }
0x1cf: {  	[tilespmem:s18+$0xC4B0] =	vst v0  }
0x1d0: {  	[tilespmem:s18+$0x44C0] =	vst v0  }
0x1d1: {  	[tilespmem:s18+$0xC4C0] =	vst v0  }
0x1d2: {  	[tilespmem:s18+$0x44D0] =	vst v0  }
0x1d3: {  	[tilespmem:s18+$0xC4D0] =	vst v0  }
0x1d4: {  	[tilespmem:s18+$0x44E0] =	vst v0  }
0x1d5: {  	[tilespmem:s18+$0xC4E0] =	vst v0  }
0x1d6: {  	[tilespmem:s18+$0x44F0] =	vst v0  }
0x1d7: {  	[tilespmem:s18+$0xC4F0] =	vst v0  }
0x1d8: {  	[tilespmem:s18+$0x4500] =	vst v0  }
0x1d9: {  	[tilespmem:s18+$0xC500] =	vst v0  }
0x1da: {  	[tilespmem:s18+$0x4510] =	vst v0  }
0x1db: {  	[tilespmem:s18+$0xC510] =	vst v0  }
0x1dc: {  	[tilespmem:s18+$0x4520] =	vst v0  }
0x1dd: {  	[tilespmem:s18+$0xC520] =	vst v0  }
0x1de: {  	[tilespmem:s18+$0x4530] =	vst v0  }
0x1df: {  	[tilespmem:s18+$0xC530] =	vst v0  }
0x1e0: {  	[tilespmem:s18+$0x4540] =	vst v0  }
0x1e1: {  	[tilespmem:s18+$0xC540] =	vst v0  }
0x1e2: {  	[tilespmem:s18+$0x4550] =	vst v0  }
0x1e3: {  	[tilespmem:s18+$0xC550] =	vst v0  }
0x1e4: {  	[tilespmem:s18+$0x4560] =	vst v0  }
0x1e5: {  	[tilespmem:s18+$0xC560] =	vst v0  }
0x1e6: {  	[tilespmem:s18+$0x4570] =	vst v0  }
0x1e7: {  	[tilespmem:s18+$0xC570] =	vst v0  }
0x1e8: {  	[tilespmem:s18+$0x4580] =	vst v0  }
0x1e9: {  	[tilespmem:s18+$0xC580] =	vst v0  }
0x1ea: {  	[tilespmem:s18+$0x4590] =	vst v0  }
0x1eb: {  	[tilespmem:s18+$0xC590] =	vst v0  }
0x1ec: {  	[tilespmem:s18+$0x45A0] =	vst v0  }
0x1ed: {  	[tilespmem:s18+$0xC5A0] =	vst v0  }
0x1ee: {  	[tilespmem:s18+$0x45B0] =	vst v0  }
0x1ef: {  	[tilespmem:s18+$0xC5B0] =	vst v0  }
0x1f0: {  	[tilespmem:s18+$0x45C0] =	vst v0  }
0x1f1: {  	[tilespmem:s18+$0xC5C0] =	vst v0  }
0x1f2: {  	[tilespmem:s18+$0x45D0] =	vst v0  }
0x1f3: {  	[tilespmem:s18+$0xC5D0] =	vst v0  }
0x1f4: {  	[tilespmem:s18+$0x45E0] =	vst v0  }
0x1f5: {  	[tilespmem:s18+$0xC5E0] =	vst v0  }
0x1f6: {  	[tilespmem:s18+$0x45F0] =	vst v0  }
0x1f7: {  	[tilespmem:s18+$0xC5F0] =	vst v0  }
0x1f8: {  	[tilespmem:s18+$0x4600] =	vst v0  }
0x1f9: {  	[tilespmem:s18+$0xC600] =	vst v0  }
0x1fa: {  	[tilespmem:s18+$0x4610] =	vst v0  }
0x1fb: {  	[tilespmem:s18+$0xC610] =	vst v0  }
0x1fc: {  	[tilespmem:s18+$0x4620] =	vst v0  }
0x1fd: {  	[tilespmem:s18+$0xC620] =	vst v0  }
0x1fe: {  	[tilespmem:s18+$0x4630] =	vst v0  }
0x1ff: {  	[tilespmem:s18+$0xC630] =	vst v0  }
0x200: {  	[tilespmem:s18+$0x4640] =	vst v0  }
0x201: {  	[tilespmem:s18+$0xC640] =	vst v0  }
0x202: {  	[tilespmem:s18+$0x4650] =	vst v0  }
0x203: {  	[tilespmem:s18+$0xC650] =	vst v0  }
0x204: {  	[tilespmem:s18+$0x4660] =	vst v0  }
0x205: {  	[tilespmem:s18+$0xC660] =	vst v0  }
0x206: {  	[tilespmem:s18+$0x4670] =	vst v0  }
0x207: {  	[tilespmem:s18+$0xC670] =	vst v0  }
0x208: {  	[tilespmem:s18+$0x4680] =	vst v0  }
0x209: {  	[tilespmem:s18+$0xC680] =	vst v0  }
0x20a: {  	[tilespmem:s18+$0x4690] =	vst v0  }
0x20b: {  	[tilespmem:s18+$0xC690] =	vst v0  }
0x20c: {  	[tilespmem:s18+$0x46A0] =	vst v0  }
0x20d: {  	[tilespmem:s18+$0xC6A0] =	vst v0  }
0x20e: {  	[tilespmem:s18+$0x46B0] =	vst v0  }
0x20f: {  	[tilespmem:s18+$0xC6B0] =	vst v0  }
0x210: {  	[tilespmem:s18+$0x46C0] =	vst v0  }
0x211: {  	[tilespmem:s18+$0xC6C0] =	vst v0  }
0x212: {  	[tilespmem:s18+$0x46D0] =	vst v0  }
0x213: {  	[tilespmem:s18+$0xC6D0] =	vst v0  }
0x214: {  	[tilespmem:s18+$0x46E0] =	vst v0  }
0x215: {  	[tilespmem:s18+$0xC6E0] =	vst v0  }
0x216: {  	[tilespmem:s18+$0x46F0] =	vst v0  }
0x217: {  	[tilespmem:s18+$0xC6F0] =	vst v0  }
0x218: {  	[tilespmem:s18+$0x4700] =	vst v0  }
0x219: {  	[tilespmem:s18+$0xC700] =	vst v0  }
0x21a: {  	[tilespmem:s18+$0x4710] =	vst v0  }
0x21b: {  	[tilespmem:s18+$0xC710] =	vst v0  }
0x21c: {  	[tilespmem:s18+$0x4720] =	vst v0  }
0x21d: {  	[tilespmem:s18+$0xC720] =	vst v0  }
0x21e: {  	[tilespmem:s18+$0x4730] =	vst v0  }
0x21f: {  	[tilespmem:s18+$0xC730] =	vst v0  }
0x220: {  	[tilespmem:s18+$0x4740] =	vst v0  }
0x221: {  	[tilespmem:s18+$0xC740] =	vst v0  }
0x222: {  	[tilespmem:s18+$0x4750] =	vst v0  }
0x223: {  	[tilespmem:s18+$0xC750] =	vst v0  }
0x224: {  	[tilespmem:s18+$0x4760] =	vst v0  }
0x225: {  	[tilespmem:s18+$0xC760] =	vst v0  }
0x226: {  	[tilespmem:s18+$0x4770] =	vst v0  }
0x227: {  	[tilespmem:s18+$0xC770] =	vst v0  }
0x228: {  	[tilespmem:s18+$0x4780] =	vst v0  }
0x229: {  	[tilespmem:s18+$0xC780] =	vst v0  }
0x22a: {  	[tilespmem:s18+$0x4790] =	vst v0  }
0x22b: {  	[tilespmem:s18+$0xC790] =	vst v0  }
0x22c: {  	[tilespmem:s18+$0x47A0] =	vst v0  }
0x22d: {  	[tilespmem:s18+$0xC7A0] =	vst v0  }
0x22e: {  	[tilespmem:s18+$0x47B0] =	vst v0  }
0x22f: {  	[tilespmem:s18+$0xC7B0] =	vst v0  }
0x230: {  	[tilespmem:s18+$0x47C0] =	vst v0  }
.Ltmp1:
0x231: {  	[tilespmem:s18+$0xC7C0] =	vst v0;
	(pc) =	sbr.rel @p0 .LBB2_4-.Ltmp1, $4  }
0x232: {  	[tilespmem:s18+$0x47D0] =	vst v0  }
0x233: {  	[tilespmem:s18+$0xC7D0] =	vst v0  }
0x234: {  	[tilespmem:s18+$0x47E0] =	vst v0  }
0x235: {  	s20 =	sshll.u32 s19, $0xB;
	s19 =	sadd.s32 $0x1, s19;
	[tilespmem:s18+$0xC7E0] =	vst v0  }
0x236: {  	s19 =	sand.u32 $0x3FFFF800, s20;
	[tilespmem:s18+$0x47F0] =	vst v0  }
0x237: {  	[tilespmem:s19+$0xC7F0] =	vst v0  }
0x238: {  	[tilespmem:s19+$0x4000] =	vst v0  }
0x239: {  	[tilespmem:s19+$0xC000] =	vst v0  }
0x23a: {  	[tilespmem:s19+$0x4010] =	vst v0  }
0x23b: {  	[tilespmem:s19+$0xC010] =	vst v0  }
0x23c: {  	[tilespmem:s19+$0x4020] =	vst v0  }
0x23d: {  	[tilespmem:s19+$0xC020] =	vst v0  }
0x23e: {  	[tilespmem:s19+$0x4030] =	vst v0  }
0x23f: {  	[tilespmem:s19+$0xC030] =	vst v0  }
0x240: {  	[tilespmem:s19+$0x4040] =	vst v0  }
0x241: {  	[tilespmem:s19+$0xC040] =	vst v0  }
0x242: {  	[tilespmem:s19+$0x4050] =	vst v0  }
0x243: {  	[tilespmem:s19+$0xC050] =	vst v0  }
0x244: {  	[tilespmem:s19+$0x4060] =	vst v0  }
0x245: {  	[tilespmem:s19+$0xC060] =	vst v0  }
0x246: {  	[tilespmem:s19+$0x4070] =	vst v0  }
0x247: {  	[tilespmem:s19+$0xC070] =	vst v0  }
0x248: {  	[tilespmem:s19+$0x4080] =	vst v0  }
0x249: {  	[tilespmem:s19+$0xC080] =	vst v0  }
0x24a: {  	[tilespmem:s19+$0x4090] =	vst v0  }
0x24b: {  	[tilespmem:s19+$0xC090] =	vst v0  }
0x24c: {  	[tilespmem:s19+$0x40A0] =	vst v0  }
0x24d: {  	[tilespmem:s19+$0xC0A0] =	vst v0  }
0x24e: {  	[tilespmem:s19+$0x40B0] =	vst v0  }
0x24f: {  	[tilespmem:s19+$0xC0B0] =	vst v0  }
0x250: {  	[tilespmem:s19+$0x40C0] =	vst v0  }
0x251: {  	[tilespmem:s19+$0xC0C0] =	vst v0  }
0x252: {  	[tilespmem:s19+$0x40D0] =	vst v0  }
0x253: {  	[tilespmem:s19+$0xC0D0] =	vst v0  }
0x254: {  	[tilespmem:s19+$0x40E0] =	vst v0  }
0x255: {  	[tilespmem:s19+$0xC0E0] =	vst v0  }
0x256: {  	[tilespmem:s19+$0x40F0] =	vst v0  }
0x257: {  	[tilespmem:s19+$0xC0F0] =	vst v0  }
0x258: {  	[tilespmem:s19+$0x4100] =	vst v0  }
0x259: {  	[tilespmem:s19+$0xC100] =	vst v0  }
0x25a: {  	[tilespmem:s19+$0x4110] =	vst v0  }
0x25b: {  	[tilespmem:s19+$0xC110] =	vst v0  }
0x25c: {  	[tilespmem:s19+$0x4120] =	vst v0  }
0x25d: {  	[tilespmem:s19+$0xC120] =	vst v0  }
0x25e: {  	[tilespmem:s19+$0x4130] =	vst v0  }
0x25f: {  	[tilespmem:s19+$0xC130] =	vst v0  }
0x260: {  	[tilespmem:s19+$0x4140] =	vst v0  }
0x261: {  	[tilespmem:s19+$0xC140] =	vst v0  }
0x262: {  	[tilespmem:s19+$0x4150] =	vst v0  }
0x263: {  	[tilespmem:s19+$0xC150] =	vst v0  }
0x264: {  	[tilespmem:s19+$0x4160] =	vst v0  }
0x265: {  	[tilespmem:s19+$0xC160] =	vst v0  }
0x266: {  	[tilespmem:s19+$0x4170] =	vst v0  }
0x267: {  	[tilespmem:s19+$0xC170] =	vst v0  }
0x268: {  	[tilespmem:s19+$0x4180] =	vst v0  }
0x269: {  	[tilespmem:s19+$0xC180] =	vst v0  }
0x26a: {  	[tilespmem:s19+$0x4190] =	vst v0  }
0x26b: {  	[tilespmem:s19+$0xC190] =	vst v0  }
0x26c: {  	[tilespmem:s19+$0x41A0] =	vst v0  }
0x26d: {  	[tilespmem:s19+$0xC1A0] =	vst v0  }
0x26e: {  	[tilespmem:s19+$0x41B0] =	vst v0  }
0x26f: {  	[tilespmem:s19+$0xC1B0] =	vst v0  }
0x270: {  	[tilespmem:s19+$0x41C0] =	vst v0  }
0x271: {  	[tilespmem:s19+$0xC1C0] =	vst v0  }
0x272: {  	[tilespmem:s19+$0x41D0] =	vst v0  }
0x273: {  	[tilespmem:s19+$0xC1D0] =	vst v0  }
0x274: {  	[tilespmem:s19+$0x41E0] =	vst v0  }
0x275: {  	[tilespmem:s19+$0xC1E0] =	vst v0  }
0x276: {  	[tilespmem:s19+$0x41F0] =	vst v0  }
0x277: {  	[tilespmem:s19+$0xC1F0] =	vst v0  }
0x278: {  	[tilespmem:s19+$0x4200] =	vst v0  }
0x279: {  	[tilespmem:s19+$0xC200] =	vst v0  }
0x27a: {  	[tilespmem:s19+$0x4210] =	vst v0  }
0x27b: {  	[tilespmem:s19+$0xC210] =	vst v0  }
0x27c: {  	[tilespmem:s19+$0x4220] =	vst v0  }
0x27d: {  	[tilespmem:s19+$0xC220] =	vst v0  }
0x27e: {  	[tilespmem:s19+$0x4230] =	vst v0  }
0x27f: {  	[tilespmem:s19+$0xC230] =	vst v0  }
0x280: {  	[tilespmem:s19+$0x4240] =	vst v0  }
0x281: {  	[tilespmem:s19+$0xC240] =	vst v0  }
0x282: {  	[tilespmem:s19+$0x4250] =	vst v0  }
0x283: {  	[tilespmem:s19+$0xC250] =	vst v0  }
0x284: {  	[tilespmem:s19+$0x4260] =	vst v0  }
0x285: {  	[tilespmem:s19+$0xC260] =	vst v0  }
0x286: {  	[tilespmem:s19+$0x4270] =	vst v0  }
0x287: {  	[tilespmem:s19+$0xC270] =	vst v0  }
0x288: {  	[tilespmem:s19+$0x4280] =	vst v0  }
0x289: {  	[tilespmem:s19+$0xC280] =	vst v0  }
0x28a: {  	[tilespmem:s19+$0x4290] =	vst v0  }
0x28b: {  	[tilespmem:s19+$0xC290] =	vst v0  }
0x28c: {  	[tilespmem:s19+$0x42A0] =	vst v0  }
0x28d: {  	[tilespmem:s19+$0xC2A0] =	vst v0  }
0x28e: {  	[tilespmem:s19+$0x42B0] =	vst v0  }
0x28f: {  	[tilespmem:s19+$0xC2B0] =	vst v0  }
0x290: {  	[tilespmem:s19+$0x42C0] =	vst v0  }
0x291: {  	[tilespmem:s19+$0xC2C0] =	vst v0  }
0x292: {  	[tilespmem:s19+$0x42D0] =	vst v0  }
0x293: {  	[tilespmem:s19+$0xC2D0] =	vst v0  }
0x294: {  	[tilespmem:s19+$0x42E0] =	vst v0  }
0x295: {  	[tilespmem:s19+$0xC2E0] =	vst v0  }
0x296: {  	[tilespmem:s19+$0x42F0] =	vst v0  }
0x297: {  	[tilespmem:s19+$0xC2F0] =	vst v0  }
0x298: {  	[tilespmem:s19+$0x4300] =	vst v0  }
0x299: {  	[tilespmem:s19+$0xC300] =	vst v0  }
0x29a: {  	[tilespmem:s19+$0x4310] =	vst v0  }
0x29b: {  	[tilespmem:s19+$0xC310] =	vst v0  }
0x29c: {  	[tilespmem:s19+$0x4320] =	vst v0  }
0x29d: {  	[tilespmem:s19+$0xC320] =	vst v0  }
0x29e: {  	[tilespmem:s19+$0x4330] =	vst v0  }
0x29f: {  	[tilespmem:s19+$0xC330] =	vst v0  }
0x2a0: {  	[tilespmem:s19+$0x4340] =	vst v0  }
0x2a1: {  	[tilespmem:s19+$0xC340] =	vst v0  }
0x2a2: {  	[tilespmem:s19+$0x4350] =	vst v0  }
0x2a3: {  	[tilespmem:s19+$0xC350] =	vst v0  }
0x2a4: {  	[tilespmem:s19+$0x4360] =	vst v0  }
0x2a5: {  	[tilespmem:s19+$0xC360] =	vst v0  }
0x2a6: {  	[tilespmem:s19+$0x4370] =	vst v0  }
0x2a7: {  	[tilespmem:s19+$0xC370] =	vst v0  }
0x2a8: {  	[tilespmem:s19+$0x4380] =	vst v0  }
0x2a9: {  	[tilespmem:s19+$0xC380] =	vst v0  }
0x2aa: {  	[tilespmem:s19+$0x4390] =	vst v0  }
0x2ab: {  	[tilespmem:s19+$0xC390] =	vst v0  }
0x2ac: {  	[tilespmem:s19+$0x43A0] =	vst v0  }
0x2ad: {  	[tilespmem:s19+$0xC3A0] =	vst v0  }
0x2ae: {  	[tilespmem:s19+$0x43B0] =	vst v0  }
0x2af: {  	[tilespmem:s19+$0xC3B0] =	vst v0  }
0x2b0: {  	[tilespmem:s19+$0x43C0] =	vst v0  }
0x2b1: {  	[tilespmem:s19+$0xC3C0] =	vst v0  }
0x2b2: {  	[tilespmem:s19+$0x43D0] =	vst v0  }
0x2b3: {  	[tilespmem:s19+$0xC3D0] =	vst v0  }
0x2b4: {  	[tilespmem:s19+$0x43E0] =	vst v0  }
0x2b5: {  	[tilespmem:s19+$0xC3E0] =	vst v0  }
0x2b6: {  	[tilespmem:s19+$0x43F0] =	vst v0  }
0x2b7: {  	[tilespmem:s19+$0xC3F0] =	vst v0  }
0x2b8: {  	[tilespmem:s19+$0x4400] =	vst v0  }
0x2b9: {  	[tilespmem:s19+$0xC400] =	vst v0  }
0x2ba: {  	[tilespmem:s19+$0x4410] =	vst v0  }
0x2bb: {  	[tilespmem:s19+$0xC410] =	vst v0  }
0x2bc: {  	[tilespmem:s19+$0x4420] =	vst v0  }
0x2bd: {  	[tilespmem:s19+$0xC420] =	vst v0  }
0x2be: {  	[tilespmem:s19+$0x4430] =	vst v0  }
0x2bf: {  	[tilespmem:s19+$0xC430] =	vst v0  }
0x2c0: {  	[tilespmem:s19+$0x4440] =	vst v0  }
0x2c1: {  	[tilespmem:s19+$0xC440] =	vst v0  }
0x2c2: {  	[tilespmem:s19+$0x4450] =	vst v0  }
0x2c3: {  	[tilespmem:s19+$0xC450] =	vst v0  }
0x2c4: {  	[tilespmem:s19+$0x4460] =	vst v0  }
0x2c5: {  	[tilespmem:s19+$0xC460] =	vst v0  }
0x2c6: {  	[tilespmem:s19+$0x4470] =	vst v0  }
0x2c7: {  	[tilespmem:s19+$0xC470] =	vst v0  }
0x2c8: {  	[tilespmem:s19+$0x4480] =	vst v0  }
0x2c9: {  	[tilespmem:s19+$0xC480] =	vst v0  }
0x2ca: {  	[tilespmem:s19+$0x4490] =	vst v0  }
0x2cb: {  	[tilespmem:s19+$0xC490] =	vst v0  }
0x2cc: {  	[tilespmem:s19+$0x44A0] =	vst v0  }
0x2cd: {  	[tilespmem:s19+$0xC4A0] =	vst v0  }
0x2ce: {  	[tilespmem:s19+$0x44B0] =	vst v0  }
0x2cf: {  	[tilespmem:s19+$0xC4B0] =	vst v0  }
0x2d0: {  	[tilespmem:s19+$0x44C0] =	vst v0  }
0x2d1: {  	[tilespmem:s19+$0xC4C0] =	vst v0  }
0x2d2: {  	[tilespmem:s19+$0x44D0] =	vst v0  }
0x2d3: {  	[tilespmem:s19+$0xC4D0] =	vst v0  }
0x2d4: {  	[tilespmem:s19+$0x44E0] =	vst v0  }
0x2d5: {  	[tilespmem:s19+$0xC4E0] =	vst v0  }
0x2d6: {  	[tilespmem:s19+$0x44F0] =	vst v0  }
0x2d7: {  	[tilespmem:s19+$0xC4F0] =	vst v0  }
0x2d8: {  	[tilespmem:s19+$0x4500] =	vst v0  }
0x2d9: {  	[tilespmem:s19+$0xC500] =	vst v0  }
0x2da: {  	[tilespmem:s19+$0x4510] =	vst v0  }
0x2db: {  	[tilespmem:s19+$0xC510] =	vst v0  }
0x2dc: {  	[tilespmem:s19+$0x4520] =	vst v0  }
0x2dd: {  	[tilespmem:s19+$0xC520] =	vst v0  }
0x2de: {  	[tilespmem:s19+$0x4530] =	vst v0  }
0x2df: {  	[tilespmem:s19+$0xC530] =	vst v0  }
0x2e0: {  	[tilespmem:s19+$0x4540] =	vst v0  }
0x2e1: {  	[tilespmem:s19+$0xC540] =	vst v0  }
0x2e2: {  	[tilespmem:s19+$0x4550] =	vst v0  }
0x2e3: {  	[tilespmem:s19+$0xC550] =	vst v0  }
0x2e4: {  	[tilespmem:s19+$0x4560] =	vst v0  }
0x2e5: {  	[tilespmem:s19+$0xC560] =	vst v0  }
0x2e6: {  	[tilespmem:s19+$0x4570] =	vst v0  }
0x2e7: {  	[tilespmem:s19+$0xC570] =	vst v0  }
0x2e8: {  	[tilespmem:s19+$0x4580] =	vst v0  }
0x2e9: {  	[tilespmem:s19+$0xC580] =	vst v0  }
0x2ea: {  	[tilespmem:s19+$0x4590] =	vst v0  }
0x2eb: {  	[tilespmem:s19+$0xC590] =	vst v0  }
0x2ec: {  	[tilespmem:s19+$0x45A0] =	vst v0  }
0x2ed: {  	[tilespmem:s19+$0xC5A0] =	vst v0  }
0x2ee: {  	[tilespmem:s19+$0x45B0] =	vst v0  }
0x2ef: {  	[tilespmem:s19+$0xC5B0] =	vst v0  }
0x2f0: {  	[tilespmem:s19+$0x45C0] =	vst v0  }
0x2f1: {  	[tilespmem:s19+$0xC5C0] =	vst v0  }
0x2f2: {  	[tilespmem:s19+$0x45D0] =	vst v0  }
0x2f3: {  	[tilespmem:s19+$0xC5D0] =	vst v0  }
0x2f4: {  	[tilespmem:s19+$0x45E0] =	vst v0  }
0x2f5: {  	[tilespmem:s19+$0xC5E0] =	vst v0  }
0x2f6: {  	[tilespmem:s19+$0x45F0] =	vst v0  }
0x2f7: {  	[tilespmem:s19+$0xC5F0] =	vst v0  }
0x2f8: {  	[tilespmem:s19+$0x4600] =	vst v0  }
0x2f9: {  	[tilespmem:s19+$0xC600] =	vst v0  }
0x2fa: {  	[tilespmem:s19+$0x4610] =	vst v0  }
0x2fb: {  	[tilespmem:s19+$0xC610] =	vst v0  }
0x2fc: {  	[tilespmem:s19+$0x4620] =	vst v0  }
0x2fd: {  	[tilespmem:s19+$0xC620] =	vst v0  }
0x2fe: {  	[tilespmem:s19+$0x4630] =	vst v0  }
0x2ff: {  	[tilespmem:s19+$0xC630] =	vst v0  }
0x300: {  	[tilespmem:s19+$0x4640] =	vst v0  }
0x301: {  	[tilespmem:s19+$0xC640] =	vst v0  }
0x302: {  	[tilespmem:s19+$0x4650] =	vst v0  }
0x303: {  	[tilespmem:s19+$0xC650] =	vst v0  }
0x304: {  	[tilespmem:s19+$0x4660] =	vst v0  }
0x305: {  	[tilespmem:s19+$0xC660] =	vst v0  }
0x306: {  	[tilespmem:s19+$0x4670] =	vst v0  }
0x307: {  	[tilespmem:s19+$0xC670] =	vst v0  }
0x308: {  	[tilespmem:s19+$0x4680] =	vst v0  }
0x309: {  	[tilespmem:s19+$0xC680] =	vst v0  }
0x30a: {  	[tilespmem:s19+$0x4690] =	vst v0  }
0x30b: {  	[tilespmem:s19+$0xC690] =	vst v0  }
0x30c: {  	[tilespmem:s19+$0x46A0] =	vst v0  }
0x30d: {  	[tilespmem:s19+$0xC6A0] =	vst v0  }
0x30e: {  	[tilespmem:s19+$0x46B0] =	vst v0  }
0x30f: {  	[tilespmem:s19+$0xC6B0] =	vst v0  }
0x310: {  	[tilespmem:s19+$0x46C0] =	vst v0  }
0x311: {  	[tilespmem:s19+$0xC6C0] =	vst v0  }
0x312: {  	[tilespmem:s19+$0x46D0] =	vst v0  }
0x313: {  	[tilespmem:s19+$0xC6D0] =	vst v0  }
0x314: {  	[tilespmem:s19+$0x46E0] =	vst v0  }
0x315: {  	[tilespmem:s19+$0xC6E0] =	vst v0  }
0x316: {  	[tilespmem:s19+$0x46F0] =	vst v0  }
0x317: {  	[tilespmem:s19+$0xC6F0] =	vst v0  }
0x318: {  	[tilespmem:s19+$0x4700] =	vst v0  }
0x319: {  	[tilespmem:s19+$0xC700] =	vst v0  }
0x31a: {  	[tilespmem:s19+$0x4710] =	vst v0  }
0x31b: {  	[tilespmem:s19+$0xC710] =	vst v0  }
0x31c: {  	[tilespmem:s19+$0x4720] =	vst v0  }
0x31d: {  	[tilespmem:s19+$0xC720] =	vst v0  }
0x31e: {  	[tilespmem:s19+$0x4730] =	vst v0  }
0x31f: {  	[tilespmem:s19+$0xC730] =	vst v0  }
0x320: {  	[tilespmem:s19+$0x4740] =	vst v0  }
0x321: {  	[tilespmem:s19+$0xC740] =	vst v0  }
0x322: {  	[tilespmem:s19+$0x4750] =	vst v0  }
0x323: {  	[tilespmem:s19+$0xC750] =	vst v0  }
0x324: {  	[tilespmem:s19+$0x4760] =	vst v0  }
0x325: {  	[tilespmem:s19+$0xC760] =	vst v0  }
0x326: {  	[tilespmem:s19+$0x4770] =	vst v0  }
0x327: {  	[tilespmem:s19+$0xC770] =	vst v0  }
0x328: {  	[tilespmem:s19+$0x4780] =	vst v0  }
0x329: {  	[tilespmem:s19+$0xC780] =	vst v0  }
0x32a: {  	[tilespmem:s19+$0x4790] =	vst v0  }
0x32b: {  	[tilespmem:s19+$0xC790] =	vst v0  }
0x32c: {  	[tilespmem:s19+$0x47A0] =	vst v0  }
0x32d: {  	[tilespmem:s19+$0xC7A0] =	vst v0  }
0x32e: {  	[tilespmem:s19+$0x47B0] =	vst v0  }
0x32f: {  	[tilespmem:s19+$0xC7B0] =	vst v0  }
0x330: {  	[tilespmem:s19+$0x47C0] =	vst v0  }
0x331: {  	[tilespmem:s19+$0xC7C0] =	vst v0  }
0x332: {  	[tilespmem:s19+$0x47D0] =	vst v0  }
0x333: {  	[tilespmem:s19+$0xC7D0] =	vst v0  }
0x334: {  	[tilespmem:s19+$0x47E0] =	vst v0  }
0x335: {  	[tilespmem:s19+$0xC7E0] =	vst v0  }
0x336: {  	s18 =	simm.s32 $0x80;
	[tilespmem:s19+$0x47F0] =	vst v0  }
.LBB2_6:
0x337: {  	v2 =	vld [tilespmem:s18+$0xFFFFFF80];
	_ =	sdelay $0x4  }
0x338: {  	s19 =	sshll.u32 s17, $0xB;
	v3 =	vand.u32 $0xFFFFFFF8, v2  }
0x339: {  	v2 =	vand.u32 $0x7, v2;
	v3 =	vadd.s32 s19, v3  }
0x33a: {  	v2 =	vor.u32 v2, v3;
	_ =	sdelay $0x4  }
0x33b: {  	[tilespmem:v2+s12+$0x0] =	vst.idx.msk $0xffff, v1  }
0x33c: {  	v2 =	vld [tilespmem:s18+$0xFFFFFF90];
	_ =	sdelay $0x4  }
0x33d: {  	v3 =	vand.u32 $0xFFFFFFF8, v2  }
0x33e: {  	v2 =	vand.u32 $0x7, v2;
	v3 =	vadd.s32 s19, v3  }
0x33f: {  	v2 =	vor.u32 v2, v3;
	_ =	sdelay $0x4  }
0x340: {  	[tilespmem:v2+s12+$0x0] =	vst.idx.msk $0xffff, v1  }
0x341: {  	v2 =	vld [tilespmem:s18+$0xFFFFFFA0];
	_ =	sdelay $0x4  }
0x342: {  	v3 =	vand.u32 $0xFFFFFFF8, v2  }
0x343: {  	v2 =	vand.u32 $0x7, v2;
	v3 =	vadd.s32 s19, v3  }
0x344: {  	v2 =	vor.u32 v2, v3;
	_ =	sdelay $0x4  }
0x345: {  	[tilespmem:v2+s12+$0x0] =	vst.idx.msk $0xffff, v1  }
0x346: {  	v2 =	vld [tilespmem:s18+$0xFFFFFFB0];
	_ =	sdelay $0x4  }
0x347: {  	v3 =	vand.u32 $0xFFFFFFF8, v2  }
0x348: {  	v2 =	vand.u32 $0x7, v2;
	v3 =	vadd.s32 s19, v3  }
0x349: {  	v2 =	vor.u32 v2, v3;
	_ =	sdelay $0x4  }
0x34a: {  	[tilespmem:v2+s12+$0x0] =	vst.idx.msk $0xffff, v1  }
0x34b: {  	v2 =	vld [tilespmem:s18+$0xFFFFFFC0];
	_ =	sdelay $0x4  }
0x34c: {  	v3 =	vand.u32 $0xFFFFFFF8, v2  }
0x34d: {  	v2 =	vand.u32 $0x7, v2;
	v3 =	vadd.s32 s19, v3  }
0x34e: {  	v2 =	vor.u32 v2, v3;
	_ =	sdelay $0x4  }
0x34f: {  	[tilespmem:v2+s12+$0x0] =	vst.idx.msk $0xffff, v1  }
0x350: {  	v2 =	vld [tilespmem:s18+$0xFFFFFFD0];
	_ =	sdelay $0x4  }
0x351: {  	v3 =	vand.u32 $0xFFFFFFF8, v2  }
0x352: {  	v2 =	vand.u32 $0x7, v2;
	v3 =	vadd.s32 s19, v3  }
0x353: {  	v2 =	vor.u32 v2, v3;
	_ =	sdelay $0x4  }
0x354: {  	[tilespmem:v2+s12+$0x0] =	vst.idx.msk $0xffff, v1  }
0x355: {  	v2 =	vld [tilespmem:s18+$0xFFFFFFE0];
	_ =	sdelay $0x4  }
0x356: {  	v3 =	vand.u32 $0xFFFFFFF8, v2  }
0x357: {  	v2 =	vand.u32 $0x7, v2;
	v3 =	vadd.s32 s19, v3  }
0x358: {  	v2 =	vor.u32 v2, v3;
	_ =	sdelay $0x4  }
0x359: {  	[tilespmem:v2+s12+$0x0] =	vst.idx.msk $0xffff, v1  }
0x35a: {  	v2 =	vld [tilespmem:s18+$0xFFFFFFF0];
	_ =	sdelay $0x4  }
0x35b: {  	v3 =	vand.u32 $0xFFFFFFF8, v2  }
0x35c: {  	v2 =	vand.u32 $0x7, v2;
	v3 =	vadd.s32 s19, v3  }
0x35d: {  	v2 =	vor.u32 v2, v3;
	_ =	sdelay $0x4  }
0x35e: {  	[tilespmem:v2+s12+$0x0] =	vst.idx.msk $0xffff, v1  }
0x35f: {  	v2 =	vld [tilespmem:s18+$0x0];
	_ =	sdelay $0x4  }
0x360: {  	v3 =	vand.u32 $0xFFFFFFF8, v2  }
0x361: {  	v2 =	vand.u32 $0x7, v2;
	v3 =	vadd.s32 s19, v3  }
0x362: {  	v2 =	vor.u32 v2, v3;
	_ =	sdelay $0x4  }
0x363: {  	[tilespmem:v2+s12+$0x0] =	vst.idx.msk $0xffff, v1  }
0x364: {  	v2 =	vld [tilespmem:s18+$0x10];
	_ =	sdelay $0x4  }
0x365: {  	v3 =	vand.u32 $0xFFFFFFF8, v2  }
0x366: {  	v2 =	vand.u32 $0x7, v2;
	v3 =	vadd.s32 s19, v3  }
0x367: {  	v2 =	vor.u32 v2, v3;
	_ =	sdelay $0x4  }
0x368: {  	[tilespmem:v2+s12+$0x0] =	vst.idx.msk $0xffff, v1  }
0x369: {  	v2 =	vld [tilespmem:s18+$0x20];
	_ =	sdelay $0x4  }
0x36a: {  	v3 =	vand.u32 $0xFFFFFFF8, v2  }
0x36b: {  	v2 =	vand.u32 $0x7, v2;
	v3 =	vadd.s32 s19, v3  }
0x36c: {  	v2 =	vor.u32 v2, v3;
	_ =	sdelay $0x4  }
0x36d: {  	[tilespmem:v2+s12+$0x0] =	vst.idx.msk $0xffff, v1  }
0x36e: {  	v2 =	vld [tilespmem:s18+$0x30];
	_ =	sdelay $0x4  }
0x36f: {  	v3 =	vand.u32 $0xFFFFFFF8, v2  }
0x370: {  	v2 =	vand.u32 $0x7, v2;
	v3 =	vadd.s32 s19, v3  }
0x371: {  	v2 =	vor.u32 v2, v3;
	_ =	sdelay $0x4  }
0x372: {  	[tilespmem:v2+s12+$0x0] =	vst.idx.msk $0xffff, v1  }
0x373: {  	v2 =	vld [tilespmem:s18+$0x40];
	_ =	sdelay $0x4  }
0x374: {  	v3 =	vand.u32 $0xFFFFFFF8, v2  }
0x375: {  	v2 =	vand.u32 $0x7, v2;
	v3 =	vadd.s32 s19, v3  }
0x376: {  	v2 =	vor.u32 v2, v3;
	_ =	sdelay $0x4  }
0x377: {  	[tilespmem:v2+s12+$0x0] =	vst.idx.msk $0xffff, v1  }
0x378: {  	v2 =	vld [tilespmem:s18+$0x50];
	_ =	sdelay $0x4  }
0x379: {  	v3 =	vand.u32 $0xFFFFFFF8, v2  }
0x37a: {  	v2 =	vand.u32 $0x7, v2;
	v3 =	vadd.s32 s19, v3  }
0x37b: {  	v2 =	vor.u32 v2, v3;
	_ =	sdelay $0x4  }
0x37c: {  	[tilespmem:v2+s12+$0x0] =	vst.idx.msk $0xffff, v1  }
0x37d: {  	v2 =	vld [tilespmem:s18+$0x60];
	_ =	sdelay $0x4  }
0x37e: {  	v3 =	vand.u32 $0xFFFFFFF8, v2  }
0x37f: {  	v2 =	vand.u32 $0x7, v2;
	v3 =	vadd.s32 s19, v3  }
0x380: {  	v2 =	vor.u32 v2, v3;
	_ =	sdelay $0x4  }
0x381: {  	[tilespmem:v2+s12+$0x0] =	vst.idx.msk $0xffff, v1  }
0x382: {  	v2 =	vld [tilespmem:s18+$0x70];
	_ =	sdelay $0x4  }
0x383: {  	v3 =	vand.u32 $0xFFFFFFF8, v2  }
0x384: {  	v2 =	vand.u32 $0x7, v2;
	v3 =	vadd.s32 s19, v3  }
0x385: {  	p0 =	sne.s32 s17, $0xF;
	v2 =	vor.u32 v2, v3  }
.Ltmp2:
0x386: {  	_ = 	snop;
	(pc) =	sbr.rel @p0 .LBB2_6-.Ltmp2, $2  }
0x387: {  	_ =	sdelay $0x2  }
0x388: {  	s17 =	sadd.s32 $0x1, s17;
	s18 =	sadd.s32 $0x100, s18;
	[tilespmem:v2+s12+$0x0] =	vst.idx.msk $0xffff, v1  }
0x389: {  	s17 =	simm.s32 $0x0;
	s18 =	simm.s32 $0x10F0  }
0x38a: {  	[hbm4b:s5+s17] =	stream.linear.scatter [tilespmem:s12], [sflag:$0x1], $0x8000, $0x38;
	[tilespmem:$0x14080] =	vst v63  }
.LBB2_8:
0x38b: {  	v2 =	vld [tilespmem:s18+$0xFFFFFF10];
	_ =	sdelay $0x4  }
0x38c: {  	s19 =	sshll.u32 s17, $0xB;
	v3 =	vand.u32 $0xFFFFFFF8, v2  }
0x38d: {  	v2 =	vand.u32 $0x7, v2;
	v3 =	vadd.s32 s19, v3  }
0x38e: {  	v2 =	vor.u32 v2, v3;
	_ =	sdelay $0x4  }
0x38f: {  	[tilespmem:v2+s13+$0x0] =	vst.idx.msk $0xffff, v1  }
0x390: {  	v2 =	vld [tilespmem:s18+$0xFFFFFF20];
	_ =	sdelay $0x4  }
0x391: {  	v3 =	vand.u32 $0xFFFFFFF8, v2  }
0x392: {  	v2 =	vand.u32 $0x7, v2;
	v3 =	vadd.s32 s19, v3  }
0x393: {  	v2 =	vor.u32 v2, v3;
	_ =	sdelay $0x4  }
0x394: {  	[tilespmem:v2+s13+$0x0] =	vst.idx.msk $0xffff, v1  }
0x395: {  	v2 =	vld [tilespmem:s18+$0xFFFFFF30];
	_ =	sdelay $0x4  }
0x396: {  	v3 =	vand.u32 $0xFFFFFFF8, v2  }
0x397: {  	v2 =	vand.u32 $0x7, v2;
	v3 =	vadd.s32 s19, v3  }
0x398: {  	v2 =	vor.u32 v2, v3;
	_ =	sdelay $0x4  }
0x399: {  	[tilespmem:v2+s13+$0x0] =	vst.idx.msk $0xffff, v1  }
0x39a: {  	v2 =	vld [tilespmem:s18+$0xFFFFFF40];
	_ =	sdelay $0x4  }
0x39b: {  	v3 =	vand.u32 $0xFFFFFFF8, v2  }
0x39c: {  	v2 =	vand.u32 $0x7, v2;
	v3 =	vadd.s32 s19, v3  }
0x39d: {  	v2 =	vor.u32 v2, v3;
	_ =	sdelay $0x4  }
0x39e: {  	[tilespmem:v2+s13+$0x0] =	vst.idx.msk $0xffff, v1  }
0x39f: {  	v2 =	vld [tilespmem:s18+$0xFFFFFF50];
	_ =	sdelay $0x4  }
0x3a0: {  	v3 =	vand.u32 $0xFFFFFFF8, v2  }
0x3a1: {  	v2 =	vand.u32 $0x7, v2;
	v3 =	vadd.s32 s19, v3  }
0x3a2: {  	v2 =	vor.u32 v2, v3;
	_ =	sdelay $0x4  }
0x3a3: {  	[tilespmem:v2+s13+$0x0] =	vst.idx.msk $0xffff, v1  }
0x3a4: {  	v2 =	vld [tilespmem:s18+$0xFFFFFF60];
	_ =	sdelay $0x4  }
0x3a5: {  	v3 =	vand.u32 $0xFFFFFFF8, v2  }
0x3a6: {  	v2 =	vand.u32 $0x7, v2;
	v3 =	vadd.s32 s19, v3  }
0x3a7: {  	v2 =	vor.u32 v2, v3;
	_ =	sdelay $0x4  }
0x3a8: {  	[tilespmem:v2+s13+$0x0] =	vst.idx.msk $0xffff, v1  }
0x3a9: {  	v2 =	vld [tilespmem:s18+$0xFFFFFF70];
	_ =	sdelay $0x4  }
0x3aa: {  	v3 =	vand.u32 $0xFFFFFFF8, v2  }
0x3ab: {  	v2 =	vand.u32 $0x7, v2;
	v3 =	vadd.s32 s19, v3  }
0x3ac: {  	v2 =	vor.u32 v2, v3;
	_ =	sdelay $0x4  }
0x3ad: {  	[tilespmem:v2+s13+$0x0] =	vst.idx.msk $0xffff, v1  }
0x3ae: {  	v2 =	vld [tilespmem:s18+$0xFFFFFF80];
	_ =	sdelay $0x4  }
0x3af: {  	v3 =	vand.u32 $0xFFFFFFF8, v2  }
0x3b0: {  	v2 =	vand.u32 $0x7, v2;
	v3 =	vadd.s32 s19, v3  }
0x3b1: {  	v2 =	vor.u32 v2, v3;
	_ =	sdelay $0x4  }
0x3b2: {  	[tilespmem:v2+s13+$0x0] =	vst.idx.msk $0xffff, v1  }
0x3b3: {  	v2 =	vld [tilespmem:s18+$0xFFFFFF90];
	_ =	sdelay $0x4  }
0x3b4: {  	v3 =	vand.u32 $0xFFFFFFF8, v2  }
0x3b5: {  	v2 =	vand.u32 $0x7, v2;
	v3 =	vadd.s32 s19, v3  }
0x3b6: {  	v2 =	vor.u32 v2, v3;
	_ =	sdelay $0x4  }
0x3b7: {  	[tilespmem:v2+s13+$0x0] =	vst.idx.msk $0xffff, v1  }
0x3b8: {  	v2 =	vld [tilespmem:s18+$0xFFFFFFA0];
	_ =	sdelay $0x4  }
0x3b9: {  	v3 =	vand.u32 $0xFFFFFFF8, v2  }
0x3ba: {  	v2 =	vand.u32 $0x7, v2;
	v3 =	vadd.s32 s19, v3  }
0x3bb: {  	v2 =	vor.u32 v2, v3;
	_ =	sdelay $0x4  }
0x3bc: {  	[tilespmem:v2+s13+$0x0] =	vst.idx.msk $0xffff, v1  }
0x3bd: {  	v2 =	vld [tilespmem:s18+$0xFFFFFFB0];
	_ =	sdelay $0x4  }
0x3be: {  	v3 =	vand.u32 $0xFFFFFFF8, v2  }
0x3bf: {  	v2 =	vand.u32 $0x7, v2;
	v3 =	vadd.s32 s19, v3  }
0x3c0: {  	v2 =	vor.u32 v2, v3;
	_ =	sdelay $0x4  }
0x3c1: {  	[tilespmem:v2+s13+$0x0] =	vst.idx.msk $0xffff, v1  }
0x3c2: {  	v2 =	vld [tilespmem:s18+$0xFFFFFFC0];
	_ =	sdelay $0x4  }
0x3c3: {  	v3 =	vand.u32 $0xFFFFFFF8, v2  }
0x3c4: {  	v2 =	vand.u32 $0x7, v2;
	v3 =	vadd.s32 s19, v3  }
0x3c5: {  	v2 =	vor.u32 v2, v3;
	_ =	sdelay $0x4  }
0x3c6: {  	[tilespmem:v2+s13+$0x0] =	vst.idx.msk $0xffff, v1  }
0x3c7: {  	v2 =	vld [tilespmem:s18+$0xFFFFFFD0];
	_ =	sdelay $0x4  }
0x3c8: {  	v3 =	vand.u32 $0xFFFFFFF8, v2  }
0x3c9: {  	v2 =	vand.u32 $0x7, v2;
	v3 =	vadd.s32 s19, v3  }
0x3ca: {  	v2 =	vor.u32 v2, v3;
	_ =	sdelay $0x4  }
0x3cb: {  	[tilespmem:v2+s13+$0x0] =	vst.idx.msk $0xffff, v1  }
0x3cc: {  	v2 =	vld [tilespmem:s18+$0xFFFFFFE0];
	_ =	sdelay $0x4  }
0x3cd: {  	v3 =	vand.u32 $0xFFFFFFF8, v2  }
0x3ce: {  	v2 =	vand.u32 $0x7, v2;
	v3 =	vadd.s32 s19, v3  }
0x3cf: {  	v2 =	vor.u32 v2, v3;
	_ =	sdelay $0x4  }
0x3d0: {  	[tilespmem:v2+s13+$0x0] =	vst.idx.msk $0xffff, v1  }
0x3d1: {  	v2 =	vld [tilespmem:s18+$0xFFFFFFF0];
	_ =	sdelay $0x4  }
0x3d2: {  	v3 =	vand.u32 $0xFFFFFFF8, v2  }
0x3d3: {  	v2 =	vand.u32 $0x7, v2;
	v3 =	vadd.s32 s19, v3  }
0x3d4: {  	v2 =	vor.u32 v2, v3;
	_ =	sdelay $0x4  }
0x3d5: {  	[tilespmem:v2+s13+$0x0] =	vst.idx.msk $0xffff, v1  }
0x3d6: {  	v2 =	vld [tilespmem:s18+$0x0];
	_ =	sdelay $0x4  }
0x3d7: {  	v3 =	vand.u32 $0xFFFFFFF8, v2  }
0x3d8: {  	v2 =	vand.u32 $0x7, v2;
	v3 =	vadd.s32 s19, v3  }
0x3d9: {  	p0 =	sne.s32 s17, $0xF;
	v2 =	vor.u32 v2, v3  }
.Ltmp3:
0x3da: {  	_ = 	snop;
	(pc) =	sbr.rel @p0 .LBB2_8-.Ltmp3, $2  }
0x3db: {  	_ =	sdelay $0x2  }
0x3dc: {  	s17 =	sadd.s32 $0x1, s17;
	s18 =	sadd.s32 $0x100, s18;
	[tilespmem:v2+s13+$0x0] =	vst.idx.msk $0xffff, v1  }
0x3dd: {  	s17 =	simm.s32 $0x0  }
0x3de: {  	[hbm4b:s6+s17] =	stream.linear.scatter [tilespmem:s13], [sflag:$0x2], $0x8000, $0x38;
	[tilespmem:$0x14080] =	vst v63  }
0x3df: {  	_ =	swait.ge [sflag:s14], $0x8000  }
0x3e0: {  	[sflag:s14] =	ssyncset.done $0x0  }
0x3e1: {  	s18 =	simm.s32 $0x80;
	s19 =	simm.s32 $0x0;
	[sflag:s14] =	ssyncadd.s32 $0xFFFF8000  }
.LBB2_10:
0x3e2: {  	v2 =	vld [tilespmem:s18+$0xFFFFFF80];
	_ =	sdelay $0x4  }
0x3e3: {  	s20 =	sshll.u32 s19, $0xB;
	v3 =	vand.u32 $0xFFFFFFF8, v2  }
0x3e4: {  	v2 =	vand.u32 $0x7, v2;
	v3 =	vadd.s32 s20, v3  }
0x3e5: {  	v2 =	vor.u32 v2, v3;
	_ =	sdelay $0x4  }
0x3e6: {  	[tilespmem:v2+s12+$0x0] =	vst.idx.msk $0xffff, v0  }
0x3e7: {  	v2 =	vld [tilespmem:s18+$0xFFFFFF90];
	_ =	sdelay $0x4  }
0x3e8: {  	v3 =	vand.u32 $0xFFFFFFF8, v2  }
0x3e9: {  	v2 =	vand.u32 $0x7, v2;
	v3 =	vadd.s32 s20, v3  }
0x3ea: {  	v2 =	vor.u32 v2, v3;
	_ =	sdelay $0x4  }
0x3eb: {  	[tilespmem:v2+s12+$0x0] =	vst.idx.msk $0xffff, v0  }
0x3ec: {  	v2 =	vld [tilespmem:s18+$0xFFFFFFA0];
	_ =	sdelay $0x4  }
0x3ed: {  	v3 =	vand.u32 $0xFFFFFFF8, v2  }
0x3ee: {  	v2 =	vand.u32 $0x7, v2;
	v3 =	vadd.s32 s20, v3  }
0x3ef: {  	v2 =	vor.u32 v2, v3;
	_ =	sdelay $0x4  }
0x3f0: {  	[tilespmem:v2+s12+$0x0] =	vst.idx.msk $0xffff, v0  }
0x3f1: {  	v2 =	vld [tilespmem:s18+$0xFFFFFFB0];
	_ =	sdelay $0x4  }
0x3f2: {  	v3 =	vand.u32 $0xFFFFFFF8, v2  }
0x3f3: {  	v2 =	vand.u32 $0x7, v2;
	v3 =	vadd.s32 s20, v3  }
0x3f4: {  	v2 =	vor.u32 v2, v3;
	_ =	sdelay $0x4  }
0x3f5: {  	[tilespmem:v2+s12+$0x0] =	vst.idx.msk $0xffff, v0  }
0x3f6: {  	v2 =	vld [tilespmem:s18+$0xFFFFFFC0];
	_ =	sdelay $0x4  }
0x3f7: {  	v3 =	vand.u32 $0xFFFFFFF8, v2  }
0x3f8: {  	v2 =	vand.u32 $0x7, v2;
	v3 =	vadd.s32 s20, v3  }
0x3f9: {  	v2 =	vor.u32 v2, v3;
	_ =	sdelay $0x4  }
0x3fa: {  	[tilespmem:v2+s12+$0x0] =	vst.idx.msk $0xffff, v0  }
0x3fb: {  	v2 =	vld [tilespmem:s18+$0xFFFFFFD0];
	_ =	sdelay $0x4  }
0x3fc: {  	v3 =	vand.u32 $0xFFFFFFF8, v2  }
0x3fd: {  	v2 =	vand.u32 $0x7, v2;
	v3 =	vadd.s32 s20, v3  }
0x3fe: {  	v2 =	vor.u32 v2, v3;
	_ =	sdelay $0x4  }
0x3ff: {  	[tilespmem:v2+s12+$0x0] =	vst.idx.msk $0xffff, v0  }
0x400: {  	v2 =	vld [tilespmem:s18+$0xFFFFFFE0];
	_ =	sdelay $0x4  }
0x401: {  	v3 =	vand.u32 $0xFFFFFFF8, v2  }
0x402: {  	v2 =	vand.u32 $0x7, v2;
	v3 =	vadd.s32 s20, v3  }
0x403: {  	v2 =	vor.u32 v2, v3;
	_ =	sdelay $0x4  }
0x404: {  	[tilespmem:v2+s12+$0x0] =	vst.idx.msk $0xffff, v0  }
0x405: {  	v2 =	vld [tilespmem:s18+$0xFFFFFFF0];
	_ =	sdelay $0x4  }
0x406: {  	v3 =	vand.u32 $0xFFFFFFF8, v2  }
0x407: {  	v2 =	vand.u32 $0x7, v2;
	v3 =	vadd.s32 s20, v3  }
0x408: {  	v2 =	vor.u32 v2, v3;
	_ =	sdelay $0x4  }
0x409: {  	[tilespmem:v2+s12+$0x0] =	vst.idx.msk $0xffff, v0  }
0x40a: {  	v2 =	vld [tilespmem:s18+$0x0];
	_ =	sdelay $0x4  }
0x40b: {  	v3 =	vand.u32 $0xFFFFFFF8, v2  }
0x40c: {  	v2 =	vand.u32 $0x7, v2;
	v3 =	vadd.s32 s20, v3  }
0x40d: {  	v2 =	vor.u32 v2, v3;
	_ =	sdelay $0x4  }
0x40e: {  	[tilespmem:v2+s12+$0x0] =	vst.idx.msk $0xffff, v0  }
0x40f: {  	v2 =	vld [tilespmem:s18+$0x10];
	_ =	sdelay $0x4  }
0x410: {  	v3 =	vand.u32 $0xFFFFFFF8, v2  }
0x411: {  	v2 =	vand.u32 $0x7, v2;
	v3 =	vadd.s32 s20, v3  }
0x412: {  	v2 =	vor.u32 v2, v3;
	_ =	sdelay $0x4  }
0x413: {  	[tilespmem:v2+s12+$0x0] =	vst.idx.msk $0xffff, v0  }
0x414: {  	v2 =	vld [tilespmem:s18+$0x20];
	_ =	sdelay $0x4  }
0x415: {  	v3 =	vand.u32 $0xFFFFFFF8, v2  }
0x416: {  	v2 =	vand.u32 $0x7, v2;
	v3 =	vadd.s32 s20, v3  }
0x417: {  	v2 =	vor.u32 v2, v3;
	_ =	sdelay $0x4  }
0x418: {  	[tilespmem:v2+s12+$0x0] =	vst.idx.msk $0xffff, v0  }
0x419: {  	v2 =	vld [tilespmem:s18+$0x30];
	_ =	sdelay $0x4  }
0x41a: {  	v3 =	vand.u32 $0xFFFFFFF8, v2  }
0x41b: {  	v2 =	vand.u32 $0x7, v2;
	v3 =	vadd.s32 s20, v3  }
0x41c: {  	v2 =	vor.u32 v2, v3;
	_ =	sdelay $0x4  }
0x41d: {  	[tilespmem:v2+s12+$0x0] =	vst.idx.msk $0xffff, v0  }
0x41e: {  	v2 =	vld [tilespmem:s18+$0x40];
	_ =	sdelay $0x4  }
0x41f: {  	v3 =	vand.u32 $0xFFFFFFF8, v2  }
0x420: {  	v2 =	vand.u32 $0x7, v2;
	v3 =	vadd.s32 s20, v3  }
0x421: {  	v2 =	vor.u32 v2, v3;
	_ =	sdelay $0x4  }
0x422: {  	[tilespmem:v2+s12+$0x0] =	vst.idx.msk $0xffff, v0  }
0x423: {  	v2 =	vld [tilespmem:s18+$0x50];
	_ =	sdelay $0x4  }
0x424: {  	v3 =	vand.u32 $0xFFFFFFF8, v2  }
0x425: {  	v2 =	vand.u32 $0x7, v2;
	v3 =	vadd.s32 s20, v3  }
0x426: {  	v2 =	vor.u32 v2, v3;
	_ =	sdelay $0x4  }
0x427: {  	[tilespmem:v2+s12+$0x0] =	vst.idx.msk $0xffff, v0  }
0x428: {  	v2 =	vld [tilespmem:s18+$0x60];
	_ =	sdelay $0x4  }
0x429: {  	v3 =	vand.u32 $0xFFFFFFF8, v2  }
0x42a: {  	v2 =	vand.u32 $0x7, v2;
	v3 =	vadd.s32 s20, v3  }
0x42b: {  	v2 =	vor.u32 v2, v3;
	_ =	sdelay $0x4  }
0x42c: {  	[tilespmem:v2+s12+$0x0] =	vst.idx.msk $0xffff, v0  }
0x42d: {  	v2 =	vld [tilespmem:s18+$0x70];
	_ =	sdelay $0x4  }
0x42e: {  	v3 =	vand.u32 $0xFFFFFFF8, v2  }
0x42f: {  	v2 =	vand.u32 $0x7, v2;
	v3 =	vadd.s32 s20, v3  }
0x430: {  	p0 =	sne.s32 s19, $0xF;
	v2 =	vor.u32 v2, v3  }
.Ltmp4:
0x431: {  	_ = 	snop;
	(pc) =	sbr.rel @p0 .LBB2_10-.Ltmp4, $2  }
0x432: {  	_ =	sdelay $0x2  }
0x433: {  	s19 =	sadd.s32 $0x1, s19;
	s18 =	sadd.s32 $0x100, s18;
	[tilespmem:v2+s12+$0x0] =	vst.idx.msk $0xffff, v0  }
0x434: {  	s18 =	simm.s32 $0x20F0  }
.LBB2_12:
0x435: {  	v2 =	vld [tilespmem:s18+$0xFFFFFF10];
	_ =	sdelay $0x4  }
0x436: {  	s19 =	sshll.u32 s17, $0xB;
	v3 =	vand.u32 $0xFFFFFFF8, v2  }
0x437: {  	v2 =	vand.u32 $0x7, v2;
	v3 =	vadd.s32 s19, v3  }
0x438: {  	v2 =	vor.u32 v2, v3;
	_ =	sdelay $0x4  }
0x439: {  	[tilespmem:v2+s12+$0x0] =	vst.idx.msk $0xffff, v1  }
0x43a: {  	v2 =	vld [tilespmem:s18+$0xFFFFFF20];
	_ =	sdelay $0x4  }
0x43b: {  	v3 =	vand.u32 $0xFFFFFFF8, v2  }
0x43c: {  	v2 =	vand.u32 $0x7, v2;
	v3 =	vadd.s32 s19, v3  }
0x43d: {  	v2 =	vor.u32 v2, v3;
	_ =	sdelay $0x4  }
0x43e: {  	[tilespmem:v2+s12+$0x0] =	vst.idx.msk $0xffff, v1  }
0x43f: {  	v2 =	vld [tilespmem:s18+$0xFFFFFF30];
	_ =	sdelay $0x4  }
0x440: {  	v3 =	vand.u32 $0xFFFFFFF8, v2  }
0x441: {  	v2 =	vand.u32 $0x7, v2;
	v3 =	vadd.s32 s19, v3  }
0x442: {  	v2 =	vor.u32 v2, v3;
	_ =	sdelay $0x4  }
0x443: {  	[tilespmem:v2+s12+$0x0] =	vst.idx.msk $0xffff, v1  }
0x444: {  	v2 =	vld [tilespmem:s18+$0xFFFFFF40];
	_ =	sdelay $0x4  }
0x445: {  	v3 =	vand.u32 $0xFFFFFFF8, v2  }
0x446: {  	v2 =	vand.u32 $0x7, v2;
	v3 =	vadd.s32 s19, v3  }
0x447: {  	v2 =	vor.u32 v2, v3;
	_ =	sdelay $0x4  }
0x448: {  	[tilespmem:v2+s12+$0x0] =	vst.idx.msk $0xffff, v1  }
0x449: {  	v2 =	vld [tilespmem:s18+$0xFFFFFF50];
	_ =	sdelay $0x4  }
0x44a: {  	v3 =	vand.u32 $0xFFFFFFF8, v2  }
0x44b: {  	v2 =	vand.u32 $0x7, v2;
	v3 =	vadd.s32 s19, v3  }
0x44c: {  	v2 =	vor.u32 v2, v3;
	_ =	sdelay $0x4  }
0x44d: {  	[tilespmem:v2+s12+$0x0] =	vst.idx.msk $0xffff, v1  }
0x44e: {  	v2 =	vld [tilespmem:s18+$0xFFFFFF60];
	_ =	sdelay $0x4  }
0x44f: {  	v3 =	vand.u32 $0xFFFFFFF8, v2  }
0x450: {  	v2 =	vand.u32 $0x7, v2;
	v3 =	vadd.s32 s19, v3  }
0x451: {  	v2 =	vor.u32 v2, v3;
	_ =	sdelay $0x4  }
0x452: {  	[tilespmem:v2+s12+$0x0] =	vst.idx.msk $0xffff, v1  }
0x453: {  	v2 =	vld [tilespmem:s18+$0xFFFFFF70];
	_ =	sdelay $0x4  }
0x454: {  	v3 =	vand.u32 $0xFFFFFFF8, v2  }
0x455: {  	v2 =	vand.u32 $0x7, v2;
	v3 =	vadd.s32 s19, v3  }
0x456: {  	v2 =	vor.u32 v2, v3;
	_ =	sdelay $0x4  }
0x457: {  	[tilespmem:v2+s12+$0x0] =	vst.idx.msk $0xffff, v1  }
0x458: {  	v2 =	vld [tilespmem:s18+$0xFFFFFF80];
	_ =	sdelay $0x4  }
0x459: {  	v3 =	vand.u32 $0xFFFFFFF8, v2  }
0x45a: {  	v2 =	vand.u32 $0x7, v2;
	v3 =	vadd.s32 s19, v3  }
0x45b: {  	v2 =	vor.u32 v2, v3;
	_ =	sdelay $0x4  }
0x45c: {  	[tilespmem:v2+s12+$0x0] =	vst.idx.msk $0xffff, v1  }
0x45d: {  	v2 =	vld [tilespmem:s18+$0xFFFFFF90];
	_ =	sdelay $0x4  }
0x45e: {  	v3 =	vand.u32 $0xFFFFFFF8, v2  }
0x45f: {  	v2 =	vand.u32 $0x7, v2;
	v3 =	vadd.s32 s19, v3  }
0x460: {  	v2 =	vor.u32 v2, v3;
	_ =	sdelay $0x4  }
0x461: {  	[tilespmem:v2+s12+$0x0] =	vst.idx.msk $0xffff, v1  }
0x462: {  	v2 =	vld [tilespmem:s18+$0xFFFFFFA0];
	_ =	sdelay $0x4  }
0x463: {  	v3 =	vand.u32 $0xFFFFFFF8, v2  }
0x464: {  	v2 =	vand.u32 $0x7, v2;
	v3 =	vadd.s32 s19, v3  }
0x465: {  	v2 =	vor.u32 v2, v3;
	_ =	sdelay $0x4  }
0x466: {  	[tilespmem:v2+s12+$0x0] =	vst.idx.msk $0xffff, v1  }
0x467: {  	v2 =	vld [tilespmem:s18+$0xFFFFFFB0];
	_ =	sdelay $0x4  }
0x468: {  	v3 =	vand.u32 $0xFFFFFFF8, v2  }
0x469: {  	v2 =	vand.u32 $0x7, v2;
	v3 =	vadd.s32 s19, v3  }
0x46a: {  	v2 =	vor.u32 v2, v3;
	_ =	sdelay $0x4  }
0x46b: {  	[tilespmem:v2+s12+$0x0] =	vst.idx.msk $0xffff, v1  }
0x46c: {  	v2 =	vld [tilespmem:s18+$0xFFFFFFC0];
	_ =	sdelay $0x4  }
0x46d: {  	v3 =	vand.u32 $0xFFFFFFF8, v2  }
0x46e: {  	v2 =	vand.u32 $0x7, v2;
	v3 =	vadd.s32 s19, v3  }
0x46f: {  	v2 =	vor.u32 v2, v3;
	_ =	sdelay $0x4  }
0x470: {  	[tilespmem:v2+s12+$0x0] =	vst.idx.msk $0xffff, v1  }
0x471: {  	v2 =	vld [tilespmem:s18+$0xFFFFFFD0];
	_ =	sdelay $0x4  }
0x472: {  	v3 =	vand.u32 $0xFFFFFFF8, v2  }
0x473: {  	v2 =	vand.u32 $0x7, v2;
	v3 =	vadd.s32 s19, v3  }
0x474: {  	v2 =	vor.u32 v2, v3;
	_ =	sdelay $0x4  }
0x475: {  	[tilespmem:v2+s12+$0x0] =	vst.idx.msk $0xffff, v1  }
0x476: {  	v2 =	vld [tilespmem:s18+$0xFFFFFFE0];
	_ =	sdelay $0x4  }
0x477: {  	v3 =	vand.u32 $0xFFFFFFF8, v2  }
0x478: {  	v2 =	vand.u32 $0x7, v2;
	v3 =	vadd.s32 s19, v3  }
0x479: {  	v2 =	vor.u32 v2, v3;
	_ =	sdelay $0x4  }
0x47a: {  	[tilespmem:v2+s12+$0x0] =	vst.idx.msk $0xffff, v1  }
0x47b: {  	v2 =	vld [tilespmem:s18+$0xFFFFFFF0];
	_ =	sdelay $0x4  }
0x47c: {  	v3 =	vand.u32 $0xFFFFFFF8, v2  }
0x47d: {  	v2 =	vand.u32 $0x7, v2;
	v3 =	vadd.s32 s19, v3  }
0x47e: {  	v2 =	vor.u32 v2, v3;
	_ =	sdelay $0x4  }
0x47f: {  	[tilespmem:v2+s12+$0x0] =	vst.idx.msk $0xffff, v1  }
0x480: {  	v2 =	vld [tilespmem:s18+$0x0];
	_ =	sdelay $0x4  }
0x481: {  	v3 =	vand.u32 $0xFFFFFFF8, v2  }
0x482: {  	v2 =	vand.u32 $0x7, v2;
	v3 =	vadd.s32 s19, v3  }
0x483: {  	p0 =	sne.s32 s17, $0xF;
	v2 =	vor.u32 v2, v3  }
.Ltmp5:
0x484: {  	_ = 	snop;
	(pc) =	sbr.rel @p0 .LBB2_12-.Ltmp5, $2  }
0x485: {  	_ =	sdelay $0x2  }
0x486: {  	s17 =	sadd.s32 $0x1, s17;
	s18 =	sadd.s32 $0x100, s18;
	[tilespmem:v2+s12+$0x0] =	vst.idx.msk $0xffff, v1  }
0x487: {  	s17 =	simm.s32 $0x0  }
0x488: {  	[hbm4b:s7+s17] =	stream.linear.scatter [tilespmem:s12], [sflag:$0x1], $0x8000, $0x38;
	[tilespmem:$0x14080] =	vst v63  }
0x489: {  	_ =	swait.ge [sflag:s15], $0x8000  }
0x48a: {  	[sflag:s15] =	ssyncset.done $0x0  }
0x48b: {  	s18 =	simm.s32 $0x10F0;
	s19 =	simm.s32 $0x0;
	[sflag:s15] =	ssyncadd.s32 $0xFFFF8000  }
.LBB2_14:
0x48c: {  	v2 =	vld [tilespmem:s18+$0xFFFFFF10];
	_ =	sdelay $0x4  }
0x48d: {  	s20 =	sshll.u32 s19, $0xB;
	v3 =	vand.u32 $0xFFFFFFF8, v2  }
0x48e: {  	v2 =	vand.u32 $0x7, v2;
	v3 =	vadd.s32 s20, v3  }
0x48f: {  	v2 =	vor.u32 v2, v3;
	_ =	sdelay $0x4  }
0x490: {  	[tilespmem:v2+s13+$0x0] =	vst.idx.msk $0xffff, v0  }
0x491: {  	v2 =	vld [tilespmem:s18+$0xFFFFFF20];
	_ =	sdelay $0x4  }
0x492: {  	v3 =	vand.u32 $0xFFFFFFF8, v2  }
0x493: {  	v2 =	vand.u32 $0x7, v2;
	v3 =	vadd.s32 s20, v3  }
0x494: {  	v2 =	vor.u32 v2, v3;
	_ =	sdelay $0x4  }
0x495: {  	[tilespmem:v2+s13+$0x0] =	vst.idx.msk $0xffff, v0  }
0x496: {  	v2 =	vld [tilespmem:s18+$0xFFFFFF30];
	_ =	sdelay $0x4  }
0x497: {  	v3 =	vand.u32 $0xFFFFFFF8, v2  }
0x498: {  	v2 =	vand.u32 $0x7, v2;
	v3 =	vadd.s32 s20, v3  }
0x499: {  	v2 =	vor.u32 v2, v3;
	_ =	sdelay $0x4  }
0x49a: {  	[tilespmem:v2+s13+$0x0] =	vst.idx.msk $0xffff, v0  }
0x49b: {  	v2 =	vld [tilespmem:s18+$0xFFFFFF40];
	_ =	sdelay $0x4  }
0x49c: {  	v3 =	vand.u32 $0xFFFFFFF8, v2  }
0x49d: {  	v2 =	vand.u32 $0x7, v2;
	v3 =	vadd.s32 s20, v3  }
0x49e: {  	v2 =	vor.u32 v2, v3;
	_ =	sdelay $0x4  }
0x49f: {  	[tilespmem:v2+s13+$0x0] =	vst.idx.msk $0xffff, v0  }
0x4a0: {  	v2 =	vld [tilespmem:s18+$0xFFFFFF50];
	_ =	sdelay $0x4  }
0x4a1: {  	v3 =	vand.u32 $0xFFFFFFF8, v2  }
0x4a2: {  	v2 =	vand.u32 $0x7, v2;
	v3 =	vadd.s32 s20, v3  }
0x4a3: {  	v2 =	vor.u32 v2, v3;
	_ =	sdelay $0x4  }
0x4a4: {  	[tilespmem:v2+s13+$0x0] =	vst.idx.msk $0xffff, v0  }
0x4a5: {  	v2 =	vld [tilespmem:s18+$0xFFFFFF60];
	_ =	sdelay $0x4  }
0x4a6: {  	v3 =	vand.u32 $0xFFFFFFF8, v2  }
0x4a7: {  	v2 =	vand.u32 $0x7, v2;
	v3 =	vadd.s32 s20, v3  }
0x4a8: {  	v2 =	vor.u32 v2, v3;
	_ =	sdelay $0x4  }
0x4a9: {  	[tilespmem:v2+s13+$0x0] =	vst.idx.msk $0xffff, v0  }
0x4aa: {  	v2 =	vld [tilespmem:s18+$0xFFFFFF70];
	_ =	sdelay $0x4  }
0x4ab: {  	v3 =	vand.u32 $0xFFFFFFF8, v2  }
0x4ac: {  	v2 =	vand.u32 $0x7, v2;
	v3 =	vadd.s32 s20, v3  }
0x4ad: {  	v2 =	vor.u32 v2, v3;
	_ =	sdelay $0x4  }
0x4ae: {  	[tilespmem:v2+s13+$0x0] =	vst.idx.msk $0xffff, v0  }
0x4af: {  	v2 =	vld [tilespmem:s18+$0xFFFFFF80];
	_ =	sdelay $0x4  }
0x4b0: {  	v3 =	vand.u32 $0xFFFFFFF8, v2  }
0x4b1: {  	v2 =	vand.u32 $0x7, v2;
	v3 =	vadd.s32 s20, v3  }
0x4b2: {  	v2 =	vor.u32 v2, v3;
	_ =	sdelay $0x4  }
0x4b3: {  	[tilespmem:v2+s13+$0x0] =	vst.idx.msk $0xffff, v0  }
0x4b4: {  	v2 =	vld [tilespmem:s18+$0xFFFFFF90];
	_ =	sdelay $0x4  }
0x4b5: {  	v3 =	vand.u32 $0xFFFFFFF8, v2  }
0x4b6: {  	v2 =	vand.u32 $0x7, v2;
	v3 =	vadd.s32 s20, v3  }
0x4b7: {  	v2 =	vor.u32 v2, v3;
	_ =	sdelay $0x4  }
0x4b8: {  	[tilespmem:v2+s13+$0x0] =	vst.idx.msk $0xffff, v0  }
0x4b9: {  	v2 =	vld [tilespmem:s18+$0xFFFFFFA0];
	_ =	sdelay $0x4  }
0x4ba: {  	v3 =	vand.u32 $0xFFFFFFF8, v2  }
0x4bb: {  	v2 =	vand.u32 $0x7, v2;
	v3 =	vadd.s32 s20, v3  }
0x4bc: {  	v2 =	vor.u32 v2, v3;
	_ =	sdelay $0x4  }
0x4bd: {  	[tilespmem:v2+s13+$0x0] =	vst.idx.msk $0xffff, v0  }
0x4be: {  	v2 =	vld [tilespmem:s18+$0xFFFFFFB0];
	_ =	sdelay $0x4  }
0x4bf: {  	v3 =	vand.u32 $0xFFFFFFF8, v2  }
0x4c0: {  	v2 =	vand.u32 $0x7, v2;
	v3 =	vadd.s32 s20, v3  }
0x4c1: {  	v2 =	vor.u32 v2, v3;
	_ =	sdelay $0x4  }
0x4c2: {  	[tilespmem:v2+s13+$0x0] =	vst.idx.msk $0xffff, v0  }
0x4c3: {  	v2 =	vld [tilespmem:s18+$0xFFFFFFC0];
	_ =	sdelay $0x4  }
0x4c4: {  	v3 =	vand.u32 $0xFFFFFFF8, v2  }
0x4c5: {  	v2 =	vand.u32 $0x7, v2;
	v3 =	vadd.s32 s20, v3  }
0x4c6: {  	v2 =	vor.u32 v2, v3;
	_ =	sdelay $0x4  }
0x4c7: {  	[tilespmem:v2+s13+$0x0] =	vst.idx.msk $0xffff, v0  }
0x4c8: {  	v2 =	vld [tilespmem:s18+$0xFFFFFFD0];
	_ =	sdelay $0x4  }
0x4c9: {  	v3 =	vand.u32 $0xFFFFFFF8, v2  }
0x4ca: {  	v2 =	vand.u32 $0x7, v2;
	v3 =	vadd.s32 s20, v3  }
0x4cb: {  	v2 =	vor.u32 v2, v3;
	_ =	sdelay $0x4  }
0x4cc: {  	[tilespmem:v2+s13+$0x0] =	vst.idx.msk $0xffff, v0  }
0x4cd: {  	v2 =	vld [tilespmem:s18+$0xFFFFFFE0];
	_ =	sdelay $0x4  }
0x4ce: {  	v3 =	vand.u32 $0xFFFFFFF8, v2  }
0x4cf: {  	v2 =	vand.u32 $0x7, v2;
	v3 =	vadd.s32 s20, v3  }
0x4d0: {  	v2 =	vor.u32 v2, v3;
	_ =	sdelay $0x4  }
0x4d1: {  	[tilespmem:v2+s13+$0x0] =	vst.idx.msk $0xffff, v0  }
0x4d2: {  	v2 =	vld [tilespmem:s18+$0xFFFFFFF0];
	_ =	sdelay $0x4  }
0x4d3: {  	v3 =	vand.u32 $0xFFFFFFF8, v2  }
0x4d4: {  	v2 =	vand.u32 $0x7, v2;
	v3 =	vadd.s32 s20, v3  }
0x4d5: {  	v2 =	vor.u32 v2, v3;
	_ =	sdelay $0x4  }
0x4d6: {  	[tilespmem:v2+s13+$0x0] =	vst.idx.msk $0xffff, v0  }
0x4d7: {  	v2 =	vld [tilespmem:s18+$0x0];
	_ =	sdelay $0x4  }
0x4d8: {  	v3 =	vand.u32 $0xFFFFFFF8, v2  }
0x4d9: {  	v2 =	vand.u32 $0x7, v2;
	v3 =	vadd.s32 s20, v3  }
0x4da: {  	p0 =	sne.s32 s19, $0xF;
	v2 =	vor.u32 v2, v3  }
.Ltmp6:
0x4db: {  	_ = 	snop;
	(pc) =	sbr.rel @p0 .LBB2_14-.Ltmp6, $2  }
0x4dc: {  	_ =	sdelay $0x2  }
0x4dd: {  	s19 =	sadd.s32 $0x1, s19;
	s18 =	sadd.s32 $0x100, s18;
	[tilespmem:v2+s13+$0x0] =	vst.idx.msk $0xffff, v0  }
0x4de: {  	s18 =	simm.s32 $0x30F0  }
.LBB2_16:
0x4df: {  	v2 =	vld [tilespmem:s18+$0xFFFFFF10];
	_ =	sdelay $0x4  }
0x4e0: {  	s19 =	sshll.u32 s17, $0xB;
	v3 =	vand.u32 $0xFFFFFFF8, v2  }
0x4e1: {  	v2 =	vand.u32 $0x7, v2;
	v3 =	vadd.s32 s19, v3  }
0x4e2: {  	v2 =	vor.u32 v2, v3;
	_ =	sdelay $0x4  }
0x4e3: {  	[tilespmem:v2+s13+$0x0] =	vst.idx.msk $0xffff, v1  }
0x4e4: {  	v2 =	vld [tilespmem:s18+$0xFFFFFF20];
	_ =	sdelay $0x4  }
0x4e5: {  	v3 =	vand.u32 $0xFFFFFFF8, v2  }
0x4e6: {  	v2 =	vand.u32 $0x7, v2;
	v3 =	vadd.s32 s19, v3  }
0x4e7: {  	v2 =	vor.u32 v2, v3;
	_ =	sdelay $0x4  }
0x4e8: {  	[tilespmem:v2+s13+$0x0] =	vst.idx.msk $0xffff, v1  }
0x4e9: {  	v2 =	vld [tilespmem:s18+$0xFFFFFF30];
	_ =	sdelay $0x4  }
0x4ea: {  	v3 =	vand.u32 $0xFFFFFFF8, v2  }
0x4eb: {  	v2 =	vand.u32 $0x7, v2;
	v3 =	vadd.s32 s19, v3  }
0x4ec: {  	v2 =	vor.u32 v2, v3;
	_ =	sdelay $0x4  }
0x4ed: {  	[tilespmem:v2+s13+$0x0] =	vst.idx.msk $0xffff, v1  }
0x4ee: {  	v2 =	vld [tilespmem:s18+$0xFFFFFF40];
	_ =	sdelay $0x4  }
0x4ef: {  	v3 =	vand.u32 $0xFFFFFFF8, v2  }
0x4f0: {  	v2 =	vand.u32 $0x7, v2;
	v3 =	vadd.s32 s19, v3  }
0x4f1: {  	v2 =	vor.u32 v2, v3;
	_ =	sdelay $0x4  }
0x4f2: {  	[tilespmem:v2+s13+$0x0] =	vst.idx.msk $0xffff, v1  }
0x4f3: {  	v2 =	vld [tilespmem:s18+$0xFFFFFF50];
	_ =	sdelay $0x4  }
0x4f4: {  	v3 =	vand.u32 $0xFFFFFFF8, v2  }
0x4f5: {  	v2 =	vand.u32 $0x7, v2;
	v3 =	vadd.s32 s19, v3  }
0x4f6: {  	v2 =	vor.u32 v2, v3;
	_ =	sdelay $0x4  }
0x4f7: {  	[tilespmem:v2+s13+$0x0] =	vst.idx.msk $0xffff, v1  }
0x4f8: {  	v2 =	vld [tilespmem:s18+$0xFFFFFF60];
	_ =	sdelay $0x4  }
0x4f9: {  	v3 =	vand.u32 $0xFFFFFFF8, v2  }
0x4fa: {  	v2 =	vand.u32 $0x7, v2;
	v3 =	vadd.s32 s19, v3  }
0x4fb: {  	v2 =	vor.u32 v2, v3;
	_ =	sdelay $0x4  }
0x4fc: {  	[tilespmem:v2+s13+$0x0] =	vst.idx.msk $0xffff, v1  }
0x4fd: {  	v2 =	vld [tilespmem:s18+$0xFFFFFF70];
	_ =	sdelay $0x4  }
0x4fe: {  	v3 =	vand.u32 $0xFFFFFFF8, v2  }
0x4ff: {  	v2 =	vand.u32 $0x7, v2;
	v3 =	vadd.s32 s19, v3  }
0x500: {  	v2 =	vor.u32 v2, v3;
	_ =	sdelay $0x4  }
0x501: {  	[tilespmem:v2+s13+$0x0] =	vst.idx.msk $0xffff, v1  }
0x502: {  	v2 =	vld [tilespmem:s18+$0xFFFFFF80];
	_ =	sdelay $0x4  }
0x503: {  	v3 =	vand.u32 $0xFFFFFFF8, v2  }
0x504: {  	v2 =	vand.u32 $0x7, v2;
	v3 =	vadd.s32 s19, v3  }
0x505: {  	v2 =	vor.u32 v2, v3;
	_ =	sdelay $0x4  }
0x506: {  	[tilespmem:v2+s13+$0x0] =	vst.idx.msk $0xffff, v1  }
0x507: {  	v2 =	vld [tilespmem:s18+$0xFFFFFF90];
	_ =	sdelay $0x4  }
0x508: {  	v3 =	vand.u32 $0xFFFFFFF8, v2  }
0x509: {  	v2 =	vand.u32 $0x7, v2;
	v3 =	vadd.s32 s19, v3  }
0x50a: {  	v2 =	vor.u32 v2, v3;
	_ =	sdelay $0x4  }
0x50b: {  	[tilespmem:v2+s13+$0x0] =	vst.idx.msk $0xffff, v1  }
0x50c: {  	v2 =	vld [tilespmem:s18+$0xFFFFFFA0];
	_ =	sdelay $0x4  }
0x50d: {  	v3 =	vand.u32 $0xFFFFFFF8, v2  }
0x50e: {  	v2 =	vand.u32 $0x7, v2;
	v3 =	vadd.s32 s19, v3  }
0x50f: {  	v2 =	vor.u32 v2, v3;
	_ =	sdelay $0x4  }
0x510: {  	[tilespmem:v2+s13+$0x0] =	vst.idx.msk $0xffff, v1  }
0x511: {  	v2 =	vld [tilespmem:s18+$0xFFFFFFB0];
	_ =	sdelay $0x4  }
0x512: {  	v3 =	vand.u32 $0xFFFFFFF8, v2  }
0x513: {  	v2 =	vand.u32 $0x7, v2;
	v3 =	vadd.s32 s19, v3  }
0x514: {  	v2 =	vor.u32 v2, v3;
	_ =	sdelay $0x4  }
0x515: {  	[tilespmem:v2+s13+$0x0] =	vst.idx.msk $0xffff, v1  }
0x516: {  	v2 =	vld [tilespmem:s18+$0xFFFFFFC0];
	_ =	sdelay $0x4  }
0x517: {  	v3 =	vand.u32 $0xFFFFFFF8, v2  }
0x518: {  	v2 =	vand.u32 $0x7, v2;
	v3 =	vadd.s32 s19, v3  }
0x519: {  	v2 =	vor.u32 v2, v3;
	_ =	sdelay $0x4  }
0x51a: {  	[tilespmem:v2+s13+$0x0] =	vst.idx.msk $0xffff, v1  }
0x51b: {  	v2 =	vld [tilespmem:s18+$0xFFFFFFD0];
	_ =	sdelay $0x4  }
0x51c: {  	v3 =	vand.u32 $0xFFFFFFF8, v2  }
0x51d: {  	v2 =	vand.u32 $0x7, v2;
	v3 =	vadd.s32 s19, v3  }
0x51e: {  	v2 =	vor.u32 v2, v3;
	_ =	sdelay $0x4  }
0x51f: {  	[tilespmem:v2+s13+$0x0] =	vst.idx.msk $0xffff, v1  }
0x520: {  	v2 =	vld [tilespmem:s18+$0xFFFFFFE0];
	_ =	sdelay $0x4  }
0x521: {  	v3 =	vand.u32 $0xFFFFFFF8, v2  }
0x522: {  	v2 =	vand.u32 $0x7, v2;
	v3 =	vadd.s32 s19, v3  }
0x523: {  	v2 =	vor.u32 v2, v3;
	_ =	sdelay $0x4  }
0x524: {  	[tilespmem:v2+s13+$0x0] =	vst.idx.msk $0xffff, v1  }
0x525: {  	v2 =	vld [tilespmem:s18+$0xFFFFFFF0];
	_ =	sdelay $0x4  }
0x526: {  	v3 =	vand.u32 $0xFFFFFFF8, v2  }
0x527: {  	v2 =	vand.u32 $0x7, v2;
	v3 =	vadd.s32 s19, v3  }
0x528: {  	v2 =	vor.u32 v2, v3;
	_ =	sdelay $0x4  }
0x529: {  	[tilespmem:v2+s13+$0x0] =	vst.idx.msk $0xffff, v1  }
0x52a: {  	v2 =	vld [tilespmem:s18+$0x0];
	_ =	sdelay $0x4  }
0x52b: {  	v3 =	vand.u32 $0xFFFFFFF8, v2  }
0x52c: {  	v2 =	vand.u32 $0x7, v2;
	v3 =	vadd.s32 s19, v3  }
0x52d: {  	p0 =	sne.s32 s17, $0xF;
	v2 =	vor.u32 v2, v3  }
.Ltmp7:
0x52e: {  	_ = 	snop;
	(pc) =	sbr.rel @p0 .LBB2_16-.Ltmp7, $2  }
0x52f: {  	_ =	sdelay $0x2  }
0x530: {  	s17 =	sadd.s32 $0x1, s17;
	s18 =	sadd.s32 $0x100, s18;
	[tilespmem:v2+s13+$0x0] =	vst.idx.msk $0xffff, v1  }
0x531: {  	[hbm4b:s8+s2] =	stream.linear.scatter [tilespmem:s13], [sflag:$0x2], $0x8000, $0x38;
	[tilespmem:$0x14080] =	vst v63  }
0x532: {  	s16 =	sadd.s32 $0x1, s16  }
0x533: {  	_ =	swait.ge [sflag:s14], $0x8000;
	p0 =	sne.s32 s16, s9  }
.Ltmp8:
0x534: {  	[sflag:s14] =	ssyncset.done $0x0;
	(pc) =	sbr.rel @p0 .LBB2_1-.Ltmp8, $4  }
0x535: {  	[sflag:s14] =	ssyncadd.s32 $0xFFFF8000  }
0x536: {  	_ =	swait.ge [sflag:s15], $0x8000  }
0x537: {  	[sflag:s15] =	ssyncset.done $0x0  }
0x538: {  	[sflag:s15] =	ssyncadd.s32 $0xFFFF8000  }
0x539: {  	_ =	sfence.sel $0x180000  }
0x53a: {  	[bflag:$0x0] =	sbarrier.arrive $0xFFFF  }
0x53b: {  	p0 =	sne.s32 s1, $0x0;
	_ =	strace $0x90000047  }
0x53c: {  	s0 =	sadd.s32 @!p0 $0x100000, s0;
	[bflag:$0x2] =	sbarrier.arrive $0xFFFF  }
0x53d: {  	[sflag:s0] =	ssyncadd.tile.s32 @!p0 $0x1;
	_ =	shalt  }
.Lfunc_end2:
_tile_overlayer_lowered:
.L_overlay_start_2:
0x53e: {  	(tag) =	ssettag $0x2  }
0x53f: {  	s0 =	rddreg [dreg:$0x0];
	s2 =	stileid.u32  }
0x540: {  	s1 =	rddreg [dreg:$0x1];
	p0 =	sne.s32 s2, $0x0  }
0x541: {  	s3 =	rddreg [dreg:$0x2];
	[bflag:$0x3] =	sbarrier.arrive $0xFFFF;
	s2 =	simm.s32 @!p0 $0x1C03  }
0x542: {  	[timem:s3], [sflag:s2] =	dma.local @!p0 [hbm:s0], s1  }
0x543: {  	s0 =	simm.s32 @!p0 $0x3  }
0x544: {  	_ =	swait.ge @!p0 [sflag:s0], s1  }
0x545: {  	s1 =	ssub.s32 @!p0 $0x0, s1;
	[sflag:s0] =	ssyncset.done @!p0 $0x0  }
0x546: {  	[sflag:s0] =	ssyncadd.s32 @!p0 s1  }
0x547: {  	[bflag:$0x3] =	sbarrier.arrive $0xFFFF  }
0x548: {  	_ =	shalt  }

</sc_bundles>
